<compile_context>
chip_gen: v7x
topology: tpu7x:2x2x1
jax: 0.10.2.dev20260603
libtpu: 0.0.44.dev20260713+nightly
codegen_flags: <defaults>
</compile_context>

<pallas_src>
import functools

import jax
import jax.numpy as jnp
from jax import lax
from jax.experimental import pallas as pl
from jax.experimental.pallas import tpu as pltpu
import jax.experimental.pallas.tpu_sc as plsc

N_NODES = 10000
MAX_DEG = 16
D_FEAT = 256
BATCH = 1024
S1 = 25
S2 = 10
HID = 128
NUM_CLASSES = 40

NW = 32
SEEDS_W = BATCH // NW
G_W = SEEDS_W * S1
E_W = G_W * S2
CH = 80
N_CH1 = G_W // CH
N_CH2 = E_W // CH
GPC = CH // S2
NBUF = 4

_PREC = lax.Precision.DEFAULT



def _proj_body(x_ref, w1n_ref, w1x_ref, p_ref, q_ref):
    x = x_ref[...]
    p_ref[...] = jnp.dot(x, w1n_ref[...], preferred_element_type=jnp.float32,
                         precision=_PREC)
    q_ref[...] = jnp.dot(x, w1x_ref[...], preferred_element_type=jnp.float32,
                         precision=_PREC)


def _project_tables(features, W1n, W1x):
    blk = 1000
    return pl.pallas_call(
        _proj_body,
        grid=(N_NODES // blk,),
        in_specs=[
            pl.BlockSpec((blk, D_FEAT), lambda i: (i, 0)),
            pl.BlockSpec((D_FEAT, HID), lambda i: (0, 0)),
            pl.BlockSpec((D_FEAT, HID), lambda i: (0, 0)),
        ],
        out_specs=[
            pl.BlockSpec((blk, HID), lambda i: (i, 0)),
            pl.BlockSpec((blk, HID), lambda i: (i, 0)),
        ],
        out_shape=[
            jax.ShapeDtypeStruct((N_NODES, HID), jnp.float32),
            jax.ShapeDtypeStruct((N_NODES, HID), jnp.float32),
        ],
    )(features, W1n, W1x)



def _sampler_body(ids_h, adjp_h, sel1_h, sel2_h,
                  s1_h, s2_h,
                  ids_v, sel1_v, s1_v, adjseed_v, sel2_v, s2_v,
                  abuf0, abuf1, sem, sA0, sA1):
    abuf, sA = (abuf0, abuf1), (sA0, sA1)
    w = lax.axis_index("c") * 16 + lax.axis_index("s")
    seed0 = w * SEEDS_W
    g0 = w * G_W
    e0 = w * E_W

    pltpu.sync_copy(sel2_h.at[pl.ds(e0, E_W)], sel2_v)
    pltpu.sync_copy(ids_h.at[pl.ds(seed0, SEEDS_W)], ids_v)
    pltpu.sync_copy(sel1_h.at[pl.ds(g0, G_W)], sel1_v)
    pltpu.async_copy(adjp_h.at[ids_v], adjseed_v, sem).wait()

    def s1_body(k, carry):
        sel = sel1_v[pl.ds(k * 16, 16)]
        row = jnp.right_shift(sel, 7)
        col = jnp.bitwise_and(sel, 127)
        s1_v[pl.ds(k * 16, 16)] = plsc.load_gather(adjseed_v, [row, col])
        return carry
    lax.fori_loop(0, G_W // 16, s1_body, 0)
    pltpu.sync_copy(s1_v, s1_h.at[pl.ds(g0, G_W)])

    def adj_gather(c, x):
        return pltpu.make_async_copy(
            adjp_h.at[s1_v.at[pl.ds(c * CH, CH)]], abuf[x], sA[x])

    def selT(c, x):
        adj_gather(c, x).wait()
        def sel_body(k, carry):
            sel = sel2_v[pl.ds(c * (CH * S2) + k * 16, 16)]
            row = jnp.right_shift(sel, 7)
            col = jnp.bitwise_and(sel, 127)
            s2_v[pl.ds(c * (CH * S2) + k * 16, 16)] = (
                plsc.load_gather(abuf[x], [row, col]))
            return carry
        lax.fori_loop(0, CH * S2 // 16, sel_body, 0)

        @pl.when(c + 2 < N_CH1)
        def _():
            adj_gather(c + 2, x).start()

    adj_gather(0, 0).start()
    adj_gather(1, 1).start()
    def passT(k, carry):
        selT(2 * k, 0)
        selT(2 * k + 1, 1)
        return carry
    lax.fori_loop(0, N_CH1 // 2, passT, 0)
    pltpu.sync_copy(s2_v, s2_h.at[pl.ds(e0, E_W)])


def _sampler(ids, adjp, sel1, sel2):
    mesh = plsc.VectorSubcoreMesh(core_axis_name="c", subcore_axis_name="s",
                                  num_cores=2, num_subcores=16)
    f = functools.partial(
        pl.kernel, _sampler_body, mesh=mesh,
        compiler_params=pltpu.CompilerParams(needs_layout_passes=False),
        out_type=[
            jax.ShapeDtypeStruct((BATCH * S1,), jnp.int32),
            jax.ShapeDtypeStruct((BATCH * S1 * S2,), jnp.int32),
        ],
        scratch_types=[
            pltpu.VMEM((SEEDS_W,), jnp.int32),
            pltpu.VMEM((G_W,), jnp.int32),
            pltpu.VMEM((G_W,), jnp.int32),
            pltpu.VMEM((SEEDS_W, 128), jnp.int32),
            pltpu.VMEM((E_W,), jnp.int32),
            pltpu.VMEM((E_W,), jnp.int32),
            pltpu.VMEM((CH, 128), jnp.int32),
            pltpu.VMEM((CH, 128), jnp.int32),
        ] + [pltpu.SemaphoreType.DMA] * 3,
    )()
    return f(ids, adjp, sel1, sel2)


def _gather_body(ids_h, s1_h, s2_h, p_h, q_h,
                 qs0_h, m0_h, qs1_h, m1_h,
                 ids_v, s1_v, s2_v,
                 qbuf0, qbuf1, gbuf0, gbuf1, gbuf2, gbuf3,
                 m1buf0, m1buf1, m1buf2, m1buf3,
                 m0acc_v, sem, sQ0, sQ1, sP0, sP1, sP2, sP3,
                 sW0, sW1, sM0, sM1, sM2, sM3):
    qbuf = (qbuf0, qbuf1)
    gbuf, m1buf = (gbuf0, gbuf1, gbuf2, gbuf3), (m1buf0, m1buf1, m1buf2, m1buf3)
    sQ, sW = (sQ0, sQ1), (sW0, sW1)
    sP, sM = (sP0, sP1, sP2, sP3), (sM0, sM1, sM2, sM3)
    w = lax.axis_index("c") * 16 + lax.axis_index("s")
    seed0 = w * SEEDS_W
    g0 = w * G_W
    e0 = w * E_W

    pltpu.sync_copy(s2_h.at[pl.ds(e0, E_W)], s2_v)
    pltpu.sync_copy(ids_h.at[pl.ds(seed0, SEEDS_W)], ids_v)
    pltpu.sync_copy(s1_h.at[pl.ds(g0, G_W)], s1_v)

    pltpu.async_copy(q_h.at[ids_v], gbuf[0].at[pl.ds(0, SEEDS_W)], sem).wait()
    pltpu.sync_copy(gbuf[0].at[pl.ds(0, SEEDS_W)], qs0_h.at[pl.ds(seed0, SEEDS_W)])

    zeros16 = jnp.zeros((16,), jnp.float32)
    def z_body(i, carry):
        for q in range(HID // 16):
            m0acc_v[i, pl.ds(q * 16, 16)] = zeros16
        return carry
    lax.fori_loop(0, SEEDS_W, z_body, 0)

    def q_gather(c, x):
        return pltpu.make_async_copy(
            q_h.at[s1_v.at[pl.ds(c * CH, CH)]], qbuf[x], sQ[x])

    def p1_gather(c, x):
        return pltpu.make_async_copy(
            p_h.at[s1_v.at[pl.ds(c * CH, CH)]], gbuf[x], sP[x])

    def qs1_write(c, x):
        return pltpu.make_async_copy(qbuf[x], qs1_h.at[pl.ds(g0 + c * CH, CH)],
                                     sW[x])

    def step1(c, x):
        q_gather(c, x).wait()
        qs1_write(c, x).start()

        p1_gather(c, x).wait()
        def acc_body(r, carry2):
            sd = (c * CH + r) // S1
            for q in range(HID // 16):
                plsc.addupdate(m0acc_v.at[sd, pl.ds(q * 16, 16)],
                               gbuf[x][r, pl.ds(q * 16, 16)])
            return carry2
        lax.fori_loop(0, CH, acc_body, 0)

        @pl.when(c + 2 < N_CH1)
        def _():
            qs1_write(c, x).wait()
            q_gather(c + 2, x).start()
            p1_gather(c + 2, x).start()

    q_gather(0, 0).start()
    p1_gather(0, 0).start()
    q_gather(1, 1).start()
    p1_gather(1, 1).start()
    def pass1(k, carry):
        step1(2 * k, 0)
        step1(2 * k + 1, 1)
        return carry
    lax.fori_loop(0, N_CH1 // 2, pass1, 0)
    qs1_write(N_CH1 - 2, 0).wait()
    qs1_write(N_CH1 - 1, 1).wait()
    pltpu.sync_copy(m0acc_v, m0_h.at[pl.ds(seed0, SEEDS_W)])

    def p2_gather(c, x):
        return pltpu.make_async_copy(
            p_h.at[s2_v.at[pl.ds(c * CH, CH)]], gbuf[x], sP[x])

    def m1_write(c, x):
        return pltpu.make_async_copy(
            m1buf[x], m1_h.at[pl.ds(g0 + c * GPC, GPC)], sM[x])

    def step2(c, x):
        p2_gather(c, x).wait()

        @pl.when(c >= NBUF)
        def _():
            m1_write(c - NBUF, x).wait()

        def grp_body(g, carry2):
            for q in range(HID // 16):
                acc = gbuf[x][g * S2, pl.ds(q * 16, 16)]
                for j in range(1, S2):
                    acc = acc + gbuf[x][g * S2 + j, pl.ds(q * 16, 16)]
                m1buf[x][g, pl.ds(q * 16, 16)] = acc
            return carry2
        lax.fori_loop(0, GPC, grp_body, 0)

        m1_write(c, x).start()

        @pl.when(c + NBUF < N_CH2)
        def _():
            p2_gather(c + NBUF, x).start()

    for x in range(NBUF):
        p2_gather(x, x).start()
    def pass2(k, carry):
        for x in range(NBUF):
            step2(NBUF * k + x, x)
        return carry
    lax.fori_loop(0, N_CH2 // NBUF, pass2, 0)
    for x in range(NBUF):
        m1_write(N_CH2 - NBUF + x, x).wait()


def _sc_gather(ids, s1, s2, P, Q):
    mesh = plsc.VectorSubcoreMesh(core_axis_name="c", subcore_axis_name="s",
                                  num_cores=2, num_subcores=16)
    f = functools.partial(
        pl.kernel, _gather_body, mesh=mesh,
        compiler_params=pltpu.CompilerParams(needs_layout_passes=False),
        out_type=[
            jax.ShapeDtypeStruct((BATCH, HID), jnp.float32),
            jax.ShapeDtypeStruct((BATCH, HID), jnp.float32),
            jax.ShapeDtypeStruct((BATCH * S1, HID), jnp.float32),
            jax.ShapeDtypeStruct((BATCH * S1, HID), jnp.float32),
        ],
        scratch_types=[
            pltpu.VMEM((SEEDS_W,), jnp.int32),
            pltpu.VMEM((G_W,), jnp.int32),
            pltpu.VMEM((E_W,), jnp.int32),
            pltpu.VMEM((CH, HID), jnp.float32),
            pltpu.VMEM((CH, HID), jnp.float32),
            pltpu.VMEM((CH, HID), jnp.float32),
            pltpu.VMEM((CH, HID), jnp.float32),
            pltpu.VMEM((CH, HID), jnp.float32),
            pltpu.VMEM((CH, HID), jnp.float32),
            pltpu.VMEM((GPC, HID), jnp.float32),
            pltpu.VMEM((GPC, HID), jnp.float32),
            pltpu.VMEM((GPC, HID), jnp.float32),
            pltpu.VMEM((GPC, HID), jnp.float32),
            pltpu.VMEM((SEEDS_W, HID), jnp.float32),
        ] + [pltpu.SemaphoreType.DMA] * 13,
    )()
    return f(ids, s1, s2, P, Q)



def _head_body(qs1_ref, m1_ref, qs0_ref, m0_ref, a_ref,
               w2xa_ref, w2xb_ref, w2na_ref, w2nb_ref, wfca_ref, wfcb_ref,
               b1x_ref, b1n_ref, b2x_ref, b2n_ref, bfc_ref, out_ref):
    b1x = b1x_ref[...]
    b1n = b1n_ref[...]
    u = jax.nn.relu(qs1_ref[...] + b1x)
    v = jax.nn.relu(m1_ref[...] * (1.0 / S2) + b1n)
    am = a_ref[...]
    mhA = jnp.dot(am, u, preferred_element_type=jnp.float32, precision=_PREC)
    mhB = jnp.dot(am, v, preferred_element_type=jnp.float32, precision=_PREC)
    h0A = jax.nn.relu(qs0_ref[...] + b1x)
    h0B = jax.nn.relu(m0_ref[...] * (1.0 / S1) + b1n)
    gA = jax.nn.relu(
        jnp.dot(h0A, w2xa_ref[...], preferred_element_type=jnp.float32,
                precision=_PREC)
        + jnp.dot(h0B, w2xb_ref[...], preferred_element_type=jnp.float32,
                  precision=_PREC) + b2x_ref[...])
    gB = jax.nn.relu(
        jnp.dot(mhA, w2na_ref[...], preferred_element_type=jnp.float32,
                precision=_PREC)
        + jnp.dot(mhB, w2nb_ref[...], preferred_element_type=jnp.float32,
                  precision=_PREC) + b2n_ref[...])
    out_ref[...] = (
        jnp.dot(gA, wfca_ref[...], preferred_element_type=jnp.float32,
                precision=_PREC)
        + jnp.dot(gB, wfcb_ref[...], preferred_element_type=jnp.float32,
                  precision=_PREC) + bfc_ref[...])


def _head(qs1, m1, qs0, m0, A, W2x, W2n, WfcP, b1x, b1n, b2x, b2n, bfcP):
    sb = 128
    rb = sb * S1
    full = lambda i: (0, 0)
    row = lambda i: (i, 0)
    wspec = pl.BlockSpec((HID, HID), full)
    bspec = pl.BlockSpec((1, HID), full)
    return pl.pallas_call(
        _head_body,
        grid=(BATCH // sb,),
        in_specs=[
            pl.BlockSpec((rb, HID), row),
            pl.BlockSpec((rb, HID), row),
            pl.BlockSpec((sb, HID), row),
            pl.BlockSpec((sb, HID), row),
            pl.BlockSpec((sb, rb), full),
            wspec, wspec, wspec, wspec, wspec, wspec,
            bspec, bspec, bspec, bspec, bspec,
        ],
        out_specs=pl.BlockSpec((sb, HID), row),
        out_shape=jax.ShapeDtypeStruct((BATCH, HID), jnp.float32),
    )(qs1, m1, qs0, m0, A,
      W2x[:HID], W2x[HID:], W2n[:HID], W2n[HID:], WfcP[:HID], WfcP[HID:],
      b1x, b1n, b2x, b2n, bfcP)



_CONSTS = None


def _sample_idx():
    skey = jax.random.key(42)
    idx1 = jax.random.randint(jax.random.fold_in(skey, 0), (BATCH, S1), 0,
                              MAX_DEG)
    idx2 = jax.random.randint(jax.random.fold_in(skey, 1), (BATCH * S1, S2), 0,
                              MAX_DEG)
    return idx1, idx2


def _sel_tables(xp, idx1, idx2):
    seedloc = (xp.arange(BATCH, dtype=xp.int32) % SEEDS_W) * 128
    sel1 = (seedloc[:, None] + idx1).astype(xp.int32).reshape(-1)
    gloc = (xp.arange(BATCH * S1, dtype=xp.int32) % CH) * 128
    sel2 = (gloc[:, None] + idx2).astype(xp.int32).reshape(-1)
    return sel1, sel2


def _np_mean_matrix():
    import numpy as np
    return (np.repeat(np.eye(128, dtype=np.float32), S1, axis=1)
            * np.float32(1.0 / S1))


def _get_consts():
    global _CONSTS
    if _CONSTS is None:
        import numpy as np
        A = _np_mean_matrix()
        try:
            with jax.default_device(jax.devices("cpu")[0]), \
                 jax.ensure_compile_time_eval():
                idx1, idx2 = _sample_idx()
                idx1, idx2 = np.asarray(idx1), np.asarray(idx2)
        except Exception:
            sel1, sel2 = _sel_tables(jnp, *_sample_idx())
            return sel1, sel2, A
        sel1, sel2 = _sel_tables(np, idx1, idx2)
        _CONSTS = (sel1, sel2, A)
    return _CONSTS


def kernel(ids, features, adj, W1x, b1x, W1n, b1n, W2x, b2x, W2n, b2n, Wfc, bfc):
    sel1, sel2, A = _get_consts()

    ids32 = ids.astype(jnp.int32)
    adjp = jnp.pad(adj.astype(jnp.int32), ((0, 0), (0, 128 - MAX_DEG)))
    s1, s2 = _sampler(ids32, adjp, jnp.asarray(sel1), jnp.asarray(sel2))
    P, Q = _project_tables(features, W1n, W1x)
    qs0, m0, qs1, m1 = _sc_gather(ids32, s1, s2, P, Q)

    WfcP = jnp.pad(Wfc, ((0, 0), (0, HID - NUM_CLASSES)))
    bfcP = jnp.pad(bfc, (0, HID - NUM_CLASSES)).reshape(1, HID)
    out = _head(qs1, m1, qs0, m0, jnp.asarray(A), W2x, W2n, WfcP,
                b1x.reshape(1, HID), b1n.reshape(1, HID),
                b2x.reshape(1, HID), b2n.reshape(1, HID), bfcP)
    return out[:, :NUM_CLASSES]

# --- scband reference (transcript-rebuilt; emitter-appended) ---
"""Pipeline reference for scband-gssupervised-13829794693820 (READ-ONLY COPY).

The authoritative reference and input builder live on the scoring server;
editing this copy changes nothing except your own understanding.
"""

import jax, jax.numpy as jnp
import numpy as np

N_NODES = 10000
MAX_DEG = 16
D_FEAT = 256
BATCH = 1024
N_SAMPLES = (25, 10)
HID = 128
NUM_CLASSES = 40


def setup_inputs(seed: int = 0) -> dict:
    key = jax.random.key(seed)
    ks = jax.random.split(key, 10)
    ids = jax.random.randint(ks[0], (BATCH,), 0, N_NODES)
    features = jax.random.normal(ks[1], (N_NODES, D_FEAT), dtype=jnp.float32)
    adj = jax.random.randint(ks[2], (N_NODES, MAX_DEG), 0, N_NODES)

    def lin(k, din, dout):
        W = jax.random.normal(k, (din, dout), dtype=jnp.float32) * (1.0 / np.sqrt(din))
        b = jnp.zeros((dout,), dtype=jnp.float32)
        return W, b

    W1x, b1x = lin(ks[3], D_FEAT, HID)
    W1n, b1n = lin(ks[4], D_FEAT, HID)
    W2x, b2x = lin(ks[5], 2 * HID, HID)
    W2n, b2n = lin(ks[6], 2 * HID, HID)
    Wfc, bfc = lin(ks[7], 2 * HID, NUM_CLASSES)
    return {
        'ids': ids, 'features': features, 'adj': adj,
        'W1x': W1x, 'b1x': b1x, 'W1n': W1n, 'b1n': b1n,
        'W2x': W2x, 'b2x': b2x, 'W2n': W2n, 'b2n': b2n,
        'Wfc': Wfc, 'bfc': bfc,
    }


def _sample(ids, adj, n_samples, key):
    # uniform neighbor sampling with replacement from the adjacency table
    neigh = adj[ids]  # [len(ids), MAX_DEG] gather
    idx = jax.random.randint(key, (ids.shape[0], n_samples), 0, adj.shape[1])
    return jnp.take_along_axis(neigh, idx, axis=1).reshape(-1)


def _mean_agg(x, neibs, Wx, bx, Wn, bn):
    # MeanAggregator: concat(fc_x(x), fc_neib(mean(neibs))), relu activation
    agg_neib = neibs.reshape(x.shape[0], -1, neibs.shape[-1]).mean(axis=1)
    out = jnp.concatenate([x @ Wx + bx, agg_neib @ Wn + bn], axis=1)
    return jax.nn.relu(out)


def reference(ids, features, adj, W1x, b1x, W1n, b1n, W2x, b2x, W2n, b2n, Wfc, bfc):
    # prep = IdentityPrep: features unchanged
    skey = jax.random.key(42)
    s0 = ids
    s1 = _sample(s0, adj, N_SAMPLES[0], jax.random.fold_in(skey, 0))
    s2 = _sample(s1, adj, N_SAMPLES[1], jax.random.fold_in(skey, 1))
    all_feats = [features[s0], features[s1], features[s2]]
    # agg layer 1 applied to every adjacent pair
    all_feats = [_mean_agg(all_feats[k], all_feats[k + 1], W1x, b1x, W1n, b1n) for k in range(len(all_feats) - 1)]
    # agg layer 2
    all_feats = [_mean_agg(all_feats[k], all_feats[k + 1], W2x, b2x, W2n, b2n) for k in range(len(all_feats) - 1)]
    assert len(all_feats) == 1
    out = all_feats[0]
    return out @ Wfc + bfc

if __name__ == "__main__":
    import jax
    _d = setup_inputs()
    print(jax.jit(kernel)(*tuple(_d.values())))

</pallas_src>

<mosaic_0001>
#map = affine_map<(d0, d1) -> (0)>
#map1 = affine_map<(d0, d1) -> (0, 0)>
module attributes {stable_mosaic.version = 14 : i64} {
  func.func @_sampler_body(%arg0: i32, %arg1: i32, %arg2: memref<1024xi32, #tpu.memory_space<hbm>>, %arg3: memref<10000x128xi32, #tpu.memory_space<hbm>>, %arg4: memref<25600xi32, #tpu.memory_space<hbm>>, %arg5: memref<256000xi32, #tpu.memory_space<hbm>>, %arg6: memref<25600xi32, #tpu.memory_space<hbm>>, %arg7: memref<256000xi32, #tpu.memory_space<hbm>>, %arg8: memref<32xi32, #tpu.memory_space<vmem>>, %arg9: memref<800xi32, #tpu.memory_space<vmem>>, %arg10: memref<800xi32, #tpu.memory_space<vmem>>, %arg11: memref<32x128xi32, #tpu.memory_space<vmem>>, %arg12: memref<8000xi32, #tpu.memory_space<vmem>>, %arg13: memref<8000xi32, #tpu.memory_space<vmem>>, %arg14: memref<80x128xi32, #tpu.memory_space<vmem>>, %arg15: memref<80x128xi32, #tpu.memory_space<vmem>>, %arg16: memref<!tpu.dma_semaphore, #tpu.memory_space<semaphore_mem>>, %arg17: memref<!tpu.dma_semaphore, #tpu.memory_space<semaphore_mem>>, %arg18: memref<!tpu.dma_semaphore, #tpu.memory_space<semaphore_mem>>) attributes {dimension_semantics = [#tpu.dimension_semantics<core_parallel>, #tpu.dimension_semantics<subcore_parallel>], iteration_bounds = array<i64: 2, 16>, scalar_prefetch = 0 : i64, scratch_operands = 11 : i64, tpu.core_type = #tpu.core_type<sc_vector_subcore>, window_params = [{transform_indices = #map}, {transform_indices = #map1}, {transform_indices = #map}, {transform_indices = #map}, {transform_indices = #map}, {transform_indices = #map}]} {
    %mul3A = arith.constant 16 : i32
    %mul3A_0 = arith.muli %arg0, %mul3A : i32
    %add3A = arith.addi %mul3A_0, %arg1 : i32
    %mul3A_1 = arith.constant 32 : i32
    %mul3A_2 = arith.muli %add3A, %mul3A_1 : i32
    %mul3A_3 = arith.constant 800 : i32
    %mul3A_4 = arith.muli %add3A, %mul3A_3 : i32
    %mul3A_5 = arith.constant 8000 : i32
    %mul3A_6 = arith.muli %add3A, %mul3A_5 : i32
    "tpu.region"() ({
      %run_scoped3A = tpu.sem_alloc : memref<!tpu.dma_semaphore, #tpu.memory_space<semaphore_mem>>
      %dma_start3A_32 = tpu.memref_slice %arg5[%mul3A_6] : memref<256000xi32, #tpu.memory_space<hbm>> -> memref<8000xi32, #tpu.memory_space<hbm>>
      %dma_start3A_33 = tpu.memref_slice %arg5[%mul3A_6] : memref<256000xi32, #tpu.memory_space<hbm>> -> memref<8000xi32, #tpu.memory_space<hbm>>
      tpu.enqueue_dma source(%dma_start3A_33 : memref<8000xi32, #tpu.memory_space<hbm>>) target(%arg12 : memref<8000xi32, #tpu.memory_space<vmem>>) target_semaphore(%run_scoped3A : memref<!tpu.dma_semaphore, #tpu.memory_space<semaphore_mem>>)
      %dma_wait3A_34 = tpu.memref_slice %arg5[%mul3A_6] : memref<256000xi32, #tpu.memory_space<hbm>> -> memref<8000xi32, #tpu.memory_space<hbm>>
      %dma_wait3A_35 = tpu.memref_slice %arg5[%mul3A_6] : memref<256000xi32, #tpu.memory_space<hbm>> -> memref<8000xi32, #tpu.memory_space<hbm>>
      tpu.wait_dma2 semaphore(%run_scoped3A : memref<!tpu.dma_semaphore, #tpu.memory_space<semaphore_mem>>) src(%dma_wait3A_35 : memref<8000xi32, #tpu.memory_space<hbm>>) dst(%arg12 : memref<8000xi32, #tpu.memory_space<vmem>>)
      tpu.yield
    }) : () -> ()
    "tpu.region"() ({
      %run_scoped3A = tpu.sem_alloc : memref<!tpu.dma_semaphore, #tpu.memory_space<semaphore_mem>>
      %dma_start3A_32 = tpu.memref_slice %arg2[%mul3A_2] : memref<1024xi32, #tpu.memory_space<hbm>> -> memref<32xi32, #tpu.memory_space<hbm>>
      %dma_start3A_33 = tpu.memref_slice %arg2[%mul3A_2] : memref<1024xi32, #tpu.memory_space<hbm>> -> memref<32xi32, #tpu.memory_space<hbm>>
      tpu.enqueue_dma source(%dma_start3A_33 : memref<32xi32, #tpu.memory_space<hbm>>) target(%arg8 : memref<32xi32, #tpu.memory_space<vmem>>) target_semaphore(%run_scoped3A : memref<!tpu.dma_semaphore, #tpu.memory_space<semaphore_mem>>)
      %dma_wait3A_34 = tpu.memref_slice %arg2[%mul3A_2] : memref<1024xi32, #tpu.memory_space<hbm>> -> memref<32xi32, #tpu.memory_space<hbm>>
      %dma_wait3A_35 = tpu.memref_slice %arg2[%mul3A_2] : memref<1024xi32, #tpu.memory_space<hbm>> -> memref<32xi32, #tpu.memory_space<hbm>>
      tpu.wait_dma2 semaphore(%run_scoped3A : memref<!tpu.dma_semaphore, #tpu.memory_space<semaphore_mem>>) src(%dma_wait3A_35 : memref<32xi32, #tpu.memory_space<hbm>>) dst(%arg8 : memref<32xi32, #tpu.memory_space<vmem>>)
      tpu.yield
    }) : () -> ()
    "tpu.region"() ({
      %run_scoped3A = tpu.sem_alloc : memref<!tpu.dma_semaphore, #tpu.memory_space<semaphore_mem>>
      %dma_start3A_32 = tpu.memref_slice %arg4[%mul3A_4] : memref<25600xi32, #tpu.memory_space<hbm>> -> memref<800xi32, #tpu.memory_space<hbm>>
      %dma_start3A_33 = tpu.memref_slice %arg4[%mul3A_4] : memref<25600xi32, #tpu.memory_space<hbm>> -> memref<800xi32, #tpu.memory_space<hbm>>
      tpu.enqueue_dma source(%dma_start3A_33 : memref<800xi32, #tpu.memory_space<hbm>>) target(%arg9 : memref<800xi32, #tpu.memory_space<vmem>>) target_semaphore(%run_scoped3A : memref<!tpu.dma_semaphore, #tpu.memory_space<semaphore_mem>>)
      %dma_wait3A_34 = tpu.memref_slice %arg4[%mul3A_4] : memref<25600xi32, #tpu.memory_space<hbm>> -> memref<800xi32, #tpu.memory_space<hbm>>
      %dma_wait3A_35 = tpu.memref_slice %arg4[%mul3A_4] : memref<25600xi32, #tpu.memory_space<hbm>> -> memref<800xi32, #tpu.memory_space<hbm>>
      tpu.wait_dma2 semaphore(%run_scoped3A : memref<!tpu.dma_semaphore, #tpu.memory_space<semaphore_mem>>) src(%dma_wait3A_35 : memref<800xi32, #tpu.memory_space<hbm>>) dst(%arg9 : memref<800xi32, #tpu.memory_space<vmem>>)
      tpu.yield
    }) : () -> ()
    %dma_start3A = arith.constant 0 : i32
    %dma_start3A_7 = arith.constant 0 : i32
    %dma_start3A_8 = tpu.memref_slice %arg3[%dma_start3A, %dma_start3A_7] : memref<10000x128xi32, #tpu.memory_space<hbm>> -> memref<10000x128xi32, #tpu.memory_space<hbm>>
    tpu.enqueue_indirect_dma source(%dma_start3A_8 : memref<10000x128xi32, #tpu.memory_space<hbm>>) target(%arg11 : memref<32x128xi32, #tpu.memory_space<vmem>>) offsets(%arg8 : memref<32xi32, #tpu.memory_space<vmem>>) semaphore(%arg16 : memref<!tpu.dma_semaphore, #tpu.memory_space<semaphore_mem>>)
    %dma_wait3A = arith.constant 0 : i32
    %dma_wait3A_9 = arith.constant 0 : i32
    %dma_wait3A_10 = tpu.memref_slice %arg3[%dma_wait3A, %dma_wait3A_9] : memref<10000x128xi32, #tpu.memory_space<hbm>> -> memref<10000x128xi32, #tpu.memory_space<hbm>>
    tpu.wait_indirect_dma semaphore(%arg16 : memref<!tpu.dma_semaphore, #tpu.memory_space<semaphore_mem>>) src(%dma_wait3A_10 : memref<10000x128xi32, #tpu.memory_space<hbm>>) dst(%arg11 : memref<32x128xi32, #tpu.memory_space<vmem>>)
    %scan3A = arith.constant 0 : i32
    %scan3A_11 = arith.constant 0 : i32
    %scan3A_12 = arith.constant 50 : i32
    %scan3A_13 = arith.addi %scan3A_11, %scan3A_12 : i32
    %scan3A_14 = arith.constant 1 : i32
    scf.for %scan3A_32 = %scan3A_11 to %scan3A_13 step %scan3A_14  : i32 {
      %mul3A_33 = arith.constant 16 : i32
      %mul3A_34 = arith.muli %scan3A_32, %mul3A_33 : i32
      %get3A = arith.index_cast %mul3A_34 : i32 to index
      %get3A_35 = tpu.vector_load %arg9[%get3A] {strides = array<i32>} : memref<800xi32, #tpu.memory_space<vmem>>, vector<16xi32>,
      %shift_right_arithmetic3A = arith.constant 7 : i32
      %shift_right_arithmetic3A_36 = vector.broadcast %shift_right_arithmetic3A : i32 to vector<16xi32>
      %shift_right_arithmetic3A_37 = arith.shrsi %get3A_35, %shift_right_arithmetic3A_36 : vector<16xi32>
      %and3A = arith.constant 127 : i32
      %and3A_38 = vector.broadcast %and3A : i32 to vector<16xi32>
      %and3A_39 = arith.andi %get3A_35, %and3A_38 : vector<16xi32>
      %gather3A = tpu.vector_load_idx %arg11[%shift_right_arithmetic3A_37, %and3A_39] : memref<32x128xi32, #tpu.memory_space<vmem>>[vector<16xi32>, vector<16xi32>], vector<16xi32>,
      %mul3A_40 = arith.constant 16 : i32
      %mul3A_41 = arith.muli %scan3A_32, %mul3A_40 : i32
      %swap3A = arith.index_cast %mul3A_41 : i32 to index
      %swap3A_42 = tpu.vector_load %arg10[%swap3A] {strides = array<i32>} : memref<800xi32, #tpu.memory_space<vmem>>, vector<16xi32>,
      tpu.vector_store %arg10[%swap3A], %gather3A {strides = array<i32>} : memref<800xi32, #tpu.memory_space<vmem>>, vector<16xi32>,
    }
    %scan3A_15 = arith.constant 50 : i32
    "tpu.region"() ({
      %run_scoped3A = tpu.sem_alloc : memref<!tpu.dma_semaphore, #tpu.memory_space<semaphore_mem>>
      %dma_start3A_32 = tpu.memref_slice %arg6[%mul3A_4] : memref<25600xi32, #tpu.memory_space<hbm>> -> memref<800xi32, #tpu.memory_space<hbm>>
      %dma_start3A_33 = tpu.memref_slice %arg6[%mul3A_4] : memref<25600xi32, #tpu.memory_space<hbm>> -> memref<800xi32, #tpu.memory_space<hbm>>
      tpu.enqueue_dma source(%arg10 : memref<800xi32, #tpu.memory_space<vmem>>) target(%dma_start3A_33 : memref<800xi32, #tpu.memory_space<hbm>>) target_semaphore(%run_scoped3A : memref<!tpu.dma_semaphore, #tpu.memory_space<semaphore_mem>>)
      %dma_wait3A_34 = tpu.memref_slice %arg6[%mul3A_4] : memref<25600xi32, #tpu.memory_space<hbm>> -> memref<800xi32, #tpu.memory_space<hbm>>
      %dma_wait3A_35 = tpu.memref_slice %arg6[%mul3A_4] : memref<25600xi32, #tpu.memory_space<hbm>> -> memref<800xi32, #tpu.memory_space<hbm>>
      tpu.wait_dma2 semaphore(%run_scoped3A : memref<!tpu.dma_semaphore, #tpu.memory_space<semaphore_mem>>) src(%arg10 : memref<800xi32, #tpu.memory_space<vmem>>) dst(%dma_wait3A_35 : memref<800xi32, #tpu.memory_space<hbm>>)
      tpu.yield
    }) : () -> ()
    %dma_start3A_16 = arith.constant 0 : i32
    %dma_start3A_17 = tpu.memref_slice %arg10[%dma_start3A_16] : memref<800xi32, #tpu.memory_space<vmem>> -> memref<80xi32, #tpu.memory_space<vmem>>
    %dma_start3A_18 = arith.constant 0 : i32
    %dma_start3A_19 = arith.constant 0 : i32
    %dma_start3A_20 = tpu.memref_slice %arg3[%dma_start3A_18, %dma_start3A_19] : memref<10000x128xi32, #tpu.memory_space<hbm>> -> memref<10000x128xi32, #tpu.memory_space<hbm>>
    tpu.enqueue_indirect_dma source(%dma_start3A_20 : memref<10000x128xi32, #tpu.memory_space<hbm>>) target(%arg14 : memref<80x128xi32, #tpu.memory_space<vmem>>) offsets(%dma_start3A_17 : memref<80xi32, #tpu.memory_space<vmem>>) semaphore(%arg17 : memref<!tpu.dma_semaphore, #tpu.memory_space<semaphore_mem>>)
    %dma_start3A_21 = arith.constant 80 : i32
    %dma_start3A_22 = tpu.memref_slice %arg10[%dma_start3A_21] : memref<800xi32, #tpu.memory_space<vmem>> -> memref<80xi32, #tpu.memory_space<vmem>>
    %dma_start3A_23 = arith.constant 0 : i32
    %dma_start3A_24 = arith.constant 0 : i32
    %dma_start3A_25 = tpu.memref_slice %arg3[%dma_start3A_23, %dma_start3A_24] : memref<10000x128xi32, #tpu.memory_space<hbm>> -> memref<10000x128xi32, #tpu.memory_space<hbm>>
    tpu.enqueue_indirect_dma source(%dma_start3A_25 : memref<10000x128xi32, #tpu.memory_space<hbm>>) target(%arg15 : memref<80x128xi32, #tpu.memory_space<vmem>>) offsets(%dma_start3A_22 : memref<80xi32, #tpu.memory_space<vmem>>) semaphore(%arg18 : memref<!tpu.dma_semaphore, #tpu.memory_space<semaphore_mem>>)
    %scan3A_26 = arith.constant 0 : i32
    %scan3A_27 = arith.constant 0 : i32
    %scan3A_28 = arith.constant 5 : i32
    %scan3A_29 = arith.addi %scan3A_27, %scan3A_28 : i32
    %scan3A_30 = arith.constant 1 : i32
    scf.for %scan3A_32 = %scan3A_27 to %scan3A_29 step %scan3A_30  : i32 {
      %mul3A_33 = arith.constant 2 : i32
      %mul3A_34 = arith.muli %mul3A_33, %scan3A_32 : i32
      %mul3A_35 = arith.constant 80 : i32
      %mul3A_36 = arith.muli %mul3A_34, %mul3A_35 : i32
      %dma_wait3A_37 = tpu.memref_slice %arg10[%mul3A_36] : memref<800xi32, #tpu.memory_space<vmem>> -> memref<80xi32, #tpu.memory_space<vmem>>
      %dma_wait3A_38 = arith.constant 0 : i32
      %dma_wait3A_39 = arith.constant 0 : i32
      %dma_wait3A_40 = tpu.memref_slice %arg3[%dma_wait3A_38, %dma_wait3A_39] : memref<10000x128xi32, #tpu.memory_space<hbm>> -> memref<10000x128xi32, #tpu.memory_space<hbm>>
      tpu.wait_indirect_dma semaphore(%arg17 : memref<!tpu.dma_semaphore, #tpu.memory_space<semaphore_mem>>) src(%dma_wait3A_40 : memref<10000x128xi32, #tpu.memory_space<hbm>>) dst(%arg14 : memref<80x128xi32, #tpu.memory_space<vmem>>)
      %scan3A_41 = arith.constant 0 : i32
      %scan3A_42 = arith.constant 0 : i32
      %scan3A_43 = arith.constant 50 : i32
      %scan3A_44 = arith.addi %scan3A_42, %scan3A_43 : i32
      %scan3A_45 = arith.constant 1 : i32
      scf.for %scan3A_74 = %scan3A_42 to %scan3A_44 step %scan3A_45  : i32 {
        %mul3A_75 = arith.constant 800 : i32
        %mul3A_76 = arith.muli %mul3A_34, %mul3A_75 : i32
        %mul3A_77 = arith.constant 16 : i32
        %mul3A_78 = arith.muli %scan3A_74, %mul3A_77 : i32
        %add3A_79 = arith.addi %mul3A_76, %mul3A_78 : i32
        %get3A = arith.index_cast %add3A_79 : i32 to index
        %get3A_80 = tpu.vector_load %arg12[%get3A] {strides = array<i32>} : memref<8000xi32, #tpu.memory_space<vmem>>, vector<16xi32>,
        %shift_right_arithmetic3A = arith.constant 7 : i32
        %shift_right_arithmetic3A_81 = vector.broadcast %shift_right_arithmetic3A : i32 to vector<16xi32>
        %shift_right_arithmetic3A_82 = arith.shrsi %get3A_80, %shift_right_arithmetic3A_81 : vector<16xi32>
        %and3A = arith.constant 127 : i32
        %and3A_83 = vector.broadcast %and3A : i32 to vector<16xi32>
        %and3A_84 = arith.andi %get3A_80, %and3A_83 : vector<16xi32>
        %gather3A = tpu.vector_load_idx %arg14[%shift_right_arithmetic3A_82, %and3A_84] : memref<80x128xi32, #tpu.memory_space<vmem>>[vector<16xi32>, vector<16xi32>], vector<16xi32>,
        %mul3A_85 = arith.constant 800 : i32
        %mul3A_86 = arith.muli %mul3A_34, %mul3A_85 : i32
        %mul3A_87 = arith.constant 16 : i32
        %mul3A_88 = arith.muli %scan3A_74, %mul3A_87 : i32
        %add3A_89 = arith.addi %mul3A_86, %mul3A_88 : i32
        %swap3A = arith.index_cast %add3A_89 : i32 to index
        %swap3A_90 = tpu.vector_load %arg13[%swap3A] {strides = array<i32>} : memref<8000xi32, #tpu.memory_space<vmem>>, vector<16xi32>,
        tpu.vector_store %arg13[%swap3A], %gather3A {strides = array<i32>} : memref<8000xi32, #tpu.memory_space<vmem>>, vector<16xi32>,
      }
      %scan3A_46 = arith.constant 50 : i32
      %add3A_47 = arith.constant 2 : i32
      %add3A_48 = arith.addi %mul3A_34, %add3A_47 : i32
      %lt3A = arith.constant 10 : i32
      %lt3A_49 = arith.cmpi slt, %add3A_48, %lt3A : i32
      %convert_element_type3A = arith.extui %lt3A_49 : i1 to i32
      %cond3A = arith.constant 0 : i32
      %cond3A_50 = arith.cmpi ne, %convert_element_type3A, %cond3A : i32
      scf.if %cond3A_50 {
        %add3A_74 = arith.constant 2 : i32
        %add3A_75 = arith.addi %mul3A_34, %add3A_74 : i32
        %mul3A_76 = arith.constant 80 : i32
        %mul3A_77 = arith.muli %add3A_75, %mul3A_76 : i32
        %dma_start3A_78 = tpu.memref_slice %arg10[%mul3A_77] : memref<800xi32, #tpu.memory_space<vmem>> -> memref<80xi32, #tpu.memory_space<vmem>>
        %dma_start3A_79 = arith.constant 0 : i32
        %dma_start3A_80 = arith.constant 0 : i32
        %dma_start3A_81 = tpu.memref_slice %arg3[%dma_start3A_79, %dma_start3A_80] : memref<10000x128xi32, #tpu.memory_space<hbm>> -> memref<10000x128xi32, #tpu.memory_space<hbm>>
        tpu.enqueue_indirect_dma source(%dma_start3A_81 : memref<10000x128xi32, #tpu.memory_space<hbm>>) target(%arg14 : memref<80x128xi32, #tpu.memory_space<vmem>>) offsets(%dma_start3A_78 : memref<80xi32, #tpu.memory_space<vmem>>) semaphore(%arg17 : memref<!tpu.dma_semaphore, #tpu.memory_space<semaphore_mem>>)
      } else {
      }
      %mul3A_51 = arith.constant 2 : i32
      %mul3A_52 = arith.muli %mul3A_51, %scan3A_32 : i32
      %add3A_53 = arith.constant 1 : i32
      %add3A_54 = arith.addi %mul3A_52, %add3A_53 : i32
      %mul3A_55 = arith.constant 80 : i32
      %mul3A_56 = arith.muli %add3A_54, %mul3A_55 : i32
      %dma_wait3A_57 = tpu.memref_slice %arg10[%mul3A_56] : memref<800xi32, #tpu.memory_space<vmem>> -> memref<80xi32, #tpu.memory_space<vmem>>
      %dma_wait3A_58 = arith.constant 0 : i32
      %dma_wait3A_59 = arith.constant 0 : i32
      %dma_wait3A_60 = tpu.memref_slice %arg3[%dma_wait3A_58, %dma_wait3A_59] : memref<10000x128xi32, #tpu.memory_space<hbm>> -> memref<10000x128xi32, #tpu.memory_space<hbm>>
      tpu.wait_indirect_dma semaphore(%arg18 : memref<!tpu.dma_semaphore, #tpu.memory_space<semaphore_mem>>) src(%dma_wait3A_60 : memref<10000x128xi32, #tpu.memory_space<hbm>>) dst(%arg15 : memref<80x128xi32, #tpu.memory_space<vmem>>)
      %scan3A_61 = arith.constant 0 : i32
      %scan3A_62 = arith.constant 0 : i32
      %scan3A_63 = arith.constant 50 : i32
      %scan3A_64 = arith.addi %scan3A_62, %scan3A_63 : i32
      %scan3A_65 = arith.constant 1 : i32
      scf.for %scan3A_74 = %scan3A_62 to %scan3A_64 step %scan3A_65  : i32 {
        %mul3A_75 = arith.constant 800 : i32
        %mul3A_76 = arith.muli %add3A_54, %mul3A_75 : i32
        %mul3A_77 = arith.constant 16 : i32
        %mul3A_78 = arith.muli %scan3A_74, %mul3A_77 : i32
        %add3A_79 = arith.addi %mul3A_76, %mul3A_78 : i32
        %get3A = arith.index_cast %add3A_79 : i32 to index
        %get3A_80 = tpu.vector_load %arg12[%get3A] {strides = array<i32>} : memref<8000xi32, #tpu.memory_space<vmem>>, vector<16xi32>,
        %shift_right_arithmetic3A = arith.constant 7 : i32
        %shift_right_arithmetic3A_81 = vector.broadcast %shift_right_arithmetic3A : i32 to vector<16xi32>
        %shift_right_arithmetic3A_82 = arith.shrsi %get3A_80, %shift_right_arithmetic3A_81 : vector<16xi32>
        %and3A = arith.constant 127 : i32
        %and3A_83 = vector.broadcast %and3A : i32 to vector<16xi32>
        %and3A_84 = arith.andi %get3A_80, %and3A_83 : vector<16xi32>
        %gather3A = tpu.vector_load_idx %arg15[%shift_right_arithmetic3A_82, %and3A_84] : memref<80x128xi32, #tpu.memory_space<vmem>>[vector<16xi32>, vector<16xi32>], vector<16xi32>,
        %mul3A_85 = arith.constant 800 : i32
        %mul3A_86 = arith.muli %add3A_54, %mul3A_85 : i32
        %mul3A_87 = arith.constant 16 : i32
        %mul3A_88 = arith.muli %scan3A_74, %mul3A_87 : i32
        %add3A_89 = arith.addi %mul3A_86, %mul3A_88 : i32
        %swap3A = arith.index_cast %add3A_89 : i32 to index
        %swap3A_90 = tpu.vector_load %arg13[%swap3A] {strides = array<i32>} : memref<8000xi32, #tpu.memory_space<vmem>>, vector<16xi32>,
        tpu.vector_store %arg13[%swap3A], %gather3A {strides = array<i32>} : memref<8000xi32, #tpu.memory_space<vmem>>, vector<16xi32>,
      }
      %scan3A_66 = arith.constant 50 : i32
      %add3A_67 = arith.constant 2 : i32
      %add3A_68 = arith.addi %add3A_54, %add3A_67 : i32
      %lt3A_69 = arith.constant 10 : i32
      %lt3A_70 = arith.cmpi slt, %add3A_68, %lt3A_69 : i32
      %convert_element_type3A_71 = arith.extui %lt3A_70 : i1 to i32
      %cond3A_72 = arith.constant 0 : i32
      %cond3A_73 = arith.cmpi ne, %convert_element_type3A_71, %cond3A_72 : i32
      scf.if %cond3A_73 {
        %add3A_74 = arith.constant 2 : i32
        %add3A_75 = arith.addi %add3A_54, %add3A_74 : i32
        %mul3A_76 = arith.constant 80 : i32
        %mul3A_77 = arith.muli %add3A_75, %mul3A_76 : i32
        %dma_start3A_78 = tpu.memref_slice %arg10[%mul3A_77] : memref<800xi32, #tpu.memory_space<vmem>> -> memref<80xi32, #tpu.memory_space<vmem>>
        %dma_start3A_79 = arith.constant 0 : i32
        %dma_start3A_80 = arith.constant 0 : i32
        %dma_start3A_81 = tpu.memref_slice %arg3[%dma_start3A_79, %dma_start3A_80] : memref<10000x128xi32, #tpu.memory_space<hbm>> -> memref<10000x128xi32, #tpu.memory_space<hbm>>
        tpu.enqueue_indirect_dma source(%dma_start3A_81 : memref<10000x128xi32, #tpu.memory_space<hbm>>) target(%arg15 : memref<80x128xi32, #tpu.memory_space<vmem>>) offsets(%dma_start3A_78 : memref<80xi32, #tpu.memory_space<vmem>>) semaphore(%arg18 : memref<!tpu.dma_semaphore, #tpu.memory_space<semaphore_mem>>)
      } else {
      }
    }
    %scan3A_31 = arith.constant 5 : i32
    "tpu.region"() ({
      %run_scoped3A = tpu.sem_alloc : memref<!tpu.dma_semaphore, #tpu.memory_space<semaphore_mem>>
      %dma_start3A_32 = tpu.memref_slice %arg7[%mul3A_6] : memref<256000xi32, #tpu.memory_space<hbm>> -> memref<8000xi32, #tpu.memory_space<hbm>>
      %dma_start3A_33 = tpu.memref_slice %arg7[%mul3A_6] : memref<256000xi32, #tpu.memory_space<hbm>> -> memref<8000xi32, #tpu.memory_space<hbm>>
      tpu.enqueue_dma source(%arg13 : memref<8000xi32, #tpu.memory_space<vmem>>) target(%dma_start3A_33 : memref<8000xi32, #tpu.memory_space<hbm>>) target_semaphore(%run_scoped3A : memref<!tpu.dma_semaphore, #tpu.memory_space<semaphore_mem>>)
      %dma_wait3A_34 = tpu.memref_slice %arg7[%mul3A_6] : memref<256000xi32, #tpu.memory_space<hbm>> -> memref<8000xi32, #tpu.memory_space<hbm>>
      %dma_wait3A_35 = tpu.memref_slice %arg7[%mul3A_6] : memref<256000xi32, #tpu.memory_space<hbm>> -> memref<8000xi32, #tpu.memory_space<hbm>>
      tpu.wait_dma2 semaphore(%run_scoped3A : memref<!tpu.dma_semaphore, #tpu.memory_space<semaphore_mem>>) src(%arg13 : memref<8000xi32, #tpu.memory_space<vmem>>) dst(%dma_wait3A_35 : memref<8000xi32, #tpu.memory_space<hbm>>)
      tpu.yield
    }) : () -> ()
    return
  }
}

#map = affine_map<(d0, d1) -> (0)>
#map1 = affine_map<(d0, d1) -> (0, 0)>
module attributes {stable_mosaic.version = 14 : i64} {
  func.func @_gather_body(%arg0: i32, %arg1: i32, %arg2: memref<1024xi32, #tpu.memory_space<hbm>>, %arg3: memref<25600xi32, #tpu.memory_space<hbm>>, %arg4: memref<256000xi32, #tpu.memory_space<hbm>>, %arg5: memref<10000x128xf32, #tpu.memory_space<hbm>>, %arg6: memref<10000x128xf32, #tpu.memory_space<hbm>>, %arg7: memref<1024x128xf32, #tpu.memory_space<hbm>>, %arg8: memref<1024x128xf32, #tpu.memory_space<hbm>>, %arg9: memref<25600x128xf32, #tpu.memory_space<hbm>>, %arg10: memref<25600x128xf32, #tpu.memory_space<hbm>>, %arg11: memref<32xi32, #tpu.memory_space<vmem>>, %arg12: memref<800xi32, #tpu.memory_space<vmem>>, %arg13: memref<8000xi32, #tpu.memory_space<vmem>>, %arg14: memref<80x128xf32, #tpu.memory_space<vmem>>, %arg15: memref<80x128xf32, #tpu.memory_space<vmem>>, %arg16: memref<80x128xf32, #tpu.memory_space<vmem>>, %arg17: memref<80x128xf32, #tpu.memory_space<vmem>>, %arg18: memref<80x128xf32, #tpu.memory_space<vmem>>, %arg19: memref<80x128xf32, #tpu.memory_space<vmem>>, %arg20: memref<8x128xf32, #tpu.memory_space<vmem>>, %arg21: memref<8x128xf32, #tpu.memory_space<vmem>>, %arg22: memref<8x128xf32, #tpu.memory_space<vmem>>, %arg23: memref<8x128xf32, #tpu.memory_space<vmem>>, %arg24: memref<32x128xf32, #tpu.memory_space<vmem>>, %arg25: memref<!tpu.dma_semaphore, #tpu.memory_space<semaphore_mem>>, %arg26: memref<!tpu.dma_semaphore, #tpu.memory_space<semaphore_mem>>, %arg27: memref<!tpu.dma_semaphore, #tpu.memory_space<semaphore_mem>>, %arg28: memref<!tpu.dma_semaphore, #tpu.memory_space<semaphore_mem>>, %arg29: memref<!tpu.dma_semaphore, #tpu.memory_space<semaphore_mem>>, %arg30: memref<!tpu.dma_semaphore, #tpu.memory_space<semaphore_mem>>, %arg31: memref<!tpu.dma_semaphore, #tpu.memory_space<semaphore_mem>>, %arg32: memref<!tpu.dma_semaphore, #tpu.memory_space<semaphore_mem>>, %arg33: memref<!tpu.dma_semaphore, #tpu.memory_space<semaphore_mem>>, %arg34: memref<!tpu.dma_semaphore, #tpu.memory_space<semaphore_mem>>, %arg35: memref<!tpu.dma_semaphore, #tpu.memory_space<semaphore_mem>>, %arg36: memref<!tpu.dma_semaphore, #tpu.memory_space<semaphore_mem>>, %arg37: memref<!tpu.dma_semaphore, #tpu.memory_space<semaphore_mem>>) attributes {dimension_semantics = [#tpu.dimension_semantics<core_parallel>, #tpu.dimension_semantics<subcore_parallel>], iteration_bounds = array<i64: 2, 16>, scalar_prefetch = 0 : i64, scratch_operands = 27 : i64, tpu.core_type = #tpu.core_type<sc_vector_subcore>, window_params = [{transform_indices = #map}, {transform_indices = #map}, {transform_indices = #map}, {transform_indices = #map1}, {transform_indices = #map1}, {transform_indices = #map1}, {transform_indices = #map1}, {transform_indices = #map1}, {transform_indices = #map1}]} {
    %mul3A = arith.constant 16 : i32
    %mul3A_0 = arith.muli %arg0, %mul3A : i32
    %add3A = arith.addi %mul3A_0, %arg1 : i32
    %mul3A_1 = arith.constant 32 : i32
    %mul3A_2 = arith.muli %add3A, %mul3A_1 : i32
    %mul3A_3 = arith.constant 800 : i32
    %mul3A_4 = arith.muli %add3A, %mul3A_3 : i32
    %mul3A_5 = arith.constant 8000 : i32
    %mul3A_6 = arith.muli %add3A, %mul3A_5 : i32
    "tpu.region"() ({
      %run_scoped3A = tpu.sem_alloc : memref<!tpu.dma_semaphore, #tpu.memory_space<semaphore_mem>>
      %dma_start3A_111 = tpu.memref_slice %arg4[%mul3A_6] : memref<256000xi32, #tpu.memory_space<hbm>> -> memref<8000xi32, #tpu.memory_space<hbm>>
      %dma_start3A_112 = tpu.memref_slice %arg4[%mul3A_6] : memref<256000xi32, #tpu.memory_space<hbm>> -> memref<8000xi32, #tpu.memory_space<hbm>>
      tpu.enqueue_dma source(%dma_start3A_112 : memref<8000xi32, #tpu.memory_space<hbm>>) target(%arg13 : memref<8000xi32, #tpu.memory_space<vmem>>) target_semaphore(%run_scoped3A : memref<!tpu.dma_semaphore, #tpu.memory_space<semaphore_mem>>)
      %dma_wait3A_113 = tpu.memref_slice %arg4[%mul3A_6] : memref<256000xi32, #tpu.memory_space<hbm>> -> memref<8000xi32, #tpu.memory_space<hbm>>
      %dma_wait3A_114 = tpu.memref_slice %arg4[%mul3A_6] : memref<256000xi32, #tpu.memory_space<hbm>> -> memref<8000xi32, #tpu.memory_space<hbm>>
      tpu.wait_dma2 semaphore(%run_scoped3A : memref<!tpu.dma_semaphore, #tpu.memory_space<semaphore_mem>>) src(%dma_wait3A_114 : memref<8000xi32, #tpu.memory_space<hbm>>) dst(%arg13 : memref<8000xi32, #tpu.memory_space<vmem>>)
      tpu.yield
    }) : () -> ()
    "tpu.region"() ({
      %run_scoped3A = tpu.sem_alloc : memref<!tpu.dma_semaphore, #tpu.memory_space<semaphore_mem>>
      %dma_start3A_111 = tpu.memref_slice %arg2[%mul3A_2] : memref<1024xi32, #tpu.memory_space<hbm>> -> memref<32xi32, #tpu.memory_space<hbm>>
      %dma_start3A_112 = tpu.memref_slice %arg2[%mul3A_2] : memref<1024xi32, #tpu.memory_space<hbm>> -> memref<32xi32, #tpu.memory_space<hbm>>
      tpu.enqueue_dma source(%dma_start3A_112 : memref<32xi32, #tpu.memory_space<hbm>>) target(%arg11 : memref<32xi32, #tpu.memory_space<vmem>>) target_semaphore(%run_scoped3A : memref<!tpu.dma_semaphore, #tpu.memory_space<semaphore_mem>>)
      %dma_wait3A_113 = tpu.memref_slice %arg2[%mul3A_2] : memref<1024xi32, #tpu.memory_space<hbm>> -> memref<32xi32, #tpu.memory_space<hbm>>
      %dma_wait3A_114 = tpu.memref_slice %arg2[%mul3A_2] : memref<1024xi32, #tpu.memory_space<hbm>> -> memref<32xi32, #tpu.memory_space<hbm>>
      tpu.wait_dma2 semaphore(%run_scoped3A : memref<!tpu.dma_semaphore, #tpu.memory_space<semaphore_mem>>) src(%dma_wait3A_114 : memref<32xi32, #tpu.memory_space<hbm>>) dst(%arg11 : memref<32xi32, #tpu.memory_space<vmem>>)
      tpu.yield
    }) : () -> ()
    "tpu.region"() ({
      %run_scoped3A = tpu.sem_alloc : memref<!tpu.dma_semaphore, #tpu.memory_space<semaphore_mem>>
      %dma_start3A_111 = tpu.memref_slice %arg3[%mul3A_4] : memref<25600xi32, #tpu.memory_space<hbm>> -> memref<800xi32, #tpu.memory_space<hbm>>
      %dma_start3A_112 = tpu.memref_slice %arg3[%mul3A_4] : memref<25600xi32, #tpu.memory_space<hbm>> -> memref<800xi32, #tpu.memory_space<hbm>>
      tpu.enqueue_dma source(%dma_start3A_112 : memref<800xi32, #tpu.memory_space<hbm>>) target(%arg12 : memref<800xi32, #tpu.memory_space<vmem>>) target_semaphore(%run_scoped3A : memref<!tpu.dma_semaphore, #tpu.memory_space<semaphore_mem>>)
      %dma_wait3A_113 = tpu.memref_slice %arg3[%mul3A_4] : memref<25600xi32, #tpu.memory_space<hbm>> -> memref<800xi32, #tpu.memory_space<hbm>>
      %dma_wait3A_114 = tpu.memref_slice %arg3[%mul3A_4] : memref<25600xi32, #tpu.memory_space<hbm>> -> memref<800xi32, #tpu.memory_space<hbm>>
      tpu.wait_dma2 semaphore(%run_scoped3A : memref<!tpu.dma_semaphore, #tpu.memory_space<semaphore_mem>>) src(%dma_wait3A_114 : memref<800xi32, #tpu.memory_space<hbm>>) dst(%arg12 : memref<800xi32, #tpu.memory_space<vmem>>)
      tpu.yield
    }) : () -> ()
    %dma_start3A = arith.constant 0 : i32
    %dma_start3A_7 = arith.constant 0 : i32
    %dma_start3A_8 = tpu.memref_slice %arg16[%dma_start3A, %dma_start3A_7] : memref<80x128xf32, #tpu.memory_space<vmem>> -> memref<32x128xf32, #tpu.memory_space<vmem>>
    %dma_start3A_9 = arith.constant 0 : i32
    %dma_start3A_10 = arith.constant 0 : i32
    %dma_start3A_11 = tpu.memref_slice %arg6[%dma_start3A_9, %dma_start3A_10] : memref<10000x128xf32, #tpu.memory_space<hbm>> -> memref<10000x128xf32, #tpu.memory_space<hbm>>
    tpu.enqueue_indirect_dma source(%dma_start3A_11 : memref<10000x128xf32, #tpu.memory_space<hbm>>) target(%dma_start3A_8 : memref<32x128xf32, #tpu.memory_space<vmem>>) offsets(%arg11 : memref<32xi32, #tpu.memory_space<vmem>>) semaphore(%arg25 : memref<!tpu.dma_semaphore, #tpu.memory_space<semaphore_mem>>)
    %dma_wait3A = arith.constant 0 : i32
    %dma_wait3A_12 = arith.constant 0 : i32
    %dma_wait3A_13 = tpu.memref_slice %arg16[%dma_wait3A, %dma_wait3A_12] : memref<80x128xf32, #tpu.memory_space<vmem>> -> memref<32x128xf32, #tpu.memory_space<vmem>>
    %dma_wait3A_14 = arith.constant 0 : i32
    %dma_wait3A_15 = arith.constant 0 : i32
    %dma_wait3A_16 = tpu.memref_slice %arg6[%dma_wait3A_14, %dma_wait3A_15] : memref<10000x128xf32, #tpu.memory_space<hbm>> -> memref<10000x128xf32, #tpu.memory_space<hbm>>
    tpu.wait_indirect_dma semaphore(%arg25 : memref<!tpu.dma_semaphore, #tpu.memory_space<semaphore_mem>>) src(%dma_wait3A_16 : memref<10000x128xf32, #tpu.memory_space<hbm>>) dst(%dma_wait3A_13 : memref<32x128xf32, #tpu.memory_space<vmem>>)
    "tpu.region"() ({
      %run_scoped3A = tpu.sem_alloc : memref<!tpu.dma_semaphore, #tpu.memory_space<semaphore_mem>>
      %dma_start3A_111 = arith.constant 0 : i32
      %dma_start3A_112 = arith.constant 0 : i32
      %dma_start3A_113 = tpu.memref_slice %arg16[%dma_start3A_111, %dma_start3A_112] : memref<80x128xf32, #tpu.memory_space<vmem>> -> memref<32x128xf32, #tpu.memory_space<vmem>>
      %dma_start3A_114 = arith.constant 0 : i32
      %dma_start3A_115 = tpu.memref_slice %arg7[%mul3A_2, %dma_start3A_114] : memref<1024x128xf32, #tpu.memory_space<hbm>> -> memref<32x128xf32, #tpu.memory_space<hbm>>
      %dma_start3A_116 = arith.constant 0 : i32
      %dma_start3A_117 = tpu.memref_slice %arg7[%mul3A_2, %dma_start3A_116] : memref<1024x128xf32, #tpu.memory_space<hbm>> -> memref<32x128xf32, #tpu.memory_space<hbm>>
      %dma_start3A_118 = arith.constant 0 : i32
      %dma_start3A_119 = arith.constant 0 : i32
      %dma_start3A_120 = tpu.memref_slice %arg16[%dma_start3A_118, %dma_start3A_119] : memref<80x128xf32, #tpu.memory_space<vmem>> -> memref<32x128xf32, #tpu.memory_space<vmem>>
      tpu.enqueue_dma source(%dma_start3A_120 : memref<32x128xf32, #tpu.memory_space<vmem>>) target(%dma_start3A_117 : memref<32x128xf32, #tpu.memory_space<hbm>>) target_semaphore(%run_scoped3A : memref<!tpu.dma_semaphore, #tpu.memory_space<semaphore_mem>>)
      %dma_wait3A_121 = arith.constant 0 : i32
      %dma_wait3A_122 = arith.constant 0 : i32
      %dma_wait3A_123 = tpu.memref_slice %arg16[%dma_wait3A_121, %dma_wait3A_122] : memref<80x128xf32, #tpu.memory_space<vmem>> -> memref<32x128xf32, #tpu.memory_space<vmem>>
      %dma_wait3A_124 = arith.constant 0 : i32
      %dma_wait3A_125 = tpu.memref_slice %arg7[%mul3A_2, %dma_wait3A_124] : memref<1024x128xf32, #tpu.memory_space<hbm>> -> memref<32x128xf32, #tpu.memory_space<hbm>>
      %dma_wait3A_126 = arith.constant 0 : i32
      %dma_wait3A_127 = tpu.memref_slice %arg7[%mul3A_2, %dma_wait3A_126] : memref<1024x128xf32, #tpu.memory_space<hbm>> -> memref<32x128xf32, #tpu.memory_space<hbm>>
      %dma_wait3A_128 = arith.constant 0 : i32
      %dma_wait3A_129 = arith.constant 0 : i32
      %dma_wait3A_130 = tpu.memref_slice %arg16[%dma_wait3A_128, %dma_wait3A_129] : memref<80x128xf32, #tpu.memory_space<vmem>> -> memref<32x128xf32, #tpu.memory_space<vmem>>
      tpu.wait_dma2 semaphore(%run_scoped3A : memref<!tpu.dma_semaphore, #tpu.memory_space<semaphore_mem>>) src(%dma_wait3A_130 : memref<32x128xf32, #tpu.memory_space<vmem>>) dst(%dma_wait3A_127 : memref<32x128xf32, #tpu.memory_space<hbm>>)
      tpu.yield
    }) : () -> ()
    %broadcast_in_dim3A = arith.constant 0.000000e+00 : f32
    %broadcast_in_dim3A_17 = vector.broadcast %broadcast_in_dim3A : f32 to vector<16xf32>
    %scan3A = arith.constant 0 : i32
    %scan3A_18 = arith.constant 0 : i32
    %scan3A_19 = arith.constant 32 : i32
    %scan3A_20 = arith.addi %scan3A_18, %scan3A_19 : i32
    %scan3A_21 = arith.constant 1 : i32
    scf.for %scan3A_111 = %scan3A_18 to %scan3A_20 step %scan3A_21  : i32 {
      %swap3A = arith.index_cast %scan3A_111 : i32 to index
      %swap3A_112 = arith.constant 0 : index
      %swap3A_113 = tpu.vector_load %arg24[%swap3A, %swap3A_112] {strides = array<i32>} : memref<32x128xf32, #tpu.memory_space<vmem>>, vector<16xf32>,
      tpu.vector_store %arg24[%swap3A, %swap3A_112], %broadcast_in_dim3A_17 {strides = array<i32>} : memref<32x128xf32, #tpu.memory_space<vmem>>, vector<16xf32>,
      %swap3A_114 = arith.index_cast %scan3A_111 : i32 to index
      %swap3A_115 = arith.constant 16 : index
      %swap3A_116 = tpu.vector_load %arg24[%swap3A_114, %swap3A_115] {strides = array<i32>} : memref<32x128xf32, #tpu.memory_space<vmem>>, vector<16xf32>,
      tpu.vector_store %arg24[%swap3A_114, %swap3A_115], %broadcast_in_dim3A_17 {strides = array<i32>} : memref<32x128xf32, #tpu.memory_space<vmem>>, vector<16xf32>,
      %swap3A_117 = arith.index_cast %scan3A_111 : i32 to index
      %swap3A_118 = arith.constant 32 : index
      %swap3A_119 = tpu.vector_load %arg24[%swap3A_117, %swap3A_118] {strides = array<i32>} : memref<32x128xf32, #tpu.memory_space<vmem>>, vector<16xf32>,
      tpu.vector_store %arg24[%swap3A_117, %swap3A_118], %broadcast_in_dim3A_17 {strides = array<i32>} : memref<32x128xf32, #tpu.memory_space<vmem>>, vector<16xf32>,
      %swap3A_120 = arith.index_cast %scan3A_111 : i32 to index
      %swap3A_121 = arith.constant 48 : index
      %swap3A_122 = tpu.vector_load %arg24[%swap3A_120, %swap3A_121] {strides = array<i32>} : memref<32x128xf32, #tpu.memory_space<vmem>>, vector<16xf32>,
      tpu.vector_store %arg24[%swap3A_120, %swap3A_121], %broadcast_in_dim3A_17 {strides = array<i32>} : memref<32x128xf32, #tpu.memory_space<vmem>>, vector<16xf32>,
      %swap3A_123 = arith.index_cast %scan3A_111 : i32 to index
      %swap3A_124 = arith.constant 64 : index
      %swap3A_125 = tpu.vector_load %arg24[%swap3A_123, %swap3A_124] {strides = array<i32>} : memref<32x128xf32, #tpu.memory_space<vmem>>, vector<16xf32>,
      tpu.vector_store %arg24[%swap3A_123, %swap3A_124], %broadcast_in_dim3A_17 {strides = array<i32>} : memref<32x128xf32, #tpu.memory_space<vmem>>, vector<16xf32>,
      %swap3A_126 = arith.index_cast %scan3A_111 : i32 to index
      %swap3A_127 = arith.constant 80 : index
      %swap3A_128 = tpu.vector_load %arg24[%swap3A_126, %swap3A_127] {strides = array<i32>} : memref<32x128xf32, #tpu.memory_space<vmem>>, vector<16xf32>,
      tpu.vector_store %arg24[%swap3A_126, %swap3A_127], %broadcast_in_dim3A_17 {strides = array<i32>} : memref<32x128xf32, #tpu.memory_space<vmem>>, vector<16xf32>,
      %swap3A_129 = arith.index_cast %scan3A_111 : i32 to index
      %swap3A_130 = arith.constant 96 : index
      %swap3A_131 = tpu.vector_load %arg24[%swap3A_129, %swap3A_130] {strides = array<i32>} : memref<32x128xf32, #tpu.memory_space<vmem>>, vector<16xf32>,
      tpu.vector_store %arg24[%swap3A_129, %swap3A_130], %broadcast_in_dim3A_17 {strides = array<i32>} : memref<32x128xf32, #tpu.memory_space<vmem>>, vector<16xf32>,
      %swap3A_132 = arith.index_cast %scan3A_111 : i32 to index
      %swap3A_133 = arith.constant 112 : index
      %swap3A_134 = tpu.vector_load %arg24[%swap3A_132, %swap3A_133] {strides = array<i32>} : memref<32x128xf32, #tpu.memory_space<vmem>>, vector<16xf32>,
      tpu.vector_store %arg24[%swap3A_132, %swap3A_133], %broadcast_in_dim3A_17 {strides = array<i32>} : memref<32x128xf32, #tpu.memory_space<vmem>>, vector<16xf32>,
    }
    %scan3A_22 = arith.constant 32 : i32
    %dma_start3A_23 = arith.constant 0 : i32
    %dma_start3A_24 = tpu.memref_slice %arg12[%dma_start3A_23] : memref<800xi32, #tpu.memory_space<vmem>> -> memref<80xi32, #tpu.memory_space<vmem>>
    %dma_start3A_25 = arith.constant 0 : i32
    %dma_start3A_26 = arith.constant 0 : i32
    %dma_start3A_27 = tpu.memref_slice %arg6[%dma_start3A_25, %dma_start3A_26] : memref<10000x128xf32, #tpu.memory_space<hbm>> -> memref<10000x128xf32, #tpu.memory_space<hbm>>
    tpu.enqueue_indirect_dma source(%dma_start3A_27 : memref<10000x128xf32, #tpu.memory_space<hbm>>) target(%arg14 : memref<80x128xf32, #tpu.memory_space<vmem>>) offsets(%dma_start3A_24 : memref<80xi32, #tpu.memory_space<vmem>>) semaphore(%arg26 : memref<!tpu.dma_semaphore, #tpu.memory_space<semaphore_mem>>)
    %dma_start3A_28 = arith.constant 0 : i32
    %dma_start3A_29 = tpu.memref_slice %arg12[%dma_start3A_28] : memref<800xi32, #tpu.memory_space<vmem>> -> memref<80xi32, #tpu.memory_space<vmem>>
    %dma_start3A_30 = arith.constant 0 : i32
    %dma_start3A_31 = arith.constant 0 : i32
    %dma_start3A_32 = tpu.memref_slice %arg5[%dma_start3A_30, %dma_start3A_31] : memref<10000x128xf32, #tpu.memory_space<hbm>> -> memref<10000x128xf32, #tpu.memory_space<hbm>>
    tpu.enqueue_indirect_dma source(%dma_start3A_32 : memref<10000x128xf32, #tpu.memory_space<hbm>>) target(%arg16 : memref<80x128xf32, #tpu.memory_space<vmem>>) offsets(%dma_start3A_29 : memref<80xi32, #tpu.memory_space<vmem>>) semaphore(%arg28 : memref<!tpu.dma_semaphore, #tpu.memory_space<semaphore_mem>>)
    %dma_start3A_33 = arith.constant 80 : i32
    %dma_start3A_34 = tpu.memref_slice %arg12[%dma_start3A_33] : memref<800xi32, #tpu.memory_space<vmem>> -> memref<80xi32, #tpu.memory_space<vmem>>
    %dma_start3A_35 = arith.constant 0 : i32
    %dma_start3A_36 = arith.constant 0 : i32
    %dma_start3A_37 = tpu.memref_slice %arg6[%dma_start3A_35, %dma_start3A_36] : memref<10000x128xf32, #tpu.memory_space<hbm>> -> memref<10000x128xf32, #tpu.memory_space<hbm>>
    tpu.enqueue_indirect_dma source(%dma_start3A_37 : memref<10000x128xf32, #tpu.memory_space<hbm>>) target(%arg15 : memref<80x128xf32, #tpu.memory_space<vmem>>) offsets(%dma_start3A_34 : memref<80xi32, #tpu.memory_space<vmem>>) semaphore(%arg27 : memref<!tpu.dma_semaphore, #tpu.memory_space<semaphore_mem>>)
    %dma_start3A_38 = arith.constant 80 : i32
    %dma_start3A_39 = tpu.memref_slice %arg12[%dma_start3A_38] : memref<800xi32, #tpu.memory_space<vmem>> -> memref<80xi32, #tpu.memory_space<vmem>>
    %dma_start3A_40 = arith.constant 0 : i32
    %dma_start3A_41 = arith.constant 0 : i32
    %dma_start3A_42 = tpu.memref_slice %arg5[%dma_start3A_40, %dma_start3A_41] : memref<10000x128xf32, #tpu.memory_space<hbm>> -> memref<10000x128xf32, #tpu.memory_space<hbm>>
    tpu.enqueue_indirect_dma source(%dma_start3A_42 : memref<10000x128xf32, #tpu.memory_space<hbm>>) target(%arg17 : memref<80x128xf32, #tpu.memory_space<vmem>>) offsets(%dma_start3A_39 : memref<80xi32, #tpu.memory_space<vmem>>) semaphore(%arg29 : memref<!tpu.dma_semaphore, #tpu.memory_space<semaphore_mem>>)
    %scan3A_43 = arith.constant 0 : i32
    %scan3A_44 = arith.constant 0 : i32
    %scan3A_45 = arith.constant 5 : i32
    %scan3A_46 = arith.addi %scan3A_44, %scan3A_45 : i32
    %scan3A_47 = arith.constant 1 : i32
    scf.for %scan3A_111 = %scan3A_44 to %scan3A_46 step %scan3A_47  : i32 {
      %mul3A_112 = arith.constant 2 : i32
      %mul3A_113 = arith.muli %mul3A_112, %scan3A_111 : i32
      %mul3A_114 = arith.constant 80 : i32
      %mul3A_115 = arith.muli %mul3A_113, %mul3A_114 : i32
      %dma_wait3A_116 = tpu.memref_slice %arg12[%mul3A_115] : memref<800xi32, #tpu.memory_space<vmem>> -> memref<80xi32, #tpu.memory_space<vmem>>
      %dma_wait3A_117 = arith.constant 0 : i32
      %dma_wait3A_118 = arith.constant 0 : i32
      %dma_wait3A_119 = tpu.memref_slice %arg6[%dma_wait3A_117, %dma_wait3A_118] : memref<10000x128xf32, #tpu.memory_space<hbm>> -> memref<10000x128xf32, #tpu.memory_space<hbm>>
      tpu.wait_indirect_dma semaphore(%arg26 : memref<!tpu.dma_semaphore, #tpu.memory_space<semaphore_mem>>) src(%dma_wait3A_119 : memref<10000x128xf32, #tpu.memory_space<hbm>>) dst(%arg14 : memref<80x128xf32, #tpu.memory_space<vmem>>)
      %mul3A_120 = arith.constant 80 : i32
      %mul3A_121 = arith.muli %mul3A_113, %mul3A_120 : i32
      %add3A_122 = arith.addi %mul3A_4, %mul3A_121 : i32
      %dma_start3A_123 = arith.constant 0 : i32
      %dma_start3A_124 = tpu.memref_slice %arg9[%add3A_122, %dma_start3A_123] : memref<25600x128xf32, #tpu.memory_space<hbm>> -> memref<80x128xf32, #tpu.memory_space<hbm>>
      %dma_start3A_125 = arith.constant 0 : i32
      %dma_start3A_126 = tpu.memref_slice %arg9[%add3A_122, %dma_start3A_125] : memref<25600x128xf32, #tpu.memory_space<hbm>> -> memref<80x128xf32, #tpu.memory_space<hbm>>
      tpu.enqueue_dma source(%arg14 : memref<80x128xf32, #tpu.memory_space<vmem>>) target(%dma_start3A_126 : memref<80x128xf32, #tpu.memory_space<hbm>>) target_semaphore(%arg32 : memref<!tpu.dma_semaphore, #tpu.memory_space<semaphore_mem>>)
      %mul3A_127 = arith.constant 80 : i32
      %mul3A_128 = arith.muli %mul3A_113, %mul3A_127 : i32
      %dma_wait3A_129 = tpu.memref_slice %arg12[%mul3A_128] : memref<800xi32, #tpu.memory_space<vmem>> -> memref<80xi32, #tpu.memory_space<vmem>>
      %dma_wait3A_130 = arith.constant 0 : i32
      %dma_wait3A_131 = arith.constant 0 : i32
      %dma_wait3A_132 = tpu.memref_slice %arg5[%dma_wait3A_130, %dma_wait3A_131] : memref<10000x128xf32, #tpu.memory_space<hbm>> -> memref<10000x128xf32, #tpu.memory_space<hbm>>
      tpu.wait_indirect_dma semaphore(%arg28 : memref<!tpu.dma_semaphore, #tpu.memory_space<semaphore_mem>>) src(%dma_wait3A_132 : memref<10000x128xf32, #tpu.memory_space<hbm>>) dst(%arg16 : memref<80x128xf32, #tpu.memory_space<vmem>>)
      %scan3A_133 = arith.constant 0 : i32
      %scan3A_134 = arith.constant 0 : i32
      %scan3A_135 = arith.constant 80 : i32
      %scan3A_136 = arith.addi %scan3A_134, %scan3A_135 : i32
      %scan3A_137 = arith.constant 1 : i32
      scf.for %scan3A_179 = %scan3A_134 to %scan3A_136 step %scan3A_137  : i32 {
        %mul3A_180 = arith.constant 80 : i32
        %mul3A_181 = arith.muli %mul3A_113, %mul3A_180 : i32
        %add3A_182 = arith.addi %mul3A_181, %scan3A_179 : i32
        %jit3A = arith.constant 25 : i32
        %div3A = arith.divsi %add3A_182, %jit3A : i32
        %sign3A = arith.constant 0 : i32
        %sign3A_183 = arith.cmpi sgt, %add3A_182, %sign3A : i32
        %sign3A_184 = arith.extui %sign3A_183 : i1 to i32
        %sign3A_185 = arith.constant 0 : i32
        %sign3A_186 = arith.cmpi slt, %add3A_182, %sign3A_185 : i32
        %sign3A_187 = arith.extui %sign3A_186 : i1 to i32
        %sign3A_188 = arith.subi %sign3A_184, %sign3A_187 : i32
        %sign3A_189 = arith.constant 0 : i32
        %sign3A_190 = arith.cmpi sgt, %jit3A, %sign3A_189 : i32
        %sign3A_191 = arith.extui %sign3A_190 : i1 to i32
        %sign3A_192 = arith.constant 0 : i32
        %sign3A_193 = arith.cmpi slt, %jit3A, %sign3A_192 : i32
        %sign3A_194 = arith.extui %sign3A_193 : i1 to i32
        %sign3A_195 = arith.subi %sign3A_191, %sign3A_194 : i32
        %ne3A = arith.cmpi ne, %sign3A_188, %sign3A_195 : i32
        %rem3A = arith.remsi %add3A_182, %jit3A : i32
        %ne3A_196 = arith.constant 0 : i32
        %ne3A_197 = arith.cmpi ne, %rem3A, %ne3A_196 : i32
        %and3A = arith.andi %ne3A, %ne3A_197 : i1
        %sub3A = arith.constant 1 : i32
        %sub3A_198 = arith.subi %div3A, %sub3A : i32
        %select_n3A = arith.select %and3A, %sub3A_198, %div3A : i32
        %get3A = arith.index_cast %scan3A_179 : i32 to index
        %get3A_199 = arith.constant 0 : index
        %get3A_200 = tpu.vector_load %arg16[%get3A, %get3A_199] {strides = array<i32>} : memref<80x128xf32, #tpu.memory_space<vmem>>, vector<16xf32>,
        %swap3A = arith.index_cast %select_n3A : i32 to index
        %swap3A_201 = arith.constant 0 : index
        %swap3A_202 = tpu.vector_load %arg24[%swap3A, %swap3A_201] {strides = array<i32>} : memref<32x128xf32, #tpu.memory_space<vmem>>, vector<16xf32>,
        tpu.vector_store %arg24[%swap3A, %swap3A_201], %get3A_200 {add = true, strides = array<i32>} : memref<32x128xf32, #tpu.memory_space<vmem>>, vector<16xf32>,
        %get3A_203 = arith.index_cast %scan3A_179 : i32 to index
        %get3A_204 = arith.constant 16 : index
        %get3A_205 = tpu.vector_load %arg16[%get3A_203, %get3A_204] {strides = array<i32>} : memref<80x128xf32, #tpu.memory_space<vmem>>, vector<16xf32>,
        %swap3A_206 = arith.index_cast %select_n3A : i32 to index
        %swap3A_207 = arith.constant 16 : index
        %swap3A_208 = tpu.vector_load %arg24[%swap3A_206, %swap3A_207] {strides = array<i32>} : memref<32x128xf32, #tpu.memory_space<vmem>>, vector<16xf32>,
        tpu.vector_store %arg24[%swap3A_206, %swap3A_207], %get3A_205 {add = true, strides = array<i32>} : memref<32x128xf32, #tpu.memory_space<vmem>>, vector<16xf32>,
        %get3A_209 = arith.index_cast %scan3A_179 : i32 to index
        %get3A_210 = arith.constant 32 : index
        %get3A_211 = tpu.vector_load %arg16[%get3A_209, %get3A_210] {strides = array<i32>} : memref<80x128xf32, #tpu.memory_space<vmem>>, vector<16xf32>,
        %swap3A_212 = arith.index_cast %select_n3A : i32 to index
        %swap3A_213 = arith.constant 32 : index
        %swap3A_214 = tpu.vector_load %arg24[%swap3A_212, %swap3A_213] {strides = array<i32>} : memref<32x128xf32, #tpu.memory_space<vmem>>, vector<16xf32>,
        tpu.vector_store %arg24[%swap3A_212, %swap3A_213], %get3A_211 {add = true, strides = array<i32>} : memref<32x128xf32, #tpu.memory_space<vmem>>, vector<16xf32>,
        %get3A_215 = arith.index_cast %scan3A_179 : i32 to index
        %get3A_216 = arith.constant 48 : index
        %get3A_217 = tpu.vector_load %arg16[%get3A_215, %get3A_216] {strides = array<i32>} : memref<80x128xf32, #tpu.memory_space<vmem>>, vector<16xf32>,
        %swap3A_218 = arith.index_cast %select_n3A : i32 to index
        %swap3A_219 = arith.constant 48 : index
        %swap3A_220 = tpu.vector_load %arg24[%swap3A_218, %swap3A_219] {strides = array<i32>} : memref<32x128xf32, #tpu.memory_space<vmem>>, vector<16xf32>,
        tpu.vector_store %arg24[%swap3A_218, %swap3A_219], %get3A_217 {add = true, strides = array<i32>} : memref<32x128xf32, #tpu.memory_space<vmem>>, vector<16xf32>,
        %get3A_221 = arith.index_cast %scan3A_179 : i32 to index
        %get3A_222 = arith.constant 64 : index
        %get3A_223 = tpu.vector_load %arg16[%get3A_221, %get3A_222] {strides = array<i32>} : memref<80x128xf32, #tpu.memory_space<vmem>>, vector<16xf32>,
        %swap3A_224 = arith.index_cast %select_n3A : i32 to index
        %swap3A_225 = arith.constant 64 : index
        %swap3A_226 = tpu.vector_load %arg24[%swap3A_224, %swap3A_225] {strides = array<i32>} : memref<32x128xf32, #tpu.memory_space<vmem>>, vector<16xf32>,
        tpu.vector_store %arg24[%swap3A_224, %swap3A_225], %get3A_223 {add = true, strides = array<i32>} : memref<32x128xf32, #tpu.memory_space<vmem>>, vector<16xf32>,
        %get3A_227 = arith.index_cast %scan3A_179 : i32 to index
        %get3A_228 = arith.constant 80 : index
        %get3A_229 = tpu.vector_load %arg16[%get3A_227, %get3A_228] {strides = array<i32>} : memref<80x128xf32, #tpu.memory_space<vmem>>, vector<16xf32>,
        %swap3A_230 = arith.index_cast %select_n3A : i32 to index
        %swap3A_231 = arith.constant 80 : index
        %swap3A_232 = tpu.vector_load %arg24[%swap3A_230, %swap3A_231] {strides = array<i32>} : memref<32x128xf32, #tpu.memory_space<vmem>>, vector<16xf32>,
        tpu.vector_store %arg24[%swap3A_230, %swap3A_231], %get3A_229 {add = true, strides = array<i32>} : memref<32x128xf32, #tpu.memory_space<vmem>>, vector<16xf32>,
        %get3A_233 = arith.index_cast %scan3A_179 : i32 to index
        %get3A_234 = arith.constant 96 : index
        %get3A_235 = tpu.vector_load %arg16[%get3A_233, %get3A_234] {strides = array<i32>} : memref<80x128xf32, #tpu.memory_space<vmem>>, vector<16xf32>,
        %swap3A_236 = arith.index_cast %select_n3A : i32 to index
        %swap3A_237 = arith.constant 96 : index
        %swap3A_238 = tpu.vector_load %arg24[%swap3A_236, %swap3A_237] {strides = array<i32>} : memref<32x128xf32, #tpu.memory_space<vmem>>, vector<16xf32>,
        tpu.vector_store %arg24[%swap3A_236, %swap3A_237], %get3A_235 {add = true, strides = array<i32>} : memref<32x128xf32, #tpu.memory_space<vmem>>, vector<16xf32>,
        %get3A_239 = arith.index_cast %scan3A_179 : i32 to index
        %get3A_240 = arith.constant 112 : index
        %get3A_241 = tpu.vector_load %arg16[%get3A_239, %get3A_240] {strides = array<i32>} : memref<80x128xf32, #tpu.memory_space<vmem>>, vector<16xf32>,
        %swap3A_242 = arith.index_cast %select_n3A : i32 to index
        %swap3A_243 = arith.constant 112 : index
        %swap3A_244 = tpu.vector_load %arg24[%swap3A_242, %swap3A_243] {strides = array<i32>} : memref<32x128xf32, #tpu.memory_space<vmem>>, vector<16xf32>,
        tpu.vector_store %arg24[%swap3A_242, %swap3A_243], %get3A_241 {add = true, strides = array<i32>} : memref<32x128xf32, #tpu.memory_space<vmem>>, vector<16xf32>,
      }
      %scan3A_138 = arith.constant 80 : i32
      %add3A_139 = arith.constant 2 : i32
      %add3A_140 = arith.addi %mul3A_113, %add3A_139 : i32
      %lt3A = arith.constant 10 : i32
      %lt3A_141 = arith.cmpi slt, %add3A_140, %lt3A : i32
      %convert_element_type3A = arith.extui %lt3A_141 : i1 to i32
      %cond3A = arith.constant 0 : i32
      %cond3A_142 = arith.cmpi ne, %convert_element_type3A, %cond3A : i32
      scf.if %cond3A_142 {
        %mul3A_179 = arith.constant 80 : i32
        %mul3A_180 = arith.muli %mul3A_113, %mul3A_179 : i32
        %add3A_181 = arith.addi %mul3A_4, %mul3A_180 : i32
        %dma_wait3A_182 = arith.constant 0 : i32
        %dma_wait3A_183 = tpu.memref_slice %arg9[%add3A_181, %dma_wait3A_182] : memref<25600x128xf32, #tpu.memory_space<hbm>> -> memref<80x128xf32, #tpu.memory_space<hbm>>
        %dma_wait3A_184 = arith.constant 0 : i32
        %dma_wait3A_185 = tpu.memref_slice %arg9[%add3A_181, %dma_wait3A_184] : memref<25600x128xf32, #tpu.memory_space<hbm>> -> memref<80x128xf32, #tpu.memory_space<hbm>>
        tpu.wait_dma2 semaphore(%arg32 : memref<!tpu.dma_semaphore, #tpu.memory_space<semaphore_mem>>) src(%arg14 : memref<80x128xf32, #tpu.memory_space<vmem>>) dst(%dma_wait3A_185 : memref<80x128xf32, #tpu.memory_space<hbm>>)
        %add3A_186 = arith.constant 2 : i32
        %add3A_187 = arith.addi %mul3A_113, %add3A_186 : i32
        %mul3A_188 = arith.constant 80 : i32
        %mul3A_189 = arith.muli %add3A_187, %mul3A_188 : i32
        %dma_start3A_190 = tpu.memref_slice %arg12[%mul3A_189] : memref<800xi32, #tpu.memory_space<vmem>> -> memref<80xi32, #tpu.memory_space<vmem>>
        %dma_start3A_191 = arith.constant 0 : i32
        %dma_start3A_192 = arith.constant 0 : i32
        %dma_start3A_193 = tpu.memref_slice %arg6[%dma_start3A_191, %dma_start3A_192] : memref<10000x128xf32, #tpu.memory_space<hbm>> -> memref<10000x128xf32, #tpu.memory_space<hbm>>
        tpu.enqueue_indirect_dma source(%dma_start3A_193 : memref<10000x128xf32, #tpu.memory_space<hbm>>) target(%arg14 : memref<80x128xf32, #tpu.memory_space<vmem>>) offsets(%dma_start3A_190 : memref<80xi32, #tpu.memory_space<vmem>>) semaphore(%arg26 : memref<!tpu.dma_semaphore, #tpu.memory_space<semaphore_mem>>)
        %add3A_194 = arith.constant 2 : i32
        %add3A_195 = arith.addi %mul3A_113, %add3A_194 : i32
        %mul3A_196 = arith.constant 80 : i32
        %mul3A_197 = arith.muli %add3A_195, %mul3A_196 : i32
        %dma_start3A_198 = tpu.memref_slice %arg12[%mul3A_197] : memref<800xi32, #tpu.memory_space<vmem>> -> memref<80xi32, #tpu.memory_space<vmem>>
        %dma_start3A_199 = arith.constant 0 : i32
        %dma_start3A_200 = arith.constant 0 : i32
        %dma_start3A_201 = tpu.memref_slice %arg5[%dma_start3A_199, %dma_start3A_200] : memref<10000x128xf32, #tpu.memory_space<hbm>> -> memref<10000x128xf32, #tpu.memory_space<hbm>>
        tpu.enqueue_indirect_dma source(%dma_start3A_201 : memref<10000x128xf32, #tpu.memory_space<hbm>>) target(%arg16 : memref<80x128xf32, #tpu.memory_space<vmem>>) offsets(%dma_start3A_198 : memref<80xi32, #tpu.memory_space<vmem>>) semaphore(%arg28 : memref<!tpu.dma_semaphore, #tpu.memory_space<semaphore_mem>>)
      } else {
      }
      %mul3A_143 = arith.constant 2 : i32
      %mul3A_144 = arith.muli %mul3A_143, %scan3A_111 : i32
      %add3A_145 = arith.constant 1 : i32
      %add3A_146 = arith.addi %mul3A_144, %add3A_145 : i32
      %mul3A_147 = arith.constant 80 : i32
      %mul3A_148 = arith.muli %add3A_146, %mul3A_147 : i32
      %dma_wait3A_149 = tpu.memref_slice %arg12[%mul3A_148] : memref<800xi32, #tpu.memory_space<vmem>> -> memref<80xi32, #tpu.memory_space<vmem>>
      %dma_wait3A_150 = arith.constant 0 : i32
      %dma_wait3A_151 = arith.constant 0 : i32
      %dma_wait3A_152 = tpu.memref_slice %arg6[%dma_wait3A_150, %dma_wait3A_151] : memref<10000x128xf32, #tpu.memory_space<hbm>> -> memref<10000x128xf32, #tpu.memory_space<hbm>>
      tpu.wait_indirect_dma semaphore(%arg27 : memref<!tpu.dma_semaphore, #tpu.memory_space<semaphore_mem>>) src(%dma_wait3A_152 : memref<10000x128xf32, #tpu.memory_space<hbm>>) dst(%arg15 : memref<80x128xf32, #tpu.memory_space<vmem>>)
      %mul3A_153 = arith.constant 80 : i32
      %mul3A_154 = arith.muli %add3A_146, %mul3A_153 : i32
      %add3A_155 = arith.addi %mul3A_4, %mul3A_154 : i32
      %dma_start3A_156 = arith.constant 0 : i32
      %dma_start3A_157 = tpu.memref_slice %arg9[%add3A_155, %dma_start3A_156] : memref<25600x128xf32, #tpu.memory_space<hbm>> -> memref<80x128xf32, #tpu.memory_space<hbm>>
      %dma_start3A_158 = arith.constant 0 : i32
      %dma_start3A_159 = tpu.memref_slice %arg9[%add3A_155, %dma_start3A_158] : memref<25600x128xf32, #tpu.memory_space<hbm>> -> memref<80x128xf32, #tpu.memory_space<hbm>>
      tpu.enqueue_dma source(%arg15 : memref<80x128xf32, #tpu.memory_space<vmem>>) target(%dma_start3A_159 : memref<80x128xf32, #tpu.memory_space<hbm>>) target_semaphore(%arg33 : memref<!tpu.dma_semaphore, #tpu.memory_space<semaphore_mem>>)
      %mul3A_160 = arith.constant 80 : i32
      %mul3A_161 = arith.muli %add3A_146, %mul3A_160 : i32
      %dma_wait3A_162 = tpu.memref_slice %arg12[%mul3A_161] : memref<800xi32, #tpu.memory_space<vmem>> -> memref<80xi32, #tpu.memory_space<vmem>>
      %dma_wait3A_163 = arith.constant 0 : i32
      %dma_wait3A_164 = arith.constant 0 : i32
      %dma_wait3A_165 = tpu.memref_slice %arg5[%dma_wait3A_163, %dma_wait3A_164] : memref<10000x128xf32, #tpu.memory_space<hbm>> -> memref<10000x128xf32, #tpu.memory_space<hbm>>
      tpu.wait_indirect_dma semaphore(%arg29 : memref<!tpu.dma_semaphore, #tpu.memory_space<semaphore_mem>>) src(%dma_wait3A_165 : memref<10000x128xf32, #tpu.memory_space<hbm>>) dst(%arg17 : memref<80x128xf32, #tpu.memory_space<vmem>>)
      %scan3A_166 = arith.constant 0 : i32
      %scan3A_167 = arith.constant 0 : i32
      %scan3A_168 = arith.constant 80 : i32
      %scan3A_169 = arith.addi %scan3A_167, %scan3A_168 : i32
      %scan3A_170 = arith.constant 1 : i32
      scf.for %scan3A_179 = %scan3A_167 to %scan3A_169 step %scan3A_170  : i32 {
        %mul3A_180 = arith.constant 80 : i32
        %mul3A_181 = arith.muli %add3A_146, %mul3A_180 : i32
        %add3A_182 = arith.addi %mul3A_181, %scan3A_179 : i32
        %jit3A = arith.constant 25 : i32
        %div3A = arith.divsi %add3A_182, %jit3A : i32
        %sign3A = arith.constant 0 : i32
        %sign3A_183 = arith.cmpi sgt, %add3A_182, %sign3A : i32
        %sign3A_184 = arith.extui %sign3A_183 : i1 to i32
        %sign3A_185 = arith.constant 0 : i32
        %sign3A_186 = arith.cmpi slt, %add3A_182, %sign3A_185 : i32
        %sign3A_187 = arith.extui %sign3A_186 : i1 to i32
        %sign3A_188 = arith.subi %sign3A_184, %sign3A_187 : i32
        %sign3A_189 = arith.constant 0 : i32
        %sign3A_190 = arith.cmpi sgt, %jit3A, %sign3A_189 : i32
        %sign3A_191 = arith.extui %sign3A_190 : i1 to i32
        %sign3A_192 = arith.constant 0 : i32
        %sign3A_193 = arith.cmpi slt, %jit3A, %sign3A_192 : i32
        %sign3A_194 = arith.extui %sign3A_193 : i1 to i32
        %sign3A_195 = arith.subi %sign3A_191, %sign3A_194 : i32
        %ne3A = arith.cmpi ne, %sign3A_188, %sign3A_195 : i32
        %rem3A = arith.remsi %add3A_182, %jit3A : i32
        %ne3A_196 = arith.constant 0 : i32
        %ne3A_197 = arith.cmpi ne, %rem3A, %ne3A_196 : i32
        %and3A = arith.andi %ne3A, %ne3A_197 : i1
        %sub3A = arith.constant 1 : i32
        %sub3A_198 = arith.subi %div3A, %sub3A : i32
        %select_n3A = arith.select %and3A, %sub3A_198, %div3A : i32
        %get3A = arith.index_cast %scan3A_179 : i32 to index
        %get3A_199 = arith.constant 0 : index
        %get3A_200 = tpu.vector_load %arg17[%get3A, %get3A_199] {strides = array<i32>} : memref<80x128xf32, #tpu.memory_space<vmem>>, vector<16xf32>,
        %swap3A = arith.index_cast %select_n3A : i32 to index
        %swap3A_201 = arith.constant 0 : index
        %swap3A_202 = tpu.vector_load %arg24[%swap3A, %swap3A_201] {strides = array<i32>} : memref<32x128xf32, #tpu.memory_space<vmem>>, vector<16xf32>,
        tpu.vector_store %arg24[%swap3A, %swap3A_201], %get3A_200 {add = true, strides = array<i32>} : memref<32x128xf32, #tpu.memory_space<vmem>>, vector<16xf32>,
        %get3A_203 = arith.index_cast %scan3A_179 : i32 to index
        %get3A_204 = arith.constant 16 : index
        %get3A_205 = tpu.vector_load %arg17[%get3A_203, %get3A_204] {strides = array<i32>} : memref<80x128xf32, #tpu.memory_space<vmem>>, vector<16xf32>,
        %swap3A_206 = arith.index_cast %select_n3A : i32 to index
        %swap3A_207 = arith.constant 16 : index
        %swap3A_208 = tpu.vector_load %arg24[%swap3A_206, %swap3A_207] {strides = array<i32>} : memref<32x128xf32, #tpu.memory_space<vmem>>, vector<16xf32>,
        tpu.vector_store %arg24[%swap3A_206, %swap3A_207], %get3A_205 {add = true, strides = array<i32>} : memref<32x128xf32, #tpu.memory_space<vmem>>, vector<16xf32>,
        %get3A_209 = arith.index_cast %scan3A_179 : i32 to index
        %get3A_210 = arith.constant 32 : index
        %get3A_211 = tpu.vector_load %arg17[%get3A_209, %get3A_210] {strides = array<i32>} : memref<80x128xf32, #tpu.memory_space<vmem>>, vector<16xf32>,
        %swap3A_212 = arith.index_cast %select_n3A : i32 to index
        %swap3A_213 = arith.constant 32 : index
        %swap3A_214 = tpu.vector_load %arg24[%swap3A_212, %swap3A_213] {strides = array<i32>} : memref<32x128xf32, #tpu.memory_space<vmem>>, vector<16xf32>,
        tpu.vector_store %arg24[%swap3A_212, %swap3A_213], %get3A_211 {add = true, strides = array<i32>} : memref<32x128xf32, #tpu.memory_space<vmem>>, vector<16xf32>,
        %get3A_215 = arith.index_cast %scan3A_179 : i32 to index
        %get3A_216 = arith.constant 48 : index
        %get3A_217 = tpu.vector_load %arg17[%get3A_215, %get3A_216] {strides = array<i32>} : memref<80x128xf32, #tpu.memory_space<vmem>>, vector<16xf32>,
        %swap3A_218 = arith.index_cast %select_n3A : i32 to index
        %swap3A_219 = arith.constant 48 : index
        %swap3A_220 = tpu.vector_load %arg24[%swap3A_218, %swap3A_219] {strides = array<i32>} : memref<32x128xf32, #tpu.memory_space<vmem>>, vector<16xf32>,
        tpu.vector_store %arg24[%swap3A_218, %swap3A_219], %get3A_217 {add = true, strides = array<i32>} : memref<32x128xf32, #tpu.memory_space<vmem>>, vector<16xf32>,
        %get3A_221 = arith.index_cast %scan3A_179 : i32 to index
        %get3A_222 = arith.constant 64 : index
        %get3A_223 = tpu.vector_load %arg17[%get3A_221, %get3A_222] {strides = array<i32>} : memref<80x128xf32, #tpu.memory_space<vmem>>, vector<16xf32>,
        %swap3A_224 = arith.index_cast %select_n3A : i32 to index
        %swap3A_225 = arith.constant 64 : index
        %swap3A_226 = tpu.vector_load %arg24[%swap3A_224, %swap3A_225] {strides = array<i32>} : memref<32x128xf32, #tpu.memory_space<vmem>>, vector<16xf32>,
        tpu.vector_store %arg24[%swap3A_224, %swap3A_225], %get3A_223 {add = true, strides = array<i32>} : memref<32x128xf32, #tpu.memory_space<vmem>>, vector<16xf32>,
        %get3A_227 = arith.index_cast %scan3A_179 : i32 to index
        %get3A_228 = arith.constant 80 : index
        %get3A_229 = tpu.vector_load %arg17[%get3A_227, %get3A_228] {strides = array<i32>} : memref<80x128xf32, #tpu.memory_space<vmem>>, vector<16xf32>,
        %swap3A_230 = arith.index_cast %select_n3A : i32 to index
        %swap3A_231 = arith.constant 80 : index
        %swap3A_232 = tpu.vector_load %arg24[%swap3A_230, %swap3A_231] {strides = array<i32>} : memref<32x128xf32, #tpu.memory_space<vmem>>, vector<16xf32>,
        tpu.vector_store %arg24[%swap3A_230, %swap3A_231], %get3A_229 {add = true, strides = array<i32>} : memref<32x128xf32, #tpu.memory_space<vmem>>, vector<16xf32>,
        %get3A_233 = arith.index_cast %scan3A_179 : i32 to index
        %get3A_234 = arith.constant 96 : index
        %get3A_235 = tpu.vector_load %arg17[%get3A_233, %get3A_234] {strides = array<i32>} : memref<80x128xf32, #tpu.memory_space<vmem>>, vector<16xf32>,
        %swap3A_236 = arith.index_cast %select_n3A : i32 to index
        %swap3A_237 = arith.constant 96 : index
        %swap3A_238 = tpu.vector_load %arg24[%swap3A_236, %swap3A_237] {strides = array<i32>} : memref<32x128xf32, #tpu.memory_space<vmem>>, vector<16xf32>,
        tpu.vector_store %arg24[%swap3A_236, %swap3A_237], %get3A_235 {add = true, strides = array<i32>} : memref<32x128xf32, #tpu.memory_space<vmem>>, vector<16xf32>,
        %get3A_239 = arith.index_cast %scan3A_179 : i32 to index
        %get3A_240 = arith.constant 112 : index
        %get3A_241 = tpu.vector_load %arg17[%get3A_239, %get3A_240] {strides = array<i32>} : memref<80x128xf32, #tpu.memory_space<vmem>>, vector<16xf32>,
        %swap3A_242 = arith.index_cast %select_n3A : i32 to index
        %swap3A_243 = arith.constant 112 : index
        %swap3A_244 = tpu.vector_load %arg24[%swap3A_242, %swap3A_243] {strides = array<i32>} : memref<32x128xf32, #tpu.memory_space<vmem>>, vector<16xf32>,
        tpu.vector_store %arg24[%swap3A_242, %swap3A_243], %get3A_241 {add = true, strides = array<i32>} : memref<32x128xf32, #tpu.memory_space<vmem>>, vector<16xf32>,
      }
      %scan3A_171 = arith.constant 80 : i32
      %add3A_172 = arith.constant 2 : i32
      %add3A_173 = arith.addi %add3A_146, %add3A_172 : i32
      %lt3A_174 = arith.constant 10 : i32
      %lt3A_175 = arith.cmpi slt, %add3A_173, %lt3A_174 : i32
      %convert_element_type3A_176 = arith.extui %lt3A_175 : i1 to i32
      %cond3A_177 = arith.constant 0 : i32
      %cond3A_178 = arith.cmpi ne, %convert_element_type3A_176, %cond3A_177 : i32
      scf.if %cond3A_178 {
        %mul3A_179 = arith.constant 80 : i32
        %mul3A_180 = arith.muli %add3A_146, %mul3A_179 : i32
        %add3A_181 = arith.addi %mul3A_4, %mul3A_180 : i32
        %dma_wait3A_182 = arith.constant 0 : i32
        %dma_wait3A_183 = tpu.memref_slice %arg9[%add3A_181, %dma_wait3A_182] : memref<25600x128xf32, #tpu.memory_space<hbm>> -> memref<80x128xf32, #tpu.memory_space<hbm>>
        %dma_wait3A_184 = arith.constant 0 : i32
        %dma_wait3A_185 = tpu.memref_slice %arg9[%add3A_181, %dma_wait3A_184] : memref<25600x128xf32, #tpu.memory_space<hbm>> -> memref<80x128xf32, #tpu.memory_space<hbm>>
        tpu.wait_dma2 semaphore(%arg33 : memref<!tpu.dma_semaphore, #tpu.memory_space<semaphore_mem>>) src(%arg15 : memref<80x128xf32, #tpu.memory_space<vmem>>) dst(%dma_wait3A_185 : memref<80x128xf32, #tpu.memory_space<hbm>>)
        %add3A_186 = arith.constant 2 : i32
        %add3A_187 = arith.addi %add3A_146, %add3A_186 : i32
        %mul3A_188 = arith.constant 80 : i32
        %mul3A_189 = arith.muli %add3A_187, %mul3A_188 : i32
        %dma_start3A_190 = tpu.memref_slice %arg12[%mul3A_189] : memref<800xi32, #tpu.memory_space<vmem>> -> memref<80xi32, #tpu.memory_space<vmem>>
        %dma_start3A_191 = arith.constant 0 : i32
        %dma_start3A_192 = arith.constant 0 : i32
        %dma_start3A_193 = tpu.memref_slice %arg6[%dma_start3A_191, %dma_start3A_192] : memref<10000x128xf32, #tpu.memory_space<hbm>> -> memref<10000x128xf32, #tpu.memory_space<hbm>>
        tpu.enqueue_indirect_dma source(%dma_start3A_193 : memref<10000x128xf32, #tpu.memory_space<hbm>>) target(%arg15 : memref<80x128xf32, #tpu.memory_space<vmem>>) offsets(%dma_start3A_190 : memref<80xi32, #tpu.memory_space<vmem>>) semaphore(%arg27 : memref<!tpu.dma_semaphore, #tpu.memory_space<semaphore_mem>>)
        %add3A_194 = arith.constant 2 : i32
        %add3A_195 = arith.addi %add3A_146, %add3A_194 : i32
        %mul3A_196 = arith.constant 80 : i32
        %mul3A_197 = arith.muli %add3A_195, %mul3A_196 : i32
        %dma_start3A_198 = tpu.memref_slice %arg12[%mul3A_197] : memref<800xi32, #tpu.memory_space<vmem>> -> memref<80xi32, #tpu.memory_space<vmem>>
        %dma_start3A_199 = arith.constant 0 : i32
        %dma_start3A_200 = arith.constant 0 : i32
        %dma_start3A_201 = tpu.memref_slice %arg5[%dma_start3A_199, %dma_start3A_200] : memref<10000x128xf32, #tpu.memory_space<hbm>> -> memref<10000x128xf32, #tpu.memory_space<hbm>>
        tpu.enqueue_indirect_dma source(%dma_start3A_201 : memref<10000x128xf32, #tpu.memory_space<hbm>>) target(%arg17 : memref<80x128xf32, #tpu.memory_space<vmem>>) offsets(%dma_start3A_198 : memref<80xi32, #tpu.memory_space<vmem>>) semaphore(%arg29 : memref<!tpu.dma_semaphore, #tpu.memory_space<semaphore_mem>>)
      } else {
      }
    }
    %scan3A_48 = arith.constant 5 : i32
    %add3A_49 = arith.constant 640 : i32
    %add3A_50 = arith.addi %mul3A_4, %add3A_49 : i32
    %dma_wait3A_51 = arith.constant 0 : i32
    %dma_wait3A_52 = tpu.memref_slice %arg9[%add3A_50, %dma_wait3A_51] : memref<25600x128xf32, #tpu.memory_space<hbm>> -> memref<80x128xf32, #tpu.memory_space<hbm>>
    %dma_wait3A_53 = arith.constant 0 : i32
    %dma_wait3A_54 = tpu.memref_slice %arg9[%add3A_50, %dma_wait3A_53] : memref<25600x128xf32, #tpu.memory_space<hbm>> -> memref<80x128xf32, #tpu.memory_space<hbm>>
    tpu.wait_dma2 semaphore(%arg32 : memref<!tpu.dma_semaphore, #tpu.memory_space<semaphore_mem>>) src(%arg14 : memref<80x128xf32, #tpu.memory_space<vmem>>) dst(%dma_wait3A_54 : memref<80x128xf32, #tpu.memory_space<hbm>>)
    %add3A_55 = arith.constant 720 : i32
    %add3A_56 = arith.addi %mul3A_4, %add3A_55 : i32
    %dma_wait3A_57 = arith.constant 0 : i32
    %dma_wait3A_58 = tpu.memref_slice %arg9[%add3A_56, %dma_wait3A_57] : memref<25600x128xf32, #tpu.memory_space<hbm>> -> memref<80x128xf32, #tpu.memory_space<hbm>>
    %dma_wait3A_59 = arith.constant 0 : i32
    %dma_wait3A_60 = tpu.memref_slice %arg9[%add3A_56, %dma_wait3A_59] : memref<25600x128xf32, #tpu.memory_space<hbm>> -> memref<80x128xf32, #tpu.memory_space<hbm>>
    tpu.wait_dma2 semaphore(%arg33 : memref<!tpu.dma_semaphore, #tpu.memory_space<semaphore_mem>>) src(%arg15 : memref<80x128xf32, #tpu.memory_space<vmem>>) dst(%dma_wait3A_60 : memref<80x128xf32, #tpu.memory_space<hbm>>)
    "tpu.region"() ({
      %run_scoped3A = tpu.sem_alloc : memref<!tpu.dma_semaphore, #tpu.memory_space<semaphore_mem>>
      %dma_start3A_111 = arith.constant 0 : i32
      %dma_start3A_112 = tpu.memref_slice %arg8[%mul3A_2, %dma_start3A_111] : memref<1024x128xf32, #tpu.memory_space<hbm>> -> memref<32x128xf32, #tpu.memory_space<hbm>>
      %dma_start3A_113 = arith.constant 0 : i32
      %dma_start3A_114 = tpu.memref_slice %arg8[%mul3A_2, %dma_start3A_113] : memref<1024x128xf32, #tpu.memory_space<hbm>> -> memref<32x128xf32, #tpu.memory_space<hbm>>
      tpu.enqueue_dma source(%arg24 : memref<32x128xf32, #tpu.memory_space<vmem>>) target(%dma_start3A_114 : memref<32x128xf32, #tpu.memory_space<hbm>>) target_semaphore(%run_scoped3A : memref<!tpu.dma_semaphore, #tpu.memory_space<semaphore_mem>>)
      %dma_wait3A_115 = arith.constant 0 : i32
      %dma_wait3A_116 = tpu.memref_slice %arg8[%mul3A_2, %dma_wait3A_115] : memref<1024x128xf32, #tpu.memory_space<hbm>> -> memref<32x128xf32, #tpu.memory_space<hbm>>
      %dma_wait3A_117 = arith.constant 0 : i32
      %dma_wait3A_118 = tpu.memref_slice %arg8[%mul3A_2, %dma_wait3A_117] : memref<1024x128xf32, #tpu.memory_space<hbm>> -> memref<32x128xf32, #tpu.memory_space<hbm>>
      tpu.wait_dma2 semaphore(%run_scoped3A : memref<!tpu.dma_semaphore, #tpu.memory_space<semaphore_mem>>) src(%arg24 : memref<32x128xf32, #tpu.memory_space<vmem>>) dst(%dma_wait3A_118 : memref<32x128xf32, #tpu.memory_space<hbm>>)
      tpu.yield
    }) : () -> ()
    %dma_start3A_61 = arith.constant 0 : i32
    %dma_start3A_62 = tpu.memref_slice %arg13[%dma_start3A_61] : memref<8000xi32, #tpu.memory_space<vmem>> -> memref<80xi32, #tpu.memory_space<vmem>>
    %dma_start3A_63 = arith.constant 0 : i32
    %dma_start3A_64 = arith.constant 0 : i32
    %dma_start3A_65 = tpu.memref_slice %arg5[%dma_start3A_63, %dma_start3A_64] : memref<10000x128xf32, #tpu.memory_space<hbm>> -> memref<10000x128xf32, #tpu.memory_space<hbm>>
    tpu.enqueue_indirect_dma source(%dma_start3A_65 : memref<10000x128xf32, #tpu.memory_space<hbm>>) target(%arg16 : memref<80x128xf32, #tpu.memory_space<vmem>>) offsets(%dma_start3A_62 : memref<80xi32, #tpu.memory_space<vmem>>) semaphore(%arg28 : memref<!tpu.dma_semaphore, #tpu.memory_space<semaphore_mem>>)
    %dma_start3A_66 = arith.constant 80 : i32
    %dma_start3A_67 = tpu.memref_slice %arg13[%dma_start3A_66] : memref<8000xi32, #tpu.memory_space<vmem>> -> memref<80xi32, #tpu.memory_space<vmem>>
    %dma_start3A_68 = arith.constant 0 : i32
    %dma_start3A_69 = arith.constant 0 : i32
    %dma_start3A_70 = tpu.memref_slice %arg5[%dma_start3A_68, %dma_start3A_69] : memref<10000x128xf32, #tpu.memory_space<hbm>> -> memref<10000x128xf32, #tpu.memory_space<hbm>>
    tpu.enqueue_indirect_dma source(%dma_start3A_70 : memref<10000x128xf32, #tpu.memory_space<hbm>>) target(%arg17 : memref<80x128xf32, #tpu.memory_space<vmem>>) offsets(%dma_start3A_67 : memref<80xi32, #tpu.memory_space<vmem>>) semaphore(%arg29 : memref<!tpu.dma_semaphore, #tpu.memory_space<semaphore_mem>>)
    %dma_start3A_71 = arith.constant 160 : i32
    %dma_start3A_72 = tpu.memref_slice %arg13[%dma_start3A_71] : memref<8000xi32, #tpu.memory_space<vmem>> -> memref<80xi32, #tpu.memory_space<vmem>>
    %dma_start3A_73 = arith.constant 0 : i32
    %dma_start3A_74 = arith.constant 0 : i32
    %dma_start3A_75 = tpu.memref_slice %arg5[%dma_start3A_73, %dma_start3A_74] : memref<10000x128xf32, #tpu.memory_space<hbm>> -> memref<10000x128xf32, #tpu.memory_space<hbm>>
    tpu.enqueue_indirect_dma source(%dma_start3A_75 : memref<10000x128xf32, #tpu.memory_space<hbm>>) target(%arg18 : memref<80x128xf32, #tpu.memory_space<vmem>>) offsets(%dma_start3A_72 : memref<80xi32, #tpu.memory_space<vmem>>) semaphore(%arg30 : memref<!tpu.dma_semaphore, #tpu.memory_space<semaphore_mem>>)
    %dma_start3A_76 = arith.constant 240 : i32
    %dma_start3A_77 = tpu.memref_slice %arg13[%dma_start3A_76] : memref<8000xi32, #tpu.memory_space<vmem>> -> memref<80xi32, #tpu.memory_space<vmem>>
    %dma_start3A_78 = arith.constant 0 : i32
    %dma_start3A_79 = arith.constant 0 : i32
    %dma_start3A_80 = tpu.memref_slice %arg5[%dma_start3A_78, %dma_start3A_79] : memref<10000x128xf32, #tpu.memory_space<hbm>> -> memref<10000x128xf32, #tpu.memory_space<hbm>>
    tpu.enqueue_indirect_dma source(%dma_start3A_80 : memref<10000x128xf32, #tpu.memory_space<hbm>>) target(%arg19 : memref<80x128xf32, #tpu.memory_space<vmem>>) offsets(%dma_start3A_77 : memref<80xi32, #tpu.memory_space<vmem>>) semaphore(%arg31 : memref<!tpu.dma_semaphore, #tpu.memory_space<semaphore_mem>>)
    %scan3A_81 = arith.constant 0 : i32
    %scan3A_82 = arith.constant 0 : i32
    %scan3A_83 = arith.constant 25 : i32
    %scan3A_84 = arith.addi %scan3A_82, %scan3A_83 : i32
    %scan3A_85 = arith.constant 1 : i32
    scf.for %scan3A_111 = %scan3A_82 to %scan3A_84 step %scan3A_85  : i32 {
      %mul3A_112 = arith.constant 4 : i32
      %mul3A_113 = arith.muli %mul3A_112, %scan3A_111 : i32
      %add3A_114 = arith.constant 0 : i32
      %add3A_115 = arith.addi %mul3A_113, %add3A_114 : i32
      %mul3A_116 = arith.constant 80 : i32
      %mul3A_117 = arith.muli %add3A_115, %mul3A_116 : i32
      %dma_wait3A_118 = tpu.memref_slice %arg13[%mul3A_117] : memref<8000xi32, #tpu.memory_space<vmem>> -> memref<80xi32, #tpu.memory_space<vmem>>
      %dma_wait3A_119 = arith.constant 0 : i32
      %dma_wait3A_120 = arith.constant 0 : i32
      %dma_wait3A_121 = tpu.memref_slice %arg5[%dma_wait3A_119, %dma_wait3A_120] : memref<10000x128xf32, #tpu.memory_space<hbm>> -> memref<10000x128xf32, #tpu.memory_space<hbm>>
      tpu.wait_indirect_dma semaphore(%arg28 : memref<!tpu.dma_semaphore, #tpu.memory_space<semaphore_mem>>) src(%dma_wait3A_121 : memref<10000x128xf32, #tpu.memory_space<hbm>>) dst(%arg16 : memref<80x128xf32, #tpu.memory_space<vmem>>)
      %ge3A = arith.constant 4 : i32
      %ge3A_122 = arith.cmpi sge, %add3A_115, %ge3A : i32
      %convert_element_type3A = arith.extui %ge3A_122 : i1 to i32
      %cond3A = arith.constant 0 : i32
      %cond3A_123 = arith.cmpi ne, %convert_element_type3A, %cond3A : i32
      scf.if %cond3A_123 {
        %sub3A = arith.constant 4 : i32
        %sub3A_248 = arith.subi %add3A_115, %sub3A : i32
        %mul3A_249 = arith.constant 8 : i32
        %mul3A_250 = arith.muli %sub3A_248, %mul3A_249 : i32
        %add3A_251 = arith.addi %mul3A_4, %mul3A_250 : i32
        %dma_wait3A_252 = arith.constant 0 : i32
        %dma_wait3A_253 = tpu.memref_slice %arg10[%add3A_251, %dma_wait3A_252] : memref<25600x128xf32, #tpu.memory_space<hbm>> -> memref<8x128xf32, #tpu.memory_space<hbm>>
        %dma_wait3A_254 = arith.constant 0 : i32
        %dma_wait3A_255 = tpu.memref_slice %arg10[%add3A_251, %dma_wait3A_254] : memref<25600x128xf32, #tpu.memory_space<hbm>> -> memref<8x128xf32, #tpu.memory_space<hbm>>
        tpu.wait_dma2 semaphore(%arg34 : memref<!tpu.dma_semaphore, #tpu.memory_space<semaphore_mem>>) src(%arg20 : memref<8x128xf32, #tpu.memory_space<vmem>>) dst(%dma_wait3A_255 : memref<8x128xf32, #tpu.memory_space<hbm>>)
      } else {
      }
      %scan3A_124 = arith.constant 0 : i32
      %scan3A_125 = arith.constant 0 : i32
      %scan3A_126 = arith.constant 8 : i32
      %scan3A_127 = arith.addi %scan3A_125, %scan3A_126 : i32
      %scan3A_128 = arith.constant 1 : i32
      scf.for %scan3A_248 = %scan3A_125 to %scan3A_127 step %scan3A_128  : i32 {
        %mul3A_249 = arith.constant 10 : i32
        %mul3A_250 = arith.muli %scan3A_248, %mul3A_249 : i32
        %get3A = arith.index_cast %mul3A_250 : i32 to index
        %get3A_251 = arith.constant 0 : index
        %get3A_252 = tpu.vector_load %arg16[%get3A, %get3A_251] {strides = array<i32>} : memref<80x128xf32, #tpu.memory_space<vmem>>, vector<16xf32>,
        %mul3A_253 = arith.constant 10 : i32
        %mul3A_254 = arith.muli %scan3A_248, %mul3A_253 : i32
        %add3A_255 = arith.constant 1 : i32
        %add3A_256 = arith.addi %mul3A_254, %add3A_255 : i32
        %get3A_257 = arith.index_cast %add3A_256 : i32 to index
        %get3A_258 = arith.constant 0 : index
        %get3A_259 = tpu.vector_load %arg16[%get3A_257, %get3A_258] {strides = array<i32>} : memref<80x128xf32, #tpu.memory_space<vmem>>, vector<16xf32>,
        %add3A_260 = arith.addf %get3A_252, %get3A_259 : vector<16xf32>
        %mul3A_261 = arith.constant 10 : i32
        %mul3A_262 = arith.muli %scan3A_248, %mul3A_261 : i32
        %add3A_263 = arith.constant 2 : i32
        %add3A_264 = arith.addi %mul3A_262, %add3A_263 : i32
        %get3A_265 = arith.index_cast %add3A_264 : i32 to index
        %get3A_266 = arith.constant 0 : index
        %get3A_267 = tpu.vector_load %arg16[%get3A_265, %get3A_266] {strides = array<i32>} : memref<80x128xf32, #tpu.memory_space<vmem>>, vector<16xf32>,
        %add3A_268 = arith.addf %add3A_260, %get3A_267 : vector<16xf32>
        %mul3A_269 = arith.constant 10 : i32
        %mul3A_270 = arith.muli %scan3A_248, %mul3A_269 : i32
        %add3A_271 = arith.constant 3 : i32
        %add3A_272 = arith.addi %mul3A_270, %add3A_271 : i32
        %get3A_273 = arith.index_cast %add3A_272 : i32 to index
        %get3A_274 = arith.constant 0 : index
        %get3A_275 = tpu.vector_load %arg16[%get3A_273, %get3A_274] {strides = array<i32>} : memref<80x128xf32, #tpu.memory_space<vmem>>, vector<16xf32>,
        %add3A_276 = arith.addf %add3A_268, %get3A_275 : vector<16xf32>
        %mul3A_277 = arith.constant 10 : i32
        %mul3A_278 = arith.muli %scan3A_248, %mul3A_277 : i32
        %add3A_279 = arith.constant 4 : i32
        %add3A_280 = arith.addi %mul3A_278, %add3A_279 : i32
        %get3A_281 = arith.index_cast %add3A_280 : i32 to index
        %get3A_282 = arith.constant 0 : index
        %get3A_283 = tpu.vector_load %arg16[%get3A_281, %get3A_282] {strides = array<i32>} : memref<80x128xf32, #tpu.memory_space<vmem>>, vector<16xf32>,
        %add3A_284 = arith.addf %add3A_276, %get3A_283 : vector<16xf32>
        %mul3A_285 = arith.constant 10 : i32
        %mul3A_286 = arith.muli %scan3A_248, %mul3A_285 : i32
        %add3A_287 = arith.constant 5 : i32
        %add3A_288 = arith.addi %mul3A_286, %add3A_287 : i32
        %get3A_289 = arith.index_cast %add3A_288 : i32 to index
        %get3A_290 = arith.constant 0 : index
        %get3A_291 = tpu.vector_load %arg16[%get3A_289, %get3A_290] {strides = array<i32>} : memref<80x128xf32, #tpu.memory_space<vmem>>, vector<16xf32>,
        %add3A_292 = arith.addf %add3A_284, %get3A_291 : vector<16xf32>
        %mul3A_293 = arith.constant 10 : i32
        %mul3A_294 = arith.muli %scan3A_248, %mul3A_293 : i32
        %add3A_295 = arith.constant 6 : i32
        %add3A_296 = arith.addi %mul3A_294, %add3A_295 : i32
        %get3A_297 = arith.index_cast %add3A_296 : i32 to index
        %get3A_298 = arith.constant 0 : index
        %get3A_299 = tpu.vector_load %arg16[%get3A_297, %get3A_298] {strides = array<i32>} : memref<80x128xf32, #tpu.memory_space<vmem>>, vector<16xf32>,
        %add3A_300 = arith.addf %add3A_292, %get3A_299 : vector<16xf32>
        %mul3A_301 = arith.constant 10 : i32
        %mul3A_302 = arith.muli %scan3A_248, %mul3A_301 : i32
        %add3A_303 = arith.constant 7 : i32
        %add3A_304 = arith.addi %mul3A_302, %add3A_303 : i32
        %get3A_305 = arith.index_cast %add3A_304 : i32 to index
        %get3A_306 = arith.constant 0 : index
        %get3A_307 = tpu.vector_load %arg16[%get3A_305, %get3A_306] {strides = array<i32>} : memref<80x128xf32, #tpu.memory_space<vmem>>, vector<16xf32>,
        %add3A_308 = arith.addf %add3A_300, %get3A_307 : vector<16xf32>
        %mul3A_309 = arith.constant 10 : i32
        %mul3A_310 = arith.muli %scan3A_248, %mul3A_309 : i32
        %add3A_311 = arith.constant 8 : i32
        %add3A_312 = arith.addi %mul3A_310, %add3A_311 : i32
        %get3A_313 = arith.index_cast %add3A_312 : i32 to index
        %get3A_314 = arith.constant 0 : index
        %get3A_315 = tpu.vector_load %arg16[%get3A_313, %get3A_314] {strides = array<i32>} : memref<80x128xf32, #tpu.memory_space<vmem>>, vector<16xf32>,
        %add3A_316 = arith.addf %add3A_308, %get3A_315 : vector<16xf32>
        %mul3A_317 = arith.constant 10 : i32
        %mul3A_318 = arith.muli %scan3A_248, %mul3A_317 : i32
        %add3A_319 = arith.constant 9 : i32
        %add3A_320 = arith.addi %mul3A_318, %add3A_319 : i32
        %get3A_321 = arith.index_cast %add3A_320 : i32 to index
        %get3A_322 = arith.constant 0 : index
        %get3A_323 = tpu.vector_load %arg16[%get3A_321, %get3A_322] {strides = array<i32>} : memref<80x128xf32, #tpu.memory_space<vmem>>, vector<16xf32>,
        %add3A_324 = arith.addf %add3A_316, %get3A_323 : vector<16xf32>
        %swap3A = arith.index_cast %scan3A_248 : i32 to index
        %swap3A_325 = arith.constant 0 : index
        %swap3A_326 = tpu.vector_load %arg20[%swap3A, %swap3A_325] {strides = array<i32>} : memref<8x128xf32, #tpu.memory_space<vmem>>, vector<16xf32>,
        tpu.vector_store %arg20[%swap3A, %swap3A_325], %add3A_324 {strides = array<i32>} : memref<8x128xf32, #tpu.memory_space<vmem>>, vector<16xf32>,
        %mul3A_327 = arith.constant 10 : i32
        %mul3A_328 = arith.muli %scan3A_248, %mul3A_327 : i32
        %get3A_329 = arith.index_cast %mul3A_328 : i32 to index
        %get3A_330 = arith.constant 16 : index
        %get3A_331 = tpu.vector_load %arg16[%get3A_329, %get3A_330] {strides = array<i32>} : memref<80x128xf32, #tpu.memory_space<vmem>>, vector<16xf32>,
        %mul3A_332 = arith.constant 10 : i32
        %mul3A_333 = arith.muli %scan3A_248, %mul3A_332 : i32
        %add3A_334 = arith.constant 1 : i32
        %add3A_335 = arith.addi %mul3A_333, %add3A_334 : i32
        %get3A_336 = arith.index_cast %add3A_335 : i32 to index
        %get3A_337 = arith.constant 16 : index
        %get3A_338 = tpu.vector_load %arg16[%get3A_336, %get3A_337] {strides = array<i32>} : memref<80x128xf32, #tpu.memory_space<vmem>>, vector<16xf32>,
        %add3A_339 = arith.addf %get3A_331, %get3A_338 : vector<16xf32>
        %mul3A_340 = arith.constant 10 : i32
        %mul3A_341 = arith.muli %scan3A_248, %mul3A_340 : i32
        %add3A_342 = arith.constant 2 : i32
        %add3A_343 = arith.addi %mul3A_341, %add3A_342 : i32
        %get3A_344 = arith.index_cast %add3A_343 : i32 to index
        %get3A_345 = arith.constant 16 : index
        %get3A_346 = tpu.vector_load %arg16[%get3A_344, %get3A_345] {strides = array<i32>} : memref<80x128xf32, #tpu.memory_space<vmem>>, vector<16xf32>,
        %add3A_347 = arith.addf %add3A_339, %get3A_346 : vector<16xf32>
        %mul3A_348 = arith.constant 10 : i32
        %mul3A_349 = arith.muli %scan3A_248, %mul3A_348 : i32
        %add3A_350 = arith.constant 3 : i32
        %add3A_351 = arith.addi %mul3A_349, %add3A_350 : i32
        %get3A_352 = arith.index_cast %add3A_351 : i32 to index
        %get3A_353 = arith.constant 16 : index
        %get3A_354 = tpu.vector_load %arg16[%get3A_352, %get3A_353] {strides = array<i32>} : memref<80x128xf32, #tpu.memory_space<vmem>>, vector<16xf32>,
        %add3A_355 = arith.addf %add3A_347, %get3A_354 : vector<16xf32>
        %mul3A_356 = arith.constant 10 : i32
        %mul3A_357 = arith.muli %scan3A_248, %mul3A_356 : i32
        %add3A_358 = arith.constant 4 : i32
        %add3A_359 = arith.addi %mul3A_357, %add3A_358 : i32
        %get3A_360 = arith.index_cast %add3A_359 : i32 to index
        %get3A_361 = arith.constant 16 : index
        %get3A_362 = tpu.vector_load %arg16[%get3A_360, %get3A_361] {strides = array<i32>} : memref<80x128xf32, #tpu.memory_space<vmem>>, vector<16xf32>,
        %add3A_363 = arith.addf %add3A_355, %get3A_362 : vector<16xf32>
        %mul3A_364 = arith.constant 10 : i32
        %mul3A_365 = arith.muli %scan3A_248, %mul3A_364 : i32
        %add3A_366 = arith.constant 5 : i32
        %add3A_367 = arith.addi %mul3A_365, %add3A_366 : i32
        %get3A_368 = arith.index_cast %add3A_367 : i32 to index
        %get3A_369 = arith.constant 16 : index
        %get3A_370 = tpu.vector_load %arg16[%get3A_368, %get3A_369] {strides = array<i32>} : memref<80x128xf32, #tpu.memory_space<vmem>>, vector<16xf32>,
        %add3A_371 = arith.addf %add3A_363, %get3A_370 : vector<16xf32>
        %mul3A_372 = arith.constant 10 : i32
        %mul3A_373 = arith.muli %scan3A_248, %mul3A_372 : i32
        %add3A_374 = arith.constant 6 : i32
        %add3A_375 = arith.addi %mul3A_373, %add3A_374 : i32
        %get3A_376 = arith.index_cast %add3A_375 : i32 to index
        %get3A_377 = arith.constant 16 : index
        %get3A_378 = tpu.vector_load %arg16[%get3A_376, %get3A_377] {strides = array<i32>} : memref<80x128xf32, #tpu.memory_space<vmem>>, vector<16xf32>,
        %add3A_379 = arith.addf %add3A_371, %get3A_378 : vector<16xf32>
        %mul3A_380 = arith.constant 10 : i32
        %mul3A_381 = arith.muli %scan3A_248, %mul3A_380 : i32
        %add3A_382 = arith.constant 7 : i32
        %add3A_383 = arith.addi %mul3A_381, %add3A_382 : i32
        %get3A_384 = arith.index_cast %add3A_383 : i32 to index
        %get3A_385 = arith.constant 16 : index
        %get3A_386 = tpu.vector_load %arg16[%get3A_384, %get3A_385] {strides = array<i32>} : memref<80x128xf32, #tpu.memory_space<vmem>>, vector<16xf32>,
        %add3A_387 = arith.addf %add3A_379, %get3A_386 : vector<16xf32>
        %mul3A_388 = arith.constant 10 : i32
        %mul3A_389 = arith.muli %scan3A_248, %mul3A_388 : i32
        %add3A_390 = arith.constant 8 : i32
        %add3A_391 = arith.addi %mul3A_389, %add3A_390 : i32
        %get3A_392 = arith.index_cast %add3A_391 : i32 to index
        %get3A_393 = arith.constant 16 : index
        %get3A_394 = tpu.vector_load %arg16[%get3A_392, %get3A_393] {strides = array<i32>} : memref<80x128xf32, #tpu.memory_space<vmem>>, vector<16xf32>,
        %add3A_395 = arith.addf %add3A_387, %get3A_394 : vector<16xf32>
        %mul3A_396 = arith.constant 10 : i32
        %mul3A_397 = arith.muli %scan3A_248, %mul3A_396 : i32
        %add3A_398 = arith.constant 9 : i32
        %add3A_399 = arith.addi %mul3A_397, %add3A_398 : i32
        %get3A_400 = arith.index_cast %add3A_399 : i32 to index
        %get3A_401 = arith.constant 16 : index
        %get3A_402 = tpu.vector_load %arg16[%get3A_400, %get3A_401] {strides = array<i32>} : memref<80x128xf32, #tpu.memory_space<vmem>>, vector<16xf32>,
        %add3A_403 = arith.addf %add3A_395, %get3A_402 : vector<16xf32>
        %swap3A_404 = arith.index_cast %scan3A_248 : i32 to index
        %swap3A_405 = arith.constant 16 : index
        %swap3A_406 = tpu.vector_load %arg20[%swap3A_404, %swap3A_405] {strides = array<i32>} : memref<8x128xf32, #tpu.memory_space<vmem>>, vector<16xf32>,
        tpu.vector_store %arg20[%swap3A_404, %swap3A_405], %add3A_403 {strides = array<i32>} : memref<8x128xf32, #tpu.memory_space<vmem>>, vector<16xf32>,
        %mul3A_407 = arith.constant 10 : i32
        %mul3A_408 = arith.muli %scan3A_248, %mul3A_407 : i32
        %get3A_409 = arith.index_cast %mul3A_408 : i32 to index
        %get3A_410 = arith.constant 32 : index
        %get3A_411 = tpu.vector_load %arg16[%get3A_409, %get3A_410] {strides = array<i32>} : memref<80x128xf32, #tpu.memory_space<vmem>>, vector<16xf32>,
        %mul3A_412 = arith.constant 10 : i32
        %mul3A_413 = arith.muli %scan3A_248, %mul3A_412 : i32
        %add3A_414 = arith.constant 1 : i32
        %add3A_415 = arith.addi %mul3A_413, %add3A_414 : i32
        %get3A_416 = arith.index_cast %add3A_415 : i32 to index
        %get3A_417 = arith.constant 32 : index
        %get3A_418 = tpu.vector_load %arg16[%get3A_416, %get3A_417] {strides = array<i32>} : memref<80x128xf32, #tpu.memory_space<vmem>>, vector<16xf32>,
        %add3A_419 = arith.addf %get3A_411, %get3A_418 : vector<16xf32>
        %mul3A_420 = arith.constant 10 : i32
        %mul3A_421 = arith.muli %scan3A_248, %mul3A_420 : i32
        %add3A_422 = arith.constant 2 : i32
        %add3A_423 = arith.addi %mul3A_421, %add3A_422 : i32
        %get3A_424 = arith.index_cast %add3A_423 : i32 to index
        %get3A_425 = arith.constant 32 : index
        %get3A_426 = tpu.vector_load %arg16[%get3A_424, %get3A_425] {strides = array<i32>} : memref<80x128xf32, #tpu.memory_space<vmem>>, vector<16xf32>,
        %add3A_427 = arith.addf %add3A_419, %get3A_426 : vector<16xf32>
        %mul3A_428 = arith.constant 10 : i32
        %mul3A_429 = arith.muli %scan3A_248, %mul3A_428 : i32
        %add3A_430 = arith.constant 3 : i32
        %add3A_431 = arith.addi %mul3A_429, %add3A_430 : i32
        %get3A_432 = arith.index_cast %add3A_431 : i32 to index
        %get3A_433 = arith.constant 32 : index
        %get3A_434 = tpu.vector_load %arg16[%get3A_432, %get3A_433] {strides = array<i32>} : memref<80x128xf32, #tpu.memory_space<vmem>>, vector<16xf32>,
        %add3A_435 = arith.addf %add3A_427, %get3A_434 : vector<16xf32>
        %mul3A_436 = arith.constant 10 : i32
        %mul3A_437 = arith.muli %scan3A_248, %mul3A_436 : i32
        %add3A_438 = arith.constant 4 : i32
        %add3A_439 = arith.addi %mul3A_437, %add3A_438 : i32
        %get3A_440 = arith.index_cast %add3A_439 : i32 to index
        %get3A_441 = arith.constant 32 : index
        %get3A_442 = tpu.vector_load %arg16[%get3A_440, %get3A_441] {strides = array<i32>} : memref<80x128xf32, #tpu.memory_space<vmem>>, vector<16xf32>,
        %add3A_443 = arith.addf %add3A_435, %get3A_442 : vector<16xf32>
        %mul3A_444 = arith.constant 10 : i32
        %mul3A_445 = arith.muli %scan3A_248, %mul3A_444 : i32
        %add3A_446 = arith.constant 5 : i32
        %add3A_447 = arith.addi %mul3A_445, %add3A_446 : i32
        %get3A_448 = arith.index_cast %add3A_447 : i32 to index
        %get3A_449 = arith.constant 32 : index
        %get3A_450 = tpu.vector_load %arg16[%get3A_448, %get3A_449] {strides = array<i32>} : memref<80x128xf32, #tpu.memory_space<vmem>>, vector<16xf32>,
        %add3A_451 = arith.addf %add3A_443, %get3A_450 : vector<16xf32>
        %mul3A_452 = arith.constant 10 : i32
        %mul3A_453 = arith.muli %scan3A_248, %mul3A_452 : i32
        %add3A_454 = arith.constant 6 : i32
        %add3A_455 = arith.addi %mul3A_453, %add3A_454 : i32
        %get3A_456 = arith.index_cast %add3A_455 : i32 to index
        %get3A_457 = arith.constant 32 : index
        %get3A_458 = tpu.vector_load %arg16[%get3A_456, %get3A_457] {strides = array<i32>} : memref<80x128xf32, #tpu.memory_space<vmem>>, vector<16xf32>,
        %add3A_459 = arith.addf %add3A_451, %get3A_458 : vector<16xf32>
        %mul3A_460 = arith.constant 10 : i32
        %mul3A_461 = arith.muli %scan3A_248, %mul3A_460 : i32
        %add3A_462 = arith.constant 7 : i32
        %add3A_463 = arith.addi %mul3A_461, %add3A_462 : i32
        %get3A_464 = arith.index_cast %add3A_463 : i32 to index
        %get3A_465 = arith.constant 32 : index
        %get3A_466 = tpu.vector_load %arg16[%get3A_464, %get3A_465] {strides = array<i32>} : memref<80x128xf32, #tpu.memory_space<vmem>>, vector<16xf32>,
        %add3A_467 = arith.addf %add3A_459, %get3A_466 : vector<16xf32>
        %mul3A_468 = arith.constant 10 : i32
        %mul3A_469 = arith.muli %scan3A_248, %mul3A_468 : i32
        %add3A_470 = arith.constant 8 : i32
        %add3A_471 = arith.addi %mul3A_469, %add3A_470 : i32
        %get3A_472 = arith.index_cast %add3A_471 : i32 to index
        %get3A_473 = arith.constant 32 : index
        %get3A_474 = tpu.vector_load %arg16[%get3A_472, %get3A_473] {strides = array<i32>} : memref<80x128xf32, #tpu.memory_space<vmem>>, vector<16xf32>,
        %add3A_475 = arith.addf %add3A_467, %get3A_474 : vector<16xf32>
        %mul3A_476 = arith.constant 10 : i32
        %mul3A_477 = arith.muli %scan3A_248, %mul3A_476 : i32
        %add3A_478 = arith.constant 9 : i32
        %add3A_479 = arith.addi %mul3A_477, %add3A_478 : i32
        %get3A_480 = arith.index_cast %add3A_479 : i32 to index
        %get3A_481 = arith.constant 32 : index
        %get3A_482 = tpu.vector_load %arg16[%get3A_480, %get3A_481] {strides = array<i32>} : memref<80x128xf32, #tpu.memory_space<vmem>>, vector<16xf32>,
        %add3A_483 = arith.addf %add3A_475, %get3A_482 : vector<16xf32>
        %swap3A_484 = arith.index_cast %scan3A_248 : i32 to index
        %swap3A_485 = arith.constant 32 : index
        %swap3A_486 = tpu.vector_load %arg20[%swap3A_484, %swap3A_485] {strides = array<i32>} : memref<8x128xf32, #tpu.memory_space<vmem>>, vector<16xf32>,
        tpu.vector_store %arg20[%swap3A_484, %swap3A_485], %add3A_483 {strides = array<i32>} : memref<8x128xf32, #tpu.memory_space<vmem>>, vector<16xf32>,
        %mul3A_487 = arith.constant 10 : i32
        %mul3A_488 = arith.muli %scan3A_248, %mul3A_487 : i32
        %get3A_489 = arith.index_cast %mul3A_488 : i32 to index
        %get3A_490 = arith.constant 48 : index
        %get3A_491 = tpu.vector_load %arg16[%get3A_489, %get3A_490] {strides = array<i32>} : memref<80x128xf32, #tpu.memory_space<vmem>>, vector<16xf32>,
        %mul3A_492 = arith.constant 10 : i32
        %mul3A_493 = arith.muli %scan3A_248, %mul3A_492 : i32
        %add3A_494 = arith.constant 1 : i32
        %add3A_495 = arith.addi %mul3A_493, %add3A_494 : i32
        %get3A_496 = arith.index_cast %add3A_495 : i32 to index
        %get3A_497 = arith.constant 48 : index
        %get3A_498 = tpu.vector_load %arg16[%get3A_496, %get3A_497] {strides = array<i32>} : memref<80x128xf32, #tpu.memory_space<vmem>>, vector<16xf32>,
        %add3A_499 = arith.addf %get3A_491, %get3A_498 : vector<16xf32>
        %mul3A_500 = arith.constant 10 : i32
        %mul3A_501 = arith.muli %scan3A_248, %mul3A_500 : i32
        %add3A_502 = arith.constant 2 : i32
        %add3A_503 = arith.addi %mul3A_501, %add3A_502 : i32
        %get3A_504 = arith.index_cast %add3A_503 : i32 to index
        %get3A_505 = arith.constant 48 : index
        %get3A_506 = tpu.vector_load %arg16[%get3A_504, %get3A_505] {strides = array<i32>} : memref<80x128xf32, #tpu.memory_space<vmem>>, vector<16xf32>,
        %add3A_507 = arith.addf %add3A_499, %get3A_506 : vector<16xf32>
        %mul3A_508 = arith.constant 10 : i32
        %mul3A_509 = arith.muli %scan3A_248, %mul3A_508 : i32
        %add3A_510 = arith.constant 3 : i32
        %add3A_511 = arith.addi %mul3A_509, %add3A_510 : i32
        %get3A_512 = arith.index_cast %add3A_511 : i32 to index
        %get3A_513 = arith.constant 48 : index
        %get3A_514 = tpu.vector_load %arg16[%get3A_512, %get3A_513] {strides = array<i32>} : memref<80x128xf32, #tpu.memory_space<vmem>>, vector<16xf32>,
        %add3A_515 = arith.addf %add3A_507, %get3A_514 : vector<16xf32>
        %mul3A_516 = arith.constant 10 : i32
        %mul3A_517 = arith.muli %scan3A_248, %mul3A_516 : i32
        %add3A_518 = arith.constant 4 : i32
        %add3A_519 = arith.addi %mul3A_517, %add3A_518 : i32
        %get3A_520 = arith.index_cast %add3A_519 : i32 to index
        %get3A_521 = arith.constant 48 : index
        %get3A_522 = tpu.vector_load %arg16[%get3A_520, %get3A_521] {strides = array<i32>} : memref<80x128xf32, #tpu.memory_space<vmem>>, vector<16xf32>,
        %add3A_523 = arith.addf %add3A_515, %get3A_522 : vector<16xf32>
        %mul3A_524 = arith.constant 10 : i32
        %mul3A_525 = arith.muli %scan3A_248, %mul3A_524 : i32
        %add3A_526 = arith.constant 5 : i32
        %add3A_527 = arith.addi %mul3A_525, %add3A_526 : i32
        %get3A_528 = arith.index_cast %add3A_527 : i32 to index
        %get3A_529 = arith.constant 48 : index
        %get3A_530 = tpu.vector_load %arg16[%get3A_528, %get3A_529] {strides = array<i32>} : memref<80x128xf32, #tpu.memory_space<vmem>>, vector<16xf32>,
        %add3A_531 = arith.addf %add3A_523, %get3A_530 : vector<16xf32>
        %mul3A_532 = arith.constant 10 : i32
        %mul3A_533 = arith.muli %scan3A_248, %mul3A_532 : i32
        %add3A_534 = arith.constant 6 : i32
        %add3A_535 = arith.addi %mul3A_533, %add3A_534 : i32
        %get3A_536 = arith.index_cast %add3A_535 : i32 to index
        %get3A_537 = arith.constant 48 : index
        %get3A_538 = tpu.vector_load %arg16[%get3A_536, %get3A_537] {strides = array<i32>} : memref<80x128xf32, #tpu.memory_space<vmem>>, vector<16xf32>,
        %add3A_539 = arith.addf %add3A_531, %get3A_538 : vector<16xf32>
        %mul3A_540 = arith.constant 10 : i32
        %mul3A_541 = arith.muli %scan3A_248, %mul3A_540 : i32
        %add3A_542 = arith.constant 7 : i32
        %add3A_543 = arith.addi %mul3A_541, %add3A_542 : i32
        %get3A_544 = arith.index_cast %add3A_543 : i32 to index
        %get3A_545 = arith.constant 48 : index
        %get3A_546 = tpu.vector_load %arg16[%get3A_544, %get3A_545] {strides = array<i32>} : memref<80x128xf32, #tpu.memory_space<vmem>>, vector<16xf32>,
        %add3A_547 = arith.addf %add3A_539, %get3A_546 : vector<16xf32>
        %mul3A_548 = arith.constant 10 : i32
        %mul3A_549 = arith.muli %scan3A_248, %mul3A_548 : i32
        %add3A_550 = arith.constant 8 : i32
        %add3A_551 = arith.addi %mul3A_549, %add3A_550 : i32
        %get3A_552 = arith.index_cast %add3A_551 : i32 to index
        %get3A_553 = arith.constant 48 : index
        %get3A_554 = tpu.vector_load %arg16[%get3A_552, %get3A_553] {strides = array<i32>} : memref<80x128xf32, #tpu.memory_space<vmem>>, vector<16xf32>,
        %add3A_555 = arith.addf %add3A_547, %get3A_554 : vector<16xf32>
        %mul3A_556 = arith.constant 10 : i32
        %mul3A_557 = arith.muli %scan3A_248, %mul3A_556 : i32
        %add3A_558 = arith.constant 9 : i32
        %add3A_559 = arith.addi %mul3A_557, %add3A_558 : i32
        %get3A_560 = arith.index_cast %add3A_559 : i32 to index
        %get3A_561 = arith.constant 48 : index
        %get3A_562 = tpu.vector_load %arg16[%get3A_560, %get3A_561] {strides = array<i32>} : memref<80x128xf32, #tpu.memory_space<vmem>>, vector<16xf32>,
        %add3A_563 = arith.addf %add3A_555, %get3A_562 : vector<16xf32>
        %swap3A_564 = arith.index_cast %scan3A_248 : i32 to index
        %swap3A_565 = arith.constant 48 : index
        %swap3A_566 = tpu.vector_load %arg20[%swap3A_564, %swap3A_565] {strides = array<i32>} : memref<8x128xf32, #tpu.memory_space<vmem>>, vector<16xf32>,
        tpu.vector_store %arg20[%swap3A_564, %swap3A_565], %add3A_563 {strides = array<i32>} : memref<8x128xf32, #tpu.memory_space<vmem>>, vector<16xf32>,
        %mul3A_567 = arith.constant 10 : i32
        %mul3A_568 = arith.muli %scan3A_248, %mul3A_567 : i32
        %get3A_569 = arith.index_cast %mul3A_568 : i32 to index
        %get3A_570 = arith.constant 64 : index
        %get3A_571 = tpu.vector_load %arg16[%get3A_569, %get3A_570] {strides = array<i32>} : memref<80x128xf32, #tpu.memory_space<vmem>>, vector<16xf32>,
        %mul3A_572 = arith.constant 10 : i32
        %mul3A_573 = arith.muli %scan3A_248, %mul3A_572 : i32
        %add3A_574 = arith.constant 1 : i32
        %add3A_575 = arith.addi %mul3A_573, %add3A_574 : i32
        %get3A_576 = arith.index_cast %add3A_575 : i32 to index
        %get3A_577 = arith.constant 64 : index
        %get3A_578 = tpu.vector_load %arg16[%get3A_576, %get3A_577] {strides = array<i32>} : memref<80x128xf32, #tpu.memory_space<vmem>>, vector<16xf32>,
        %add3A_579 = arith.addf %get3A_571, %get3A_578 : vector<16xf32>
        %mul3A_580 = arith.constant 10 : i32
        %mul3A_581 = arith.muli %scan3A_248, %mul3A_580 : i32
        %add3A_582 = arith.constant 2 : i32
        %add3A_583 = arith.addi %mul3A_581, %add3A_582 : i32
        %get3A_584 = arith.index_cast %add3A_583 : i32 to index
        %get3A_585 = arith.constant 64 : index
        %get3A_586 = tpu.vector_load %arg16[%get3A_584, %get3A_585] {strides = array<i32>} : memref<80x128xf32, #tpu.memory_space<vmem>>, vector<16xf32>,
        %add3A_587 = arith.addf %add3A_579, %get3A_586 : vector<16xf32>
        %mul3A_588 = arith.constant 10 : i32
        %mul3A_589 = arith.muli %scan3A_248, %mul3A_588 : i32
        %add3A_590 = arith.constant 3 : i32
        %add3A_591 = arith.addi %mul3A_589, %add3A_590 : i32
        %get3A_592 = arith.index_cast %add3A_591 : i32 to index
        %get3A_593 = arith.constant 64 : index
        %get3A_594 = tpu.vector_load %arg16[%get3A_592, %get3A_593] {strides = array<i32>} : memref<80x128xf32, #tpu.memory_space<vmem>>, vector<16xf32>,
        %add3A_595 = arith.addf %add3A_587, %get3A_594 : vector<16xf32>
        %mul3A_596 = arith.constant 10 : i32
        %mul3A_597 = arith.muli %scan3A_248, %mul3A_596 : i32
        %add3A_598 = arith.constant 4 : i32
        %add3A_599 = arith.addi %mul3A_597, %add3A_598 : i32
        %get3A_600 = arith.index_cast %add3A_599 : i32 to index
        %get3A_601 = arith.constant 64 : index
        %get3A_602 = tpu.vector_load %arg16[%get3A_600, %get3A_601] {strides = array<i32>} : memref<80x128xf32, #tpu.memory_space<vmem>>, vector<16xf32>,
        %add3A_603 = arith.addf %add3A_595, %get3A_602 : vector<16xf32>
        %mul3A_604 = arith.constant 10 : i32
        %mul3A_605 = arith.muli %scan3A_248, %mul3A_604 : i32
        %add3A_606 = arith.constant 5 : i32
        %add3A_607 = arith.addi %mul3A_605, %add3A_606 : i32
        %get3A_608 = arith.index_cast %add3A_607 : i32 to index
        %get3A_609 = arith.constant 64 : index
        %get3A_610 = tpu.vector_load %arg16[%get3A_608, %get3A_609] {strides = array<i32>} : memref<80x128xf32, #tpu.memory_space<vmem>>, vector<16xf32>,
        %add3A_611 = arith.addf %add3A_603, %get3A_610 : vector<16xf32>
        %mul3A_612 = arith.constant 10 : i32
        %mul3A_613 = arith.muli %scan3A_248, %mul3A_612 : i32
        %add3A_614 = arith.constant 6 : i32
        %add3A_615 = arith.addi %mul3A_613, %add3A_614 : i32
        %get3A_616 = arith.index_cast %add3A_615 : i32 to index
        %get3A_617 = arith.constant 64 : index
        %get3A_618 = tpu.vector_load %arg16[%get3A_616, %get3A_617] {strides = array<i32>} : memref<80x128xf32, #tpu.memory_space<vmem>>, vector<16xf32>,
        %add3A_619 = arith.addf %add3A_611, %get3A_618 : vector<16xf32>
        %mul3A_620 = arith.constant 10 : i32
        %mul3A_621 = arith.muli %scan3A_248, %mul3A_620 : i32
        %add3A_622 = arith.constant 7 : i32
        %add3A_623 = arith.addi %mul3A_621, %add3A_622 : i32
        %get3A_624 = arith.index_cast %add3A_623 : i32 to index
        %get3A_625 = arith.constant 64 : index
        %get3A_626 = tpu.vector_load %arg16[%get3A_624, %get3A_625] {strides = array<i32>} : memref<80x128xf32, #tpu.memory_space<vmem>>, vector<16xf32>,
        %add3A_627 = arith.addf %add3A_619, %get3A_626 : vector<16xf32>
        %mul3A_628 = arith.constant 10 : i32
        %mul3A_629 = arith.muli %scan3A_248, %mul3A_628 : i32
        %add3A_630 = arith.constant 8 : i32
        %add3A_631 = arith.addi %mul3A_629, %add3A_630 : i32
        %get3A_632 = arith.index_cast %add3A_631 : i32 to index
        %get3A_633 = arith.constant 64 : index
        %get3A_634 = tpu.vector_load %arg16[%get3A_632, %get3A_633] {strides = array<i32>} : memref<80x128xf32, #tpu.memory_space<vmem>>, vector<16xf32>,
        %add3A_635 = arith.addf %add3A_627, %get3A_634 : vector<16xf32>
        %mul3A_636 = arith.constant 10 : i32
        %mul3A_637 = arith.muli %scan3A_248, %mul3A_636 : i32
        %add3A_638 = arith.constant 9 : i32
        %add3A_639 = arith.addi %mul3A_637, %add3A_638 : i32
        %get3A_640 = arith.index_cast %add3A_639 : i32 to index
        %get3A_641 = arith.constant 64 : index
        %get3A_642 = tpu.vector_load %arg16[%get3A_640, %get3A_641] {strides = array<i32>} : memref<80x128xf32, #tpu.memory_space<vmem>>, vector<16xf32>,
        %add3A_643 = arith.addf %add3A_635, %get3A_642 : vector<16xf32>
        %swap3A_644 = arith.index_cast %scan3A_248 : i32 to index
        %swap3A_645 = arith.constant 64 : index
        %swap3A_646 = tpu.vector_load %arg20[%swap3A_644, %swap3A_645] {strides = array<i32>} : memref<8x128xf32, #tpu.memory_space<vmem>>, vector<16xf32>,
        tpu.vector_store %arg20[%swap3A_644, %swap3A_645], %add3A_643 {strides = array<i32>} : memref<8x128xf32, #tpu.memory_space<vmem>>, vector<16xf32>,
        %mul3A_647 = arith.constant 10 : i32
        %mul3A_648 = arith.muli %scan3A_248, %mul3A_647 : i32
        %get3A_649 = arith.index_cast %mul3A_648 : i32 to index
        %get3A_650 = arith.constant 80 : index
        %get3A_651 = tpu.vector_load %arg16[%get3A_649, %get3A_650] {strides = array<i32>} : memref<80x128xf32, #tpu.memory_space<vmem>>, vector<16xf32>,
        %mul3A_652 = arith.constant 10 : i32
        %mul3A_653 = arith.muli %scan3A_248, %mul3A_652 : i32
        %add3A_654 = arith.constant 1 : i32
        %add3A_655 = arith.addi %mul3A_653, %add3A_654 : i32
        %get3A_656 = arith.index_cast %add3A_655 : i32 to index
        %get3A_657 = arith.constant 80 : index
        %get3A_658 = tpu.vector_load %arg16[%get3A_656, %get3A_657] {strides = array<i32>} : memref<80x128xf32, #tpu.memory_space<vmem>>, vector<16xf32>,
        %add3A_659 = arith.addf %get3A_651, %get3A_658 : vector<16xf32>
        %mul3A_660 = arith.constant 10 : i32
        %mul3A_661 = arith.muli %scan3A_248, %mul3A_660 : i32
        %add3A_662 = arith.constant 2 : i32
        %add3A_663 = arith.addi %mul3A_661, %add3A_662 : i32
        %get3A_664 = arith.index_cast %add3A_663 : i32 to index
        %get3A_665 = arith.constant 80 : index
        %get3A_666 = tpu.vector_load %arg16[%get3A_664, %get3A_665] {strides = array<i32>} : memref<80x128xf32, #tpu.memory_space<vmem>>, vector<16xf32>,
        %add3A_667 = arith.addf %add3A_659, %get3A_666 : vector<16xf32>
        %mul3A_668 = arith.constant 10 : i32
        %mul3A_669 = arith.muli %scan3A_248, %mul3A_668 : i32
        %add3A_670 = arith.constant 3 : i32
        %add3A_671 = arith.addi %mul3A_669, %add3A_670 : i32
        %get3A_672 = arith.index_cast %add3A_671 : i32 to index
        %get3A_673 = arith.constant 80 : index
        %get3A_674 = tpu.vector_load %arg16[%get3A_672, %get3A_673] {strides = array<i32>} : memref<80x128xf32, #tpu.memory_space<vmem>>, vector<16xf32>,
        %add3A_675 = arith.addf %add3A_667, %get3A_674 : vector<16xf32>
        %mul3A_676 = arith.constant 10 : i32
        %mul3A_677 = arith.muli %scan3A_248, %mul3A_676 : i32
        %add3A_678 = arith.constant 4 : i32
        %add3A_679 = arith.addi %mul3A_677, %add3A_678 : i32
        %get3A_680 = arith.index_cast %add3A_679 : i32 to index
        %get3A_681 = arith.constant 80 : index
        %get3A_682 = tpu.vector_load %arg16[%get3A_680, %get3A_681] {strides = array<i32>} : memref<80x128xf32, #tpu.memory_space<vmem>>, vector<16xf32>,
        %add3A_683 = arith.addf %add3A_675, %get3A_682 : vector<16xf32>
        %mul3A_684 = arith.constant 10 : i32
        %mul3A_685 = arith.muli %scan3A_248, %mul3A_684 : i32
        %add3A_686 = arith.constant 5 : i32
        %add3A_687 = arith.addi %mul3A_685, %add3A_686 : i32
        %get3A_688 = arith.index_cast %add3A_687 : i32 to index
        %get3A_689 = arith.constant 80 : index
        %get3A_690 = tpu.vector_load %arg16[%get3A_688, %get3A_689] {strides = array<i32>} : memref<80x128xf32, #tpu.memory_space<vmem>>, vector<16xf32>,
        %add3A_691 = arith.addf %add3A_683, %get3A_690 : vector<16xf32>
        %mul3A_692 = arith.constant 10 : i32
        %mul3A_693 = arith.muli %scan3A_248, %mul3A_692 : i32
        %add3A_694 = arith.constant 6 : i32
        %add3A_695 = arith.addi %mul3A_693, %add3A_694 : i32
        %get3A_696 = arith.index_cast %add3A_695 : i32 to index
        %get3A_697 = arith.constant 80 : index
        %get3A_698 = tpu.vector_load %arg16[%get3A_696, %get3A_697] {strides = array<i32>} : memref<80x128xf32, #tpu.memory_space<vmem>>, vector<16xf32>,
        %add3A_699 = arith.addf %add3A_691, %get3A_698 : vector<16xf32>
        %mul3A_700 = arith.constant 10 : i32
        %mul3A_701 = arith.muli %scan3A_248, %mul3A_700 : i32
        %add3A_702 = arith.constant 7 : i32
        %add3A_703 = arith.addi %mul3A_701, %add3A_702 : i32
        %get3A_704 = arith.index_cast %add3A_703 : i32 to index
        %get3A_705 = arith.constant 80 : index
        %get3A_706 = tpu.vector_load %arg16[%get3A_704, %get3A_705] {strides = array<i32>} : memref<80x128xf32, #tpu.memory_space<vmem>>, vector<16xf32>,
        %add3A_707 = arith.addf %add3A_699, %get3A_706 : vector<16xf32>
        %mul3A_708 = arith.constant 10 : i32
        %mul3A_709 = arith.muli %scan3A_248, %mul3A_708 : i32
        %add3A_710 = arith.constant 8 : i32
        %add3A_711 = arith.addi %mul3A_709, %add3A_710 : i32
        %get3A_712 = arith.index_cast %add3A_711 : i32 to index
        %get3A_713 = arith.constant 80 : index
        %get3A_714 = tpu.vector_load %arg16[%get3A_712, %get3A_713] {strides = array<i32>} : memref<80x128xf32, #tpu.memory_space<vmem>>, vector<16xf32>,
        %add3A_715 = arith.addf %add3A_707, %get3A_714 : vector<16xf32>
        %mul3A_716 = arith.constant 10 : i32
        %mul3A_717 = arith.muli %scan3A_248, %mul3A_716 : i32
        %add3A_718 = arith.constant 9 : i32
        %add3A_719 = arith.addi %mul3A_717, %add3A_718 : i32
        %get3A_720 = arith.index_cast %add3A_719 : i32 to index
        %get3A_721 = arith.constant 80 : index
        %get3A_722 = tpu.vector_load %arg16[%get3A_720, %get3A_721] {strides = array<i32>} : memref<80x128xf32, #tpu.memory_space<vmem>>, vector<16xf32>,
        %add3A_723 = arith.addf %add3A_715, %get3A_722 : vector<16xf32>
        %swap3A_724 = arith.index_cast %scan3A_248 : i32 to index
        %swap3A_725 = arith.constant 80 : index
        %swap3A_726 = tpu.vector_load %arg20[%swap3A_724, %swap3A_725] {strides = array<i32>} : memref<8x128xf32, #tpu.memory_space<vmem>>, vector<16xf32>,
        tpu.vector_store %arg20[%swap3A_724, %swap3A_725], %add3A_723 {strides = array<i32>} : memref<8x128xf32, #tpu.memory_space<vmem>>, vector<16xf32>,
        %mul3A_727 = arith.constant 10 : i32
        %mul3A_728 = arith.muli %scan3A_248, %mul3A_727 : i32
        %get3A_729 = arith.index_cast %mul3A_728 : i32 to index
        %get3A_730 = arith.constant 96 : index
        %get3A_731 = tpu.vector_load %arg16[%get3A_729, %get3A_730] {strides = array<i32>} : memref<80x128xf32, #tpu.memory_space<vmem>>, vector<16xf32>,
        %mul3A_732 = arith.constant 10 : i32
        %mul3A_733 = arith.muli %scan3A_248, %mul3A_732 : i32
        %add3A_734 = arith.constant 1 : i32
        %add3A_735 = arith.addi %mul3A_733, %add3A_734 : i32
        %get3A_736 = arith.index_cast %add3A_735 : i32 to index
        %get3A_737 = arith.constant 96 : index
        %get3A_738 = tpu.vector_load %arg16[%get3A_736, %get3A_737] {strides = array<i32>} : memref<80x128xf32, #tpu.memory_space<vmem>>, vector<16xf32>,
        %add3A_739 = arith.addf %get3A_731, %get3A_738 : vector<16xf32>
        %mul3A_740 = arith.constant 10 : i32
        %mul3A_741 = arith.muli %scan3A_248, %mul3A_740 : i32
        %add3A_742 = arith.constant 2 : i32
        %add3A_743 = arith.addi %mul3A_741, %add3A_742 : i32
        %get3A_744 = arith.index_cast %add3A_743 : i32 to index
        %get3A_745 = arith.constant 96 : index
        %get3A_746 = tpu.vector_load %arg16[%get3A_744, %get3A_745] {strides = array<i32>} : memref<80x128xf32, #tpu.memory_space<vmem>>, vector<16xf32>,
        %add3A_747 = arith.addf %add3A_739, %get3A_746 : vector<16xf32>
        %mul3A_748 = arith.constant 10 : i32
        %mul3A_749 = arith.muli %scan3A_248, %mul3A_748 : i32
        %add3A_750 = arith.constant 3 : i32
        %add3A_751 = arith.addi %mul3A_749, %add3A_750 : i32
        %get3A_752 = arith.index_cast %add3A_751 : i32 to index
        %get3A_753 = arith.constant 96 : index
        %get3A_754 = tpu.vector_load %arg16[%get3A_752, %get3A_753] {strides = array<i32>} : memref<80x128xf32, #tpu.memory_space<vmem>>, vector<16xf32>,
        %add3A_755 = arith.addf %add3A_747, %get3A_754 : vector<16xf32>
        %mul3A_756 = arith.constant 10 : i32
        %mul3A_757 = arith.muli %scan3A_248, %mul3A_756 : i32
        %add3A_758 = arith.constant 4 : i32
        %add3A_759 = arith.addi %mul3A_757, %add3A_758 : i32
        %get3A_760 = arith.index_cast %add3A_759 : i32 to index
        %get3A_761 = arith.constant 96 : index
        %get3A_762 = tpu.vector_load %arg16[%get3A_760, %get3A_761] {strides = array<i32>} : memref<80x128xf32, #tpu.memory_space<vmem>>, vector<16xf32>,
        %add3A_763 = arith.addf %add3A_755, %get3A_762 : vector<16xf32>
        %mul3A_764 = arith.constant 10 : i32
        %mul3A_765 = arith.muli %scan3A_248, %mul3A_764 : i32
        %add3A_766 = arith.constant 5 : i32
        %add3A_767 = arith.addi %mul3A_765, %add3A_766 : i32
        %get3A_768 = arith.index_cast %add3A_767 : i32 to index
        %get3A_769 = arith.constant 96 : index
        %get3A_770 = tpu.vector_load %arg16[%get3A_768, %get3A_769] {strides = array<i32>} : memref<80x128xf32, #tpu.memory_space<vmem>>, vector<16xf32>,
        %add3A_771 = arith.addf %add3A_763, %get3A_770 : vector<16xf32>
        %mul3A_772 = arith.constant 10 : i32
        %mul3A_773 = arith.muli %scan3A_248, %mul3A_772 : i32
        %add3A_774 = arith.constant 6 : i32
        %add3A_775 = arith.addi %mul3A_773, %add3A_774 : i32
        %get3A_776 = arith.index_cast %add3A_775 : i32 to index
        %get3A_777 = arith.constant 96 : index
        %get3A_778 = tpu.vector_load %arg16[%get3A_776, %get3A_777] {strides = array<i32>} : memref<80x128xf32, #tpu.memory_space<vmem>>, vector<16xf32>,
        %add3A_779 = arith.addf %add3A_771, %get3A_778 : vector<16xf32>
        %mul3A_780 = arith.constant 10 : i32
        %mul3A_781 = arith.muli %scan3A_248, %mul3A_780 : i32
        %add3A_782 = arith.constant 7 : i32
        %add3A_783 = arith.addi %mul3A_781, %add3A_782 : i32
        %get3A_784 = arith.index_cast %add3A_783 : i32 to index
        %get3A_785 = arith.constant 96 : index
        %get3A_786 = tpu.vector_load %arg16[%get3A_784, %get3A_785] {strides = array<i32>} : memref<80x128xf32, #tpu.memory_space<vmem>>, vector<16xf32>,
        %add3A_787 = arith.addf %add3A_779, %get3A_786 : vector<16xf32>
        %mul3A_788 = arith.constant 10 : i32
        %mul3A_789 = arith.muli %scan3A_248, %mul3A_788 : i32
        %add3A_790 = arith.constant 8 : i32
        %add3A_791 = arith.addi %mul3A_789, %add3A_790 : i32
        %get3A_792 = arith.index_cast %add3A_791 : i32 to index
        %get3A_793 = arith.constant 96 : index
        %get3A_794 = tpu.vector_load %arg16[%get3A_792, %get3A_793] {strides = array<i32>} : memref<80x128xf32, #tpu.memory_space<vmem>>, vector<16xf32>,
        %add3A_795 = arith.addf %add3A_787, %get3A_794 : vector<16xf32>
        %mul3A_796 = arith.constant 10 : i32
        %mul3A_797 = arith.muli %scan3A_248, %mul3A_796 : i32
        %add3A_798 = arith.constant 9 : i32
        %add3A_799 = arith.addi %mul3A_797, %add3A_798 : i32
        %get3A_800 = arith.index_cast %add3A_799 : i32 to index
        %get3A_801 = arith.constant 96 : index
        %get3A_802 = tpu.vector_load %arg16[%get3A_800, %get3A_801] {strides = array<i32>} : memref<80x128xf32, #tpu.memory_space<vmem>>, vector<16xf32>,
        %add3A_803 = arith.addf %add3A_795, %get3A_802 : vector<16xf32>
        %swap3A_804 = arith.index_cast %scan3A_248 : i32 to index
        %swap3A_805 = arith.constant 96 : index
        %swap3A_806 = tpu.vector_load %arg20[%swap3A_804, %swap3A_805] {strides = array<i32>} : memref<8x128xf32, #tpu.memory_space<vmem>>, vector<16xf32>,
        tpu.vector_store %arg20[%swap3A_804, %swap3A_805], %add3A_803 {strides = array<i32>} : memref<8x128xf32, #tpu.memory_space<vmem>>, vector<16xf32>,
        %mul3A_807 = arith.constant 10 : i32
        %mul3A_808 = arith.muli %scan3A_248, %mul3A_807 : i32
        %get3A_809 = arith.index_cast %mul3A_808 : i32 to index
        %get3A_810 = arith.constant 112 : index
        %get3A_811 = tpu.vector_load %arg16[%get3A_809, %get3A_810] {strides = array<i32>} : memref<80x128xf32, #tpu.memory_space<vmem>>, vector<16xf32>,
        %mul3A_812 = arith.constant 10 : i32
        %mul3A_813 = arith.muli %scan3A_248, %mul3A_812 : i32
        %add3A_814 = arith.constant 1 : i32
        %add3A_815 = arith.addi %mul3A_813, %add3A_814 : i32
        %get3A_816 = arith.index_cast %add3A_815 : i32 to index
        %get3A_817 = arith.constant 112 : index
        %get3A_818 = tpu.vector_load %arg16[%get3A_816, %get3A_817] {strides = array<i32>} : memref<80x128xf32, #tpu.memory_space<vmem>>, vector<16xf32>,
        %add3A_819 = arith.addf %get3A_811, %get3A_818 : vector<16xf32>
        %mul3A_820 = arith.constant 10 : i32
        %mul3A_821 = arith.muli %scan3A_248, %mul3A_820 : i32
        %add3A_822 = arith.constant 2 : i32
        %add3A_823 = arith.addi %mul3A_821, %add3A_822 : i32
        %get3A_824 = arith.index_cast %add3A_823 : i32 to index
        %get3A_825 = arith.constant 112 : index
        %get3A_826 = tpu.vector_load %arg16[%get3A_824, %get3A_825] {strides = array<i32>} : memref<80x128xf32, #tpu.memory_space<vmem>>, vector<16xf32>,
        %add3A_827 = arith.addf %add3A_819, %get3A_826 : vector<16xf32>
        %mul3A_828 = arith.constant 10 : i32
        %mul3A_829 = arith.muli %scan3A_248, %mul3A_828 : i32
        %add3A_830 = arith.constant 3 : i32
        %add3A_831 = arith.addi %mul3A_829, %add3A_830 : i32
        %get3A_832 = arith.index_cast %add3A_831 : i32 to index
        %get3A_833 = arith.constant 112 : index
        %get3A_834 = tpu.vector_load %arg16[%get3A_832, %get3A_833] {strides = array<i32>} : memref<80x128xf32, #tpu.memory_space<vmem>>, vector<16xf32>,
        %add3A_835 = arith.addf %add3A_827, %get3A_834 : vector<16xf32>
        %mul3A_836 = arith.constant 10 : i32
        %mul3A_837 = arith.muli %scan3A_248, %mul3A_836 : i32
        %add3A_838 = arith.constant 4 : i32
        %add3A_839 = arith.addi %mul3A_837, %add3A_838 : i32
        %get3A_840 = arith.index_cast %add3A_839 : i32 to index
        %get3A_841 = arith.constant 112 : index
        %get3A_842 = tpu.vector_load %arg16[%get3A_840, %get3A_841] {strides = array<i32>} : memref<80x128xf32, #tpu.memory_space<vmem>>, vector<16xf32>,
        %add3A_843 = arith.addf %add3A_835, %get3A_842 : vector<16xf32>
        %mul3A_844 = arith.constant 10 : i32
        %mul3A_845 = arith.muli %scan3A_248, %mul3A_844 : i32
        %add3A_846 = arith.constant 5 : i32
        %add3A_847 = arith.addi %mul3A_845, %add3A_846 : i32
        %get3A_848 = arith.index_cast %add3A_847 : i32 to index
        %get3A_849 = arith.constant 112 : index
        %get3A_850 = tpu.vector_load %arg16[%get3A_848, %get3A_849] {strides = array<i32>} : memref<80x128xf32, #tpu.memory_space<vmem>>, vector<16xf32>,
        %add3A_851 = arith.addf %add3A_843, %get3A_850 : vector<16xf32>
        %mul3A_852 = arith.constant 10 : i32
        %mul3A_853 = arith.muli %scan3A_248, %mul3A_852 : i32
        %add3A_854 = arith.constant 6 : i32
        %add3A_855 = arith.addi %mul3A_853, %add3A_854 : i32
        %get3A_856 = arith.index_cast %add3A_855 : i32 to index
        %get3A_857 = arith.constant 112 : index
        %get3A_858 = tpu.vector_load %arg16[%get3A_856, %get3A_857] {strides = array<i32>} : memref<80x128xf32, #tpu.memory_space<vmem>>, vector<16xf32>,
        %add3A_859 = arith.addf %add3A_851, %get3A_858 : vector<16xf32>
        %mul3A_860 = arith.constant 10 : i32
        %mul3A_861 = arith.muli %scan3A_248, %mul3A_860 : i32
        %add3A_862 = arith.constant 7 : i32
        %add3A_863 = arith.addi %mul3A_861, %add3A_862 : i32
        %get3A_864 = arith.index_cast %add3A_863 : i32 to index
        %get3A_865 = arith.constant 112 : index
        %get3A_866 = tpu.vector_load %arg16[%get3A_864, %get3A_865] {strides = array<i32>} : memref<80x128xf32, #tpu.memory_space<vmem>>, vector<16xf32>,
        %add3A_867 = arith.addf %add3A_859, %get3A_866 : vector<16xf32>
        %mul3A_868 = arith.constant 10 : i32
        %mul3A_869 = arith.muli %scan3A_248, %mul3A_868 : i32
        %add3A_870 = arith.constant 8 : i32
        %add3A_871 = arith.addi %mul3A_869, %add3A_870 : i32
        %get3A_872 = arith.index_cast %add3A_871 : i32 to index
        %get3A_873 = arith.constant 112 : index
        %get3A_874 = tpu.vector_load %arg16[%get3A_872, %get3A_873] {strides = array<i32>} : memref<80x128xf32, #tpu.memory_space<vmem>>, vector<16xf32>,
        %add3A_875 = arith.addf %add3A_867, %get3A_874 : vector<16xf32>
        %mul3A_876 = arith.constant 10 : i32
        %mul3A_877 = arith.muli %scan3A_248, %mul3A_876 : i32
        %add3A_878 = arith.constant 9 : i32
        %add3A_879 = arith.addi %mul3A_877, %add3A_878 : i32
        %get3A_880 = arith.index_cast %add3A_879 : i32 to index
        %get3A_881 = arith.constant 112 : index
        %get3A_882 = tpu.vector_load %arg16[%get3A_880, %get3A_881] {strides = array<i32>} : memref<80x128xf32, #tpu.memory_space<vmem>>, vector<16xf32>,
        %add3A_883 = arith.addf %add3A_875, %get3A_882 : vector<16xf32>
        %swap3A_884 = arith.index_cast %scan3A_248 : i32 to index
        %swap3A_885 = arith.constant 112 : index
        %swap3A_886 = tpu.vector_load %arg20[%swap3A_884, %swap3A_885] {strides = array<i32>} : memref<8x128xf32, #tpu.memory_space<vmem>>, vector<16xf32>,
        tpu.vector_store %arg20[%swap3A_884, %swap3A_885], %add3A_883 {strides = array<i32>} : memref<8x128xf32, #tpu.memory_space<vmem>>, vector<16xf32>,
      }
      %scan3A_129 = arith.constant 8 : i32
      %mul3A_130 = arith.constant 8 : i32
      %mul3A_131 = arith.muli %add3A_115, %mul3A_130 : i32
      %add3A_132 = arith.addi %mul3A_4, %mul3A_131 : i32
      %dma_start3A_133 = arith.constant 0 : i32
      %dma_start3A_134 = tpu.memref_slice %arg10[%add3A_132, %dma_start3A_133] : memref<25600x128xf32, #tpu.memory_space<hbm>> -> memref<8x128xf32, #tpu.memory_space<hbm>>
      %dma_start3A_135 = arith.constant 0 : i32
      %dma_start3A_136 = tpu.memref_slice %arg10[%add3A_132, %dma_start3A_135] : memref<25600x128xf32, #tpu.memory_space<hbm>> -> memref<8x128xf32, #tpu.memory_space<hbm>>
      tpu.enqueue_dma source(%arg20 : memref<8x128xf32, #tpu.memory_space<vmem>>) target(%dma_start3A_136 : memref<8x128xf32, #tpu.memory_space<hbm>>) target_semaphore(%arg34 : memref<!tpu.dma_semaphore, #tpu.memory_space<semaphore_mem>>)
      %add3A_137 = arith.constant 4 : i32
      %add3A_138 = arith.addi %add3A_115, %add3A_137 : i32
      %lt3A = arith.constant 100 : i32
      %lt3A_139 = arith.cmpi slt, %add3A_138, %lt3A : i32
      %convert_element_type3A_140 = arith.extui %lt3A_139 : i1 to i32
      %cond3A_141 = arith.constant 0 : i32
      %cond3A_142 = arith.cmpi ne, %convert_element_type3A_140, %cond3A_141 : i32
      scf.if %cond3A_142 {
        %add3A_248 = arith.constant 4 : i32
        %add3A_249 = arith.addi %add3A_115, %add3A_248 : i32
        %mul3A_250 = arith.constant 80 : i32
        %mul3A_251 = arith.muli %add3A_249, %mul3A_250 : i32
        %dma_start3A_252 = tpu.memref_slice %arg13[%mul3A_251] : memref<8000xi32, #tpu.memory_space<vmem>> -> memref<80xi32, #tpu.memory_space<vmem>>
        %dma_start3A_253 = arith.constant 0 : i32
        %dma_start3A_254 = arith.constant 0 : i32
        %dma_start3A_255 = tpu.memref_slice %arg5[%dma_start3A_253, %dma_start3A_254] : memref<10000x128xf32, #tpu.memory_space<hbm>> -> memref<10000x128xf32, #tpu.memory_space<hbm>>
        tpu.enqueue_indirect_dma source(%dma_start3A_255 : memref<10000x128xf32, #tpu.memory_space<hbm>>) target(%arg16 : memref<80x128xf32, #tpu.memory_space<vmem>>) offsets(%dma_start3A_252 : memref<80xi32, #tpu.memory_space<vmem>>) semaphore(%arg28 : memref<!tpu.dma_semaphore, #tpu.memory_space<semaphore_mem>>)
      } else {
      }
      %mul3A_143 = arith.constant 4 : i32
      %mul3A_144 = arith.muli %mul3A_143, %scan3A_111 : i32
      %add3A_145 = arith.constant 1 : i32
      %add3A_146 = arith.addi %mul3A_144, %add3A_145 : i32
      %mul3A_147 = arith.constant 80 : i32
      %mul3A_148 = arith.muli %add3A_146, %mul3A_147 : i32
      %dma_wait3A_149 = tpu.memref_slice %arg13[%mul3A_148] : memref<8000xi32, #tpu.memory_space<vmem>> -> memref<80xi32, #tpu.memory_space<vmem>>
      %dma_wait3A_150 = arith.constant 0 : i32
      %dma_wait3A_151 = arith.constant 0 : i32
      %dma_wait3A_152 = tpu.memref_slice %arg5[%dma_wait3A_150, %dma_wait3A_151] : memref<10000x128xf32, #tpu.memory_space<hbm>> -> memref<10000x128xf32, #tpu.memory_space<hbm>>
      tpu.wait_indirect_dma semaphore(%arg29 : memref<!tpu.dma_semaphore, #tpu.memory_space<semaphore_mem>>) src(%dma_wait3A_152 : memref<10000x128xf32, #tpu.memory_space<hbm>>) dst(%arg17 : memref<80x128xf32, #tpu.memory_space<vmem>>)
      %ge3A_153 = arith.constant 4 : i32
      %ge3A_154 = arith.cmpi sge, %add3A_146, %ge3A_153 : i32
      %convert_element_type3A_155 = arith.extui %ge3A_154 : i1 to i32
      %cond3A_156 = arith.constant 0 : i32
      %cond3A_157 = arith.cmpi ne, %convert_element_type3A_155, %cond3A_156 : i32
      scf.if %cond3A_157 {
        %sub3A = arith.constant 4 : i32
        %sub3A_248 = arith.subi %add3A_146, %sub3A : i32
        %mul3A_249 = arith.constant 8 : i32
        %mul3A_250 = arith.muli %sub3A_248, %mul3A_249 : i32
        %add3A_251 = arith.addi %mul3A_4, %mul3A_250 : i32
        %dma_wait3A_252 = arith.constant 0 : i32
        %dma_wait3A_253 = tpu.memref_slice %arg10[%add3A_251, %dma_wait3A_252] : memref<25600x128xf32, #tpu.memory_space<hbm>> -> memref<8x128xf32, #tpu.memory_space<hbm>>
        %dma_wait3A_254 = arith.constant 0 : i32
        %dma_wait3A_255 = tpu.memref_slice %arg10[%add3A_251, %dma_wait3A_254] : memref<25600x128xf32, #tpu.memory_space<hbm>> -> memref<8x128xf32, #tpu.memory_space<hbm>>
        tpu.wait_dma2 semaphore(%arg35 : memref<!tpu.dma_semaphore, #tpu.memory_space<semaphore_mem>>) src(%arg21 : memref<8x128xf32, #tpu.memory_space<vmem>>) dst(%dma_wait3A_255 : memref<8x128xf32, #tpu.memory_space<hbm>>)
      } else {
      }
      %scan3A_158 = arith.constant 0 : i32
      %scan3A_159 = arith.constant 0 : i32
      %scan3A_160 = arith.constant 8 : i32
      %scan3A_161 = arith.addi %scan3A_159, %scan3A_160 : i32
      %scan3A_162 = arith.constant 1 : i32
      scf.for %scan3A_248 = %scan3A_159 to %scan3A_161 step %scan3A_162  : i32 {
        %mul3A_249 = arith.constant 10 : i32
        %mul3A_250 = arith.muli %scan3A_248, %mul3A_249 : i32
        %get3A = arith.index_cast %mul3A_250 : i32 to index
        %get3A_251 = arith.constant 0 : index
        %get3A_252 = tpu.vector_load %arg17[%get3A, %get3A_251] {strides = array<i32>} : memref<80x128xf32, #tpu.memory_space<vmem>>, vector<16xf32>,
        %mul3A_253 = arith.constant 10 : i32
        %mul3A_254 = arith.muli %scan3A_248, %mul3A_253 : i32
        %add3A_255 = arith.constant 1 : i32
        %add3A_256 = arith.addi %mul3A_254, %add3A_255 : i32
        %get3A_257 = arith.index_cast %add3A_256 : i32 to index
        %get3A_258 = arith.constant 0 : index
        %get3A_259 = tpu.vector_load %arg17[%get3A_257, %get3A_258] {strides = array<i32>} : memref<80x128xf32, #tpu.memory_space<vmem>>, vector<16xf32>,
        %add3A_260 = arith.addf %get3A_252, %get3A_259 : vector<16xf32>
        %mul3A_261 = arith.constant 10 : i32
        %mul3A_262 = arith.muli %scan3A_248, %mul3A_261 : i32
        %add3A_263 = arith.constant 2 : i32
        %add3A_264 = arith.addi %mul3A_262, %add3A_263 : i32
        %get3A_265 = arith.index_cast %add3A_264 : i32 to index
        %get3A_266 = arith.constant 0 : index
        %get3A_267 = tpu.vector_load %arg17[%get3A_265, %get3A_266] {strides = array<i32>} : memref<80x128xf32, #tpu.memory_space<vmem>>, vector<16xf32>,
        %add3A_268 = arith.addf %add3A_260, %get3A_267 : vector<16xf32>
        %mul3A_269 = arith.constant 10 : i32
        %mul3A_270 = arith.muli %scan3A_248, %mul3A_269 : i32
        %add3A_271 = arith.constant 3 : i32
        %add3A_272 = arith.addi %mul3A_270, %add3A_271 : i32
        %get3A_273 = arith.index_cast %add3A_272 : i32 to index
        %get3A_274 = arith.constant 0 : index
        %get3A_275 = tpu.vector_load %arg17[%get3A_273, %get3A_274] {strides = array<i32>} : memref<80x128xf32, #tpu.memory_space<vmem>>, vector<16xf32>,
        %add3A_276 = arith.addf %add3A_268, %get3A_275 : vector<16xf32>
        %mul3A_277 = arith.constant 10 : i32
        %mul3A_278 = arith.muli %scan3A_248, %mul3A_277 : i32
        %add3A_279 = arith.constant 4 : i32
        %add3A_280 = arith.addi %mul3A_278, %add3A_279 : i32
        %get3A_281 = arith.index_cast %add3A_280 : i32 to index
        %get3A_282 = arith.constant 0 : index
        %get3A_283 = tpu.vector_load %arg17[%get3A_281, %get3A_282] {strides = array<i32>} : memref<80x128xf32, #tpu.memory_space<vmem>>, vector<16xf32>,
        %add3A_284 = arith.addf %add3A_276, %get3A_283 : vector<16xf32>
        %mul3A_285 = arith.constant 10 : i32
        %mul3A_286 = arith.muli %scan3A_248, %mul3A_285 : i32
        %add3A_287 = arith.constant 5 : i32
        %add3A_288 = arith.addi %mul3A_286, %add3A_287 : i32
        %get3A_289 = arith.index_cast %add3A_288 : i32 to index
        %get3A_290 = arith.constant 0 : index
        %get3A_291 = tpu.vector_load %arg17[%get3A_289, %get3A_290] {strides = array<i32>} : memref<80x128xf32, #tpu.memory_space<vmem>>, vector<16xf32>,
        %add3A_292 = arith.addf %add3A_284, %get3A_291 : vector<16xf32>
        %mul3A_293 = arith.constant 10 : i32
        %mul3A_294 = arith.muli %scan3A_248, %mul3A_293 : i32
        %add3A_295 = arith.constant 6 : i32
        %add3A_296 = arith.addi %mul3A_294, %add3A_295 : i32
        %get3A_297 = arith.index_cast %add3A_296 : i32 to index
        %get3A_298 = arith.constant 0 : index
        %get3A_299 = tpu.vector_load %arg17[%get3A_297, %get3A_298] {strides = array<i32>} : memref<80x128xf32, #tpu.memory_space<vmem>>, vector<16xf32>,
        %add3A_300 = arith.addf %add3A_292, %get3A_299 : vector<16xf32>
        %mul3A_301 = arith.constant 10 : i32
        %mul3A_302 = arith.muli %scan3A_248, %mul3A_301 : i32
        %add3A_303 = arith.constant 7 : i32
        %add3A_304 = arith.addi %mul3A_302, %add3A_303 : i32
        %get3A_305 = arith.index_cast %add3A_304 : i32 to index
        %get3A_306 = arith.constant 0 : index
        %get3A_307 = tpu.vector_load %arg17[%get3A_305, %get3A_306] {strides = array<i32>} : memref<80x128xf32, #tpu.memory_space<vmem>>, vector<16xf32>,
        %add3A_308 = arith.addf %add3A_300, %get3A_307 : vector<16xf32>
        %mul3A_309 = arith.constant 10 : i32
        %mul3A_310 = arith.muli %scan3A_248, %mul3A_309 : i32
        %add3A_311 = arith.constant 8 : i32
        %add3A_312 = arith.addi %mul3A_310, %add3A_311 : i32
        %get3A_313 = arith.index_cast %add3A_312 : i32 to index
        %get3A_314 = arith.constant 0 : index
        %get3A_315 = tpu.vector_load %arg17[%get3A_313, %get3A_314] {strides = array<i32>} : memref<80x128xf32, #tpu.memory_space<vmem>>, vector<16xf32>,
        %add3A_316 = arith.addf %add3A_308, %get3A_315 : vector<16xf32>
        %mul3A_317 = arith.constant 10 : i32
        %mul3A_318 = arith.muli %scan3A_248, %mul3A_317 : i32
        %add3A_319 = arith.constant 9 : i32
        %add3A_320 = arith.addi %mul3A_318, %add3A_319 : i32
        %get3A_321 = arith.index_cast %add3A_320 : i32 to index
        %get3A_322 = arith.constant 0 : index
        %get3A_323 = tpu.vector_load %arg17[%get3A_321, %get3A_322] {strides = array<i32>} : memref<80x128xf32, #tpu.memory_space<vmem>>, vector<16xf32>,
        %add3A_324 = arith.addf %add3A_316, %get3A_323 : vector<16xf32>
        %swap3A = arith.index_cast %scan3A_248 : i32 to index
        %swap3A_325 = arith.constant 0 : index
        %swap3A_326 = tpu.vector_load %arg21[%swap3A, %swap3A_325] {strides = array<i32>} : memref<8x128xf32, #tpu.memory_space<vmem>>, vector<16xf32>,
        tpu.vector_store %arg21[%swap3A, %swap3A_325], %add3A_324 {strides = array<i32>} : memref<8x128xf32, #tpu.memory_space<vmem>>, vector<16xf32>,
        %mul3A_327 = arith.constant 10 : i32
        %mul3A_328 = arith.muli %scan3A_248, %mul3A_327 : i32
        %get3A_329 = arith.index_cast %mul3A_328 : i32 to index
        %get3A_330 = arith.constant 16 : index
        %get3A_331 = tpu.vector_load %arg17[%get3A_329, %get3A_330] {strides = array<i32>} : memref<80x128xf32, #tpu.memory_space<vmem>>, vector<16xf32>,
        %mul3A_332 = arith.constant 10 : i32
        %mul3A_333 = arith.muli %scan3A_248, %mul3A_332 : i32
        %add3A_334 = arith.constant 1 : i32
        %add3A_335 = arith.addi %mul3A_333, %add3A_334 : i32
        %get3A_336 = arith.index_cast %add3A_335 : i32 to index
        %get3A_337 = arith.constant 16 : index
        %get3A_338 = tpu.vector_load %arg17[%get3A_336, %get3A_337] {strides = array<i32>} : memref<80x128xf32, #tpu.memory_space<vmem>>, vector<16xf32>,
        %add3A_339 = arith.addf %get3A_331, %get3A_338 : vector<16xf32>
        %mul3A_340 = arith.constant 10 : i32
        %mul3A_341 = arith.muli %scan3A_248, %mul3A_340 : i32
        %add3A_342 = arith.constant 2 : i32
        %add3A_343 = arith.addi %mul3A_341, %add3A_342 : i32
        %get3A_344 = arith.index_cast %add3A_343 : i32 to index
        %get3A_345 = arith.constant 16 : index
        %get3A_346 = tpu.vector_load %arg17[%get3A_344, %get3A_345] {strides = array<i32>} : memref<80x128xf32, #tpu.memory_space<vmem>>, vector<16xf32>,
        %add3A_347 = arith.addf %add3A_339, %get3A_346 : vector<16xf32>
        %mul3A_348 = arith.constant 10 : i32
        %mul3A_349 = arith.muli %scan3A_248, %mul3A_348 : i32
        %add3A_350 = arith.constant 3 : i32
        %add3A_351 = arith.addi %mul3A_349, %add3A_350 : i32
        %get3A_352 = arith.index_cast %add3A_351 : i32 to index
        %get3A_353 = arith.constant 16 : index
        %get3A_354 = tpu.vector_load %arg17[%get3A_352, %get3A_353] {strides = array<i32>} : memref<80x128xf32, #tpu.memory_space<vmem>>, vector<16xf32>,
        %add3A_355 = arith.addf %add3A_347, %get3A_354 : vector<16xf32>
        %mul3A_356 = arith.constant 10 : i32
        %mul3A_357 = arith.muli %scan3A_248, %mul3A_356 : i32
        %add3A_358 = arith.constant 4 : i32
        %add3A_359 = arith.addi %mul3A_357, %add3A_358 : i32
        %get3A_360 = arith.index_cast %add3A_359 : i32 to index
        %get3A_361 = arith.constant 16 : index
        %get3A_362 = tpu.vector_load %arg17[%get3A_360, %get3A_361] {strides = array<i32>} : memref<80x128xf32, #tpu.memory_space<vmem>>, vector<16xf32>,
        %add3A_363 = arith.addf %add3A_355, %get3A_362 : vector<16xf32>
        %mul3A_364 = arith.constant 10 : i32
        %mul3A_365 = arith.muli %scan3A_248, %mul3A_364 : i32
        %add3A_366 = arith.constant 5 : i32
        %add3A_367 = arith.addi %mul3A_365, %add3A_366 : i32
        %get3A_368 = arith.index_cast %add3A_367 : i32 to index
        %get3A_369 = arith.constant 16 : index
        %get3A_370 = tpu.vector_load %arg17[%get3A_368, %get3A_369] {strides = array<i32>} : memref<80x128xf32, #tpu.memory_space<vmem>>, vector<16xf32>,
        %add3A_371 = arith.addf %add3A_363, %get3A_370 : vector<16xf32>
        %mul3A_372 = arith.constant 10 : i32
        %mul3A_373 = arith.muli %scan3A_248, %mul3A_372 : i32
        %add3A_374 = arith.constant 6 : i32
        %add3A_375 = arith.addi %mul3A_373, %add3A_374 : i32
        %get3A_376 = arith.index_cast %add3A_375 : i32 to index
        %get3A_377 = arith.constant 16 : index
        %get3A_378 = tpu.vector_load %arg17[%get3A_376, %get3A_377] {strides = array<i32>} : memref<80x128xf32, #tpu.memory_space<vmem>>, vector<16xf32>,
        %add3A_379 = arith.addf %add3A_371, %get3A_378 : vector<16xf32>
        %mul3A_380 = arith.constant 10 : i32
        %mul3A_381 = arith.muli %scan3A_248, %mul3A_380 : i32
        %add3A_382 = arith.constant 7 : i32
        %add3A_383 = arith.addi %mul3A_381, %add3A_382 : i32
        %get3A_384 = arith.index_cast %add3A_383 : i32 to index
        %get3A_385 = arith.constant 16 : index
        %get3A_386 = tpu.vector_load %arg17[%get3A_384, %get3A_385] {strides = array<i32>} : memref<80x128xf32, #tpu.memory_space<vmem>>, vector<16xf32>,
        %add3A_387 = arith.addf %add3A_379, %get3A_386 : vector<16xf32>
        %mul3A_388 = arith.constant 10 : i32
        %mul3A_389 = arith.muli %scan3A_248, %mul3A_388 : i32
        %add3A_390 = arith.constant 8 : i32
        %add3A_391 = arith.addi %mul3A_389, %add3A_390 : i32
        %get3A_392 = arith.index_cast %add3A_391 : i32 to index
        %get3A_393 = arith.constant 16 : index
        %get3A_394 = tpu.vector_load %arg17[%get3A_392, %get3A_393] {strides = array<i32>} : memref<80x128xf32, #tpu.memory_space<vmem>>, vector<16xf32>,
        %add3A_395 = arith.addf %add3A_387, %get3A_394 : vector<16xf32>
        %mul3A_396 = arith.constant 10 : i32
        %mul3A_397 = arith.muli %scan3A_248, %mul3A_396 : i32
        %add3A_398 = arith.constant 9 : i32
        %add3A_399 = arith.addi %mul3A_397, %add3A_398 : i32
        %get3A_400 = arith.index_cast %add3A_399 : i32 to index
        %get3A_401 = arith.constant 16 : index
        %get3A_402 = tpu.vector_load %arg17[%get3A_400, %get3A_401] {strides = array<i32>} : memref<80x128xf32, #tpu.memory_space<vmem>>, vector<16xf32>,
        %add3A_403 = arith.addf %add3A_395, %get3A_402 : vector<16xf32>
        %swap3A_404 = arith.index_cast %scan3A_248 : i32 to index
        %swap3A_405 = arith.constant 16 : index
        %swap3A_406 = tpu.vector_load %arg21[%swap3A_404, %swap3A_405] {strides = array<i32>} : memref<8x128xf32, #tpu.memory_space<vmem>>, vector<16xf32>,
        tpu.vector_store %arg21[%swap3A_404, %swap3A_405], %add3A_403 {strides = array<i32>} : memref<8x128xf32, #tpu.memory_space<vmem>>, vector<16xf32>,
        %mul3A_407 = arith.constant 10 : i32
        %mul3A_408 = arith.muli %scan3A_248, %mul3A_407 : i32
        %get3A_409 = arith.index_cast %mul3A_408 : i32 to index
        %get3A_410 = arith.constant 32 : index
        %get3A_411 = tpu.vector_load %arg17[%get3A_409, %get3A_410] {strides = array<i32>} : memref<80x128xf32, #tpu.memory_space<vmem>>, vector<16xf32>,
        %mul3A_412 = arith.constant 10 : i32
        %mul3A_413 = arith.muli %scan3A_248, %mul3A_412 : i32
        %add3A_414 = arith.constant 1 : i32
        %add3A_415 = arith.addi %mul3A_413, %add3A_414 : i32
        %get3A_416 = arith.index_cast %add3A_415 : i32 to index
        %get3A_417 = arith.constant 32 : index
        %get3A_418 = tpu.vector_load %arg17[%get3A_416, %get3A_417] {strides = array<i32>} : memref<80x128xf32, #tpu.memory_space<vmem>>, vector<16xf32>,
        %add3A_419 = arith.addf %get3A_411, %get3A_418 : vector<16xf32>
        %mul3A_420 = arith.constant 10 : i32
        %mul3A_421 = arith.muli %scan3A_248, %mul3A_420 : i32
        %add3A_422 = arith.constant 2 : i32
        %add3A_423 = arith.addi %mul3A_421, %add3A_422 : i32
        %get3A_424 = arith.index_cast %add3A_423 : i32 to index
        %get3A_425 = arith.constant 32 : index
        %get3A_426 = tpu.vector_load %arg17[%get3A_424, %get3A_425] {strides = array<i32>} : memref<80x128xf32, #tpu.memory_space<vmem>>, vector<16xf32>,
        %add3A_427 = arith.addf %add3A_419, %get3A_426 : vector<16xf32>
        %mul3A_428 = arith.constant 10 : i32
        %mul3A_429 = arith.muli %scan3A_248, %mul3A_428 : i32
        %add3A_430 = arith.constant 3 : i32
        %add3A_431 = arith.addi %mul3A_429, %add3A_430 : i32
        %get3A_432 = arith.index_cast %add3A_431 : i32 to index
        %get3A_433 = arith.constant 32 : index
        %get3A_434 = tpu.vector_load %arg17[%get3A_432, %get3A_433] {strides = array<i32>} : memref<80x128xf32, #tpu.memory_space<vmem>>, vector<16xf32>,
        %add3A_435 = arith.addf %add3A_427, %get3A_434 : vector<16xf32>
        %mul3A_436 = arith.constant 10 : i32
        %mul3A_437 = arith.muli %scan3A_248, %mul3A_436 : i32
        %add3A_438 = arith.constant 4 : i32
        %add3A_439 = arith.addi %mul3A_437, %add3A_438 : i32
        %get3A_440 = arith.index_cast %add3A_439 : i32 to index
        %get3A_441 = arith.constant 32 : index
        %get3A_442 = tpu.vector_load %arg17[%get3A_440, %get3A_441] {strides = array<i32>} : memref<80x128xf32, #tpu.memory_space<vmem>>, vector<16xf32>,
        %add3A_443 = arith.addf %add3A_435, %get3A_442 : vector<16xf32>
        %mul3A_444 = arith.constant 10 : i32
        %mul3A_445 = arith.muli %scan3A_248, %mul3A_444 : i32
        %add3A_446 = arith.constant 5 : i32
        %add3A_447 = arith.addi %mul3A_445, %add3A_446 : i32
        %get3A_448 = arith.index_cast %add3A_447 : i32 to index
        %get3A_449 = arith.constant 32 : index
        %get3A_450 = tpu.vector_load %arg17[%get3A_448, %get3A_449] {strides = array<i32>} : memref<80x128xf32, #tpu.memory_space<vmem>>, vector<16xf32>,
        %add3A_451 = arith.addf %add3A_443, %get3A_450 : vector<16xf32>
        %mul3A_452 = arith.constant 10 : i32
        %mul3A_453 = arith.muli %scan3A_248, %mul3A_452 : i32
        %add3A_454 = arith.constant 6 : i32
        %add3A_455 = arith.addi %mul3A_453, %add3A_454 : i32
        %get3A_456 = arith.index_cast %add3A_455 : i32 to index
        %get3A_457 = arith.constant 32 : index
        %get3A_458 = tpu.vector_load %arg17[%get3A_456, %get3A_457] {strides = array<i32>} : memref<80x128xf32, #tpu.memory_space<vmem>>, vector<16xf32>,
        %add3A_459 = arith.addf %add3A_451, %get3A_458 : vector<16xf32>
        %mul3A_460 = arith.constant 10 : i32
        %mul3A_461 = arith.muli %scan3A_248, %mul3A_460 : i32
        %add3A_462 = arith.constant 7 : i32
        %add3A_463 = arith.addi %mul3A_461, %add3A_462 : i32
        %get3A_464 = arith.index_cast %add3A_463 : i32 to index
        %get3A_465 = arith.constant 32 : index
        %get3A_466 = tpu.vector_load %arg17[%get3A_464, %get3A_465] {strides = array<i32>} : memref<80x128xf32, #tpu.memory_space<vmem>>, vector<16xf32>,
        %add3A_467 = arith.addf %add3A_459, %get3A_466 : vector<16xf32>
        %mul3A_468 = arith.constant 10 : i32
        %mul3A_469 = arith.muli %scan3A_248, %mul3A_468 : i32
        %add3A_470 = arith.constant 8 : i32
        %add3A_471 = arith.addi %mul3A_469, %add3A_470 : i32
        %get3A_472 = arith.index_cast %add3A_471 : i32 to index
        %get3A_473 = arith.constant 32 : index
        %get3A_474 = tpu.vector_load %arg17[%get3A_472, %get3A_473] {strides = array<i32>} : memref<80x128xf32, #tpu.memory_space<vmem>>, vector<16xf32>,
        %add3A_475 = arith.addf %add3A_467, %get3A_474 : vector<16xf32>
        %mul3A_476 = arith.constant 10 : i32
        %mul3A_477 = arith.muli %scan3A_248, %mul3A_476 : i32
        %add3A_478 = arith.constant 9 : i32
        %add3A_479 = arith.addi %mul3A_477, %add3A_478 : i32
        %get3A_480 = arith.index_cast %add3A_479 : i32 to index
        %get3A_481 = arith.constant 32 : index
        %get3A_482 = tpu.vector_load %arg17[%get3A_480, %get3A_481] {strides = array<i32>} : memref<80x128xf32, #tpu.memory_space<vmem>>, vector<16xf32>,
        %add3A_483 = arith.addf %add3A_475, %get3A_482 : vector<16xf32>
        %swap3A_484 = arith.index_cast %scan3A_248 : i32 to index
        %swap3A_485 = arith.constant 32 : index
        %swap3A_486 = tpu.vector_load %arg21[%swap3A_484, %swap3A_485] {strides = array<i32>} : memref<8x128xf32, #tpu.memory_space<vmem>>, vector<16xf32>,
        tpu.vector_store %arg21[%swap3A_484, %swap3A_485], %add3A_483 {strides = array<i32>} : memref<8x128xf32, #tpu.memory_space<vmem>>, vector<16xf32>,
        %mul3A_487 = arith.constant 10 : i32
        %mul3A_488 = arith.muli %scan3A_248, %mul3A_487 : i32
        %get3A_489 = arith.index_cast %mul3A_488 : i32 to index
        %get3A_490 = arith.constant 48 : index
        %get3A_491 = tpu.vector_load %arg17[%get3A_489, %get3A_490] {strides = array<i32>} : memref<80x128xf32, #tpu.memory_space<vmem>>, vector<16xf32>,
        %mul3A_492 = arith.constant 10 : i32
        %mul3A_493 = arith.muli %scan3A_248, %mul3A_492 : i32
        %add3A_494 = arith.constant 1 : i32
        %add3A_495 = arith.addi %mul3A_493, %add3A_494 : i32
        %get3A_496 = arith.index_cast %add3A_495 : i32 to index
        %get3A_497 = arith.constant 48 : index
        %get3A_498 = tpu.vector_load %arg17[%get3A_496, %get3A_497] {strides = array<i32>} : memref<80x128xf32, #tpu.memory_space<vmem>>, vector<16xf32>,
        %add3A_499 = arith.addf %get3A_491, %get3A_498 : vector<16xf32>
        %mul3A_500 = arith.constant 10 : i32
        %mul3A_501 = arith.muli %scan3A_248, %mul3A_500 : i32
        %add3A_502 = arith.constant 2 : i32
        %add3A_503 = arith.addi %mul3A_501, %add3A_502 : i32
        %get3A_504 = arith.index_cast %add3A_503 : i32 to index
        %get3A_505 = arith.constant 48 : index
        %get3A_506 = tpu.vector_load %arg17[%get3A_504, %get3A_505] {strides = array<i32>} : memref<80x128xf32, #tpu.memory_space<vmem>>, vector<16xf32>,
        %add3A_507 = arith.addf %add3A_499, %get3A_506 : vector<16xf32>
        %mul3A_508 = arith.constant 10 : i32
        %mul3A_509 = arith.muli %scan3A_248, %mul3A_508 : i32
        %add3A_510 = arith.constant 3 : i32
        %add3A_511 = arith.addi %mul3A_509, %add3A_510 : i32
        %get3A_512 = arith.index_cast %add3A_511 : i32 to index
        %get3A_513 = arith.constant 48 : index
        %get3A_514 = tpu.vector_load %arg17[%get3A_512, %get3A_513] {strides = array<i32>} : memref<80x128xf32, #tpu.memory_space<vmem>>, vector<16xf32>,
        %add3A_515 = arith.addf %add3A_507, %get3A_514 : vector<16xf32>
        %mul3A_516 = arith.constant 10 : i32
        %mul3A_517 = arith.muli %scan3A_248, %mul3A_516 : i32
        %add3A_518 = arith.constant 4 : i32
        %add3A_519 = arith.addi %mul3A_517, %add3A_518 : i32
        %get3A_520 = arith.index_cast %add3A_519 : i32 to index
        %get3A_521 = arith.constant 48 : index
        %get3A_522 = tpu.vector_load %arg17[%get3A_520, %get3A_521] {strides = array<i32>} : memref<80x128xf32, #tpu.memory_space<vmem>>, vector<16xf32>,
        %add3A_523 = arith.addf %add3A_515, %get3A_522 : vector<16xf32>
        %mul3A_524 = arith.constant 10 : i32
        %mul3A_525 = arith.muli %scan3A_248, %mul3A_524 : i32
        %add3A_526 = arith.constant 5 : i32
        %add3A_527 = arith.addi %mul3A_525, %add3A_526 : i32
        %get3A_528 = arith.index_cast %add3A_527 : i32 to index
        %get3A_529 = arith.constant 48 : index
        %get3A_530 = tpu.vector_load %arg17[%get3A_528, %get3A_529] {strides = array<i32>} : memref<80x128xf32, #tpu.memory_space<vmem>>, vector<16xf32>,
        %add3A_531 = arith.addf %add3A_523, %get3A_530 : vector<16xf32>
        %mul3A_532 = arith.constant 10 : i32
        %mul3A_533 = arith.muli %scan3A_248, %mul3A_532 : i32
        %add3A_534 = arith.constant 6 : i32
        %add3A_535 = arith.addi %mul3A_533, %add3A_534 : i32
        %get3A_536 = arith.index_cast %add3A_535 : i32 to index
        %get3A_537 = arith.constant 48 : index
        %get3A_538 = tpu.vector_load %arg17[%get3A_536, %get3A_537] {strides = array<i32>} : memref<80x128xf32, #tpu.memory_space<vmem>>, vector<16xf32>,
        %add3A_539 = arith.addf %add3A_531, %get3A_538 : vector<16xf32>
        %mul3A_540 = arith.constant 10 : i32
        %mul3A_541 = arith.muli %scan3A_248, %mul3A_540 : i32
        %add3A_542 = arith.constant 7 : i32
        %add3A_543 = arith.addi %mul3A_541, %add3A_542 : i32
        %get3A_544 = arith.index_cast %add3A_543 : i32 to index
        %get3A_545 = arith.constant 48 : index
        %get3A_546 = tpu.vector_load %arg17[%get3A_544, %get3A_545] {strides = array<i32>} : memref<80x128xf32, #tpu.memory_space<vmem>>, vector<16xf32>,
        %add3A_547 = arith.addf %add3A_539, %get3A_546 : vector<16xf32>
        %mul3A_548 = arith.constant 10 : i32
        %mul3A_549 = arith.muli %scan3A_248, %mul3A_548 : i32
        %add3A_550 = arith.constant 8 : i32
        %add3A_551 = arith.addi %mul3A_549, %add3A_550 : i32
        %get3A_552 = arith.index_cast %add3A_551 : i32 to index
        %get3A_553 = arith.constant 48 : index
        %get3A_554 = tpu.vector_load %arg17[%get3A_552, %get3A_553] {strides = array<i32>} : memref<80x128xf32, #tpu.memory_space<vmem>>, vector<16xf32>,
        %add3A_555 = arith.addf %add3A_547, %get3A_554 : vector<16xf32>
        %mul3A_556 = arith.constant 10 : i32
        %mul3A_557 = arith.muli %scan3A_248, %mul3A_556 : i32
        %add3A_558 = arith.constant 9 : i32
        %add3A_559 = arith.addi %mul3A_557, %add3A_558 : i32
        %get3A_560 = arith.index_cast %add3A_559 : i32 to index
        %get3A_561 = arith.constant 48 : index
        %get3A_562 = tpu.vector_load %arg17[%get3A_560, %get3A_561] {strides = array<i32>} : memref<80x128xf32, #tpu.memory_space<vmem>>, vector<16xf32>,
        %add3A_563 = arith.addf %add3A_555, %get3A_562 : vector<16xf32>
        %swap3A_564 = arith.index_cast %scan3A_248 : i32 to index
        %swap3A_565 = arith.constant 48 : index
        %swap3A_566 = tpu.vector_load %arg21[%swap3A_564, %swap3A_565] {strides = array<i32>} : memref<8x128xf32, #tpu.memory_space<vmem>>, vector<16xf32>,
        tpu.vector_store %arg21[%swap3A_564, %swap3A_565], %add3A_563 {strides = array<i32>} : memref<8x128xf32, #tpu.memory_space<vmem>>, vector<16xf32>,
        %mul3A_567 = arith.constant 10 : i32
        %mul3A_568 = arith.muli %scan3A_248, %mul3A_567 : i32
        %get3A_569 = arith.index_cast %mul3A_568 : i32 to index
        %get3A_570 = arith.constant 64 : index
        %get3A_571 = tpu.vector_load %arg17[%get3A_569, %get3A_570] {strides = array<i32>} : memref<80x128xf32, #tpu.memory_space<vmem>>, vector<16xf32>,
        %mul3A_572 = arith.constant 10 : i32
        %mul3A_573 = arith.muli %scan3A_248, %mul3A_572 : i32
        %add3A_574 = arith.constant 1 : i32
        %add3A_575 = arith.addi %mul3A_573, %add3A_574 : i32
        %get3A_576 = arith.index_cast %add3A_575 : i32 to index
        %get3A_577 = arith.constant 64 : index
        %get3A_578 = tpu.vector_load %arg17[%get3A_576, %get3A_577] {strides = array<i32>} : memref<80x128xf32, #tpu.memory_space<vmem>>, vector<16xf32>,
        %add3A_579 = arith.addf %get3A_571, %get3A_578 : vector<16xf32>
        %mul3A_580 = arith.constant 10 : i32
        %mul3A_581 = arith.muli %scan3A_248, %mul3A_580 : i32
        %add3A_582 = arith.constant 2 : i32
        %add3A_583 = arith.addi %mul3A_581, %add3A_582 : i32
        %get3A_584 = arith.index_cast %add3A_583 : i32 to index
        %get3A_585 = arith.constant 64 : index
        %get3A_586 = tpu.vector_load %arg17[%get3A_584, %get3A_585] {strides = array<i32>} : memref<80x128xf32, #tpu.memory_space<vmem>>, vector<16xf32>,
        %add3A_587 = arith.addf %add3A_579, %get3A_586 : vector<16xf32>
        %mul3A_588 = arith.constant 10 : i32
        %mul3A_589 = arith.muli %scan3A_248, %mul3A_588 : i32
        %add3A_590 = arith.constant 3 : i32
        %add3A_591 = arith.addi %mul3A_589, %add3A_590 : i32
        %get3A_592 = arith.index_cast %add3A_591 : i32 to index
        %get3A_593 = arith.constant 64 : index
        %get3A_594 = tpu.vector_load %arg17[%get3A_592, %get3A_593] {strides = array<i32>} : memref<80x128xf32, #tpu.memory_space<vmem>>, vector<16xf32>,
        %add3A_595 = arith.addf %add3A_587, %get3A_594 : vector<16xf32>
        %mul3A_596 = arith.constant 10 : i32
        %mul3A_597 = arith.muli %scan3A_248, %mul3A_596 : i32
        %add3A_598 = arith.constant 4 : i32
        %add3A_599 = arith.addi %mul3A_597, %add3A_598 : i32
        %get3A_600 = arith.index_cast %add3A_599 : i32 to index
        %get3A_601 = arith.constant 64 : index
        %get3A_602 = tpu.vector_load %arg17[%get3A_600, %get3A_601] {strides = array<i32>} : memref<80x128xf32, #tpu.memory_space<vmem>>, vector<16xf32>,
        %add3A_603 = arith.addf %add3A_595, %get3A_602 : vector<16xf32>
        %mul3A_604 = arith.constant 10 : i32
        %mul3A_605 = arith.muli %scan3A_248, %mul3A_604 : i32
        %add3A_606 = arith.constant 5 : i32
        %add3A_607 = arith.addi %mul3A_605, %add3A_606 : i32
        %get3A_608 = arith.index_cast %add3A_607 : i32 to index
        %get3A_609 = arith.constant 64 : index
        %get3A_610 = tpu.vector_load %arg17[%get3A_608, %get3A_609] {strides = array<i32>} : memref<80x128xf32, #tpu.memory_space<vmem>>, vector<16xf32>,
        %add3A_611 = arith.addf %add3A_603, %get3A_610 : vector<16xf32>
        %mul3A_612 = arith.constant 10 : i32
        %mul3A_613 = arith.muli %scan3A_248, %mul3A_612 : i32
        %add3A_614 = arith.constant 6 : i32
        %add3A_615 = arith.addi %mul3A_613, %add3A_614 : i32
        %get3A_616 = arith.index_cast %add3A_615 : i32 to index
        %get3A_617 = arith.constant 64 : index
        %get3A_618 = tpu.vector_load %arg17[%get3A_616, %get3A_617] {strides = array<i32>} : memref<80x128xf32, #tpu.memory_space<vmem>>, vector<16xf32>,
        %add3A_619 = arith.addf %add3A_611, %get3A_618 : vector<16xf32>
        %mul3A_620 = arith.constant 10 : i32
        %mul3A_621 = arith.muli %scan3A_248, %mul3A_620 : i32
        %add3A_622 = arith.constant 7 : i32
        %add3A_623 = arith.addi %mul3A_621, %add3A_622 : i32
        %get3A_624 = arith.index_cast %add3A_623 : i32 to index
        %get3A_625 = arith.constant 64 : index
        %get3A_626 = tpu.vector_load %arg17[%get3A_624, %get3A_625] {strides = array<i32>} : memref<80x128xf32, #tpu.memory_space<vmem>>, vector<16xf32>,
        %add3A_627 = arith.addf %add3A_619, %get3A_626 : vector<16xf32>
        %mul3A_628 = arith.constant 10 : i32
        %mul3A_629 = arith.muli %scan3A_248, %mul3A_628 : i32
        %add3A_630 = arith.constant 8 : i32
        %add3A_631 = arith.addi %mul3A_629, %add3A_630 : i32
        %get3A_632 = arith.index_cast %add3A_631 : i32 to index
        %get3A_633 = arith.constant 64 : index
        %get3A_634 = tpu.vector_load %arg17[%get3A_632, %get3A_633] {strides = array<i32>} : memref<80x128xf32, #tpu.memory_space<vmem>>, vector<16xf32>,
        %add3A_635 = arith.addf %add3A_627, %get3A_634 : vector<16xf32>
        %mul3A_636 = arith.constant 10 : i32
        %mul3A_637 = arith.muli %scan3A_248, %mul3A_636 : i32
        %add3A_638 = arith.constant 9 : i32
        %add3A_639 = arith.addi %mul3A_637, %add3A_638 : i32
        %get3A_640 = arith.index_cast %add3A_639 : i32 to index
        %get3A_641 = arith.constant 64 : index
        %get3A_642 = tpu.vector_load %arg17[%get3A_640, %get3A_641] {strides = array<i32>} : memref<80x128xf32, #tpu.memory_space<vmem>>, vector<16xf32>,
        %add3A_643 = arith.addf %add3A_635, %get3A_642 : vector<16xf32>
        %swap3A_644 = arith.index_cast %scan3A_248 : i32 to index
        %swap3A_645 = arith.constant 64 : index
        %swap3A_646 = tpu.vector_load %arg21[%swap3A_644, %swap3A_645] {strides = array<i32>} : memref<8x128xf32, #tpu.memory_space<vmem>>, vector<16xf32>,
        tpu.vector_store %arg21[%swap3A_644, %swap3A_645], %add3A_643 {strides = array<i32>} : memref<8x128xf32, #tpu.memory_space<vmem>>, vector<16xf32>,
        %mul3A_647 = arith.constant 10 : i32
        %mul3A_648 = arith.muli %scan3A_248, %mul3A_647 : i32
        %get3A_649 = arith.index_cast %mul3A_648 : i32 to index
        %get3A_650 = arith.constant 80 : index
        %get3A_651 = tpu.vector_load %arg17[%get3A_649, %get3A_650] {strides = array<i32>} : memref<80x128xf32, #tpu.memory_space<vmem>>, vector<16xf32>,
        %mul3A_652 = arith.constant 10 : i32
        %mul3A_653 = arith.muli %scan3A_248, %mul3A_652 : i32
        %add3A_654 = arith.constant 1 : i32
        %add3A_655 = arith.addi %mul3A_653, %add3A_654 : i32
        %get3A_656 = arith.index_cast %add3A_655 : i32 to index
        %get3A_657 = arith.constant 80 : index
        %get3A_658 = tpu.vector_load %arg17[%get3A_656, %get3A_657] {strides = array<i32>} : memref<80x128xf32, #tpu.memory_space<vmem>>, vector<16xf32>,
        %add3A_659 = arith.addf %get3A_651, %get3A_658 : vector<16xf32>
        %mul3A_660 = arith.constant 10 : i32
        %mul3A_661 = arith.muli %scan3A_248, %mul3A_660 : i32
        %add3A_662 = arith.constant 2 : i32
        %add3A_663 = arith.addi %mul3A_661, %add3A_662 : i32
        %get3A_664 = arith.index_cast %add3A_663 : i32 to index
        %get3A_665 = arith.constant 80 : index
        %get3A_666 = tpu.vector_load %arg17[%get3A_664, %get3A_665] {strides = array<i32>} : memref<80x128xf32, #tpu.memory_space<vmem>>, vector<16xf32>,
        %add3A_667 = arith.addf %add3A_659, %get3A_666 : vector<16xf32>
        %mul3A_668 = arith.constant 10 : i32
        %mul3A_669 = arith.muli %scan3A_248, %mul3A_668 : i32
        %add3A_670 = arith.constant 3 : i32
        %add3A_671 = arith.addi %mul3A_669, %add3A_670 : i32
        %get3A_672 = arith.index_cast %add3A_671 : i32 to index
        %get3A_673 = arith.constant 80 : index
        %get3A_674 = tpu.vector_load %arg17[%get3A_672, %get3A_673] {strides = array<i32>} : memref<80x128xf32, #tpu.memory_space<vmem>>, vector<16xf32>,
        %add3A_675 = arith.addf %add3A_667, %get3A_674 : vector<16xf32>
        %mul3A_676 = arith.constant 10 : i32
        %mul3A_677 = arith.muli %scan3A_248, %mul3A_676 : i32
        %add3A_678 = arith.constant 4 : i32
        %add3A_679 = arith.addi %mul3A_677, %add3A_678 : i32
        %get3A_680 = arith.index_cast %add3A_679 : i32 to index
        %get3A_681 = arith.constant 80 : index
        %get3A_682 = tpu.vector_load %arg17[%get3A_680, %get3A_681] {strides = array<i32>} : memref<80x128xf32, #tpu.memory_space<vmem>>, vector<16xf32>,
        %add3A_683 = arith.addf %add3A_675, %get3A_682 : vector<16xf32>
        %mul3A_684 = arith.constant 10 : i32
        %mul3A_685 = arith.muli %scan3A_248, %mul3A_684 : i32
        %add3A_686 = arith.constant 5 : i32
        %add3A_687 = arith.addi %mul3A_685, %add3A_686 : i32
        %get3A_688 = arith.index_cast %add3A_687 : i32 to index
        %get3A_689 = arith.constant 80 : index
        %get3A_690 = tpu.vector_load %arg17[%get3A_688, %get3A_689] {strides = array<i32>} : memref<80x128xf32, #tpu.memory_space<vmem>>, vector<16xf32>,
        %add3A_691 = arith.addf %add3A_683, %get3A_690 : vector<16xf32>
        %mul3A_692 = arith.constant 10 : i32
        %mul3A_693 = arith.muli %scan3A_248, %mul3A_692 : i32
        %add3A_694 = arith.constant 6 : i32
        %add3A_695 = arith.addi %mul3A_693, %add3A_694 : i32
        %get3A_696 = arith.index_cast %add3A_695 : i32 to index
        %get3A_697 = arith.constant 80 : index
        %get3A_698 = tpu.vector_load %arg17[%get3A_696, %get3A_697] {strides = array<i32>} : memref<80x128xf32, #tpu.memory_space<vmem>>, vector<16xf32>,
        %add3A_699 = arith.addf %add3A_691, %get3A_698 : vector<16xf32>
        %mul3A_700 = arith.constant 10 : i32
        %mul3A_701 = arith.muli %scan3A_248, %mul3A_700 : i32
        %add3A_702 = arith.constant 7 : i32
        %add3A_703 = arith.addi %mul3A_701, %add3A_702 : i32
        %get3A_704 = arith.index_cast %add3A_703 : i32 to index
        %get3A_705 = arith.constant 80 : index
        %get3A_706 = tpu.vector_load %arg17[%get3A_704, %get3A_705] {strides = array<i32>} : memref<80x128xf32, #tpu.memory_space<vmem>>, vector<16xf32>,
        %add3A_707 = arith.addf %add3A_699, %get3A_706 : vector<16xf32>
        %mul3A_708 = arith.constant 10 : i32
        %mul3A_709 = arith.muli %scan3A_248, %mul3A_708 : i32
        %add3A_710 = arith.constant 8 : i32
        %add3A_711 = arith.addi %mul3A_709, %add3A_710 : i32
        %get3A_712 = arith.index_cast %add3A_711 : i32 to index
        %get3A_713 = arith.constant 80 : index
        %get3A_714 = tpu.vector_load %arg17[%get3A_712, %get3A_713] {strides = array<i32>} : memref<80x128xf32, #tpu.memory_space<vmem>>, vector<16xf32>,
        %add3A_715 = arith.addf %add3A_707, %get3A_714 : vector<16xf32>
        %mul3A_716 = arith.constant 10 : i32
        %mul3A_717 = arith.muli %scan3A_248, %mul3A_716 : i32
        %add3A_718 = arith.constant 9 : i32
        %add3A_719 = arith.addi %mul3A_717, %add3A_718 : i32
        %get3A_720 = arith.index_cast %add3A_719 : i32 to index
        %get3A_721 = arith.constant 80 : index
        %get3A_722 = tpu.vector_load %arg17[%get3A_720, %get3A_721] {strides = array<i32>} : memref<80x128xf32, #tpu.memory_space<vmem>>, vector<16xf32>,
        %add3A_723 = arith.addf %add3A_715, %get3A_722 : vector<16xf32>
        %swap3A_724 = arith.index_cast %scan3A_248 : i32 to index
        %swap3A_725 = arith.constant 80 : index
        %swap3A_726 = tpu.vector_load %arg21[%swap3A_724, %swap3A_725] {strides = array<i32>} : memref<8x128xf32, #tpu.memory_space<vmem>>, vector<16xf32>,
        tpu.vector_store %arg21[%swap3A_724, %swap3A_725], %add3A_723 {strides = array<i32>} : memref<8x128xf32, #tpu.memory_space<vmem>>, vector<16xf32>,
        %mul3A_727 = arith.constant 10 : i32
        %mul3A_728 = arith.muli %scan3A_248, %mul3A_727 : i32
        %get3A_729 = arith.index_cast %mul3A_728 : i32 to index
        %get3A_730 = arith.constant 96 : index
        %get3A_731 = tpu.vector_load %arg17[%get3A_729, %get3A_730] {strides = array<i32>} : memref<80x128xf32, #tpu.memory_space<vmem>>, vector<16xf32>,
        %mul3A_732 = arith.constant 10 : i32
        %mul3A_733 = arith.muli %scan3A_248, %mul3A_732 : i32
        %add3A_734 = arith.constant 1 : i32
        %add3A_735 = arith.addi %mul3A_733, %add3A_734 : i32
        %get3A_736 = arith.index_cast %add3A_735 : i32 to index
        %get3A_737 = arith.constant 96 : index
        %get3A_738 = tpu.vector_load %arg17[%get3A_736, %get3A_737] {strides = array<i32>} : memref<80x128xf32, #tpu.memory_space<vmem>>, vector<16xf32>,
        %add3A_739 = arith.addf %get3A_731, %get3A_738 : vector<16xf32>
        %mul3A_740 = arith.constant 10 : i32
        %mul3A_741 = arith.muli %scan3A_248, %mul3A_740 : i32
        %add3A_742 = arith.constant 2 : i32
        %add3A_743 = arith.addi %mul3A_741, %add3A_742 : i32
        %get3A_744 = arith.index_cast %add3A_743 : i32 to index
        %get3A_745 = arith.constant 96 : index
        %get3A_746 = tpu.vector_load %arg17[%get3A_744, %get3A_745] {strides = array<i32>} : memref<80x128xf32, #tpu.memory_space<vmem>>, vector<16xf32>,
        %add3A_747 = arith.addf %add3A_739, %get3A_746 : vector<16xf32>
        %mul3A_748 = arith.constant 10 : i32
        %mul3A_749 = arith.muli %scan3A_248, %mul3A_748 : i32
        %add3A_750 = arith.constant 3 : i32
        %add3A_751 = arith.addi %mul3A_749, %add3A_750 : i32
        %get3A_752 = arith.index_cast %add3A_751 : i32 to index
        %get3A_753 = arith.constant 96 : index
        %get3A_754 = tpu.vector_load %arg17[%get3A_752, %get3A_753] {strides = array<i32>} : memref<80x128xf32, #tpu.memory_space<vmem>>, vector<16xf32>,
        %add3A_755 = arith.addf %add3A_747, %get3A_754 : vector<16xf32>
        %mul3A_756 = arith.constant 10 : i32
        %mul3A_757 = arith.muli %scan3A_248, %mul3A_756 : i32
        %add3A_758 = arith.constant 4 : i32
        %add3A_759 = arith.addi %mul3A_757, %add3A_758 : i32
        %get3A_760 = arith.index_cast %add3A_759 : i32 to index
        %get3A_761 = arith.constant 96 : index
        %get3A_762 = tpu.vector_load %arg17[%get3A_760, %get3A_761] {strides = array<i32>} : memref<80x128xf32, #tpu.memory_space<vmem>>, vector<16xf32>,
        %add3A_763 = arith.addf %add3A_755, %get3A_762 : vector<16xf32>
        %mul3A_764 = arith.constant 10 : i32
        %mul3A_765 = arith.muli %scan3A_248, %mul3A_764 : i32
        %add3A_766 = arith.constant 5 : i32
        %add3A_767 = arith.addi %mul3A_765, %add3A_766 : i32
        %get3A_768 = arith.index_cast %add3A_767 : i32 to index
        %get3A_769 = arith.constant 96 : index
        %get3A_770 = tpu.vector_load %arg17[%get3A_768, %get3A_769] {strides = array<i32>} : memref<80x128xf32, #tpu.memory_space<vmem>>, vector<16xf32>,
        %add3A_771 = arith.addf %add3A_763, %get3A_770 : vector<16xf32>
        %mul3A_772 = arith.constant 10 : i32
        %mul3A_773 = arith.muli %scan3A_248, %mul3A_772 : i32
        %add3A_774 = arith.constant 6 : i32
        %add3A_775 = arith.addi %mul3A_773, %add3A_774 : i32
        %get3A_776 = arith.index_cast %add3A_775 : i32 to index
        %get3A_777 = arith.constant 96 : index
        %get3A_778 = tpu.vector_load %arg17[%get3A_776, %get3A_777] {strides = array<i32>} : memref<80x128xf32, #tpu.memory_space<vmem>>, vector<16xf32>,
        %add3A_779 = arith.addf %add3A_771, %get3A_778 : vector<16xf32>
        %mul3A_780 = arith.constant 10 : i32
        %mul3A_781 = arith.muli %scan3A_248, %mul3A_780 : i32
        %add3A_782 = arith.constant 7 : i32
        %add3A_783 = arith.addi %mul3A_781, %add3A_782 : i32
        %get3A_784 = arith.index_cast %add3A_783 : i32 to index
        %get3A_785 = arith.constant 96 : index
        %get3A_786 = tpu.vector_load %arg17[%get3A_784, %get3A_785] {strides = array<i32>} : memref<80x128xf32, #tpu.memory_space<vmem>>, vector<16xf32>,
        %add3A_787 = arith.addf %add3A_779, %get3A_786 : vector<16xf32>
        %mul3A_788 = arith.constant 10 : i32
        %mul3A_789 = arith.muli %scan3A_248, %mul3A_788 : i32
        %add3A_790 = arith.constant 8 : i32
        %add3A_791 = arith.addi %mul3A_789, %add3A_790 : i32
        %get3A_792 = arith.index_cast %add3A_791 : i32 to index
        %get3A_793 = arith.constant 96 : index
        %get3A_794 = tpu.vector_load %arg17[%get3A_792, %get3A_793] {strides = array<i32>} : memref<80x128xf32, #tpu.memory_space<vmem>>, vector<16xf32>,
        %add3A_795 = arith.addf %add3A_787, %get3A_794 : vector<16xf32>
        %mul3A_796 = arith.constant 10 : i32
        %mul3A_797 = arith.muli %scan3A_248, %mul3A_796 : i32
        %add3A_798 = arith.constant 9 : i32
        %add3A_799 = arith.addi %mul3A_797, %add3A_798 : i32
        %get3A_800 = arith.index_cast %add3A_799 : i32 to index
        %get3A_801 = arith.constant 96 : index
        %get3A_802 = tpu.vector_load %arg17[%get3A_800, %get3A_801] {strides = array<i32>} : memref<80x128xf32, #tpu.memory_space<vmem>>, vector<16xf32>,
        %add3A_803 = arith.addf %add3A_795, %get3A_802 : vector<16xf32>
        %swap3A_804 = arith.index_cast %scan3A_248 : i32 to index
        %swap3A_805 = arith.constant 96 : index
        %swap3A_806 = tpu.vector_load %arg21[%swap3A_804, %swap3A_805] {strides = array<i32>} : memref<8x128xf32, #tpu.memory_space<vmem>>, vector<16xf32>,
        tpu.vector_store %arg21[%swap3A_804, %swap3A_805], %add3A_803 {strides = array<i32>} : memref<8x128xf32, #tpu.memory_space<vmem>>, vector<16xf32>,
        %mul3A_807 = arith.constant 10 : i32
        %mul3A_808 = arith.muli %scan3A_248, %mul3A_807 : i32
        %get3A_809 = arith.index_cast %mul3A_808 : i32 to index
        %get3A_810 = arith.constant 112 : index
        %get3A_811 = tpu.vector_load %arg17[%get3A_809, %get3A_810] {strides = array<i32>} : memref<80x128xf32, #tpu.memory_space<vmem>>, vector<16xf32>,
        %mul3A_812 = arith.constant 10 : i32
        %mul3A_813 = arith.muli %scan3A_248, %mul3A_812 : i32
        %add3A_814 = arith.constant 1 : i32
        %add3A_815 = arith.addi %mul3A_813, %add3A_814 : i32
        %get3A_816 = arith.index_cast %add3A_815 : i32 to index
        %get3A_817 = arith.constant 112 : index
        %get3A_818 = tpu.vector_load %arg17[%get3A_816, %get3A_817] {strides = array<i32>} : memref<80x128xf32, #tpu.memory_space<vmem>>, vector<16xf32>,
        %add3A_819 = arith.addf %get3A_811, %get3A_818 : vector<16xf32>
        %mul3A_820 = arith.constant 10 : i32
        %mul3A_821 = arith.muli %scan3A_248, %mul3A_820 : i32
        %add3A_822 = arith.constant 2 : i32
        %add3A_823 = arith.addi %mul3A_821, %add3A_822 : i32
        %get3A_824 = arith.index_cast %add3A_823 : i32 to index
        %get3A_825 = arith.constant 112 : index
        %get3A_826 = tpu.vector_load %arg17[%get3A_824, %get3A_825] {strides = array<i32>} : memref<80x128xf32, #tpu.memory_space<vmem>>, vector<16xf32>,
        %add3A_827 = arith.addf %add3A_819, %get3A_826 : vector<16xf32>
        %mul3A_828 = arith.constant 10 : i32
        %mul3A_829 = arith.muli %scan3A_248, %mul3A_828 : i32
        %add3A_830 = arith.constant 3 : i32
        %add3A_831 = arith.addi %mul3A_829, %add3A_830 : i32
        %get3A_832 = arith.index_cast %add3A_831 : i32 to index
        %get3A_833 = arith.constant 112 : index
        %get3A_834 = tpu.vector_load %arg17[%get3A_832, %get3A_833] {strides = array<i32>} : memref<80x128xf32, #tpu.memory_space<vmem>>, vector<16xf32>,
        %add3A_835 = arith.addf %add3A_827, %get3A_834 : vector<16xf32>
        %mul3A_836 = arith.constant 10 : i32
        %mul3A_837 = arith.muli %scan3A_248, %mul3A_836 : i32
        %add3A_838 = arith.constant 4 : i32
        %add3A_839 = arith.addi %mul3A_837, %add3A_838 : i32
        %get3A_840 = arith.index_cast %add3A_839 : i32 to index
        %get3A_841 = arith.constant 112 : index
        %get3A_842 = tpu.vector_load %arg17[%get3A_840, %get3A_841] {strides = array<i32>} : memref<80x128xf32, #tpu.memory_space<vmem>>, vector<16xf32>,
        %add3A_843 = arith.addf %add3A_835, %get3A_842 : vector<16xf32>
        %mul3A_844 = arith.constant 10 : i32
        %mul3A_845 = arith.muli %scan3A_248, %mul3A_844 : i32
        %add3A_846 = arith.constant 5 : i32
        %add3A_847 = arith.addi %mul3A_845, %add3A_846 : i32
        %get3A_848 = arith.index_cast %add3A_847 : i32 to index
        %get3A_849 = arith.constant 112 : index
        %get3A_850 = tpu.vector_load %arg17[%get3A_848, %get3A_849] {strides = array<i32>} : memref<80x128xf32, #tpu.memory_space<vmem>>, vector<16xf32>,
        %add3A_851 = arith.addf %add3A_843, %get3A_850 : vector<16xf32>
        %mul3A_852 = arith.constant 10 : i32
        %mul3A_853 = arith.muli %scan3A_248, %mul3A_852 : i32
        %add3A_854 = arith.constant 6 : i32
        %add3A_855 = arith.addi %mul3A_853, %add3A_854 : i32
        %get3A_856 = arith.index_cast %add3A_855 : i32 to index
        %get3A_857 = arith.constant 112 : index
        %get3A_858 = tpu.vector_load %arg17[%get3A_856, %get3A_857] {strides = array<i32>} : memref<80x128xf32, #tpu.memory_space<vmem>>, vector<16xf32>,
        %add3A_859 = arith.addf %add3A_851, %get3A_858 : vector<16xf32>
        %mul3A_860 = arith.constant 10 : i32
        %mul3A_861 = arith.muli %scan3A_248, %mul3A_860 : i32
        %add3A_862 = arith.constant 7 : i32
        %add3A_863 = arith.addi %mul3A_861, %add3A_862 : i32
        %get3A_864 = arith.index_cast %add3A_863 : i32 to index
        %get3A_865 = arith.constant 112 : index
        %get3A_866 = tpu.vector_load %arg17[%get3A_864, %get3A_865] {strides = array<i32>} : memref<80x128xf32, #tpu.memory_space<vmem>>, vector<16xf32>,
        %add3A_867 = arith.addf %add3A_859, %get3A_866 : vector<16xf32>
        %mul3A_868 = arith.constant 10 : i32
        %mul3A_869 = arith.muli %scan3A_248, %mul3A_868 : i32
        %add3A_870 = arith.constant 8 : i32
        %add3A_871 = arith.addi %mul3A_869, %add3A_870 : i32
        %get3A_872 = arith.index_cast %add3A_871 : i32 to index
        %get3A_873 = arith.constant 112 : index
        %get3A_874 = tpu.vector_load %arg17[%get3A_872, %get3A_873] {strides = array<i32>} : memref<80x128xf32, #tpu.memory_space<vmem>>, vector<16xf32>,
        %add3A_875 = arith.addf %add3A_867, %get3A_874 : vector<16xf32>
        %mul3A_876 = arith.constant 10 : i32
        %mul3A_877 = arith.muli %scan3A_248, %mul3A_876 : i32
        %add3A_878 = arith.constant 9 : i32
        %add3A_879 = arith.addi %mul3A_877, %add3A_878 : i32
        %get3A_880 = arith.index_cast %add3A_879 : i32 to index
        %get3A_881 = arith.constant 112 : index
        %get3A_882 = tpu.vector_load %arg17[%get3A_880, %get3A_881] {strides = array<i32>} : memref<80x128xf32, #tpu.memory_space<vmem>>, vector<16xf32>,
        %add3A_883 = arith.addf %add3A_875, %get3A_882 : vector<16xf32>
        %swap3A_884 = arith.index_cast %scan3A_248 : i32 to index
        %swap3A_885 = arith.constant 112 : index
        %swap3A_886 = tpu.vector_load %arg21[%swap3A_884, %swap3A_885] {strides = array<i32>} : memref<8x128xf32, #tpu.memory_space<vmem>>, vector<16xf32>,
        tpu.vector_store %arg21[%swap3A_884, %swap3A_885], %add3A_883 {strides = array<i32>} : memref<8x128xf32, #tpu.memory_space<vmem>>, vector<16xf32>,
      }
      %scan3A_163 = arith.constant 8 : i32
      %mul3A_164 = arith.constant 8 : i32
      %mul3A_165 = arith.muli %add3A_146, %mul3A_164 : i32
      %add3A_166 = arith.addi %mul3A_4, %mul3A_165 : i32
      %dma_start3A_167 = arith.constant 0 : i32
      %dma_start3A_168 = tpu.memref_slice %arg10[%add3A_166, %dma_start3A_167] : memref<25600x128xf32, #tpu.memory_space<hbm>> -> memref<8x128xf32, #tpu.memory_space<hbm>>
      %dma_start3A_169 = arith.constant 0 : i32
      %dma_start3A_170 = tpu.memref_slice %arg10[%add3A_166, %dma_start3A_169] : memref<25600x128xf32, #tpu.memory_space<hbm>> -> memref<8x128xf32, #tpu.memory_space<hbm>>
      tpu.enqueue_dma source(%arg21 : memref<8x128xf32, #tpu.memory_space<vmem>>) target(%dma_start3A_170 : memref<8x128xf32, #tpu.memory_space<hbm>>) target_semaphore(%arg35 : memref<!tpu.dma_semaphore, #tpu.memory_space<semaphore_mem>>)
      %add3A_171 = arith.constant 4 : i32
      %add3A_172 = arith.addi %add3A_146, %add3A_171 : i32
      %lt3A_173 = arith.constant 100 : i32
      %lt3A_174 = arith.cmpi slt, %add3A_172, %lt3A_173 : i32
      %convert_element_type3A_175 = arith.extui %lt3A_174 : i1 to i32
      %cond3A_176 = arith.constant 0 : i32
      %cond3A_177 = arith.cmpi ne, %convert_element_type3A_175, %cond3A_176 : i32
      scf.if %cond3A_177 {
        %add3A_248 = arith.constant 4 : i32
        %add3A_249 = arith.addi %add3A_146, %add3A_248 : i32
        %mul3A_250 = arith.constant 80 : i32
        %mul3A_251 = arith.muli %add3A_249, %mul3A_250 : i32
        %dma_start3A_252 = tpu.memref_slice %arg13[%mul3A_251] : memref<8000xi32, #tpu.memory_space<vmem>> -> memref<80xi32, #tpu.memory_space<vmem>>
        %dma_start3A_253 = arith.constant 0 : i32
        %dma_start3A_254 = arith.constant 0 : i32
        %dma_start3A_255 = tpu.memref_slice %arg5[%dma_start3A_253, %dma_start3A_254] : memref<10000x128xf32, #tpu.memory_space<hbm>> -> memref<10000x128xf32, #tpu.memory_space<hbm>>
        tpu.enqueue_indirect_dma source(%dma_start3A_255 : memref<10000x128xf32, #tpu.memory_space<hbm>>) target(%arg17 : memref<80x128xf32, #tpu.memory_space<vmem>>) offsets(%dma_start3A_252 : memref<80xi32, #tpu.memory_space<vmem>>) semaphore(%arg29 : memref<!tpu.dma_semaphore, #tpu.memory_space<semaphore_mem>>)
      } else {
      }
      %mul3A_178 = arith.constant 4 : i32
      %mul3A_179 = arith.muli %mul3A_178, %scan3A_111 : i32
      %add3A_180 = arith.constant 2 : i32
      %add3A_181 = arith.addi %mul3A_179, %add3A_180 : i32
      %mul3A_182 = arith.constant 80 : i32
      %mul3A_183 = arith.muli %add3A_181, %mul3A_182 : i32
      %dma_wait3A_184 = tpu.memref_slice %arg13[%mul3A_183] : memref<8000xi32, #tpu.memory_space<vmem>> -> memref<80xi32, #tpu.memory_space<vmem>>
      %dma_wait3A_185 = arith.constant 0 : i32
      %dma_wait3A_186 = arith.constant 0 : i32
      %dma_wait3A_187 = tpu.memref_slice %arg5[%dma_wait3A_185, %dma_wait3A_186] : memref<10000x128xf32, #tpu.memory_space<hbm>> -> memref<10000x128xf32, #tpu.memory_space<hbm>>
      tpu.wait_indirect_dma semaphore(%arg30 : memref<!tpu.dma_semaphore, #tpu.memory_space<semaphore_mem>>) src(%dma_wait3A_187 : memref<10000x128xf32, #tpu.memory_space<hbm>>) dst(%arg18 : memref<80x128xf32, #tpu.memory_space<vmem>>)
      %ge3A_188 = arith.constant 4 : i32
      %ge3A_189 = arith.cmpi sge, %add3A_181, %ge3A_188 : i32
      %convert_element_type3A_190 = arith.extui %ge3A_189 : i1 to i32
      %cond3A_191 = arith.constant 0 : i32
      %cond3A_192 = arith.cmpi ne, %convert_element_type3A_190, %cond3A_191 : i32
      scf.if %cond3A_192 {
        %sub3A = arith.constant 4 : i32
        %sub3A_248 = arith.subi %add3A_181, %sub3A : i32
        %mul3A_249 = arith.constant 8 : i32
        %mul3A_250 = arith.muli %sub3A_248, %mul3A_249 : i32
        %add3A_251 = arith.addi %mul3A_4, %mul3A_250 : i32
        %dma_wait3A_252 = arith.constant 0 : i32
        %dma_wait3A_253 = tpu.memref_slice %arg10[%add3A_251, %dma_wait3A_252] : memref<25600x128xf32, #tpu.memory_space<hbm>> -> memref<8x128xf32, #tpu.memory_space<hbm>>
        %dma_wait3A_254 = arith.constant 0 : i32
        %dma_wait3A_255 = tpu.memref_slice %arg10[%add3A_251, %dma_wait3A_254] : memref<25600x128xf32, #tpu.memory_space<hbm>> -> memref<8x128xf32, #tpu.memory_space<hbm>>
        tpu.wait_dma2 semaphore(%arg36 : memref<!tpu.dma_semaphore, #tpu.memory_space<semaphore_mem>>) src(%arg22 : memref<8x128xf32, #tpu.memory_space<vmem>>) dst(%dma_wait3A_255 : memref<8x128xf32, #tpu.memory_space<hbm>>)
      } else {
      }
      %scan3A_193 = arith.constant 0 : i32
      %scan3A_194 = arith.constant 0 : i32
      %scan3A_195 = arith.constant 8 : i32
      %scan3A_196 = arith.addi %scan3A_194, %scan3A_195 : i32
      %scan3A_197 = arith.constant 1 : i32
      scf.for %scan3A_248 = %scan3A_194 to %scan3A_196 step %scan3A_197  : i32 {
        %mul3A_249 = arith.constant 10 : i32
        %mul3A_250 = arith.muli %scan3A_248, %mul3A_249 : i32
        %get3A = arith.index_cast %mul3A_250 : i32 to index
        %get3A_251 = arith.constant 0 : index
        %get3A_252 = tpu.vector_load %arg18[%get3A, %get3A_251] {strides = array<i32>} : memref<80x128xf32, #tpu.memory_space<vmem>>, vector<16xf32>,
        %mul3A_253 = arith.constant 10 : i32
        %mul3A_254 = arith.muli %scan3A_248, %mul3A_253 : i32
        %add3A_255 = arith.constant 1 : i32
        %add3A_256 = arith.addi %mul3A_254, %add3A_255 : i32
        %get3A_257 = arith.index_cast %add3A_256 : i32 to index
        %get3A_258 = arith.constant 0 : index
        %get3A_259 = tpu.vector_load %arg18[%get3A_257, %get3A_258] {strides = array<i32>} : memref<80x128xf32, #tpu.memory_space<vmem>>, vector<16xf32>,
        %add3A_260 = arith.addf %get3A_252, %get3A_259 : vector<16xf32>
        %mul3A_261 = arith.constant 10 : i32
        %mul3A_262 = arith.muli %scan3A_248, %mul3A_261 : i32
        %add3A_263 = arith.constant 2 : i32
        %add3A_264 = arith.addi %mul3A_262, %add3A_263 : i32
        %get3A_265 = arith.index_cast %add3A_264 : i32 to index
        %get3A_266 = arith.constant 0 : index
        %get3A_267 = tpu.vector_load %arg18[%get3A_265, %get3A_266] {strides = array<i32>} : memref<80x128xf32, #tpu.memory_space<vmem>>, vector<16xf32>,
        %add3A_268 = arith.addf %add3A_260, %get3A_267 : vector<16xf32>
        %mul3A_269 = arith.constant 10 : i32
        %mul3A_270 = arith.muli %scan3A_248, %mul3A_269 : i32
        %add3A_271 = arith.constant 3 : i32
        %add3A_272 = arith.addi %mul3A_270, %add3A_271 : i32
        %get3A_273 = arith.index_cast %add3A_272 : i32 to index
        %get3A_274 = arith.constant 0 : index
        %get3A_275 = tpu.vector_load %arg18[%get3A_273, %get3A_274] {strides = array<i32>} : memref<80x128xf32, #tpu.memory_space<vmem>>, vector<16xf32>,
        %add3A_276 = arith.addf %add3A_268, %get3A_275 : vector<16xf32>
        %mul3A_277 = arith.constant 10 : i32
        %mul3A_278 = arith.muli %scan3A_248, %mul3A_277 : i32
        %add3A_279 = arith.constant 4 : i32
        %add3A_280 = arith.addi %mul3A_278, %add3A_279 : i32
        %get3A_281 = arith.index_cast %add3A_280 : i32 to index
        %get3A_282 = arith.constant 0 : index
        %get3A_283 = tpu.vector_load %arg18[%get3A_281, %get3A_282] {strides = array<i32>} : memref<80x128xf32, #tpu.memory_space<vmem>>, vector<16xf32>,
        %add3A_284 = arith.addf %add3A_276, %get3A_283 : vector<16xf32>
        %mul3A_285 = arith.constant 10 : i32
        %mul3A_286 = arith.muli %scan3A_248, %mul3A_285 : i32
        %add3A_287 = arith.constant 5 : i32
        %add3A_288 = arith.addi %mul3A_286, %add3A_287 : i32
        %get3A_289 = arith.index_cast %add3A_288 : i32 to index
        %get3A_290 = arith.constant 0 : index
        %get3A_291 = tpu.vector_load %arg18[%get3A_289, %get3A_290] {strides = array<i32>} : memref<80x128xf32, #tpu.memory_space<vmem>>, vector<16xf32>,
        %add3A_292 = arith.addf %add3A_284, %get3A_291 : vector<16xf32>
        %mul3A_293 = arith.constant 10 : i32
        %mul3A_294 = arith.muli %scan3A_248, %mul3A_293 : i32
        %add3A_295 = arith.constant 6 : i32
        %add3A_296 = arith.addi %mul3A_294, %add3A_295 : i32
        %get3A_297 = arith.index_cast %add3A_296 : i32 to index
        %get3A_298 = arith.constant 0 : index
        %get3A_299 = tpu.vector_load %arg18[%get3A_297, %get3A_298] {strides = array<i32>} : memref<80x128xf32, #tpu.memory_space<vmem>>, vector<16xf32>,
        %add3A_300 = arith.addf %add3A_292, %get3A_299 : vector<16xf32>
        %mul3A_301 = arith.constant 10 : i32
        %mul3A_302 = arith.muli %scan3A_248, %mul3A_301 : i32
        %add3A_303 = arith.constant 7 : i32
        %add3A_304 = arith.addi %mul3A_302, %add3A_303 : i32
        %get3A_305 = arith.index_cast %add3A_304 : i32 to index
        %get3A_306 = arith.constant 0 : index
        %get3A_307 = tpu.vector_load %arg18[%get3A_305, %get3A_306] {strides = array<i32>} : memref<80x128xf32, #tpu.memory_space<vmem>>, vector<16xf32>,
        %add3A_308 = arith.addf %add3A_300, %get3A_307 : vector<16xf32>
        %mul3A_309 = arith.constant 10 : i32
        %mul3A_310 = arith.muli %scan3A_248, %mul3A_309 : i32
        %add3A_311 = arith.constant 8 : i32
        %add3A_312 = arith.addi %mul3A_310, %add3A_311 : i32
        %get3A_313 = arith.index_cast %add3A_312 : i32 to index
        %get3A_314 = arith.constant 0 : index
        %get3A_315 = tpu.vector_load %arg18[%get3A_313, %get3A_314] {strides = array<i32>} : memref<80x128xf32, #tpu.memory_space<vmem>>, vector<16xf32>,
        %add3A_316 = arith.addf %add3A_308, %get3A_315 : vector<16xf32>
        %mul3A_317 = arith.constant 10 : i32
        %mul3A_318 = arith.muli %scan3A_248, %mul3A_317 : i32
        %add3A_319 = arith.constant 9 : i32
        %add3A_320 = arith.addi %mul3A_318, %add3A_319 : i32
        %get3A_321 = arith.index_cast %add3A_320 : i32 to index
        %get3A_322 = arith.constant 0 : index
        %get3A_323 = tpu.vector_load %arg18[%get3A_321, %get3A_322] {strides = array<i32>} : memref<80x128xf32, #tpu.memory_space<vmem>>, vector<16xf32>,
        %add3A_324 = arith.addf %add3A_316, %get3A_323 : vector<16xf32>
        %swap3A = arith.index_cast %scan3A_248 : i32 to index
        %swap3A_325 = arith.constant 0 : index
        %swap3A_326 = tpu.vector_load %arg22[%swap3A, %swap3A_325] {strides = array<i32>} : memref<8x128xf32, #tpu.memory_space<vmem>>, vector<16xf32>,
        tpu.vector_store %arg22[%swap3A, %swap3A_325], %add3A_324 {strides = array<i32>} : memref<8x128xf32, #tpu.memory_space<vmem>>, vector<16xf32>,
        %mul3A_327 = arith.constant 10 : i32
        %mul3A_328 = arith.muli %scan3A_248, %mul3A_327 : i32
        %get3A_329 = arith.index_cast %mul3A_328 : i32 to index
        %get3A_330 = arith.constant 16 : index
        %get3A_331 = tpu.vector_load %arg18[%get3A_329, %get3A_330] {strides = array<i32>} : memref<80x128xf32, #tpu.memory_space<vmem>>, vector<16xf32>,
        %mul3A_332 = arith.constant 10 : i32
        %mul3A_333 = arith.muli %scan3A_248, %mul3A_332 : i32
        %add3A_334 = arith.constant 1 : i32
        %add3A_335 = arith.addi %mul3A_333, %add3A_334 : i32
        %get3A_336 = arith.index_cast %add3A_335 : i32 to index
        %get3A_337 = arith.constant 16 : index
        %get3A_338 = tpu.vector_load %arg18[%get3A_336, %get3A_337] {strides = array<i32>} : memref<80x128xf32, #tpu.memory_space<vmem>>, vector<16xf32>,
        %add3A_339 = arith.addf %get3A_331, %get3A_338 : vector<16xf32>
        %mul3A_340 = arith.constant 10 : i32
        %mul3A_341 = arith.muli %scan3A_248, %mul3A_340 : i32
        %add3A_342 = arith.constant 2 : i32
        %add3A_343 = arith.addi %mul3A_341, %add3A_342 : i32
        %get3A_344 = arith.index_cast %add3A_343 : i32 to index
        %get3A_345 = arith.constant 16 : index
        %get3A_346 = tpu.vector_load %arg18[%get3A_344, %get3A_345] {strides = array<i32>} : memref<80x128xf32, #tpu.memory_space<vmem>>, vector<16xf32>,
        %add3A_347 = arith.addf %add3A_339, %get3A_346 : vector<16xf32>
        %mul3A_348 = arith.constant 10 : i32
        %mul3A_349 = arith.muli %scan3A_248, %mul3A_348 : i32
        %add3A_350 = arith.constant 3 : i32
        %add3A_351 = arith.addi %mul3A_349, %add3A_350 : i32
        %get3A_352 = arith.index_cast %add3A_351 : i32 to index
        %get3A_353 = arith.constant 16 : index
        %get3A_354 = tpu.vector_load %arg18[%get3A_352, %get3A_353] {strides = array<i32>} : memref<80x128xf32, #tpu.memory_space<vmem>>, vector<16xf32>,
        %add3A_355 = arith.addf %add3A_347, %get3A_354 : vector<16xf32>
        %mul3A_356 = arith.constant 10 : i32
        %mul3A_357 = arith.muli %scan3A_248, %mul3A_356 : i32
        %add3A_358 = arith.constant 4 : i32
        %add3A_359 = arith.addi %mul3A_357, %add3A_358 : i32
        %get3A_360 = arith.index_cast %add3A_359 : i32 to index
        %get3A_361 = arith.constant 16 : index
        %get3A_362 = tpu.vector_load %arg18[%get3A_360, %get3A_361] {strides = array<i32>} : memref<80x128xf32, #tpu.memory_space<vmem>>, vector<16xf32>,
        %add3A_363 = arith.addf %add3A_355, %get3A_362 : vector<16xf32>
        %mul3A_364 = arith.constant 10 : i32
        %mul3A_365 = arith.muli %scan3A_248, %mul3A_364 : i32
        %add3A_366 = arith.constant 5 : i32
        %add3A_367 = arith.addi %mul3A_365, %add3A_366 : i32
        %get3A_368 = arith.index_cast %add3A_367 : i32 to index
        %get3A_369 = arith.constant 16 : index
        %get3A_370 = tpu.vector_load %arg18[%get3A_368, %get3A_369] {strides = array<i32>} : memref<80x128xf32, #tpu.memory_space<vmem>>, vector<16xf32>,
        %add3A_371 = arith.addf %add3A_363, %get3A_370 : vector<16xf32>
        %mul3A_372 = arith.constant 10 : i32
        %mul3A_373 = arith.muli %scan3A_248, %mul3A_372 : i32
        %add3A_374 = arith.constant 6 : i32
        %add3A_375 = arith.addi %mul3A_373, %add3A_374 : i32
        %get3A_376 = arith.index_cast %add3A_375 : i32 to index
        %get3A_377 = arith.constant 16 : index
        %get3A_378 = tpu.vector_load %arg18[%get3A_376, %get3A_377] {strides = array<i32>} : memref<80x128xf32, #tpu.memory_space<vmem>>, vector<16xf32>,
        %add3A_379 = arith.addf %add3A_371, %get3A_378 : vector<16xf32>
        %mul3A_380 = arith.constant 10 : i32
        %mul3A_381 = arith.muli %scan3A_248, %mul3A_380 : i32
        %add3A_382 = arith.constant 7 : i32
        %add3A_383 = arith.addi %mul3A_381, %add3A_382 : i32
        %get3A_384 = arith.index_cast %add3A_383 : i32 to index
        %get3A_385 = arith.constant 16 : index
        %get3A_386 = tpu.vector_load %arg18[%get3A_384, %get3A_385] {strides = array<i32>} : memref<80x128xf32, #tpu.memory_space<vmem>>, vector<16xf32>,
        %add3A_387 = arith.addf %add3A_379, %get3A_386 : vector<16xf32>
        %mul3A_388 = arith.constant 10 : i32
        %mul3A_389 = arith.muli %scan3A_248, %mul3A_388 : i32
        %add3A_390 = arith.constant 8 : i32
        %add3A_391 = arith.addi %mul3A_389, %add3A_390 : i32
        %get3A_392 = arith.index_cast %add3A_391 : i32 to index
        %get3A_393 = arith.constant 16 : index
        %get3A_394 = tpu.vector_load %arg18[%get3A_392, %get3A_393] {strides = array<i32>} : memref<80x128xf32, #tpu.memory_space<vmem>>, vector<16xf32>,
        %add3A_395 = arith.addf %add3A_387, %get3A_394 : vector<16xf32>
        %mul3A_396 = arith.constant 10 : i32
        %mul3A_397 = arith.muli %scan3A_248, %mul3A_396 : i32
        %add3A_398 = arith.constant 9 : i32
        %add3A_399 = arith.addi %mul3A_397, %add3A_398 : i32
        %get3A_400 = arith.index_cast %add3A_399 : i32 to index
        %get3A_401 = arith.constant 16 : index
        %get3A_402 = tpu.vector_load %arg18[%get3A_400, %get3A_401] {strides = array<i32>} : memref<80x128xf32, #tpu.memory_space<vmem>>, vector<16xf32>,
        %add3A_403 = arith.addf %add3A_395, %get3A_402 : vector<16xf32>
        %swap3A_404 = arith.index_cast %scan3A_248 : i32 to index
        %swap3A_405 = arith.constant 16 : index
        %swap3A_406 = tpu.vector_load %arg22[%swap3A_404, %swap3A_405] {strides = array<i32>} : memref<8x128xf32, #tpu.memory_space<vmem>>, vector<16xf32>,
        tpu.vector_store %arg22[%swap3A_404, %swap3A_405], %add3A_403 {strides = array<i32>} : memref<8x128xf32, #tpu.memory_space<vmem>>, vector<16xf32>,
        %mul3A_407 = arith.constant 10 : i32
        %mul3A_408 = arith.muli %scan3A_248, %mul3A_407 : i32
        %get3A_409 = arith.index_cast %mul3A_408 : i32 to index
        %get3A_410 = arith.constant 32 : index
        %get3A_411 = tpu.vector_load %arg18[%get3A_409, %get3A_410] {strides = array<i32>} : memref<80x128xf32, #tpu.memory_space<vmem>>, vector<16xf32>,
        %mul3A_412 = arith.constant 10 : i32
        %mul3A_413 = arith.muli %scan3A_248, %mul3A_412 : i32
        %add3A_414 = arith.constant 1 : i32
        %add3A_415 = arith.addi %mul3A_413, %add3A_414 : i32
        %get3A_416 = arith.index_cast %add3A_415 : i32 to index
        %get3A_417 = arith.constant 32 : index
        %get3A_418 = tpu.vector_load %arg18[%get3A_416, %get3A_417] {strides = array<i32>} : memref<80x128xf32, #tpu.memory_space<vmem>>, vector<16xf32>,
        %add3A_419 = arith.addf %get3A_411, %get3A_418 : vector<16xf32>
        %mul3A_420 = arith.constant 10 : i32
        %mul3A_421 = arith.muli %scan3A_248, %mul3A_420 : i32
        %add3A_422 = arith.constant 2 : i32
        %add3A_423 = arith.addi %mul3A_421, %add3A_422 : i32
        %get3A_424 = arith.index_cast %add3A_423 : i32 to index
        %get3A_425 = arith.constant 32 : index
        %get3A_426 = tpu.vector_load %arg18[%get3A_424, %get3A_425] {strides = array<i32>} : memref<80x128xf32, #tpu.memory_space<vmem>>, vector<16xf32>,
        %add3A_427 = arith.addf %add3A_419, %get3A_426 : vector<16xf32>
        %mul3A_428 = arith.constant 10 : i32
        %mul3A_429 = arith.muli %scan3A_248, %mul3A_428 : i32
        %add3A_430 = arith.constant 3 : i32
        %add3A_431 = arith.addi %mul3A_429, %add3A_430 : i32
        %get3A_432 = arith.index_cast %add3A_431 : i32 to index
        %get3A_433 = arith.constant 32 : index
        %get3A_434 = tpu.vector_load %arg18[%get3A_432, %get3A_433] {strides = array<i32>} : memref<80x128xf32, #tpu.memory_space<vmem>>, vector<16xf32>,
        %add3A_435 = arith.addf %add3A_427, %get3A_434 : vector<16xf32>
        %mul3A_436 = arith.constant 10 : i32
        %mul3A_437 = arith.muli %scan3A_248, %mul3A_436 : i32
        %add3A_438 = arith.constant 4 : i32
        %add3A_439 = arith.addi %mul3A_437, %add3A_438 : i32
        %get3A_440 = arith.index_cast %add3A_439 : i32 to index
        %get3A_441 = arith.constant 32 : index
        %get3A_442 = tpu.vector_load %arg18[%get3A_440, %get3A_441] {strides = array<i32>} : memref<80x128xf32, #tpu.memory_space<vmem>>, vector<16xf32>,
        %add3A_443 = arith.addf %add3A_435, %get3A_442 : vector<16xf32>
        %mul3A_444 = arith.constant 10 : i32
        %mul3A_445 = arith.muli %scan3A_248, %mul3A_444 : i32
        %add3A_446 = arith.constant 5 : i32
        %add3A_447 = arith.addi %mul3A_445, %add3A_446 : i32
        %get3A_448 = arith.index_cast %add3A_447 : i32 to index
        %get3A_449 = arith.constant 32 : index
        %get3A_450 = tpu.vector_load %arg18[%get3A_448, %get3A_449] {strides = array<i32>} : memref<80x128xf32, #tpu.memory_space<vmem>>, vector<16xf32>,
        %add3A_451 = arith.addf %add3A_443, %get3A_450 : vector<16xf32>
        %mul3A_452 = arith.constant 10 : i32
        %mul3A_453 = arith.muli %scan3A_248, %mul3A_452 : i32
        %add3A_454 = arith.constant 6 : i32
        %add3A_455 = arith.addi %mul3A_453, %add3A_454 : i32
        %get3A_456 = arith.index_cast %add3A_455 : i32 to index
        %get3A_457 = arith.constant 32 : index
        %get3A_458 = tpu.vector_load %arg18[%get3A_456, %get3A_457] {strides = array<i32>} : memref<80x128xf32, #tpu.memory_space<vmem>>, vector<16xf32>,
        %add3A_459 = arith.addf %add3A_451, %get3A_458 : vector<16xf32>
        %mul3A_460 = arith.constant 10 : i32
        %mul3A_461 = arith.muli %scan3A_248, %mul3A_460 : i32
        %add3A_462 = arith.constant 7 : i32
        %add3A_463 = arith.addi %mul3A_461, %add3A_462 : i32
        %get3A_464 = arith.index_cast %add3A_463 : i32 to index
        %get3A_465 = arith.constant 32 : index
        %get3A_466 = tpu.vector_load %arg18[%get3A_464, %get3A_465] {strides = array<i32>} : memref<80x128xf32, #tpu.memory_space<vmem>>, vector<16xf32>,
        %add3A_467 = arith.addf %add3A_459, %get3A_466 : vector<16xf32>
        %mul3A_468 = arith.constant 10 : i32
        %mul3A_469 = arith.muli %scan3A_248, %mul3A_468 : i32
        %add3A_470 = arith.constant 8 : i32
        %add3A_471 = arith.addi %mul3A_469, %add3A_470 : i32
        %get3A_472 = arith.index_cast %add3A_471 : i32 to index
        %get3A_473 = arith.constant 32 : index
        %get3A_474 = tpu.vector_load %arg18[%get3A_472, %get3A_473] {strides = array<i32>} : memref<80x128xf32, #tpu.memory_space<vmem>>, vector<16xf32>,
        %add3A_475 = arith.addf %add3A_467, %get3A_474 : vector<16xf32>
        %mul3A_476 = arith.constant 10 : i32
        %mul3A_477 = arith.muli %scan3A_248, %mul3A_476 : i32
        %add3A_478 = arith.constant 9 : i32
        %add3A_479 = arith.addi %mul3A_477, %add3A_478 : i32
        %get3A_480 = arith.index_cast %add3A_479 : i32 to index
        %get3A_481 = arith.constant 32 : index
        %get3A_482 = tpu.vector_load %arg18[%get3A_480, %get3A_481] {strides = array<i32>} : memref<80x128xf32, #tpu.memory_space<vmem>>, vector<16xf32>,
        %add3A_483 = arith.addf %add3A_475, %get3A_482 : vector<16xf32>
        %swap3A_484 = arith.index_cast %scan3A_248 : i32 to index
        %swap3A_485 = arith.constant 32 : index
        %swap3A_486 = tpu.vector_load %arg22[%swap3A_484, %swap3A_485] {strides = array<i32>} : memref<8x128xf32, #tpu.memory_space<vmem>>, vector<16xf32>,
        tpu.vector_store %arg22[%swap3A_484, %swap3A_485], %add3A_483 {strides = array<i32>} : memref<8x128xf32, #tpu.memory_space<vmem>>, vector<16xf32>,
        %mul3A_487 = arith.constant 10 : i32
        %mul3A_488 = arith.muli %scan3A_248, %mul3A_487 : i32
        %get3A_489 = arith.index_cast %mul3A_488 : i32 to index
        %get3A_490 = arith.constant 48 : index
        %get3A_491 = tpu.vector_load %arg18[%get3A_489, %get3A_490] {strides = array<i32>} : memref<80x128xf32, #tpu.memory_space<vmem>>, vector<16xf32>,
        %mul3A_492 = arith.constant 10 : i32
        %mul3A_493 = arith.muli %scan3A_248, %mul3A_492 : i32
        %add3A_494 = arith.constant 1 : i32
        %add3A_495 = arith.addi %mul3A_493, %add3A_494 : i32
        %get3A_496 = arith.index_cast %add3A_495 : i32 to index
        %get3A_497 = arith.constant 48 : index
        %get3A_498 = tpu.vector_load %arg18[%get3A_496, %get3A_497] {strides = array<i32>} : memref<80x128xf32, #tpu.memory_space<vmem>>, vector<16xf32>,
        %add3A_499 = arith.addf %get3A_491, %get3A_498 : vector<16xf32>
        %mul3A_500 = arith.constant 10 : i32
        %mul3A_501 = arith.muli %scan3A_248, %mul3A_500 : i32
        %add3A_502 = arith.constant 2 : i32
        %add3A_503 = arith.addi %mul3A_501, %add3A_502 : i32
        %get3A_504 = arith.index_cast %add3A_503 : i32 to index
        %get3A_505 = arith.constant 48 : index
        %get3A_506 = tpu.vector_load %arg18[%get3A_504, %get3A_505] {strides = array<i32>} : memref<80x128xf32, #tpu.memory_space<vmem>>, vector<16xf32>,
        %add3A_507 = arith.addf %add3A_499, %get3A_506 : vector<16xf32>
        %mul3A_508 = arith.constant 10 : i32
        %mul3A_509 = arith.muli %scan3A_248, %mul3A_508 : i32
        %add3A_510 = arith.constant 3 : i32
        %add3A_511 = arith.addi %mul3A_509, %add3A_510 : i32
        %get3A_512 = arith.index_cast %add3A_511 : i32 to index
        %get3A_513 = arith.constant 48 : index
        %get3A_514 = tpu.vector_load %arg18[%get3A_512, %get3A_513] {strides = array<i32>} : memref<80x128xf32, #tpu.memory_space<vmem>>, vector<16xf32>,
        %add3A_515 = arith.addf %add3A_507, %get3A_514 : vector<16xf32>
        %mul3A_516 = arith.constant 10 : i32
        %mul3A_517 = arith.muli %scan3A_248, %mul3A_516 : i32
        %add3A_518 = arith.constant 4 : i32
        %add3A_519 = arith.addi %mul3A_517, %add3A_518 : i32
        %get3A_520 = arith.index_cast %add3A_519 : i32 to index
        %get3A_521 = arith.constant 48 : index
        %get3A_522 = tpu.vector_load %arg18[%get3A_520, %get3A_521] {strides = array<i32>} : memref<80x128xf32, #tpu.memory_space<vmem>>, vector<16xf32>,
        %add3A_523 = arith.addf %add3A_515, %get3A_522 : vector<16xf32>
        %mul3A_524 = arith.constant 10 : i32
        %mul3A_525 = arith.muli %scan3A_248, %mul3A_524 : i32
        %add3A_526 = arith.constant 5 : i32
        %add3A_527 = arith.addi %mul3A_525, %add3A_526 : i32
        %get3A_528 = arith.index_cast %add3A_527 : i32 to index
        %get3A_529 = arith.constant 48 : index
        %get3A_530 = tpu.vector_load %arg18[%get3A_528, %get3A_529] {strides = array<i32>} : memref<80x128xf32, #tpu.memory_space<vmem>>, vector<16xf32>,
        %add3A_531 = arith.addf %add3A_523, %get3A_530 : vector<16xf32>
        %mul3A_532 = arith.constant 10 : i32
        %mul3A_533 = arith.muli %scan3A_248, %mul3A_532 : i32
        %add3A_534 = arith.constant 6 : i32
        %add3A_535 = arith.addi %mul3A_533, %add3A_534 : i32
        %get3A_536 = arith.index_cast %add3A_535 : i32 to index
        %get3A_537 = arith.constant 48 : index
        %get3A_538 = tpu.vector_load %arg18[%get3A_536, %get3A_537] {strides = array<i32>} : memref<80x128xf32, #tpu.memory_space<vmem>>, vector<16xf32>,
        %add3A_539 = arith.addf %add3A_531, %get3A_538 : vector<16xf32>
        %mul3A_540 = arith.constant 10 : i32
        %mul3A_541 = arith.muli %scan3A_248, %mul3A_540 : i32
        %add3A_542 = arith.constant 7 : i32
        %add3A_543 = arith.addi %mul3A_541, %add3A_542 : i32
        %get3A_544 = arith.index_cast %add3A_543 : i32 to index
        %get3A_545 = arith.constant 48 : index
        %get3A_546 = tpu.vector_load %arg18[%get3A_544, %get3A_545] {strides = array<i32>} : memref<80x128xf32, #tpu.memory_space<vmem>>, vector<16xf32>,
        %add3A_547 = arith.addf %add3A_539, %get3A_546 : vector<16xf32>
        %mul3A_548 = arith.constant 10 : i32
        %mul3A_549 = arith.muli %scan3A_248, %mul3A_548 : i32
        %add3A_550 = arith.constant 8 : i32
        %add3A_551 = arith.addi %mul3A_549, %add3A_550 : i32
        %get3A_552 = arith.index_cast %add3A_551 : i32 to index
        %get3A_553 = arith.constant 48 : index
        %get3A_554 = tpu.vector_load %arg18[%get3A_552, %get3A_553] {strides = array<i32>} : memref<80x128xf32, #tpu.memory_space<vmem>>, vector<16xf32>,
        %add3A_555 = arith.addf %add3A_547, %get3A_554 : vector<16xf32>
        %mul3A_556 = arith.constant 10 : i32
        %mul3A_557 = arith.muli %scan3A_248, %mul3A_556 : i32
        %add3A_558 = arith.constant 9 : i32
        %add3A_559 = arith.addi %mul3A_557, %add3A_558 : i32
        %get3A_560 = arith.index_cast %add3A_559 : i32 to index
        %get3A_561 = arith.constant 48 : index
        %get3A_562 = tpu.vector_load %arg18[%get3A_560, %get3A_561] {strides = array<i32>} : memref<80x128xf32, #tpu.memory_space<vmem>>, vector<16xf32>,
        %add3A_563 = arith.addf %add3A_555, %get3A_562 : vector<16xf32>
        %swap3A_564 = arith.index_cast %scan3A_248 : i32 to index
        %swap3A_565 = arith.constant 48 : index
        %swap3A_566 = tpu.vector_load %arg22[%swap3A_564, %swap3A_565] {strides = array<i32>} : memref<8x128xf32, #tpu.memory_space<vmem>>, vector<16xf32>,
        tpu.vector_store %arg22[%swap3A_564, %swap3A_565], %add3A_563 {strides = array<i32>} : memref<8x128xf32, #tpu.memory_space<vmem>>, vector<16xf32>,
        %mul3A_567 = arith.constant 10 : i32
        %mul3A_568 = arith.muli %scan3A_248, %mul3A_567 : i32
        %get3A_569 = arith.index_cast %mul3A_568 : i32 to index
        %get3A_570 = arith.constant 64 : index
        %get3A_571 = tpu.vector_load %arg18[%get3A_569, %get3A_570] {strides = array<i32>} : memref<80x128xf32, #tpu.memory_space<vmem>>, vector<16xf32>,
        %mul3A_572 = arith.constant 10 : i32
        %mul3A_573 = arith.muli %scan3A_248, %mul3A_572 : i32
        %add3A_574 = arith.constant 1 : i32
        %add3A_575 = arith.addi %mul3A_573, %add3A_574 : i32
        %get3A_576 = arith.index_cast %add3A_575 : i32 to index
        %get3A_577 = arith.constant 64 : index
        %get3A_578 = tpu.vector_load %arg18[%get3A_576, %get3A_577] {strides = array<i32>} : memref<80x128xf32, #tpu.memory_space<vmem>>, vector<16xf32>,
        %add3A_579 = arith.addf %get3A_571, %get3A_578 : vector<16xf32>
        %mul3A_580 = arith.constant 10 : i32
        %mul3A_581 = arith.muli %scan3A_248, %mul3A_580 : i32
        %add3A_582 = arith.constant 2 : i32
        %add3A_583 = arith.addi %mul3A_581, %add3A_582 : i32
        %get3A_584 = arith.index_cast %add3A_583 : i32 to index
        %get3A_585 = arith.constant 64 : index
        %get3A_586 = tpu.vector_load %arg18[%get3A_584, %get3A_585] {strides = array<i32>} : memref<80x128xf32, #tpu.memory_space<vmem>>, vector<16xf32>,
        %add3A_587 = arith.addf %add3A_579, %get3A_586 : vector<16xf32>
        %mul3A_588 = arith.constant 10 : i32
        %mul3A_589 = arith.muli %scan3A_248, %mul3A_588 : i32
        %add3A_590 = arith.constant 3 : i32
        %add3A_591 = arith.addi %mul3A_589, %add3A_590 : i32
        %get3A_592 = arith.index_cast %add3A_591 : i32 to index
        %get3A_593 = arith.constant 64 : index
        %get3A_594 = tpu.vector_load %arg18[%get3A_592, %get3A_593] {strides = array<i32>} : memref<80x128xf32, #tpu.memory_space<vmem>>, vector<16xf32>,
        %add3A_595 = arith.addf %add3A_587, %get3A_594 : vector<16xf32>
        %mul3A_596 = arith.constant 10 : i32
        %mul3A_597 = arith.muli %scan3A_248, %mul3A_596 : i32
        %add3A_598 = arith.constant 4 : i32
        %add3A_599 = arith.addi %mul3A_597, %add3A_598 : i32
        %get3A_600 = arith.index_cast %add3A_599 : i32 to index
        %get3A_601 = arith.constant 64 : index
        %get3A_602 = tpu.vector_load %arg18[%get3A_600, %get3A_601] {strides = array<i32>} : memref<80x128xf32, #tpu.memory_space<vmem>>, vector<16xf32>,
        %add3A_603 = arith.addf %add3A_595, %get3A_602 : vector<16xf32>
        %mul3A_604 = arith.constant 10 : i32
        %mul3A_605 = arith.muli %scan3A_248, %mul3A_604 : i32
        %add3A_606 = arith.constant 5 : i32
        %add3A_607 = arith.addi %mul3A_605, %add3A_606 : i32
        %get3A_608 = arith.index_cast %add3A_607 : i32 to index
        %get3A_609 = arith.constant 64 : index
        %get3A_610 = tpu.vector_load %arg18[%get3A_608, %get3A_609] {strides = array<i32>} : memref<80x128xf32, #tpu.memory_space<vmem>>, vector<16xf32>,
        %add3A_611 = arith.addf %add3A_603, %get3A_610 : vector<16xf32>
        %mul3A_612 = arith.constant 10 : i32
        %mul3A_613 = arith.muli %scan3A_248, %mul3A_612 : i32
        %add3A_614 = arith.constant 6 : i32
        %add3A_615 = arith.addi %mul3A_613, %add3A_614 : i32
        %get3A_616 = arith.index_cast %add3A_615 : i32 to index
        %get3A_617 = arith.constant 64 : index
        %get3A_618 = tpu.vector_load %arg18[%get3A_616, %get3A_617] {strides = array<i32>} : memref<80x128xf32, #tpu.memory_space<vmem>>, vector<16xf32>,
        %add3A_619 = arith.addf %add3A_611, %get3A_618 : vector<16xf32>
        %mul3A_620 = arith.constant 10 : i32
        %mul3A_621 = arith.muli %scan3A_248, %mul3A_620 : i32
        %add3A_622 = arith.constant 7 : i32
        %add3A_623 = arith.addi %mul3A_621, %add3A_622 : i32
        %get3A_624 = arith.index_cast %add3A_623 : i32 to index
        %get3A_625 = arith.constant 64 : index
        %get3A_626 = tpu.vector_load %arg18[%get3A_624, %get3A_625] {strides = array<i32>} : memref<80x128xf32, #tpu.memory_space<vmem>>, vector<16xf32>,
        %add3A_627 = arith.addf %add3A_619, %get3A_626 : vector<16xf32>
        %mul3A_628 = arith.constant 10 : i32
        %mul3A_629 = arith.muli %scan3A_248, %mul3A_628 : i32
        %add3A_630 = arith.constant 8 : i32
        %add3A_631 = arith.addi %mul3A_629, %add3A_630 : i32
        %get3A_632 = arith.index_cast %add3A_631 : i32 to index
        %get3A_633 = arith.constant 64 : index
        %get3A_634 = tpu.vector_load %arg18[%get3A_632, %get3A_633] {strides = array<i32>} : memref<80x128xf32, #tpu.memory_space<vmem>>, vector<16xf32>,
        %add3A_635 = arith.addf %add3A_627, %get3A_634 : vector<16xf32>
        %mul3A_636 = arith.constant 10 : i32
        %mul3A_637 = arith.muli %scan3A_248, %mul3A_636 : i32
        %add3A_638 = arith.constant 9 : i32
        %add3A_639 = arith.addi %mul3A_637, %add3A_638 : i32
        %get3A_640 = arith.index_cast %add3A_639 : i32 to index
        %get3A_641 = arith.constant 64 : index
        %get3A_642 = tpu.vector_load %arg18[%get3A_640, %get3A_641] {strides = array<i32>} : memref<80x128xf32, #tpu.memory_space<vmem>>, vector<16xf32>,
        %add3A_643 = arith.addf %add3A_635, %get3A_642 : vector<16xf32>
        %swap3A_644 = arith.index_cast %scan3A_248 : i32 to index
        %swap3A_645 = arith.constant 64 : index
        %swap3A_646 = tpu.vector_load %arg22[%swap3A_644, %swap3A_645] {strides = array<i32>} : memref<8x128xf32, #tpu.memory_space<vmem>>, vector<16xf32>,
        tpu.vector_store %arg22[%swap3A_644, %swap3A_645], %add3A_643 {strides = array<i32>} : memref<8x128xf32, #tpu.memory_space<vmem>>, vector<16xf32>,
        %mul3A_647 = arith.constant 10 : i32
        %mul3A_648 = arith.muli %scan3A_248, %mul3A_647 : i32
        %get3A_649 = arith.index_cast %mul3A_648 : i32 to index
        %get3A_650 = arith.constant 80 : index
        %get3A_651 = tpu.vector_load %arg18[%get3A_649, %get3A_650] {strides = array<i32>} : memref<80x128xf32, #tpu.memory_space<vmem>>, vector<16xf32>,
        %mul3A_652 = arith.constant 10 : i32
        %mul3A_653 = arith.muli %scan3A_248, %mul3A_652 : i32
        %add3A_654 = arith.constant 1 : i32
        %add3A_655 = arith.addi %mul3A_653, %add3A_654 : i32
        %get3A_656 = arith.index_cast %add3A_655 : i32 to index
        %get3A_657 = arith.constant 80 : index
        %get3A_658 = tpu.vector_load %arg18[%get3A_656, %get3A_657] {strides = array<i32>} : memref<80x128xf32, #tpu.memory_space<vmem>>, vector<16xf32>,
        %add3A_659 = arith.addf %get3A_651, %get3A_658 : vector<16xf32>
        %mul3A_660 = arith.constant 10 : i32
        %mul3A_661 = arith.muli %scan3A_248, %mul3A_660 : i32
        %add3A_662 = arith.constant 2 : i32
        %add3A_663 = arith.addi %mul3A_661, %add3A_662 : i32
        %get3A_664 = arith.index_cast %add3A_663 : i32 to index
        %get3A_665 = arith.constant 80 : index
        %get3A_666 = tpu.vector_load %arg18[%get3A_664, %get3A_665] {strides = array<i32>} : memref<80x128xf32, #tpu.memory_space<vmem>>, vector<16xf32>,
        %add3A_667 = arith.addf %add3A_659, %get3A_666 : vector<16xf32>
        %mul3A_668 = arith.constant 10 : i32
        %mul3A_669 = arith.muli %scan3A_248, %mul3A_668 : i32
        %add3A_670 = arith.constant 3 : i32
        %add3A_671 = arith.addi %mul3A_669, %add3A_670 : i32
        %get3A_672 = arith.index_cast %add3A_671 : i32 to index
        %get3A_673 = arith.constant 80 : index
        %get3A_674 = tpu.vector_load %arg18[%get3A_672, %get3A_673] {strides = array<i32>} : memref<80x128xf32, #tpu.memory_space<vmem>>, vector<16xf32>,
        %add3A_675 = arith.addf %add3A_667, %get3A_674 : vector<16xf32>
        %mul3A_676 = arith.constant 10 : i32
        %mul3A_677 = arith.muli %scan3A_248, %mul3A_676 : i32
        %add3A_678 = arith.constant 4 : i32
        %add3A_679 = arith.addi %mul3A_677, %add3A_678 : i32
        %get3A_680 = arith.index_cast %add3A_679 : i32 to index
        %get3A_681 = arith.constant 80 : index
        %get3A_682 = tpu.vector_load %arg18[%get3A_680, %get3A_681] {strides = array<i32>} : memref<80x128xf32, #tpu.memory_space<vmem>>, vector<16xf32>,
        %add3A_683 = arith.addf %add3A_675, %get3A_682 : vector<16xf32>
        %mul3A_684 = arith.constant 10 : i32
        %mul3A_685 = arith.muli %scan3A_248, %mul3A_684 : i32
        %add3A_686 = arith.constant 5 : i32
        %add3A_687 = arith.addi %mul3A_685, %add3A_686 : i32
        %get3A_688 = arith.index_cast %add3A_687 : i32 to index
        %get3A_689 = arith.constant 80 : index
        %get3A_690 = tpu.vector_load %arg18[%get3A_688, %get3A_689] {strides = array<i32>} : memref<80x128xf32, #tpu.memory_space<vmem>>, vector<16xf32>,
        %add3A_691 = arith.addf %add3A_683, %get3A_690 : vector<16xf32>
        %mul3A_692 = arith.constant 10 : i32
        %mul3A_693 = arith.muli %scan3A_248, %mul3A_692 : i32
        %add3A_694 = arith.constant 6 : i32
        %add3A_695 = arith.addi %mul3A_693, %add3A_694 : i32
        %get3A_696 = arith.index_cast %add3A_695 : i32 to index
        %get3A_697 = arith.constant 80 : index
        %get3A_698 = tpu.vector_load %arg18[%get3A_696, %get3A_697] {strides = array<i32>} : memref<80x128xf32, #tpu.memory_space<vmem>>, vector<16xf32>,
        %add3A_699 = arith.addf %add3A_691, %get3A_698 : vector<16xf32>
        %mul3A_700 = arith.constant 10 : i32
        %mul3A_701 = arith.muli %scan3A_248, %mul3A_700 : i32
        %add3A_702 = arith.constant 7 : i32
        %add3A_703 = arith.addi %mul3A_701, %add3A_702 : i32
        %get3A_704 = arith.index_cast %add3A_703 : i32 to index
        %get3A_705 = arith.constant 80 : index
        %get3A_706 = tpu.vector_load %arg18[%get3A_704, %get3A_705] {strides = array<i32>} : memref<80x128xf32, #tpu.memory_space<vmem>>, vector<16xf32>,
        %add3A_707 = arith.addf %add3A_699, %get3A_706 : vector<16xf32>
        %mul3A_708 = arith.constant 10 : i32
        %mul3A_709 = arith.muli %scan3A_248, %mul3A_708 : i32
        %add3A_710 = arith.constant 8 : i32
        %add3A_711 = arith.addi %mul3A_709, %add3A_710 : i32
        %get3A_712 = arith.index_cast %add3A_711 : i32 to index
        %get3A_713 = arith.constant 80 : index
        %get3A_714 = tpu.vector_load %arg18[%get3A_712, %get3A_713] {strides = array<i32>} : memref<80x128xf32, #tpu.memory_space<vmem>>, vector<16xf32>,
        %add3A_715 = arith.addf %add3A_707, %get3A_714 : vector<16xf32>
        %mul3A_716 = arith.constant 10 : i32
        %mul3A_717 = arith.muli %scan3A_248, %mul3A_716 : i32
        %add3A_718 = arith.constant 9 : i32
        %add3A_719 = arith.addi %mul3A_717, %add3A_718 : i32
        %get3A_720 = arith.index_cast %add3A_719 : i32 to index
        %get3A_721 = arith.constant 80 : index
        %get3A_722 = tpu.vector_load %arg18[%get3A_720, %get3A_721] {strides = array<i32>} : memref<80x128xf32, #tpu.memory_space<vmem>>, vector<16xf32>,
        %add3A_723 = arith.addf %add3A_715, %get3A_722 : vector<16xf32>
        %swap3A_724 = arith.index_cast %scan3A_248 : i32 to index
        %swap3A_725 = arith.constant 80 : index
        %swap3A_726 = tpu.vector_load %arg22[%swap3A_724, %swap3A_725] {strides = array<i32>} : memref<8x128xf32, #tpu.memory_space<vmem>>, vector<16xf32>,
        tpu.vector_store %arg22[%swap3A_724, %swap3A_725], %add3A_723 {strides = array<i32>} : memref<8x128xf32, #tpu.memory_space<vmem>>, vector<16xf32>,
        %mul3A_727 = arith.constant 10 : i32
        %mul3A_728 = arith.muli %scan3A_248, %mul3A_727 : i32
        %get3A_729 = arith.index_cast %mul3A_728 : i32 to index
        %get3A_730 = arith.constant 96 : index
        %get3A_731 = tpu.vector_load %arg18[%get3A_729, %get3A_730] {strides = array<i32>} : memref<80x128xf32, #tpu.memory_space<vmem>>, vector<16xf32>,
        %mul3A_732 = arith.constant 10 : i32
        %mul3A_733 = arith.muli %scan3A_248, %mul3A_732 : i32
        %add3A_734 = arith.constant 1 : i32
        %add3A_735 = arith.addi %mul3A_733, %add3A_734 : i32
        %get3A_736 = arith.index_cast %add3A_735 : i32 to index
        %get3A_737 = arith.constant 96 : index
        %get3A_738 = tpu.vector_load %arg18[%get3A_736, %get3A_737] {strides = array<i32>} : memref<80x128xf32, #tpu.memory_space<vmem>>, vector<16xf32>,
        %add3A_739 = arith.addf %get3A_731, %get3A_738 : vector<16xf32>
        %mul3A_740 = arith.constant 10 : i32
        %mul3A_741 = arith.muli %scan3A_248, %mul3A_740 : i32
        %add3A_742 = arith.constant 2 : i32
        %add3A_743 = arith.addi %mul3A_741, %add3A_742 : i32
        %get3A_744 = arith.index_cast %add3A_743 : i32 to index
        %get3A_745 = arith.constant 96 : index
        %get3A_746 = tpu.vector_load %arg18[%get3A_744, %get3A_745] {strides = array<i32>} : memref<80x128xf32, #tpu.memory_space<vmem>>, vector<16xf32>,
        %add3A_747 = arith.addf %add3A_739, %get3A_746 : vector<16xf32>
        %mul3A_748 = arith.constant 10 : i32
        %mul3A_749 = arith.muli %scan3A_248, %mul3A_748 : i32
        %add3A_750 = arith.constant 3 : i32
        %add3A_751 = arith.addi %mul3A_749, %add3A_750 : i32
        %get3A_752 = arith.index_cast %add3A_751 : i32 to index
        %get3A_753 = arith.constant 96 : index
        %get3A_754 = tpu.vector_load %arg18[%get3A_752, %get3A_753] {strides = array<i32>} : memref<80x128xf32, #tpu.memory_space<vmem>>, vector<16xf32>,
        %add3A_755 = arith.addf %add3A_747, %get3A_754 : vector<16xf32>
        %mul3A_756 = arith.constant 10 : i32
        %mul3A_757 = arith.muli %scan3A_248, %mul3A_756 : i32
        %add3A_758 = arith.constant 4 : i32
        %add3A_759 = arith.addi %mul3A_757, %add3A_758 : i32
        %get3A_760 = arith.index_cast %add3A_759 : i32 to index
        %get3A_761 = arith.constant 96 : index
        %get3A_762 = tpu.vector_load %arg18[%get3A_760, %get3A_761] {strides = array<i32>} : memref<80x128xf32, #tpu.memory_space<vmem>>, vector<16xf32>,
        %add3A_763 = arith.addf %add3A_755, %get3A_762 : vector<16xf32>
        %mul3A_764 = arith.constant 10 : i32
        %mul3A_765 = arith.muli %scan3A_248, %mul3A_764 : i32
        %add3A_766 = arith.constant 5 : i32
        %add3A_767 = arith.addi %mul3A_765, %add3A_766 : i32
        %get3A_768 = arith.index_cast %add3A_767 : i32 to index
        %get3A_769 = arith.constant 96 : index
        %get3A_770 = tpu.vector_load %arg18[%get3A_768, %get3A_769] {strides = array<i32>} : memref<80x128xf32, #tpu.memory_space<vmem>>, vector<16xf32>,
        %add3A_771 = arith.addf %add3A_763, %get3A_770 : vector<16xf32>
        %mul3A_772 = arith.constant 10 : i32
        %mul3A_773 = arith.muli %scan3A_248, %mul3A_772 : i32
        %add3A_774 = arith.constant 6 : i32
        %add3A_775 = arith.addi %mul3A_773, %add3A_774 : i32
        %get3A_776 = arith.index_cast %add3A_775 : i32 to index
        %get3A_777 = arith.constant 96 : index
        %get3A_778 = tpu.vector_load %arg18[%get3A_776, %get3A_777] {strides = array<i32>} : memref<80x128xf32, #tpu.memory_space<vmem>>, vector<16xf32>,
        %add3A_779 = arith.addf %add3A_771, %get3A_778 : vector<16xf32>
        %mul3A_780 = arith.constant 10 : i32
        %mul3A_781 = arith.muli %scan3A_248, %mul3A_780 : i32
        %add3A_782 = arith.constant 7 : i32
        %add3A_783 = arith.addi %mul3A_781, %add3A_782 : i32
        %get3A_784 = arith.index_cast %add3A_783 : i32 to index
        %get3A_785 = arith.constant 96 : index
        %get3A_786 = tpu.vector_load %arg18[%get3A_784, %get3A_785] {strides = array<i32>} : memref<80x128xf32, #tpu.memory_space<vmem>>, vector<16xf32>,
        %add3A_787 = arith.addf %add3A_779, %get3A_786 : vector<16xf32>
        %mul3A_788 = arith.constant 10 : i32
        %mul3A_789 = arith.muli %scan3A_248, %mul3A_788 : i32
        %add3A_790 = arith.constant 8 : i32
        %add3A_791 = arith.addi %mul3A_789, %add3A_790 : i32
        %get3A_792 = arith.index_cast %add3A_791 : i32 to index
        %get3A_793 = arith.constant 96 : index
        %get3A_794 = tpu.vector_load %arg18[%get3A_792, %get3A_793] {strides = array<i32>} : memref<80x128xf32, #tpu.memory_space<vmem>>, vector<16xf32>,
        %add3A_795 = arith.addf %add3A_787, %get3A_794 : vector<16xf32>
        %mul3A_796 = arith.constant 10 : i32
        %mul3A_797 = arith.muli %scan3A_248, %mul3A_796 : i32
        %add3A_798 = arith.constant 9 : i32
        %add3A_799 = arith.addi %mul3A_797, %add3A_798 : i32
        %get3A_800 = arith.index_cast %add3A_799 : i32 to index
        %get3A_801 = arith.constant 96 : index
        %get3A_802 = tpu.vector_load %arg18[%get3A_800, %get3A_801] {strides = array<i32>} : memref<80x128xf32, #tpu.memory_space<vmem>>, vector<16xf32>,
        %add3A_803 = arith.addf %add3A_795, %get3A_802 : vector<16xf32>
        %swap3A_804 = arith.index_cast %scan3A_248 : i32 to index
        %swap3A_805 = arith.constant 96 : index
        %swap3A_806 = tpu.vector_load %arg22[%swap3A_804, %swap3A_805] {strides = array<i32>} : memref<8x128xf32, #tpu.memory_space<vmem>>, vector<16xf32>,
        tpu.vector_store %arg22[%swap3A_804, %swap3A_805], %add3A_803 {strides = array<i32>} : memref<8x128xf32, #tpu.memory_space<vmem>>, vector<16xf32>,
        %mul3A_807 = arith.constant 10 : i32
        %mul3A_808 = arith.muli %scan3A_248, %mul3A_807 : i32
        %get3A_809 = arith.index_cast %mul3A_808 : i32 to index
        %get3A_810 = arith.constant 112 : index
        %get3A_811 = tpu.vector_load %arg18[%get3A_809, %get3A_810] {strides = array<i32>} : memref<80x128xf32, #tpu.memory_space<vmem>>, vector<16xf32>,
        %mul3A_812 = arith.constant 10 : i32
        %mul3A_813 = arith.muli %scan3A_248, %mul3A_812 : i32
        %add3A_814 = arith.constant 1 : i32
        %add3A_815 = arith.addi %mul3A_813, %add3A_814 : i32
        %get3A_816 = arith.index_cast %add3A_815 : i32 to index
        %get3A_817 = arith.constant 112 : index
        %get3A_818 = tpu.vector_load %arg18[%get3A_816, %get3A_817] {strides = array<i32>} : memref<80x128xf32, #tpu.memory_space<vmem>>, vector<16xf32>,
        %add3A_819 = arith.addf %get3A_811, %get3A_818 : vector<16xf32>
        %mul3A_820 = arith.constant 10 : i32
        %mul3A_821 = arith.muli %scan3A_248, %mul3A_820 : i32
        %add3A_822 = arith.constant 2 : i32
        %add3A_823 = arith.addi %mul3A_821, %add3A_822 : i32
        %get3A_824 = arith.index_cast %add3A_823 : i32 to index
        %get3A_825 = arith.constant 112 : index
        %get3A_826 = tpu.vector_load %arg18[%get3A_824, %get3A_825] {strides = array<i32>} : memref<80x128xf32, #tpu.memory_space<vmem>>, vector<16xf32>,
        %add3A_827 = arith.addf %add3A_819, %get3A_826 : vector<16xf32>
        %mul3A_828 = arith.constant 10 : i32
        %mul3A_829 = arith.muli %scan3A_248, %mul3A_828 : i32
        %add3A_830 = arith.constant 3 : i32
        %add3A_831 = arith.addi %mul3A_829, %add3A_830 : i32
        %get3A_832 = arith.index_cast %add3A_831 : i32 to index
        %get3A_833 = arith.constant 112 : index
        %get3A_834 = tpu.vector_load %arg18[%get3A_832, %get3A_833] {strides = array<i32>} : memref<80x128xf32, #tpu.memory_space<vmem>>, vector<16xf32>,
        %add3A_835 = arith.addf %add3A_827, %get3A_834 : vector<16xf32>
        %mul3A_836 = arith.constant 10 : i32
        %mul3A_837 = arith.muli %scan3A_248, %mul3A_836 : i32
        %add3A_838 = arith.constant 4 : i32
        %add3A_839 = arith.addi %mul3A_837, %add3A_838 : i32
        %get3A_840 = arith.index_cast %add3A_839 : i32 to index
        %get3A_841 = arith.constant 112 : index
        %get3A_842 = tpu.vector_load %arg18[%get3A_840, %get3A_841] {strides = array<i32>} : memref<80x128xf32, #tpu.memory_space<vmem>>, vector<16xf32>,
        %add3A_843 = arith.addf %add3A_835, %get3A_842 : vector<16xf32>
        %mul3A_844 = arith.constant 10 : i32
        %mul3A_845 = arith.muli %scan3A_248, %mul3A_844 : i32
        %add3A_846 = arith.constant 5 : i32
        %add3A_847 = arith.addi %mul3A_845, %add3A_846 : i32
        %get3A_848 = arith.index_cast %add3A_847 : i32 to index
        %get3A_849 = arith.constant 112 : index
        %get3A_850 = tpu.vector_load %arg18[%get3A_848, %get3A_849] {strides = array<i32>} : memref<80x128xf32, #tpu.memory_space<vmem>>, vector<16xf32>,
        %add3A_851 = arith.addf %add3A_843, %get3A_850 : vector<16xf32>
        %mul3A_852 = arith.constant 10 : i32
        %mul3A_853 = arith.muli %scan3A_248, %mul3A_852 : i32
        %add3A_854 = arith.constant 6 : i32
        %add3A_855 = arith.addi %mul3A_853, %add3A_854 : i32
        %get3A_856 = arith.index_cast %add3A_855 : i32 to index
        %get3A_857 = arith.constant 112 : index
        %get3A_858 = tpu.vector_load %arg18[%get3A_856, %get3A_857] {strides = array<i32>} : memref<80x128xf32, #tpu.memory_space<vmem>>, vector<16xf32>,
        %add3A_859 = arith.addf %add3A_851, %get3A_858 : vector<16xf32>
        %mul3A_860 = arith.constant 10 : i32
        %mul3A_861 = arith.muli %scan3A_248, %mul3A_860 : i32
        %add3A_862 = arith.constant 7 : i32
        %add3A_863 = arith.addi %mul3A_861, %add3A_862 : i32
        %get3A_864 = arith.index_cast %add3A_863 : i32 to index
        %get3A_865 = arith.constant 112 : index
        %get3A_866 = tpu.vector_load %arg18[%get3A_864, %get3A_865] {strides = array<i32>} : memref<80x128xf32, #tpu.memory_space<vmem>>, vector<16xf32>,
        %add3A_867 = arith.addf %add3A_859, %get3A_866 : vector<16xf32>
        %mul3A_868 = arith.constant 10 : i32
        %mul3A_869 = arith.muli %scan3A_248, %mul3A_868 : i32
        %add3A_870 = arith.constant 8 : i32
        %add3A_871 = arith.addi %mul3A_869, %add3A_870 : i32
        %get3A_872 = arith.index_cast %add3A_871 : i32 to index
        %get3A_873 = arith.constant 112 : index
        %get3A_874 = tpu.vector_load %arg18[%get3A_872, %get3A_873] {strides = array<i32>} : memref<80x128xf32, #tpu.memory_space<vmem>>, vector<16xf32>,
        %add3A_875 = arith.addf %add3A_867, %get3A_874 : vector<16xf32>
        %mul3A_876 = arith.constant 10 : i32
        %mul3A_877 = arith.muli %scan3A_248, %mul3A_876 : i32
        %add3A_878 = arith.constant 9 : i32
        %add3A_879 = arith.addi %mul3A_877, %add3A_878 : i32
        %get3A_880 = arith.index_cast %add3A_879 : i32 to index
        %get3A_881 = arith.constant 112 : index
        %get3A_882 = tpu.vector_load %arg18[%get3A_880, %get3A_881] {strides = array<i32>} : memref<80x128xf32, #tpu.memory_space<vmem>>, vector<16xf32>,
        %add3A_883 = arith.addf %add3A_875, %get3A_882 : vector<16xf32>
        %swap3A_884 = arith.index_cast %scan3A_248 : i32 to index
        %swap3A_885 = arith.constant 112 : index
        %swap3A_886 = tpu.vector_load %arg22[%swap3A_884, %swap3A_885] {strides = array<i32>} : memref<8x128xf32, #tpu.memory_space<vmem>>, vector<16xf32>,
        tpu.vector_store %arg22[%swap3A_884, %swap3A_885], %add3A_883 {strides = array<i32>} : memref<8x128xf32, #tpu.memory_space<vmem>>, vector<16xf32>,
      }
      %scan3A_198 = arith.constant 8 : i32
      %mul3A_199 = arith.constant 8 : i32
      %mul3A_200 = arith.muli %add3A_181, %mul3A_199 : i32
      %add3A_201 = arith.addi %mul3A_4, %mul3A_200 : i32
      %dma_start3A_202 = arith.constant 0 : i32
      %dma_start3A_203 = tpu.memref_slice %arg10[%add3A_201, %dma_start3A_202] : memref<25600x128xf32, #tpu.memory_space<hbm>> -> memref<8x128xf32, #tpu.memory_space<hbm>>
      %dma_start3A_204 = arith.constant 0 : i32
      %dma_start3A_205 = tpu.memref_slice %arg10[%add3A_201, %dma_start3A_204] : memref<25600x128xf32, #tpu.memory_space<hbm>> -> memref<8x128xf32, #tpu.memory_space<hbm>>
      tpu.enqueue_dma source(%arg22 : memref<8x128xf32, #tpu.memory_space<vmem>>) target(%dma_start3A_205 : memref<8x128xf32, #tpu.memory_space<hbm>>) target_semaphore(%arg36 : memref<!tpu.dma_semaphore, #tpu.memory_space<semaphore_mem>>)
      %add3A_206 = arith.constant 4 : i32
      %add3A_207 = arith.addi %add3A_181, %add3A_206 : i32
      %lt3A_208 = arith.constant 100 : i32
      %lt3A_209 = arith.cmpi slt, %add3A_207, %lt3A_208 : i32
      %convert_element_type3A_210 = arith.extui %lt3A_209 : i1 to i32
      %cond3A_211 = arith.constant 0 : i32
      %cond3A_212 = arith.cmpi ne, %convert_element_type3A_210, %cond3A_211 : i32
      scf.if %cond3A_212 {
        %add3A_248 = arith.constant 4 : i32
        %add3A_249 = arith.addi %add3A_181, %add3A_248 : i32
        %mul3A_250 = arith.constant 80 : i32
        %mul3A_251 = arith.muli %add3A_249, %mul3A_250 : i32
        %dma_start3A_252 = tpu.memref_slice %arg13[%mul3A_251] : memref<8000xi32, #tpu.memory_space<vmem>> -> memref<80xi32, #tpu.memory_space<vmem>>
        %dma_start3A_253 = arith.constant 0 : i32
        %dma_start3A_254 = arith.constant 0 : i32
        %dma_start3A_255 = tpu.memref_slice %arg5[%dma_start3A_253, %dma_start3A_254] : memref<10000x128xf32, #tpu.memory_space<hbm>> -> memref<10000x128xf32, #tpu.memory_space<hbm>>
        tpu.enqueue_indirect_dma source(%dma_start3A_255 : memref<10000x128xf32, #tpu.memory_space<hbm>>) target(%arg18 : memref<80x128xf32, #tpu.memory_space<vmem>>) offsets(%dma_start3A_252 : memref<80xi32, #tpu.memory_space<vmem>>) semaphore(%arg30 : memref<!tpu.dma_semaphore, #tpu.memory_space<semaphore_mem>>)
      } else {
      }
      %mul3A_213 = arith.constant 4 : i32
      %mul3A_214 = arith.muli %mul3A_213, %scan3A_111 : i32
      %add3A_215 = arith.constant 3 : i32
      %add3A_216 = arith.addi %mul3A_214, %add3A_215 : i32
      %mul3A_217 = arith.constant 80 : i32
      %mul3A_218 = arith.muli %add3A_216, %mul3A_217 : i32
      %dma_wait3A_219 = tpu.memref_slice %arg13[%mul3A_218] : memref<8000xi32, #tpu.memory_space<vmem>> -> memref<80xi32, #tpu.memory_space<vmem>>
      %dma_wait3A_220 = arith.constant 0 : i32
      %dma_wait3A_221 = arith.constant 0 : i32
      %dma_wait3A_222 = tpu.memref_slice %arg5[%dma_wait3A_220, %dma_wait3A_221] : memref<10000x128xf32, #tpu.memory_space<hbm>> -> memref<10000x128xf32, #tpu.memory_space<hbm>>
      tpu.wait_indirect_dma semaphore(%arg31 : memref<!tpu.dma_semaphore, #tpu.memory_space<semaphore_mem>>) src(%dma_wait3A_222 : memref<10000x128xf32, #tpu.memory_space<hbm>>) dst(%arg19 : memref<80x128xf32, #tpu.memory_space<vmem>>)
      %ge3A_223 = arith.constant 4 : i32
      %ge3A_224 = arith.cmpi sge, %add3A_216, %ge3A_223 : i32
      %convert_element_type3A_225 = arith.extui %ge3A_224 : i1 to i32
      %cond3A_226 = arith.constant 0 : i32
      %cond3A_227 = arith.cmpi ne, %convert_element_type3A_225, %cond3A_226 : i32
      scf.if %cond3A_227 {
        %sub3A = arith.constant 4 : i32
        %sub3A_248 = arith.subi %add3A_216, %sub3A : i32
        %mul3A_249 = arith.constant 8 : i32
        %mul3A_250 = arith.muli %sub3A_248, %mul3A_249 : i32
        %add3A_251 = arith.addi %mul3A_4, %mul3A_250 : i32
        %dma_wait3A_252 = arith.constant 0 : i32
        %dma_wait3A_253 = tpu.memref_slice %arg10[%add3A_251, %dma_wait3A_252] : memref<25600x128xf32, #tpu.memory_space<hbm>> -> memref<8x128xf32, #tpu.memory_space<hbm>>
        %dma_wait3A_254 = arith.constant 0 : i32
        %dma_wait3A_255 = tpu.memref_slice %arg10[%add3A_251, %dma_wait3A_254] : memref<25600x128xf32, #tpu.memory_space<hbm>> -> memref<8x128xf32, #tpu.memory_space<hbm>>
        tpu.wait_dma2 semaphore(%arg37 : memref<!tpu.dma_semaphore, #tpu.memory_space<semaphore_mem>>) src(%arg23 : memref<8x128xf32, #tpu.memory_space<vmem>>) dst(%dma_wait3A_255 : memref<8x128xf32, #tpu.memory_space<hbm>>)
      } else {
      }
      %scan3A_228 = arith.constant 0 : i32
      %scan3A_229 = arith.constant 0 : i32
      %scan3A_230 = arith.constant 8 : i32
      %scan3A_231 = arith.addi %scan3A_229, %scan3A_230 : i32
      %scan3A_232 = arith.constant 1 : i32
      scf.for %scan3A_248 = %scan3A_229 to %scan3A_231 step %scan3A_232  : i32 {
        %mul3A_249 = arith.constant 10 : i32
        %mul3A_250 = arith.muli %scan3A_248, %mul3A_249 : i32
        %get3A = arith.index_cast %mul3A_250 : i32 to index
        %get3A_251 = arith.constant 0 : index
        %get3A_252 = tpu.vector_load %arg19[%get3A, %get3A_251] {strides = array<i32>} : memref<80x128xf32, #tpu.memory_space<vmem>>, vector<16xf32>,
        %mul3A_253 = arith.constant 10 : i32
        %mul3A_254 = arith.muli %scan3A_248, %mul3A_253 : i32
        %add3A_255 = arith.constant 1 : i32
        %add3A_256 = arith.addi %mul3A_254, %add3A_255 : i32
        %get3A_257 = arith.index_cast %add3A_256 : i32 to index
        %get3A_258 = arith.constant 0 : index
        %get3A_259 = tpu.vector_load %arg19[%get3A_257, %get3A_258] {strides = array<i32>} : memref<80x128xf32, #tpu.memory_space<vmem>>, vector<16xf32>,
        %add3A_260 = arith.addf %get3A_252, %get3A_259 : vector<16xf32>
        %mul3A_261 = arith.constant 10 : i32
        %mul3A_262 = arith.muli %scan3A_248, %mul3A_261 : i32
        %add3A_263 = arith.constant 2 : i32
        %add3A_264 = arith.addi %mul3A_262, %add3A_263 : i32
        %get3A_265 = arith.index_cast %add3A_264 : i32 to index
        %get3A_266 = arith.constant 0 : index
        %get3A_267 = tpu.vector_load %arg19[%get3A_265, %get3A_266] {strides = array<i32>} : memref<80x128xf32, #tpu.memory_space<vmem>>, vector<16xf32>,
        %add3A_268 = arith.addf %add3A_260, %get3A_267 : vector<16xf32>
        %mul3A_269 = arith.constant 10 : i32
        %mul3A_270 = arith.muli %scan3A_248, %mul3A_269 : i32
        %add3A_271 = arith.constant 3 : i32
        %add3A_272 = arith.addi %mul3A_270, %add3A_271 : i32
        %get3A_273 = arith.index_cast %add3A_272 : i32 to index
        %get3A_274 = arith.constant 0 : index
        %get3A_275 = tpu.vector_load %arg19[%get3A_273, %get3A_274] {strides = array<i32>} : memref<80x128xf32, #tpu.memory_space<vmem>>, vector<16xf32>,
        %add3A_276 = arith.addf %add3A_268, %get3A_275 : vector<16xf32>
        %mul3A_277 = arith.constant 10 : i32
        %mul3A_278 = arith.muli %scan3A_248, %mul3A_277 : i32
        %add3A_279 = arith.constant 4 : i32
        %add3A_280 = arith.addi %mul3A_278, %add3A_279 : i32
        %get3A_281 = arith.index_cast %add3A_280 : i32 to index
        %get3A_282 = arith.constant 0 : index
        %get3A_283 = tpu.vector_load %arg19[%get3A_281, %get3A_282] {strides = array<i32>} : memref<80x128xf32, #tpu.memory_space<vmem>>, vector<16xf32>,
        %add3A_284 = arith.addf %add3A_276, %get3A_283 : vector<16xf32>
        %mul3A_285 = arith.constant 10 : i32
        %mul3A_286 = arith.muli %scan3A_248, %mul3A_285 : i32
        %add3A_287 = arith.constant 5 : i32
        %add3A_288 = arith.addi %mul3A_286, %add3A_287 : i32
        %get3A_289 = arith.index_cast %add3A_288 : i32 to index
        %get3A_290 = arith.constant 0 : index
        %get3A_291 = tpu.vector_load %arg19[%get3A_289, %get3A_290] {strides = array<i32>} : memref<80x128xf32, #tpu.memory_space<vmem>>, vector<16xf32>,
        %add3A_292 = arith.addf %add3A_284, %get3A_291 : vector<16xf32>
        %mul3A_293 = arith.constant 10 : i32
        %mul3A_294 = arith.muli %scan3A_248, %mul3A_293 : i32
        %add3A_295 = arith.constant 6 : i32
        %add3A_296 = arith.addi %mul3A_294, %add3A_295 : i32
        %get3A_297 = arith.index_cast %add3A_296 : i32 to index
        %get3A_298 = arith.constant 0 : index
        %get3A_299 = tpu.vector_load %arg19[%get3A_297, %get3A_298] {strides = array<i32>} : memref<80x128xf32, #tpu.memory_space<vmem>>, vector<16xf32>,
        %add3A_300 = arith.addf %add3A_292, %get3A_299 : vector<16xf32>
        %mul3A_301 = arith.constant 10 : i32
        %mul3A_302 = arith.muli %scan3A_248, %mul3A_301 : i32
        %add3A_303 = arith.constant 7 : i32
        %add3A_304 = arith.addi %mul3A_302, %add3A_303 : i32
        %get3A_305 = arith.index_cast %add3A_304 : i32 to index
        %get3A_306 = arith.constant 0 : index
        %get3A_307 = tpu.vector_load %arg19[%get3A_305, %get3A_306] {strides = array<i32>} : memref<80x128xf32, #tpu.memory_space<vmem>>, vector<16xf32>,
        %add3A_308 = arith.addf %add3A_300, %get3A_307 : vector<16xf32>
        %mul3A_309 = arith.constant 10 : i32
        %mul3A_310 = arith.muli %scan3A_248, %mul3A_309 : i32
        %add3A_311 = arith.constant 8 : i32
        %add3A_312 = arith.addi %mul3A_310, %add3A_311 : i32
        %get3A_313 = arith.index_cast %add3A_312 : i32 to index
        %get3A_314 = arith.constant 0 : index
        %get3A_315 = tpu.vector_load %arg19[%get3A_313, %get3A_314] {strides = array<i32>} : memref<80x128xf32, #tpu.memory_space<vmem>>, vector<16xf32>,
        %add3A_316 = arith.addf %add3A_308, %get3A_315 : vector<16xf32>
        %mul3A_317 = arith.constant 10 : i32
        %mul3A_318 = arith.muli %scan3A_248, %mul3A_317 : i32
        %add3A_319 = arith.constant 9 : i32
        %add3A_320 = arith.addi %mul3A_318, %add3A_319 : i32
        %get3A_321 = arith.index_cast %add3A_320 : i32 to index
        %get3A_322 = arith.constant 0 : index
        %get3A_323 = tpu.vector_load %arg19[%get3A_321, %get3A_322] {strides = array<i32>} : memref<80x128xf32, #tpu.memory_space<vmem>>, vector<16xf32>,
        %add3A_324 = arith.addf %add3A_316, %get3A_323 : vector<16xf32>
        %swap3A = arith.index_cast %scan3A_248 : i32 to index
        %swap3A_325 = arith.constant 0 : index
        %swap3A_326 = tpu.vector_load %arg23[%swap3A, %swap3A_325] {strides = array<i32>} : memref<8x128xf32, #tpu.memory_space<vmem>>, vector<16xf32>,
        tpu.vector_store %arg23[%swap3A, %swap3A_325], %add3A_324 {strides = array<i32>} : memref<8x128xf32, #tpu.memory_space<vmem>>, vector<16xf32>,
        %mul3A_327 = arith.constant 10 : i32
        %mul3A_328 = arith.muli %scan3A_248, %mul3A_327 : i32
        %get3A_329 = arith.index_cast %mul3A_328 : i32 to index
        %get3A_330 = arith.constant 16 : index
        %get3A_331 = tpu.vector_load %arg19[%get3A_329, %get3A_330] {strides = array<i32>} : memref<80x128xf32, #tpu.memory_space<vmem>>, vector<16xf32>,
        %mul3A_332 = arith.constant 10 : i32
        %mul3A_333 = arith.muli %scan3A_248, %mul3A_332 : i32
        %add3A_334 = arith.constant 1 : i32
        %add3A_335 = arith.addi %mul3A_333, %add3A_334 : i32
        %get3A_336 = arith.index_cast %add3A_335 : i32 to index
        %get3A_337 = arith.constant 16 : index
        %get3A_338 = tpu.vector_load %arg19[%get3A_336, %get3A_337] {strides = array<i32>} : memref<80x128xf32, #tpu.memory_space<vmem>>, vector<16xf32>,
        %add3A_339 = arith.addf %get3A_331, %get3A_338 : vector<16xf32>
        %mul3A_340 = arith.constant 10 : i32
        %mul3A_341 = arith.muli %scan3A_248, %mul3A_340 : i32
        %add3A_342 = arith.constant 2 : i32
        %add3A_343 = arith.addi %mul3A_341, %add3A_342 : i32
        %get3A_344 = arith.index_cast %add3A_343 : i32 to index
        %get3A_345 = arith.constant 16 : index
        %get3A_346 = tpu.vector_load %arg19[%get3A_344, %get3A_345] {strides = array<i32>} : memref<80x128xf32, #tpu.memory_space<vmem>>, vector<16xf32>,
        %add3A_347 = arith.addf %add3A_339, %get3A_346 : vector<16xf32>
        %mul3A_348 = arith.constant 10 : i32
        %mul3A_349 = arith.muli %scan3A_248, %mul3A_348 : i32
        %add3A_350 = arith.constant 3 : i32
        %add3A_351 = arith.addi %mul3A_349, %add3A_350 : i32
        %get3A_352 = arith.index_cast %add3A_351 : i32 to index
        %get3A_353 = arith.constant 16 : index
        %get3A_354 = tpu.vector_load %arg19[%get3A_352, %get3A_353] {strides = array<i32>} : memref<80x128xf32, #tpu.memory_space<vmem>>, vector<16xf32>,
        %add3A_355 = arith.addf %add3A_347, %get3A_354 : vector<16xf32>
        %mul3A_356 = arith.constant 10 : i32
        %mul3A_357 = arith.muli %scan3A_248, %mul3A_356 : i32
        %add3A_358 = arith.constant 4 : i32
        %add3A_359 = arith.addi %mul3A_357, %add3A_358 : i32
        %get3A_360 = arith.index_cast %add3A_359 : i32 to index
        %get3A_361 = arith.constant 16 : index
        %get3A_362 = tpu.vector_load %arg19[%get3A_360, %get3A_361] {strides = array<i32>} : memref<80x128xf32, #tpu.memory_space<vmem>>, vector<16xf32>,
        %add3A_363 = arith.addf %add3A_355, %get3A_362 : vector<16xf32>
        %mul3A_364 = arith.constant 10 : i32
        %mul3A_365 = arith.muli %scan3A_248, %mul3A_364 : i32
        %add3A_366 = arith.constant 5 : i32
        %add3A_367 = arith.addi %mul3A_365, %add3A_366 : i32
        %get3A_368 = arith.index_cast %add3A_367 : i32 to index
        %get3A_369 = arith.constant 16 : index
        %get3A_370 = tpu.vector_load %arg19[%get3A_368, %get3A_369] {strides = array<i32>} : memref<80x128xf32, #tpu.memory_space<vmem>>, vector<16xf32>,
        %add3A_371 = arith.addf %add3A_363, %get3A_370 : vector<16xf32>
        %mul3A_372 = arith.constant 10 : i32
        %mul3A_373 = arith.muli %scan3A_248, %mul3A_372 : i32
        %add3A_374 = arith.constant 6 : i32
        %add3A_375 = arith.addi %mul3A_373, %add3A_374 : i32
        %get3A_376 = arith.index_cast %add3A_375 : i32 to index
        %get3A_377 = arith.constant 16 : index
        %get3A_378 = tpu.vector_load %arg19[%get3A_376, %get3A_377] {strides = array<i32>} : memref<80x128xf32, #tpu.memory_space<vmem>>, vector<16xf32>,
        %add3A_379 = arith.addf %add3A_371, %get3A_378 : vector<16xf32>
        %mul3A_380 = arith.constant 10 : i32
        %mul3A_381 = arith.muli %scan3A_248, %mul3A_380 : i32
        %add3A_382 = arith.constant 7 : i32
        %add3A_383 = arith.addi %mul3A_381, %add3A_382 : i32
        %get3A_384 = arith.index_cast %add3A_383 : i32 to index
        %get3A_385 = arith.constant 16 : index
        %get3A_386 = tpu.vector_load %arg19[%get3A_384, %get3A_385] {strides = array<i32>} : memref<80x128xf32, #tpu.memory_space<vmem>>, vector<16xf32>,
        %add3A_387 = arith.addf %add3A_379, %get3A_386 : vector<16xf32>
        %mul3A_388 = arith.constant 10 : i32
        %mul3A_389 = arith.muli %scan3A_248, %mul3A_388 : i32
        %add3A_390 = arith.constant 8 : i32
        %add3A_391 = arith.addi %mul3A_389, %add3A_390 : i32
        %get3A_392 = arith.index_cast %add3A_391 : i32 to index
        %get3A_393 = arith.constant 16 : index
        %get3A_394 = tpu.vector_load %arg19[%get3A_392, %get3A_393] {strides = array<i32>} : memref<80x128xf32, #tpu.memory_space<vmem>>, vector<16xf32>,
        %add3A_395 = arith.addf %add3A_387, %get3A_394 : vector<16xf32>
        %mul3A_396 = arith.constant 10 : i32
        %mul3A_397 = arith.muli %scan3A_248, %mul3A_396 : i32
        %add3A_398 = arith.constant 9 : i32
        %add3A_399 = arith.addi %mul3A_397, %add3A_398 : i32
        %get3A_400 = arith.index_cast %add3A_399 : i32 to index
        %get3A_401 = arith.constant 16 : index
        %get3A_402 = tpu.vector_load %arg19[%get3A_400, %get3A_401] {strides = array<i32>} : memref<80x128xf32, #tpu.memory_space<vmem>>, vector<16xf32>,
        %add3A_403 = arith.addf %add3A_395, %get3A_402 : vector<16xf32>
        %swap3A_404 = arith.index_cast %scan3A_248 : i32 to index
        %swap3A_405 = arith.constant 16 : index
        %swap3A_406 = tpu.vector_load %arg23[%swap3A_404, %swap3A_405] {strides = array<i32>} : memref<8x128xf32, #tpu.memory_space<vmem>>, vector<16xf32>,
        tpu.vector_store %arg23[%swap3A_404, %swap3A_405], %add3A_403 {strides = array<i32>} : memref<8x128xf32, #tpu.memory_space<vmem>>, vector<16xf32>,
        %mul3A_407 = arith.constant 10 : i32
        %mul3A_408 = arith.muli %scan3A_248, %mul3A_407 : i32
        %get3A_409 = arith.index_cast %mul3A_408 : i32 to index
        %get3A_410 = arith.constant 32 : index
        %get3A_411 = tpu.vector_load %arg19[%get3A_409, %get3A_410] {strides = array<i32>} : memref<80x128xf32, #tpu.memory_space<vmem>>, vector<16xf32>,
        %mul3A_412 = arith.constant 10 : i32
        %mul3A_413 = arith.muli %scan3A_248, %mul3A_412 : i32
        %add3A_414 = arith.constant 1 : i32
        %add3A_415 = arith.addi %mul3A_413, %add3A_414 : i32
        %get3A_416 = arith.index_cast %add3A_415 : i32 to index
        %get3A_417 = arith.constant 32 : index
        %get3A_418 = tpu.vector_load %arg19[%get3A_416, %get3A_417] {strides = array<i32>} : memref<80x128xf32, #tpu.memory_space<vmem>>, vector<16xf32>,
        %add3A_419 = arith.addf %get3A_411, %get3A_418 : vector<16xf32>
        %mul3A_420 = arith.constant 10 : i32
        %mul3A_421 = arith.muli %scan3A_248, %mul3A_420 : i32
        %add3A_422 = arith.constant 2 : i32
        %add3A_423 = arith.addi %mul3A_421, %add3A_422 : i32
        %get3A_424 = arith.index_cast %add3A_423 : i32 to index
        %get3A_425 = arith.constant 32 : index
        %get3A_426 = tpu.vector_load %arg19[%get3A_424, %get3A_425] {strides = array<i32>} : memref<80x128xf32, #tpu.memory_space<vmem>>, vector<16xf32>,
        %add3A_427 = arith.addf %add3A_419, %get3A_426 : vector<16xf32>
        %mul3A_428 = arith.constant 10 : i32
        %mul3A_429 = arith.muli %scan3A_248, %mul3A_428 : i32
        %add3A_430 = arith.constant 3 : i32
        %add3A_431 = arith.addi %mul3A_429, %add3A_430 : i32
        %get3A_432 = arith.index_cast %add3A_431 : i32 to index
        %get3A_433 = arith.constant 32 : index
        %get3A_434 = tpu.vector_load %arg19[%get3A_432, %get3A_433] {strides = array<i32>} : memref<80x128xf32, #tpu.memory_space<vmem>>, vector<16xf32>,
        %add3A_435 = arith.addf %add3A_427, %get3A_434 : vector<16xf32>
        %mul3A_436 = arith.constant 10 : i32
        %mul3A_437 = arith.muli %scan3A_248, %mul3A_436 : i32
        %add3A_438 = arith.constant 4 : i32
        %add3A_439 = arith.addi %mul3A_437, %add3A_438 : i32
        %get3A_440 = arith.index_cast %add3A_439 : i32 to index
        %get3A_441 = arith.constant 32 : index
        %get3A_442 = tpu.vector_load %arg19[%get3A_440, %get3A_441] {strides = array<i32>} : memref<80x128xf32, #tpu.memory_space<vmem>>, vector<16xf32>,
        %add3A_443 = arith.addf %add3A_435, %get3A_442 : vector<16xf32>
        %mul3A_444 = arith.constant 10 : i32
        %mul3A_445 = arith.muli %scan3A_248, %mul3A_444 : i32
        %add3A_446 = arith.constant 5 : i32
        %add3A_447 = arith.addi %mul3A_445, %add3A_446 : i32
        %get3A_448 = arith.index_cast %add3A_447 : i32 to index
        %get3A_449 = arith.constant 32 : index
        %get3A_450 = tpu.vector_load %arg19[%get3A_448, %get3A_449] {strides = array<i32>} : memref<80x128xf32, #tpu.memory_space<vmem>>, vector<16xf32>,
        %add3A_451 = arith.addf %add3A_443, %get3A_450 : vector<16xf32>
        %mul3A_452 = arith.constant 10 : i32
        %mul3A_453 = arith.muli %scan3A_248, %mul3A_452 : i32
        %add3A_454 = arith.constant 6 : i32
        %add3A_455 = arith.addi %mul3A_453, %add3A_454 : i32
        %get3A_456 = arith.index_cast %add3A_455 : i32 to index
        %get3A_457 = arith.constant 32 : index
        %get3A_458 = tpu.vector_load %arg19[%get3A_456, %get3A_457] {strides = array<i32>} : memref<80x128xf32, #tpu.memory_space<vmem>>, vector<16xf32>,
        %add3A_459 = arith.addf %add3A_451, %get3A_458 : vector<16xf32>
        %mul3A_460 = arith.constant 10 : i32
        %mul3A_461 = arith.muli %scan3A_248, %mul3A_460 : i32
        %add3A_462 = arith.constant 7 : i32
        %add3A_463 = arith.addi %mul3A_461, %add3A_462 : i32
        %get3A_464 = arith.index_cast %add3A_463 : i32 to index
        %get3A_465 = arith.constant 32 : index
        %get3A_466 = tpu.vector_load %arg19[%get3A_464, %get3A_465] {strides = array<i32>} : memref<80x128xf32, #tpu.memory_space<vmem>>, vector<16xf32>,
        %add3A_467 = arith.addf %add3A_459, %get3A_466 : vector<16xf32>
        %mul3A_468 = arith.constant 10 : i32
        %mul3A_469 = arith.muli %scan3A_248, %mul3A_468 : i32
        %add3A_470 = arith.constant 8 : i32
        %add3A_471 = arith.addi %mul3A_469, %add3A_470 : i32
        %get3A_472 = arith.index_cast %add3A_471 : i32 to index
        %get3A_473 = arith.constant 32 : index
        %get3A_474 = tpu.vector_load %arg19[%get3A_472, %get3A_473] {strides = array<i32>} : memref<80x128xf32, #tpu.memory_space<vmem>>, vector<16xf32>,
        %add3A_475 = arith.addf %add3A_467, %get3A_474 : vector<16xf32>
        %mul3A_476 = arith.constant 10 : i32
        %mul3A_477 = arith.muli %scan3A_248, %mul3A_476 : i32
        %add3A_478 = arith.constant 9 : i32
        %add3A_479 = arith.addi %mul3A_477, %add3A_478 : i32
        %get3A_480 = arith.index_cast %add3A_479 : i32 to index
        %get3A_481 = arith.constant 32 : index
        %get3A_482 = tpu.vector_load %arg19[%get3A_480, %get3A_481] {strides = array<i32>} : memref<80x128xf32, #tpu.memory_space<vmem>>, vector<16xf32>,
        %add3A_483 = arith.addf %add3A_475, %get3A_482 : vector<16xf32>
        %swap3A_484 = arith.index_cast %scan3A_248 : i32 to index
        %swap3A_485 = arith.constant 32 : index
        %swap3A_486 = tpu.vector_load %arg23[%swap3A_484, %swap3A_485] {strides = array<i32>} : memref<8x128xf32, #tpu.memory_space<vmem>>, vector<16xf32>,
        tpu.vector_store %arg23[%swap3A_484, %swap3A_485], %add3A_483 {strides = array<i32>} : memref<8x128xf32, #tpu.memory_space<vmem>>, vector<16xf32>,
        %mul3A_487 = arith.constant 10 : i32
        %mul3A_488 = arith.muli %scan3A_248, %mul3A_487 : i32
        %get3A_489 = arith.index_cast %mul3A_488 : i32 to index
        %get3A_490 = arith.constant 48 : index
        %get3A_491 = tpu.vector_load %arg19[%get3A_489, %get3A_490] {strides = array<i32>} : memref<80x128xf32, #tpu.memory_space<vmem>>, vector<16xf32>,
        %mul3A_492 = arith.constant 10 : i32
        %mul3A_493 = arith.muli %scan3A_248, %mul3A_492 : i32
        %add3A_494 = arith.constant 1 : i32
        %add3A_495 = arith.addi %mul3A_493, %add3A_494 : i32
        %get3A_496 = arith.index_cast %add3A_495 : i32 to index
        %get3A_497 = arith.constant 48 : index
        %get3A_498 = tpu.vector_load %arg19[%get3A_496, %get3A_497] {strides = array<i32>} : memref<80x128xf32, #tpu.memory_space<vmem>>, vector<16xf32>,
        %add3A_499 = arith.addf %get3A_491, %get3A_498 : vector<16xf32>
        %mul3A_500 = arith.constant 10 : i32
        %mul3A_501 = arith.muli %scan3A_248, %mul3A_500 : i32
        %add3A_502 = arith.constant 2 : i32
        %add3A_503 = arith.addi %mul3A_501, %add3A_502 : i32
        %get3A_504 = arith.index_cast %add3A_503 : i32 to index
        %get3A_505 = arith.constant 48 : index
        %get3A_506 = tpu.vector_load %arg19[%get3A_504, %get3A_505] {strides = array<i32>} : memref<80x128xf32, #tpu.memory_space<vmem>>, vector<16xf32>,
        %add3A_507 = arith.addf %add3A_499, %get3A_506 : vector<16xf32>
        %mul3A_508 = arith.constant 10 : i32
        %mul3A_509 = arith.muli %scan3A_248, %mul3A_508 : i32
        %add3A_510 = arith.constant 3 : i32
        %add3A_511 = arith.addi %mul3A_509, %add3A_510 : i32
        %get3A_512 = arith.index_cast %add3A_511 : i32 to index
        %get3A_513 = arith.constant 48 : index
        %get3A_514 = tpu.vector_load %arg19[%get3A_512, %get3A_513] {strides = array<i32>} : memref<80x128xf32, #tpu.memory_space<vmem>>, vector<16xf32>,
        %add3A_515 = arith.addf %add3A_507, %get3A_514 : vector<16xf32>
        %mul3A_516 = arith.constant 10 : i32
        %mul3A_517 = arith.muli %scan3A_248, %mul3A_516 : i32
        %add3A_518 = arith.constant 4 : i32
        %add3A_519 = arith.addi %mul3A_517, %add3A_518 : i32
        %get3A_520 = arith.index_cast %add3A_519 : i32 to index
        %get3A_521 = arith.constant 48 : index
        %get3A_522 = tpu.vector_load %arg19[%get3A_520, %get3A_521] {strides = array<i32>} : memref<80x128xf32, #tpu.memory_space<vmem>>, vector<16xf32>,
        %add3A_523 = arith.addf %add3A_515, %get3A_522 : vector<16xf32>
        %mul3A_524 = arith.constant 10 : i32
        %mul3A_525 = arith.muli %scan3A_248, %mul3A_524 : i32
        %add3A_526 = arith.constant 5 : i32
        %add3A_527 = arith.addi %mul3A_525, %add3A_526 : i32
        %get3A_528 = arith.index_cast %add3A_527 : i32 to index
        %get3A_529 = arith.constant 48 : index
        %get3A_530 = tpu.vector_load %arg19[%get3A_528, %get3A_529] {strides = array<i32>} : memref<80x128xf32, #tpu.memory_space<vmem>>, vector<16xf32>,
        %add3A_531 = arith.addf %add3A_523, %get3A_530 : vector<16xf32>
        %mul3A_532 = arith.constant 10 : i32
        %mul3A_533 = arith.muli %scan3A_248, %mul3A_532 : i32
        %add3A_534 = arith.constant 6 : i32
        %add3A_535 = arith.addi %mul3A_533, %add3A_534 : i32
        %get3A_536 = arith.index_cast %add3A_535 : i32 to index
        %get3A_537 = arith.constant 48 : index
        %get3A_538 = tpu.vector_load %arg19[%get3A_536, %get3A_537] {strides = array<i32>} : memref<80x128xf32, #tpu.memory_space<vmem>>, vector<16xf32>,
        %add3A_539 = arith.addf %add3A_531, %get3A_538 : vector<16xf32>
        %mul3A_540 = arith.constant 10 : i32
        %mul3A_541 = arith.muli %scan3A_248, %mul3A_540 : i32
        %add3A_542 = arith.constant 7 : i32
        %add3A_543 = arith.addi %mul3A_541, %add3A_542 : i32
        %get3A_544 = arith.index_cast %add3A_543 : i32 to index
        %get3A_545 = arith.constant 48 : index
        %get3A_546 = tpu.vector_load %arg19[%get3A_544, %get3A_545] {strides = array<i32>} : memref<80x128xf32, #tpu.memory_space<vmem>>, vector<16xf32>,
        %add3A_547 = arith.addf %add3A_539, %get3A_546 : vector<16xf32>
        %mul3A_548 = arith.constant 10 : i32
        %mul3A_549 = arith.muli %scan3A_248, %mul3A_548 : i32
        %add3A_550 = arith.constant 8 : i32
        %add3A_551 = arith.addi %mul3A_549, %add3A_550 : i32
        %get3A_552 = arith.index_cast %add3A_551 : i32 to index
        %get3A_553 = arith.constant 48 : index
        %get3A_554 = tpu.vector_load %arg19[%get3A_552, %get3A_553] {strides = array<i32>} : memref<80x128xf32, #tpu.memory_space<vmem>>, vector<16xf32>,
        %add3A_555 = arith.addf %add3A_547, %get3A_554 : vector<16xf32>
        %mul3A_556 = arith.constant 10 : i32
        %mul3A_557 = arith.muli %scan3A_248, %mul3A_556 : i32
        %add3A_558 = arith.constant 9 : i32
        %add3A_559 = arith.addi %mul3A_557, %add3A_558 : i32
        %get3A_560 = arith.index_cast %add3A_559 : i32 to index
        %get3A_561 = arith.constant 48 : index
        %get3A_562 = tpu.vector_load %arg19[%get3A_560, %get3A_561] {strides = array<i32>} : memref<80x128xf32, #tpu.memory_space<vmem>>, vector<16xf32>,
        %add3A_563 = arith.addf %add3A_555, %get3A_562 : vector<16xf32>
        %swap3A_564 = arith.index_cast %scan3A_248 : i32 to index
        %swap3A_565 = arith.constant 48 : index
        %swap3A_566 = tpu.vector_load %arg23[%swap3A_564, %swap3A_565] {strides = array<i32>} : memref<8x128xf32, #tpu.memory_space<vmem>>, vector<16xf32>,
        tpu.vector_store %arg23[%swap3A_564, %swap3A_565], %add3A_563 {strides = array<i32>} : memref<8x128xf32, #tpu.memory_space<vmem>>, vector<16xf32>,
        %mul3A_567 = arith.constant 10 : i32
        %mul3A_568 = arith.muli %scan3A_248, %mul3A_567 : i32
        %get3A_569 = arith.index_cast %mul3A_568 : i32 to index
        %get3A_570 = arith.constant 64 : index
        %get3A_571 = tpu.vector_load %arg19[%get3A_569, %get3A_570] {strides = array<i32>} : memref<80x128xf32, #tpu.memory_space<vmem>>, vector<16xf32>,
        %mul3A_572 = arith.constant 10 : i32
        %mul3A_573 = arith.muli %scan3A_248, %mul3A_572 : i32
        %add3A_574 = arith.constant 1 : i32
        %add3A_575 = arith.addi %mul3A_573, %add3A_574 : i32
        %get3A_576 = arith.index_cast %add3A_575 : i32 to index
        %get3A_577 = arith.constant 64 : index
        %get3A_578 = tpu.vector_load %arg19[%get3A_576, %get3A_577] {strides = array<i32>} : memref<80x128xf32, #tpu.memory_space<vmem>>, vector<16xf32>,
        %add3A_579 = arith.addf %get3A_571, %get3A_578 : vector<16xf32>
        %mul3A_580 = arith.constant 10 : i32
        %mul3A_581 = arith.muli %scan3A_248, %mul3A_580 : i32
        %add3A_582 = arith.constant 2 : i32
        %add3A_583 = arith.addi %mul3A_581, %add3A_582 : i32
        %get3A_584 = arith.index_cast %add3A_583 : i32 to index
        %get3A_585 = arith.constant 64 : index
        %get3A_586 = tpu.vector_load %arg19[%get3A_584, %get3A_585] {strides = array<i32>} : memref<80x128xf32, #tpu.memory_space<vmem>>, vector<16xf32>,
        %add3A_587 = arith.addf %add3A_579, %get3A_586 : vector<16xf32>
        %mul3A_588 = arith.constant 10 : i32
        %mul3A_589 = arith.muli %scan3A_248, %mul3A_588 : i32
        %add3A_590 = arith.constant 3 : i32
        %add3A_591 = arith.addi %mul3A_589, %add3A_590 : i32
        %get3A_592 = arith.index_cast %add3A_591 : i32 to index
        %get3A_593 = arith.constant 64 : index
        %get3A_594 = tpu.vector_load %arg19[%get3A_592, %get3A_593] {strides = array<i32>} : memref<80x128xf32, #tpu.memory_space<vmem>>, vector<16xf32>,
        %add3A_595 = arith.addf %add3A_587, %get3A_594 : vector<16xf32>
        %mul3A_596 = arith.constant 10 : i32
        %mul3A_597 = arith.muli %scan3A_248, %mul3A_596 : i32
        %add3A_598 = arith.constant 4 : i32
        %add3A_599 = arith.addi %mul3A_597, %add3A_598 : i32
        %get3A_600 = arith.index_cast %add3A_599 : i32 to index
        %get3A_601 = arith.constant 64 : index
        %get3A_602 = tpu.vector_load %arg19[%get3A_600, %get3A_601] {strides = array<i32>} : memref<80x128xf32, #tpu.memory_space<vmem>>, vector<16xf32>,
        %add3A_603 = arith.addf %add3A_595, %get3A_602 : vector<16xf32>
        %mul3A_604 = arith.constant 10 : i32
        %mul3A_605 = arith.muli %scan3A_248, %mul3A_604 : i32
        %add3A_606 = arith.constant 5 : i32
        %add3A_607 = arith.addi %mul3A_605, %add3A_606 : i32
        %get3A_608 = arith.index_cast %add3A_607 : i32 to index
        %get3A_609 = arith.constant 64 : index
        %get3A_610 = tpu.vector_load %arg19[%get3A_608, %get3A_609] {strides = array<i32>} : memref<80x128xf32, #tpu.memory_space<vmem>>, vector<16xf32>,
        %add3A_611 = arith.addf %add3A_603, %get3A_610 : vector<16xf32>
        %mul3A_612 = arith.constant 10 : i32
        %mul3A_613 = arith.muli %scan3A_248, %mul3A_612 : i32
        %add3A_614 = arith.constant 6 : i32
        %add3A_615 = arith.addi %mul3A_613, %add3A_614 : i32
        %get3A_616 = arith.index_cast %add3A_615 : i32 to index
        %get3A_617 = arith.constant 64 : index
        %get3A_618 = tpu.vector_load %arg19[%get3A_616, %get3A_617] {strides = array<i32>} : memref<80x128xf32, #tpu.memory_space<vmem>>, vector<16xf32>,
        %add3A_619 = arith.addf %add3A_611, %get3A_618 : vector<16xf32>
        %mul3A_620 = arith.constant 10 : i32
        %mul3A_621 = arith.muli %scan3A_248, %mul3A_620 : i32
        %add3A_622 = arith.constant 7 : i32
        %add3A_623 = arith.addi %mul3A_621, %add3A_622 : i32
        %get3A_624 = arith.index_cast %add3A_623 : i32 to index
        %get3A_625 = arith.constant 64 : index
        %get3A_626 = tpu.vector_load %arg19[%get3A_624, %get3A_625] {strides = array<i32>} : memref<80x128xf32, #tpu.memory_space<vmem>>, vector<16xf32>,
        %add3A_627 = arith.addf %add3A_619, %get3A_626 : vector<16xf32>
        %mul3A_628 = arith.constant 10 : i32
        %mul3A_629 = arith.muli %scan3A_248, %mul3A_628 : i32
        %add3A_630 = arith.constant 8 : i32
        %add3A_631 = arith.addi %mul3A_629, %add3A_630 : i32
        %get3A_632 = arith.index_cast %add3A_631 : i32 to index
        %get3A_633 = arith.constant 64 : index
        %get3A_634 = tpu.vector_load %arg19[%get3A_632, %get3A_633] {strides = array<i32>} : memref<80x128xf32, #tpu.memory_space<vmem>>, vector<16xf32>,
        %add3A_635 = arith.addf %add3A_627, %get3A_634 : vector<16xf32>
        %mul3A_636 = arith.constant 10 : i32
        %mul3A_637 = arith.muli %scan3A_248, %mul3A_636 : i32
        %add3A_638 = arith.constant 9 : i32
        %add3A_639 = arith.addi %mul3A_637, %add3A_638 : i32
        %get3A_640 = arith.index_cast %add3A_639 : i32 to index
        %get3A_641 = arith.constant 64 : index
        %get3A_642 = tpu.vector_load %arg19[%get3A_640, %get3A_641] {strides = array<i32>} : memref<80x128xf32, #tpu.memory_space<vmem>>, vector<16xf32>,
        %add3A_643 = arith.addf %add3A_635, %get3A_642 : vector<16xf32>
        %swap3A_644 = arith.index_cast %scan3A_248 : i32 to index
        %swap3A_645 = arith.constant 64 : index
        %swap3A_646 = tpu.vector_load %arg23[%swap3A_644, %swap3A_645] {strides = array<i32>} : memref<8x128xf32, #tpu.memory_space<vmem>>, vector<16xf32>,
        tpu.vector_store %arg23[%swap3A_644, %swap3A_645], %add3A_643 {strides = array<i32>} : memref<8x128xf32, #tpu.memory_space<vmem>>, vector<16xf32>,
        %mul3A_647 = arith.constant 10 : i32
        %mul3A_648 = arith.muli %scan3A_248, %mul3A_647 : i32
        %get3A_649 = arith.index_cast %mul3A_648 : i32 to index
        %get3A_650 = arith.constant 80 : index
        %get3A_651 = tpu.vector_load %arg19[%get3A_649, %get3A_650] {strides = array<i32>} : memref<80x128xf32, #tpu.memory_space<vmem>>, vector<16xf32>,
        %mul3A_652 = arith.constant 10 : i32
        %mul3A_653 = arith.muli %scan3A_248, %mul3A_652 : i32
        %add3A_654 = arith.constant 1 : i32
        %add3A_655 = arith.addi %mul3A_653, %add3A_654 : i32
        %get3A_656 = arith.index_cast %add3A_655 : i32 to index
        %get3A_657 = arith.constant 80 : index
        %get3A_658 = tpu.vector_load %arg19[%get3A_656, %get3A_657] {strides = array<i32>} : memref<80x128xf32, #tpu.memory_space<vmem>>, vector<16xf32>,
        %add3A_659 = arith.addf %get3A_651, %get3A_658 : vector<16xf32>
        %mul3A_660 = arith.constant 10 : i32
        %mul3A_661 = arith.muli %scan3A_248, %mul3A_660 : i32
        %add3A_662 = arith.constant 2 : i32
        %add3A_663 = arith.addi %mul3A_661, %add3A_662 : i32
        %get3A_664 = arith.index_cast %add3A_663 : i32 to index
        %get3A_665 = arith.constant 80 : index
        %get3A_666 = tpu.vector_load %arg19[%get3A_664, %get3A_665] {strides = array<i32>} : memref<80x128xf32, #tpu.memory_space<vmem>>, vector<16xf32>,
        %add3A_667 = arith.addf %add3A_659, %get3A_666 : vector<16xf32>
        %mul3A_668 = arith.constant 10 : i32
        %mul3A_669 = arith.muli %scan3A_248, %mul3A_668 : i32
        %add3A_670 = arith.constant 3 : i32
        %add3A_671 = arith.addi %mul3A_669, %add3A_670 : i32
        %get3A_672 = arith.index_cast %add3A_671 : i32 to index
        %get3A_673 = arith.constant 80 : index
        %get3A_674 = tpu.vector_load %arg19[%get3A_672, %get3A_673] {strides = array<i32>} : memref<80x128xf32, #tpu.memory_space<vmem>>, vector<16xf32>,
        %add3A_675 = arith.addf %add3A_667, %get3A_674 : vector<16xf32>
        %mul3A_676 = arith.constant 10 : i32
        %mul3A_677 = arith.muli %scan3A_248, %mul3A_676 : i32
        %add3A_678 = arith.constant 4 : i32
        %add3A_679 = arith.addi %mul3A_677, %add3A_678 : i32
        %get3A_680 = arith.index_cast %add3A_679 : i32 to index
        %get3A_681 = arith.constant 80 : index
        %get3A_682 = tpu.vector_load %arg19[%get3A_680, %get3A_681] {strides = array<i32>} : memref<80x128xf32, #tpu.memory_space<vmem>>, vector<16xf32>,
        %add3A_683 = arith.addf %add3A_675, %get3A_682 : vector<16xf32>
        %mul3A_684 = arith.constant 10 : i32
        %mul3A_685 = arith.muli %scan3A_248, %mul3A_684 : i32
        %add3A_686 = arith.constant 5 : i32
        %add3A_687 = arith.addi %mul3A_685, %add3A_686 : i32
        %get3A_688 = arith.index_cast %add3A_687 : i32 to index
        %get3A_689 = arith.constant 80 : index
        %get3A_690 = tpu.vector_load %arg19[%get3A_688, %get3A_689] {strides = array<i32>} : memref<80x128xf32, #tpu.memory_space<vmem>>, vector<16xf32>,
        %add3A_691 = arith.addf %add3A_683, %get3A_690 : vector<16xf32>
        %mul3A_692 = arith.constant 10 : i32
        %mul3A_693 = arith.muli %scan3A_248, %mul3A_692 : i32
        %add3A_694 = arith.constant 6 : i32
        %add3A_695 = arith.addi %mul3A_693, %add3A_694 : i32
        %get3A_696 = arith.index_cast %add3A_695 : i32 to index
        %get3A_697 = arith.constant 80 : index
        %get3A_698 = tpu.vector_load %arg19[%get3A_696, %get3A_697] {strides = array<i32>} : memref<80x128xf32, #tpu.memory_space<vmem>>, vector<16xf32>,
        %add3A_699 = arith.addf %add3A_691, %get3A_698 : vector<16xf32>
        %mul3A_700 = arith.constant 10 : i32
        %mul3A_701 = arith.muli %scan3A_248, %mul3A_700 : i32
        %add3A_702 = arith.constant 7 : i32
        %add3A_703 = arith.addi %mul3A_701, %add3A_702 : i32
        %get3A_704 = arith.index_cast %add3A_703 : i32 to index
        %get3A_705 = arith.constant 80 : index
        %get3A_706 = tpu.vector_load %arg19[%get3A_704, %get3A_705] {strides = array<i32>} : memref<80x128xf32, #tpu.memory_space<vmem>>, vector<16xf32>,
        %add3A_707 = arith.addf %add3A_699, %get3A_706 : vector<16xf32>
        %mul3A_708 = arith.constant 10 : i32
        %mul3A_709 = arith.muli %scan3A_248, %mul3A_708 : i32
        %add3A_710 = arith.constant 8 : i32
        %add3A_711 = arith.addi %mul3A_709, %add3A_710 : i32
        %get3A_712 = arith.index_cast %add3A_711 : i32 to index
        %get3A_713 = arith.constant 80 : index
        %get3A_714 = tpu.vector_load %arg19[%get3A_712, %get3A_713] {strides = array<i32>} : memref<80x128xf32, #tpu.memory_space<vmem>>, vector<16xf32>,
        %add3A_715 = arith.addf %add3A_707, %get3A_714 : vector<16xf32>
        %mul3A_716 = arith.constant 10 : i32
        %mul3A_717 = arith.muli %scan3A_248, %mul3A_716 : i32
        %add3A_718 = arith.constant 9 : i32
        %add3A_719 = arith.addi %mul3A_717, %add3A_718 : i32
        %get3A_720 = arith.index_cast %add3A_719 : i32 to index
        %get3A_721 = arith.constant 80 : index
        %get3A_722 = tpu.vector_load %arg19[%get3A_720, %get3A_721] {strides = array<i32>} : memref<80x128xf32, #tpu.memory_space<vmem>>, vector<16xf32>,
        %add3A_723 = arith.addf %add3A_715, %get3A_722 : vector<16xf32>
        %swap3A_724 = arith.index_cast %scan3A_248 : i32 to index
        %swap3A_725 = arith.constant 80 : index
        %swap3A_726 = tpu.vector_load %arg23[%swap3A_724, %swap3A_725] {strides = array<i32>} : memref<8x128xf32, #tpu.memory_space<vmem>>, vector<16xf32>,
        tpu.vector_store %arg23[%swap3A_724, %swap3A_725], %add3A_723 {strides = array<i32>} : memref<8x128xf32, #tpu.memory_space<vmem>>, vector<16xf32>,
        %mul3A_727 = arith.constant 10 : i32
        %mul3A_728 = arith.muli %scan3A_248, %mul3A_727 : i32
        %get3A_729 = arith.index_cast %mul3A_728 : i32 to index
        %get3A_730 = arith.constant 96 : index
        %get3A_731 = tpu.vector_load %arg19[%get3A_729, %get3A_730] {strides = array<i32>} : memref<80x128xf32, #tpu.memory_space<vmem>>, vector<16xf32>,
        %mul3A_732 = arith.constant 10 : i32
        %mul3A_733 = arith.muli %scan3A_248, %mul3A_732 : i32
        %add3A_734 = arith.constant 1 : i32
        %add3A_735 = arith.addi %mul3A_733, %add3A_734 : i32
        %get3A_736 = arith.index_cast %add3A_735 : i32 to index
        %get3A_737 = arith.constant 96 : index
        %get3A_738 = tpu.vector_load %arg19[%get3A_736, %get3A_737] {strides = array<i32>} : memref<80x128xf32, #tpu.memory_space<vmem>>, vector<16xf32>,
        %add3A_739 = arith.addf %get3A_731, %get3A_738 : vector<16xf32>
        %mul3A_740 = arith.constant 10 : i32
        %mul3A_741 = arith.muli %scan3A_248, %mul3A_740 : i32
        %add3A_742 = arith.constant 2 : i32
        %add3A_743 = arith.addi %mul3A_741, %add3A_742 : i32
        %get3A_744 = arith.index_cast %add3A_743 : i32 to index
        %get3A_745 = arith.constant 96 : index
        %get3A_746 = tpu.vector_load %arg19[%get3A_744, %get3A_745] {strides = array<i32>} : memref<80x128xf32, #tpu.memory_space<vmem>>, vector<16xf32>,
        %add3A_747 = arith.addf %add3A_739, %get3A_746 : vector<16xf32>
        %mul3A_748 = arith.constant 10 : i32
        %mul3A_749 = arith.muli %scan3A_248, %mul3A_748 : i32
        %add3A_750 = arith.constant 3 : i32
        %add3A_751 = arith.addi %mul3A_749, %add3A_750 : i32
        %get3A_752 = arith.index_cast %add3A_751 : i32 to index
        %get3A_753 = arith.constant 96 : index
        %get3A_754 = tpu.vector_load %arg19[%get3A_752, %get3A_753] {strides = array<i32>} : memref<80x128xf32, #tpu.memory_space<vmem>>, vector<16xf32>,
        %add3A_755 = arith.addf %add3A_747, %get3A_754 : vector<16xf32>
        %mul3A_756 = arith.constant 10 : i32
        %mul3A_757 = arith.muli %scan3A_248, %mul3A_756 : i32
        %add3A_758 = arith.constant 4 : i32
        %add3A_759 = arith.addi %mul3A_757, %add3A_758 : i32
        %get3A_760 = arith.index_cast %add3A_759 : i32 to index
        %get3A_761 = arith.constant 96 : index
        %get3A_762 = tpu.vector_load %arg19[%get3A_760, %get3A_761] {strides = array<i32>} : memref<80x128xf32, #tpu.memory_space<vmem>>, vector<16xf32>,
        %add3A_763 = arith.addf %add3A_755, %get3A_762 : vector<16xf32>
        %mul3A_764 = arith.constant 10 : i32
        %mul3A_765 = arith.muli %scan3A_248, %mul3A_764 : i32
        %add3A_766 = arith.constant 5 : i32
        %add3A_767 = arith.addi %mul3A_765, %add3A_766 : i32
        %get3A_768 = arith.index_cast %add3A_767 : i32 to index
        %get3A_769 = arith.constant 96 : index
        %get3A_770 = tpu.vector_load %arg19[%get3A_768, %get3A_769] {strides = array<i32>} : memref<80x128xf32, #tpu.memory_space<vmem>>, vector<16xf32>,
        %add3A_771 = arith.addf %add3A_763, %get3A_770 : vector<16xf32>
        %mul3A_772 = arith.constant 10 : i32
        %mul3A_773 = arith.muli %scan3A_248, %mul3A_772 : i32
        %add3A_774 = arith.constant 6 : i32
        %add3A_775 = arith.addi %mul3A_773, %add3A_774 : i32
        %get3A_776 = arith.index_cast %add3A_775 : i32 to index
        %get3A_777 = arith.constant 96 : index
        %get3A_778 = tpu.vector_load %arg19[%get3A_776, %get3A_777] {strides = array<i32>} : memref<80x128xf32, #tpu.memory_space<vmem>>, vector<16xf32>,
        %add3A_779 = arith.addf %add3A_771, %get3A_778 : vector<16xf32>
        %mul3A_780 = arith.constant 10 : i32
        %mul3A_781 = arith.muli %scan3A_248, %mul3A_780 : i32
        %add3A_782 = arith.constant 7 : i32
        %add3A_783 = arith.addi %mul3A_781, %add3A_782 : i32
        %get3A_784 = arith.index_cast %add3A_783 : i32 to index
        %get3A_785 = arith.constant 96 : index
        %get3A_786 = tpu.vector_load %arg19[%get3A_784, %get3A_785] {strides = array<i32>} : memref<80x128xf32, #tpu.memory_space<vmem>>, vector<16xf32>,
        %add3A_787 = arith.addf %add3A_779, %get3A_786 : vector<16xf32>
        %mul3A_788 = arith.constant 10 : i32
        %mul3A_789 = arith.muli %scan3A_248, %mul3A_788 : i32
        %add3A_790 = arith.constant 8 : i32
        %add3A_791 = arith.addi %mul3A_789, %add3A_790 : i32
        %get3A_792 = arith.index_cast %add3A_791 : i32 to index
        %get3A_793 = arith.constant 96 : index
        %get3A_794 = tpu.vector_load %arg19[%get3A_792, %get3A_793] {strides = array<i32>} : memref<80x128xf32, #tpu.memory_space<vmem>>, vector<16xf32>,
        %add3A_795 = arith.addf %add3A_787, %get3A_794 : vector<16xf32>
        %mul3A_796 = arith.constant 10 : i32
        %mul3A_797 = arith.muli %scan3A_248, %mul3A_796 : i32
        %add3A_798 = arith.constant 9 : i32
        %add3A_799 = arith.addi %mul3A_797, %add3A_798 : i32
        %get3A_800 = arith.index_cast %add3A_799 : i32 to index
        %get3A_801 = arith.constant 96 : index
        %get3A_802 = tpu.vector_load %arg19[%get3A_800, %get3A_801] {strides = array<i32>} : memref<80x128xf32, #tpu.memory_space<vmem>>, vector<16xf32>,
        %add3A_803 = arith.addf %add3A_795, %get3A_802 : vector<16xf32>
        %swap3A_804 = arith.index_cast %scan3A_248 : i32 to index
        %swap3A_805 = arith.constant 96 : index
        %swap3A_806 = tpu.vector_load %arg23[%swap3A_804, %swap3A_805] {strides = array<i32>} : memref<8x128xf32, #tpu.memory_space<vmem>>, vector<16xf32>,
        tpu.vector_store %arg23[%swap3A_804, %swap3A_805], %add3A_803 {strides = array<i32>} : memref<8x128xf32, #tpu.memory_space<vmem>>, vector<16xf32>,
        %mul3A_807 = arith.constant 10 : i32
        %mul3A_808 = arith.muli %scan3A_248, %mul3A_807 : i32
        %get3A_809 = arith.index_cast %mul3A_808 : i32 to index
        %get3A_810 = arith.constant 112 : index
        %get3A_811 = tpu.vector_load %arg19[%get3A_809, %get3A_810] {strides = array<i32>} : memref<80x128xf32, #tpu.memory_space<vmem>>, vector<16xf32>,
        %mul3A_812 = arith.constant 10 : i32
        %mul3A_813 = arith.muli %scan3A_248, %mul3A_812 : i32
        %add3A_814 = arith.constant 1 : i32
        %add3A_815 = arith.addi %mul3A_813, %add3A_814 : i32
        %get3A_816 = arith.index_cast %add3A_815 : i32 to index
        %get3A_817 = arith.constant 112 : index
        %get3A_818 = tpu.vector_load %arg19[%get3A_816, %get3A_817] {strides = array<i32>} : memref<80x128xf32, #tpu.memory_space<vmem>>, vector<16xf32>,
        %add3A_819 = arith.addf %get3A_811, %get3A_818 : vector<16xf32>
        %mul3A_820 = arith.constant 10 : i32
        %mul3A_821 = arith.muli %scan3A_248, %mul3A_820 : i32
        %add3A_822 = arith.constant 2 : i32
        %add3A_823 = arith.addi %mul3A_821, %add3A_822 : i32
        %get3A_824 = arith.index_cast %add3A_823 : i32 to index
        %get3A_825 = arith.constant 112 : index
        %get3A_826 = tpu.vector_load %arg19[%get3A_824, %get3A_825] {strides = array<i32>} : memref<80x128xf32, #tpu.memory_space<vmem>>, vector<16xf32>,
        %add3A_827 = arith.addf %add3A_819, %get3A_826 : vector<16xf32>
        %mul3A_828 = arith.constant 10 : i32
        %mul3A_829 = arith.muli %scan3A_248, %mul3A_828 : i32
        %add3A_830 = arith.constant 3 : i32
        %add3A_831 = arith.addi %mul3A_829, %add3A_830 : i32
        %get3A_832 = arith.index_cast %add3A_831 : i32 to index
        %get3A_833 = arith.constant 112 : index
        %get3A_834 = tpu.vector_load %arg19[%get3A_832, %get3A_833] {strides = array<i32>} : memref<80x128xf32, #tpu.memory_space<vmem>>, vector<16xf32>,
        %add3A_835 = arith.addf %add3A_827, %get3A_834 : vector<16xf32>
        %mul3A_836 = arith.constant 10 : i32
        %mul3A_837 = arith.muli %scan3A_248, %mul3A_836 : i32
        %add3A_838 = arith.constant 4 : i32
        %add3A_839 = arith.addi %mul3A_837, %add3A_838 : i32
        %get3A_840 = arith.index_cast %add3A_839 : i32 to index
        %get3A_841 = arith.constant 112 : index
        %get3A_842 = tpu.vector_load %arg19[%get3A_840, %get3A_841] {strides = array<i32>} : memref<80x128xf32, #tpu.memory_space<vmem>>, vector<16xf32>,
        %add3A_843 = arith.addf %add3A_835, %get3A_842 : vector<16xf32>
        %mul3A_844 = arith.constant 10 : i32
        %mul3A_845 = arith.muli %scan3A_248, %mul3A_844 : i32
        %add3A_846 = arith.constant 5 : i32
        %add3A_847 = arith.addi %mul3A_845, %add3A_846 : i32
        %get3A_848 = arith.index_cast %add3A_847 : i32 to index
        %get3A_849 = arith.constant 112 : index
        %get3A_850 = tpu.vector_load %arg19[%get3A_848, %get3A_849] {strides = array<i32>} : memref<80x128xf32, #tpu.memory_space<vmem>>, vector<16xf32>,
        %add3A_851 = arith.addf %add3A_843, %get3A_850 : vector<16xf32>
        %mul3A_852 = arith.constant 10 : i32
        %mul3A_853 = arith.muli %scan3A_248, %mul3A_852 : i32
        %add3A_854 = arith.constant 6 : i32
        %add3A_855 = arith.addi %mul3A_853, %add3A_854 : i32
        %get3A_856 = arith.index_cast %add3A_855 : i32 to index
        %get3A_857 = arith.constant 112 : index
        %get3A_858 = tpu.vector_load %arg19[%get3A_856, %get3A_857] {strides = array<i32>} : memref<80x128xf32, #tpu.memory_space<vmem>>, vector<16xf32>,
        %add3A_859 = arith.addf %add3A_851, %get3A_858 : vector<16xf32>
        %mul3A_860 = arith.constant 10 : i32
        %mul3A_861 = arith.muli %scan3A_248, %mul3A_860 : i32
        %add3A_862 = arith.constant 7 : i32
        %add3A_863 = arith.addi %mul3A_861, %add3A_862 : i32
        %get3A_864 = arith.index_cast %add3A_863 : i32 to index
        %get3A_865 = arith.constant 112 : index
        %get3A_866 = tpu.vector_load %arg19[%get3A_864, %get3A_865] {strides = array<i32>} : memref<80x128xf32, #tpu.memory_space<vmem>>, vector<16xf32>,
        %add3A_867 = arith.addf %add3A_859, %get3A_866 : vector<16xf32>
        %mul3A_868 = arith.constant 10 : i32
        %mul3A_869 = arith.muli %scan3A_248, %mul3A_868 : i32
        %add3A_870 = arith.constant 8 : i32
        %add3A_871 = arith.addi %mul3A_869, %add3A_870 : i32
        %get3A_872 = arith.index_cast %add3A_871 : i32 to index
        %get3A_873 = arith.constant 112 : index
        %get3A_874 = tpu.vector_load %arg19[%get3A_872, %get3A_873] {strides = array<i32>} : memref<80x128xf32, #tpu.memory_space<vmem>>, vector<16xf32>,
        %add3A_875 = arith.addf %add3A_867, %get3A_874 : vector<16xf32>
        %mul3A_876 = arith.constant 10 : i32
        %mul3A_877 = arith.muli %scan3A_248, %mul3A_876 : i32
        %add3A_878 = arith.constant 9 : i32
        %add3A_879 = arith.addi %mul3A_877, %add3A_878 : i32
        %get3A_880 = arith.index_cast %add3A_879 : i32 to index
        %get3A_881 = arith.constant 112 : index
        %get3A_882 = tpu.vector_load %arg19[%get3A_880, %get3A_881] {strides = array<i32>} : memref<80x128xf32, #tpu.memory_space<vmem>>, vector<16xf32>,
        %add3A_883 = arith.addf %add3A_875, %get3A_882 : vector<16xf32>
        %swap3A_884 = arith.index_cast %scan3A_248 : i32 to index
        %swap3A_885 = arith.constant 112 : index
        %swap3A_886 = tpu.vector_load %arg23[%swap3A_884, %swap3A_885] {strides = array<i32>} : memref<8x128xf32, #tpu.memory_space<vmem>>, vector<16xf32>,
        tpu.vector_store %arg23[%swap3A_884, %swap3A_885], %add3A_883 {strides = array<i32>} : memref<8x128xf32, #tpu.memory_space<vmem>>, vector<16xf32>,
      }
      %scan3A_233 = arith.constant 8 : i32
      %mul3A_234 = arith.constant 8 : i32
      %mul3A_235 = arith.muli %add3A_216, %mul3A_234 : i32
      %add3A_236 = arith.addi %mul3A_4, %mul3A_235 : i32
      %dma_start3A_237 = arith.constant 0 : i32
      %dma_start3A_238 = tpu.memref_slice %arg10[%add3A_236, %dma_start3A_237] : memref<25600x128xf32, #tpu.memory_space<hbm>> -> memref<8x128xf32, #tpu.memory_space<hbm>>
      %dma_start3A_239 = arith.constant 0 : i32
      %dma_start3A_240 = tpu.memref_slice %arg10[%add3A_236, %dma_start3A_239] : memref<25600x128xf32, #tpu.memory_space<hbm>> -> memref<8x128xf32, #tpu.memory_space<hbm>>
      tpu.enqueue_dma source(%arg23 : memref<8x128xf32, #tpu.memory_space<vmem>>) target(%dma_start3A_240 : memref<8x128xf32, #tpu.memory_space<hbm>>) target_semaphore(%arg37 : memref<!tpu.dma_semaphore, #tpu.memory_space<semaphore_mem>>)
      %add3A_241 = arith.constant 4 : i32
      %add3A_242 = arith.addi %add3A_216, %add3A_241 : i32
      %lt3A_243 = arith.constant 100 : i32
      %lt3A_244 = arith.cmpi slt, %add3A_242, %lt3A_243 : i32
      %convert_element_type3A_245 = arith.extui %lt3A_244 : i1 to i32
      %cond3A_246 = arith.constant 0 : i32
      %cond3A_247 = arith.cmpi ne, %convert_element_type3A_245, %cond3A_246 : i32
      scf.if %cond3A_247 {
        %add3A_248 = arith.constant 4 : i32
        %add3A_249 = arith.addi %add3A_216, %add3A_248 : i32
        %mul3A_250 = arith.constant 80 : i32
        %mul3A_251 = arith.muli %add3A_249, %mul3A_250 : i32
        %dma_start3A_252 = tpu.memref_slice %arg13[%mul3A_251] : memref<8000xi32, #tpu.memory_space<vmem>> -> memref<80xi32, #tpu.memory_space<vmem>>
        %dma_start3A_253 = arith.constant 0 : i32
        %dma_start3A_254 = arith.constant 0 : i32
        %dma_start3A_255 = tpu.memref_slice %arg5[%dma_start3A_253, %dma_start3A_254] : memref<10000x128xf32, #tpu.memory_space<hbm>> -> memref<10000x128xf32, #tpu.memory_space<hbm>>
        tpu.enqueue_indirect_dma source(%dma_start3A_255 : memref<10000x128xf32, #tpu.memory_space<hbm>>) target(%arg19 : memref<80x128xf32, #tpu.memory_space<vmem>>) offsets(%dma_start3A_252 : memref<80xi32, #tpu.memory_space<vmem>>) semaphore(%arg31 : memref<!tpu.dma_semaphore, #tpu.memory_space<semaphore_mem>>)
      } else {
      }
    }
    %scan3A_86 = arith.constant 25 : i32
    %add3A_87 = arith.constant 768 : i32
    %add3A_88 = arith.addi %mul3A_4, %add3A_87 : i32
    %dma_wait3A_89 = arith.constant 0 : i32
    %dma_wait3A_90 = tpu.memref_slice %arg10[%add3A_88, %dma_wait3A_89] : memref<25600x128xf32, #tpu.memory_space<hbm>> -> memref<8x128xf32, #tpu.memory_space<hbm>>
    %dma_wait3A_91 = arith.constant 0 : i32
    %dma_wait3A_92 = tpu.memref_slice %arg10[%add3A_88, %dma_wait3A_91] : memref<25600x128xf32, #tpu.memory_space<hbm>> -> memref<8x128xf32, #tpu.memory_space<hbm>>
    tpu.wait_dma2 semaphore(%arg34 : memref<!tpu.dma_semaphore, #tpu.memory_space<semaphore_mem>>) src(%arg20 : memref<8x128xf32, #tpu.memory_space<vmem>>) dst(%dma_wait3A_92 : memref<8x128xf32, #tpu.memory_space<hbm>>)
    %add3A_93 = arith.constant 776 : i32
    %add3A_94 = arith.addi %mul3A_4, %add3A_93 : i32
    %dma_wait3A_95 = arith.constant 0 : i32
    %dma_wait3A_96 = tpu.memref_slice %arg10[%add3A_94, %dma_wait3A_95] : memref<25600x128xf32, #tpu.memory_space<hbm>> -> memref<8x128xf32, #tpu.memory_space<hbm>>
    %dma_wait3A_97 = arith.constant 0 : i32
    %dma_wait3A_98 = tpu.memref_slice %arg10[%add3A_94, %dma_wait3A_97] : memref<25600x128xf32, #tpu.memory_space<hbm>> -> memref<8x128xf32, #tpu.memory_space<hbm>>
    tpu.wait_dma2 semaphore(%arg35 : memref<!tpu.dma_semaphore, #tpu.memory_space<semaphore_mem>>) src(%arg21 : memref<8x128xf32, #tpu.memory_space<vmem>>) dst(%dma_wait3A_98 : memref<8x128xf32, #tpu.memory_space<hbm>>)
    %add3A_99 = arith.constant 784 : i32
    %add3A_100 = arith.addi %mul3A_4, %add3A_99 : i32
    %dma_wait3A_101 = arith.constant 0 : i32
    %dma_wait3A_102 = tpu.memref_slice %arg10[%add3A_100, %dma_wait3A_101] : memref<25600x128xf32, #tpu.memory_space<hbm>> -> memref<8x128xf32, #tpu.memory_space<hbm>>
    %dma_wait3A_103 = arith.constant 0 : i32
    %dma_wait3A_104 = tpu.memref_slice %arg10[%add3A_100, %dma_wait3A_103] : memref<25600x128xf32, #tpu.memory_space<hbm>> -> memref<8x128xf32, #tpu.memory_space<hbm>>
    tpu.wait_dma2 semaphore(%arg36 : memref<!tpu.dma_semaphore, #tpu.memory_space<semaphore_mem>>) src(%arg22 : memref<8x128xf32, #tpu.memory_space<vmem>>) dst(%dma_wait3A_104 : memref<8x128xf32, #tpu.memory_space<hbm>>)
    %add3A_105 = arith.constant 792 : i32
    %add3A_106 = arith.addi %mul3A_4, %add3A_105 : i32
    %dma_wait3A_107 = arith.constant 0 : i32
    %dma_wait3A_108 = tpu.memref_slice %arg10[%add3A_106, %dma_wait3A_107] : memref<25600x128xf32, #tpu.memory_space<hbm>> -> memref<8x128xf32, #tpu.memory_space<hbm>>
    %dma_wait3A_109 = arith.constant 0 : i32
    %dma_wait3A_110 = tpu.memref_slice %arg10[%add3A_106, %dma_wait3A_109] : memref<25600x128xf32, #tpu.memory_space<hbm>> -> memref<8x128xf32, #tpu.memory_space<hbm>>
    tpu.wait_dma2 semaphore(%arg37 : memref<!tpu.dma_semaphore, #tpu.memory_space<semaphore_mem>>) src(%arg23 : memref<8x128xf32, #tpu.memory_space<vmem>>) dst(%dma_wait3A_110 : memref<8x128xf32, #tpu.memory_space<hbm>>)
    return
  }
}

module attributes {stable_mosaic.version = 14 : i64} {
  func.func @_proj_body(%arg0: i32, %arg1: memref<1000x256xf32, #tpu.memory_space<vmem>>, %arg2: memref<256x128xf32, #tpu.memory_space<vmem>>, %arg3: memref<256x128xf32, #tpu.memory_space<vmem>>, %arg4: memref<1000x128xf32, #tpu.memory_space<vmem>>, %arg5: memref<1000x128xf32, #tpu.memory_space<vmem>>) attributes {dimension_semantics = [#tpu.dimension_semantics<arbitrary>], iteration_bounds = array<i64: 10>, scalar_prefetch = 0 : i64, scratch_operands = 0 : i64, tpu.core_type = #tpu.core_type<tc>, window_params = [{transform_indices = @transform_0, window_bounds = array<i64: 1000, 256>}, {pipeline_mode = #tpu.pipeline_mode<synchronous>, transform_indices = @transform_1, window_bounds = array<i64: 256, 128>}, {pipeline_mode = #tpu.pipeline_mode<synchronous>, transform_indices = @transform_2, window_bounds = array<i64: 256, 128>}, {transform_indices = @transform_3, window_bounds = array<i64: 1000, 128>}, {transform_indices = @transform_4, window_bounds = array<i64: 1000, 128>}]} {
    %get3A = arith.constant 0 : index
    %get3A_0 = arith.constant 0 : index
    %get3A_1 = vector.load %arg1[%get3A, %get3A_0] : memref<1000x256xf32, #tpu.memory_space<vmem>>, vector<1000x256xf32>
    %get3A_2 = arith.constant 0 : index
    %get3A_3 = arith.constant 0 : index
    %get3A_4 = vector.load %arg2[%get3A_2, %get3A_3] : memref<256x128xf32, #tpu.memory_space<vmem>>, vector<256x128xf32>
    %dot_general3A = arith.constant dense<0.000000e+00> : vector<1000x128xf32>
    %dot_general3A_5 = tpu.matmul %get3A_1, %get3A_4, %dot_general3A {dimension_numbers = #tpu.dot_dimension_numbers<[1], [0], [0], [1], [0, 0, 1, 1], [], []>, transpose_lhs_hint = false} : vector<1000x256xf32>, vector<256x128xf32>, vector<1000x128xf32> -> vector<1000x128xf32>
    %swap3A = arith.constant 0 : index
    %swap3A_6 = arith.constant 0 : index
    %swap3A_7 = vector.load %arg4[%swap3A, %swap3A_6] : memref<1000x128xf32, #tpu.memory_space<vmem>>, vector<1000x128xf32>
    tpu.vector_store %arg4[%swap3A, %swap3A_6], %dot_general3A_5 {strides = array<i32>} : memref<1000x128xf32, #tpu.memory_space<vmem>>, vector<1000x128xf32>,
    %get3A_8 = arith.constant 0 : index
    %get3A_9 = arith.constant 0 : index
    %get3A_10 = vector.load %arg3[%get3A_8, %get3A_9] : memref<256x128xf32, #tpu.memory_space<vmem>>, vector<256x128xf32>
    %dot_general3A_11 = arith.constant dense<0.000000e+00> : vector<1000x128xf32>
    %dot_general3A_12 = tpu.matmul %get3A_1, %get3A_10, %dot_general3A_11 {dimension_numbers = #tpu.dot_dimension_numbers<[1], [0], [0], [1], [0, 0, 1, 1], [], []>, transpose_lhs_hint = false} : vector<1000x256xf32>, vector<256x128xf32>, vector<1000x128xf32> -> vector<1000x128xf32>
    %swap3A_13 = arith.constant 0 : index
    %swap3A_14 = arith.constant 0 : index
    %swap3A_15 = vector.load %arg5[%swap3A_13, %swap3A_14] : memref<1000x128xf32, #tpu.memory_space<vmem>>, vector<1000x128xf32>
    tpu.vector_store %arg5[%swap3A_13, %swap3A_14], %dot_general3A_12 {strides = array<i32>} : memref<1000x128xf32, #tpu.memory_space<vmem>>, vector<1000x128xf32>,
    return
  }
  func.func @transform_0(%arg0: i32) -> (i32, i32) {
    %c0_i32 = arith.constant 0 : i32
    %c0_i32_0 = arith.constant 0 : i32
    return %arg0, %c0_i32 : i32, i32
  }
  func.func @transform_1(%arg0: i32) -> (i32, i32) {
    %c0_i32 = arith.constant 0 : i32
    %c0_i32_0 = arith.constant 0 : i32
    %c0_i32_1 = arith.constant 0 : i32
    return %c0_i32, %c0_i32_0 : i32, i32
  }
  func.func @transform_2(%arg0: i32) -> (i32, i32) {
    %c0_i32 = arith.constant 0 : i32
    %c0_i32_0 = arith.constant 0 : i32
    %c0_i32_1 = arith.constant 0 : i32
    return %c0_i32, %c0_i32_0 : i32, i32
  }
  func.func @transform_3(%arg0: i32) -> (i32, i32) {
    %c0_i32 = arith.constant 0 : i32
    %c0_i32_0 = arith.constant 0 : i32
    return %arg0, %c0_i32 : i32, i32
  }
  func.func @transform_4(%arg0: i32) -> (i32, i32) {
    %c0_i32 = arith.constant 0 : i32
    %c0_i32_0 = arith.constant 0 : i32
    return %arg0, %c0_i32 : i32, i32
  }
}

module attributes {stable_mosaic.version = 14 : i64} {
  func.func @_head_body(%arg0: i32, %arg1: memref<3200x128xf32, #tpu.memory_space<vmem>>, %arg2: memref<3200x128xf32, #tpu.memory_space<vmem>>, %arg3: memref<128x128xf32, #tpu.memory_space<vmem>>, %arg4: memref<128x128xf32, #tpu.memory_space<vmem>>, %arg5: memref<128x3200xf32, #tpu.memory_space<vmem>>, %arg6: memref<128x128xf32, #tpu.memory_space<vmem>>, %arg7: memref<128x128xf32, #tpu.memory_space<vmem>>, %arg8: memref<128x128xf32, #tpu.memory_space<vmem>>, %arg9: memref<128x128xf32, #tpu.memory_space<vmem>>, %arg10: memref<128x128xf32, #tpu.memory_space<vmem>>, %arg11: memref<128x128xf32, #tpu.memory_space<vmem>>, %arg12: memref<1x128xf32, #tpu.memory_space<vmem>>, %arg13: memref<1x128xf32, #tpu.memory_space<vmem>>, %arg14: memref<1x128xf32, #tpu.memory_space<vmem>>, %arg15: memref<1x128xf32, #tpu.memory_space<vmem>>, %arg16: memref<1x128xf32, #tpu.memory_space<vmem>>, %arg17: memref<128x128xf32, #tpu.memory_space<vmem>>) attributes {dimension_semantics = [#tpu.dimension_semantics<arbitrary>], iteration_bounds = array<i64: 8>, scalar_prefetch = 0 : i64, scratch_operands = 0 : i64, tpu.core_type = #tpu.core_type<tc>, window_params = [{transform_indices = @transform_0, window_bounds = array<i64: 3200, 128>}, {transform_indices = @transform_1, window_bounds = array<i64: 3200, 128>}, {transform_indices = @transform_2, window_bounds = array<i64: 128, 128>}, {transform_indices = @transform_3, window_bounds = array<i64: 128, 128>}, {pipeline_mode = #tpu.pipeline_mode<synchronous>, transform_indices = @transform_4, window_bounds = array<i64: 128, 3200>}, {pipeline_mode = #tpu.pipeline_mode<synchronous>, transform_indices = @transform_5, window_bounds = array<i64: 128, 128>}, {pipeline_mode = #tpu.pipeline_mode<synchronous>, transform_indices = @transform_6, window_bounds = array<i64: 128, 128>}, {pipeline_mode = #tpu.pipeline_mode<synchronous>, transform_indices = @transform_7, window_bounds = array<i64: 128, 128>}, {pipeline_mode = #tpu.pipeline_mode<synchronous>, transform_indices = @transform_8, window_bounds = array<i64: 128, 128>}, {pipeline_mode = #tpu.pipeline_mode<synchronous>, transform_indices = @transform_9, window_bounds = array<i64: 128, 128>}, {pipeline_mode = #tpu.pipeline_mode<synchronous>, transform_indices = @transform_10, window_bounds = array<i64: 128, 128>}, {pipeline_mode = #tpu.pipeline_mode<synchronous>, transform_indices = @transform_11, window_bounds = array<i64: 1, 128>}, {pipeline_mode = #tpu.pipeline_mode<synchronous>, transform_indices = @transform_12, window_bounds = array<i64: 1, 128>}, {pipeline_mode = #tpu.pipeline_mode<synchronous>, transform_indices = @transform_13, window_bounds = array<i64: 1, 128>}, {pipeline_mode = #tpu.pipeline_mode<synchronous>, transform_indices = @transform_14, window_bounds = array<i64: 1, 128>}, {pipeline_mode = #tpu.pipeline_mode<synchronous>, transform_indices = @transform_15, window_bounds = array<i64: 1, 128>}, {transform_indices = @transform_16, window_bounds = array<i64: 128, 128>}]} {
    %get3A = arith.constant 0 : index
    %get3A_0 = arith.constant 0 : index
    %get3A_1 = vector.load %arg12[%get3A, %get3A_0] : memref<1x128xf32, #tpu.memory_space<vmem>>, vector<1x128xf32>
    %get3A_2 = arith.constant 0 : index
    %get3A_3 = arith.constant 0 : index
    %get3A_4 = vector.load %arg13[%get3A_2, %get3A_3] : memref<1x128xf32, #tpu.memory_space<vmem>>, vector<1x128xf32>
    %get3A_5 = arith.constant 0 : index
    %get3A_6 = arith.constant 0 : index
    %get3A_7 = vector.load %arg1[%get3A_5, %get3A_6] : memref<3200x128xf32, #tpu.memory_space<vmem>>, vector<3200x128xf32>
    %add3A = vector.broadcast %get3A_1 : vector<1x128xf32> to vector<3200x128xf32>
    %add3A_8 = arith.addf %get3A_7, %add3A : vector<3200x128xf32>
    %max3A = arith.constant 0.000000e+00 : f32
    %max3A_9 = vector.broadcast %max3A : f32 to vector<3200x128xf32>
    %max3A_10 = arith.maximumf %add3A_8, %max3A_9 : vector<3200x128xf32>
    %get3A_11 = arith.constant 0 : index
    %get3A_12 = arith.constant 0 : index
    %get3A_13 = vector.load %arg2[%get3A_11, %get3A_12] : memref<3200x128xf32, #tpu.memory_space<vmem>>, vector<3200x128xf32>
    %mul3A = arith.constant 1.000000e-01 : f32
    %mul3A_14 = vector.broadcast %mul3A : f32 to vector<3200x128xf32>
    %mul3A_15 = arith.mulf %get3A_13, %mul3A_14 : vector<3200x128xf32>
    %add3A_16 = vector.broadcast %get3A_4 : vector<1x128xf32> to vector<3200x128xf32>
    %add3A_17 = arith.addf %mul3A_15, %add3A_16 : vector<3200x128xf32>
    %max3A_18 = arith.constant 0.000000e+00 : f32
    %max3A_19 = vector.broadcast %max3A_18 : f32 to vector<3200x128xf32>
    %max3A_20 = arith.maximumf %add3A_17, %max3A_19 : vector<3200x128xf32>
    %get3A_21 = arith.constant 0 : index
    %get3A_22 = arith.constant 0 : index
    %get3A_23 = vector.load %arg5[%get3A_21, %get3A_22] : memref<128x3200xf32, #tpu.memory_space<vmem>>, vector<128x3200xf32>
    %dot_general3A = arith.constant dense<0.000000e+00> : vector<128x128xf32>
    %dot_general3A_24 = tpu.matmul %get3A_23, %max3A_10, %dot_general3A {dimension_numbers = #tpu.dot_dimension_numbers<[1], [0], [0], [1], [0, 0, 1, 1], [], []>, transpose_lhs_hint = false} : vector<128x3200xf32>, vector<3200x128xf32>, vector<128x128xf32> -> vector<128x128xf32>
    %dot_general3A_25 = arith.constant dense<0.000000e+00> : vector<128x128xf32>
    %dot_general3A_26 = tpu.matmul %get3A_23, %max3A_20, %dot_general3A_25 {dimension_numbers = #tpu.dot_dimension_numbers<[1], [0], [0], [1], [0, 0, 1, 1], [], []>, transpose_lhs_hint = false} : vector<128x3200xf32>, vector<3200x128xf32>, vector<128x128xf32> -> vector<128x128xf32>
    %get3A_27 = arith.constant 0 : index
    %get3A_28 = arith.constant 0 : index
    %get3A_29 = vector.load %arg3[%get3A_27, %get3A_28] : memref<128x128xf32, #tpu.memory_space<vmem>>, vector<128x128xf32>
    %add3A_30 = vector.broadcast %get3A_1 : vector<1x128xf32> to vector<128x128xf32>
    %add3A_31 = arith.addf %get3A_29, %add3A_30 : vector<128x128xf32>
    %max3A_32 = arith.constant 0.000000e+00 : f32
    %max3A_33 = vector.broadcast %max3A_32 : f32 to vector<128x128xf32>
    %max3A_34 = arith.maximumf %add3A_31, %max3A_33 : vector<128x128xf32>
    %get3A_35 = arith.constant 0 : index
    %get3A_36 = arith.constant 0 : index
    %get3A_37 = vector.load %arg4[%get3A_35, %get3A_36] : memref<128x128xf32, #tpu.memory_space<vmem>>, vector<128x128xf32>
    %mul3A_38 = arith.constant 4.000000e-02 : f32
    %mul3A_39 = vector.broadcast %mul3A_38 : f32 to vector<128x128xf32>
    %mul3A_40 = arith.mulf %get3A_37, %mul3A_39 : vector<128x128xf32>
    %add3A_41 = vector.broadcast %get3A_4 : vector<1x128xf32> to vector<128x128xf32>
    %add3A_42 = arith.addf %mul3A_40, %add3A_41 : vector<128x128xf32>
    %max3A_43 = arith.constant 0.000000e+00 : f32
    %max3A_44 = vector.broadcast %max3A_43 : f32 to vector<128x128xf32>
    %max3A_45 = arith.maximumf %add3A_42, %max3A_44 : vector<128x128xf32>
    %get3A_46 = arith.constant 0 : index
    %get3A_47 = arith.constant 0 : index
    %get3A_48 = vector.load %arg6[%get3A_46, %get3A_47] : memref<128x128xf32, #tpu.memory_space<vmem>>, vector<128x128xf32>
    %dot_general3A_49 = arith.constant dense<0.000000e+00> : vector<128x128xf32>
    %dot_general3A_50 = tpu.matmul %max3A_34, %get3A_48, %dot_general3A_49 {dimension_numbers = #tpu.dot_dimension_numbers<[1], [0], [0], [1], [0, 0, 1, 1], [], []>, transpose_lhs_hint = false} : vector<128x128xf32>, vector<128x128xf32>, vector<128x128xf32> -> vector<128x128xf32>
    %get3A_51 = arith.constant 0 : index
    %get3A_52 = arith.constant 0 : index
    %get3A_53 = vector.load %arg7[%get3A_51, %get3A_52] : memref<128x128xf32, #tpu.memory_space<vmem>>, vector<128x128xf32>
    %dot_general3A_54 = arith.constant dense<0.000000e+00> : vector<128x128xf32>
    %dot_general3A_55 = tpu.matmul %max3A_45, %get3A_53, %dot_general3A_54 {dimension_numbers = #tpu.dot_dimension_numbers<[1], [0], [0], [1], [0, 0, 1, 1], [], []>, transpose_lhs_hint = false} : vector<128x128xf32>, vector<128x128xf32>, vector<128x128xf32> -> vector<128x128xf32>
    %add3A_56 = arith.addf %dot_general3A_50, %dot_general3A_55 : vector<128x128xf32>
    %get3A_57 = arith.constant 0 : index
    %get3A_58 = arith.constant 0 : index
    %get3A_59 = vector.load %arg14[%get3A_57, %get3A_58] : memref<1x128xf32, #tpu.memory_space<vmem>>, vector<1x128xf32>
    %add3A_60 = vector.broadcast %get3A_59 : vector<1x128xf32> to vector<128x128xf32>
    %add3A_61 = arith.addf %add3A_56, %add3A_60 : vector<128x128xf32>
    %max3A_62 = arith.constant 0.000000e+00 : f32
    %max3A_63 = vector.broadcast %max3A_62 : f32 to vector<128x128xf32>
    %max3A_64 = arith.maximumf %add3A_61, %max3A_63 : vector<128x128xf32>
    %get3A_65 = arith.constant 0 : index
    %get3A_66 = arith.constant 0 : index
    %get3A_67 = vector.load %arg8[%get3A_65, %get3A_66] : memref<128x128xf32, #tpu.memory_space<vmem>>, vector<128x128xf32>
    %dot_general3A_68 = arith.constant dense<0.000000e+00> : vector<128x128xf32>
    %dot_general3A_69 = tpu.matmul %dot_general3A_24, %get3A_67, %dot_general3A_68 {dimension_numbers = #tpu.dot_dimension_numbers<[1], [0], [0], [1], [0, 0, 1, 1], [], []>, transpose_lhs_hint = false} : vector<128x128xf32>, vector<128x128xf32>, vector<128x128xf32> -> vector<128x128xf32>
    %get3A_70 = arith.constant 0 : index
    %get3A_71 = arith.constant 0 : index
    %get3A_72 = vector.load %arg9[%get3A_70, %get3A_71] : memref<128x128xf32, #tpu.memory_space<vmem>>, vector<128x128xf32>
    %dot_general3A_73 = arith.constant dense<0.000000e+00> : vector<128x128xf32>
    %dot_general3A_74 = tpu.matmul %dot_general3A_26, %get3A_72, %dot_general3A_73 {dimension_numbers = #tpu.dot_dimension_numbers<[1], [0], [0], [1], [0, 0, 1, 1], [], []>, transpose_lhs_hint = false} : vector<128x128xf32>, vector<128x128xf32>, vector<128x128xf32> -> vector<128x128xf32>
    %add3A_75 = arith.addf %dot_general3A_69, %dot_general3A_74 : vector<128x128xf32>
    %get3A_76 = arith.constant 0 : index
    %get3A_77 = arith.constant 0 : index
    %get3A_78 = vector.load %arg15[%get3A_76, %get3A_77] : memref<1x128xf32, #tpu.memory_space<vmem>>, vector<1x128xf32>
    %add3A_79 = vector.broadcast %get3A_78 : vector<1x128xf32> to vector<128x128xf32>
    %add3A_80 = arith.addf %add3A_75, %add3A_79 : vector<128x128xf32>
    %max3A_81 = arith.constant 0.000000e+00 : f32
    %max3A_82 = vector.broadcast %max3A_81 : f32 to vector<128x128xf32>
    %max3A_83 = arith.maximumf %add3A_80, %max3A_82 : vector<128x128xf32>
    %get3A_84 = arith.constant 0 : index
    %get3A_85 = arith.constant 0 : index
    %get3A_86 = vector.load %arg10[%get3A_84, %get3A_85] : memref<128x128xf32, #tpu.memory_space<vmem>>, vector<128x128xf32>
    %dot_general3A_87 = arith.constant dense<0.000000e+00> : vector<128x128xf32>
    %dot_general3A_88 = tpu.matmul %max3A_64, %get3A_86, %dot_general3A_87 {dimension_numbers = #tpu.dot_dimension_numbers<[1], [0], [0], [1], [0, 0, 1, 1], [], []>, transpose_lhs_hint = false} : vector<128x128xf32>, vector<128x128xf32>, vector<128x128xf32> -> vector<128x128xf32>
    %get3A_89 = arith.constant 0 : index
    %get3A_90 = arith.constant 0 : index
    %get3A_91 = vector.load %arg11[%get3A_89, %get3A_90] : memref<128x128xf32, #tpu.memory_space<vmem>>, vector<128x128xf32>
    %dot_general3A_92 = arith.constant dense<0.000000e+00> : vector<128x128xf32>
    %dot_general3A_93 = tpu.matmul %max3A_83, %get3A_91, %dot_general3A_92 {dimension_numbers = #tpu.dot_dimension_numbers<[1], [0], [0], [1], [0, 0, 1, 1], [], []>, transpose_lhs_hint = false} : vector<128x128xf32>, vector<128x128xf32>, vector<128x128xf32> -> vector<128x128xf32>
    %add3A_94 = arith.addf %dot_general3A_88, %dot_general3A_93 : vector<128x128xf32>
    %get3A_95 = arith.constant 0 : index
    %get3A_96 = arith.constant 0 : index
    %get3A_97 = vector.load %arg16[%get3A_95, %get3A_96] : memref<1x128xf32, #tpu.memory_space<vmem>>, vector<1x128xf32>
    %add3A_98 = vector.broadcast %get3A_97 : vector<1x128xf32> to vector<128x128xf32>
    %add3A_99 = arith.addf %add3A_94, %add3A_98 : vector<128x128xf32>
    %swap3A = arith.constant 0 : index
    %swap3A_100 = arith.constant 0 : index
    %swap3A_101 = vector.load %arg17[%swap3A, %swap3A_100] : memref<128x128xf32, #tpu.memory_space<vmem>>, vector<128x128xf32>
    tpu.vector_store %arg17[%swap3A, %swap3A_100], %add3A_99 {strides = array<i32>} : memref<128x128xf32, #tpu.memory_space<vmem>>, vector<128x128xf32>,
    return
  }
  func.func @transform_0(%arg0: i32) -> (i32, i32) {
    %c0_i32 = arith.constant 0 : i32
    %c0_i32_0 = arith.constant 0 : i32
    return %arg0, %c0_i32 : i32, i32
  }
  func.func @transform_1(%arg0: i32) -> (i32, i32) {
    %c0_i32 = arith.constant 0 : i32
    %c0_i32_0 = arith.constant 0 : i32
    return %arg0, %c0_i32 : i32, i32
  }
  func.func @transform_2(%arg0: i32) -> (i32, i32) {
    %c0_i32 = arith.constant 0 : i32
    %c0_i32_0 = arith.constant 0 : i32
    return %arg0, %c0_i32 : i32, i32
  }
  func.func @transform_3(%arg0: i32) -> (i32, i32) {
    %c0_i32 = arith.constant 0 : i32
    %c0_i32_0 = arith.constant 0 : i32
    return %arg0, %c0_i32 : i32, i32
  }
  func.func @transform_4(%arg0: i32) -> (i32, i32) {
    %c0_i32 = arith.constant 0 : i32
    %c0_i32_0 = arith.constant 0 : i32
    %c0_i32_1 = arith.constant 0 : i32
    return %c0_i32, %c0_i32_0 : i32, i32
  }
  func.func @transform_5(%arg0: i32) -> (i32, i32) {
    %c0_i32 = arith.constant 0 : i32
    %c0_i32_0 = arith.constant 0 : i32
    %c0_i32_1 = arith.constant 0 : i32
    return %c0_i32, %c0_i32_0 : i32, i32
  }
  func.func @transform_6(%arg0: i32) -> (i32, i32) {
    %c0_i32 = arith.constant 0 : i32
    %c0_i32_0 = arith.constant 0 : i32
    %c0_i32_1 = arith.constant 0 : i32
    return %c0_i32, %c0_i32_0 : i32, i32
  }
  func.func @transform_7(%arg0: i32) -> (i32, i32) {
    %c0_i32 = arith.constant 0 : i32
    %c0_i32_0 = arith.constant 0 : i32
    %c0_i32_1 = arith.constant 0 : i32
    return %c0_i32, %c0_i32_0 : i32, i32
  }
  func.func @transform_8(%arg0: i32) -> (i32, i32) {
    %c0_i32 = arith.constant 0 : i32
    %c0_i32_0 = arith.constant 0 : i32
    %c0_i32_1 = arith.constant 0 : i32
    return %c0_i32, %c0_i32_0 : i32, i32
  }
  func.func @transform_9(%arg0: i32) -> (i32, i32) {
    %c0_i32 = arith.constant 0 : i32
    %c0_i32_0 = arith.constant 0 : i32
    %c0_i32_1 = arith.constant 0 : i32
    return %c0_i32, %c0_i32_0 : i32, i32
  }
  func.func @transform_10(%arg0: i32) -> (i32, i32) {
    %c0_i32 = arith.constant 0 : i32
    %c0_i32_0 = arith.constant 0 : i32
    %c0_i32_1 = arith.constant 0 : i32
    return %c0_i32, %c0_i32_0 : i32, i32
  }
  func.func @transform_11(%arg0: i32) -> (i32, i32) {
    %c0_i32 = arith.constant 0 : i32
    %c0_i32_0 = arith.constant 0 : i32
    %c0_i32_1 = arith.constant 0 : i32
    return %c0_i32, %c0_i32_0 : i32, i32
  }
  func.func @transform_12(%arg0: i32) -> (i32, i32) {
    %c0_i32 = arith.constant 0 : i32
    %c0_i32_0 = arith.constant 0 : i32
    %c0_i32_1 = arith.constant 0 : i32
    return %c0_i32, %c0_i32_0 : i32, i32
  }
  func.func @transform_13(%arg0: i32) -> (i32, i32) {
    %c0_i32 = arith.constant 0 : i32
    %c0_i32_0 = arith.constant 0 : i32
    %c0_i32_1 = arith.constant 0 : i32
    return %c0_i32, %c0_i32_0 : i32, i32
  }
  func.func @transform_14(%arg0: i32) -> (i32, i32) {
    %c0_i32 = arith.constant 0 : i32
    %c0_i32_0 = arith.constant 0 : i32
    %c0_i32_1 = arith.constant 0 : i32
    return %c0_i32, %c0_i32_0 : i32, i32
  }
  func.func @transform_15(%arg0: i32) -> (i32, i32) {
    %c0_i32 = arith.constant 0 : i32
    %c0_i32_0 = arith.constant 0 : i32
    %c0_i32_1 = arith.constant 0 : i32
    return %c0_i32, %c0_i32_0 : i32, i32
  }
  func.func @transform_16(%arg0: i32) -> (i32, i32) {
    %c0_i32 = arith.constant 0 : i32
    %c0_i32_0 = arith.constant 0 : i32
    return %arg0, %c0_i32 : i32, i32
  }
}

</mosaic_0001>

<sc_bundles>
// kernel: kernel.6.cloned.1.call-start
scs
__scs_entry_jumppad:
0x0: {  	(pc) =	sbr.rel $0x88, $3  }
0x1: {  	(tag) =	ssettag $0x0;
	lr =	simm.s32 $0x1  }
0x2: {  	[smem:$0x3F94] =	sst lr;
	_ =	strace $0xD0000000  }
0x3: {  	_ = 	snop  }
0x4: {  	_ = 	snop  }
0x5: {  	_ = 	snop  }
0x6: {  	_ = 	snop  }
0x7: {  	_ = 	snop  }
__scs_overlays_trampoline_lowered:
0x8: {  	[smem:$0x3FA3] =	sst s0  }
0x9: {  	[smem:$0x3FA4] =	sst s1  }
0xa: {  	[smem:$0x3FA5] =	sst s2  }
0xb: {  	[smem:$0x3FA6] =	sst s3  }
0xc: {  	[smem:$0x3FA7] =	sst s4  }
0xd: {  	[smem:$0x3FA8] =	sst s5  }
0xe: {  	[smem:$0x3FA9] =	sst s6  }
0xf: {  	[smem:$0x3FAA] =	sst s7  }
0x10: {  	[smem:$0x3FAB] =	sst s8  }
0x11: {  	[smem:$0x3FAC] =	sst s9;
	s0 =	simm.s32 @!p0 $0x0  }
0x12: {  	s1 =	sld [smem:$0x3F92];
	s0 =	simm.s32 @p0 $0x1  }
0x13: {  	[smem:$0x3FAD] =	sst s0;
	s0 =	simm.s32 @!p1 $0x0  }
0x14: {  	s2 =	sld [smem:$0x3F91];
	s0 =	simm.s32 @p1 $0x1  }
0x15: {  	[smem:$0x3FAE] =	sst s0;
	s0 =	simm.s32 @!p2 $0x0  }
0x16: {  	s3 =	sld [smem:$0x3FDB];
	s0 =	simm.s32 @p2 $0x1  }
0x17: {  	s4 =	simm.s32 $0x1BF5;
	[smem:$0x3FB0] =	sst s0  }
0x18: {  	s0 =	sld [smem:$0x3F93];
	_ =	swait.ge [sflag:s4], $0x0  }
0x19: {  	s7 =	sld [smem:$0x3F94]  }
0x1a: {  	s8 =	sadd.s32 $0xFFFFE003, lr  }
0x1b: {  	s9 =	sadd.s32 $0xFFFFFEF7, lr;
	s5 =	simm.s32 $0xFFFFFFFF;
	p2 =	slt.u32 s8, $0xFFFFF086  }
0x1c: {  	p1 =	slt.u32 s9, $0xF7A;
	s5 =	simm.s32 @!p2 $0x0  }
0x1d: {  	s5 =	simm.s32 @p1 $0x1;
	p0 =	seq.s32 s7, s2  }
0x1e: {  	s7 =	smul.u32 @!p0 $0xF7A, s2;
	p2 =	seq.s32 @!p0 s5, $0x0  }
0x1f: {  	s9 =	smul.u32 $0xF7A, s1;
	s8 =	simm.s32 @!p0 $0x1BF5;
	p2 =	por !p2, p0  }
0x20: {  	[sflag:s8] =	ssyncset.s32 @!p0 $0xFFFFF086;
	s6 =	sadd.s32 @!p0 s3, s7;
	s7 =	simm.s32 @!p0 $0x108  }
0x21: {  	s3 =	sadd.s32 s3, s9;
	s6 =	sadd.s32 @!p0 $0x88, s6;
	s7 =	simm.s32 @p2 $0x1082  }
0x22: {  	[simem:s7], [sflag:s8] =	dma.local @!p0 [hbm:s6], $0xF7A  }
0x23: {  	s9 =	sor.u32 $0xD0000000, s2;
	s6 =	simm.s32 $0x108;
	_ =	swait.ge @!p0 [sflag:s8], $0x0  }
0x24: {  	s3 =	sadd.s32 $0x88, s3;
	s6 =	simm.s32 @!p1 $0x1082;
	[sflag:s4] =	ssyncset.s32 $0xFFFFF086  }
0x25: {  	[simem:s6], [sflag:s4] =	dma.local [hbm:s3], $0xF7A  }
0x26: {  	[smem:$0x3F94] =	sst s1;
	(tag) =	ssettag s2;
	_ =	strace s9  }
0x27: {  	s1 =	sld [smem:$0x3FA4]  }
0x28: {  	s2 =	sld [smem:$0x3FA5]  }
0x29: {  	s4 =	sld [smem:$0x3FA7]  }
0x2a: {  	p0 =	seq.s32 s5, $0x0;
	s5 =	sld [smem:$0x3FA8]  }
0x2b: {  	s6 =	sld [smem:$0x3FA9]  }
0x2c: {  	s7 =	sld [smem:$0x3FAA]  }
0x2d: {  	s3 =	simm.s32 $0x108;
	s8 =	sld [smem:$0x3FAB]  }
0x2e: {  	s3 =	simm.s32 @!p0 $0x1082;
	s9 =	sld [smem:$0x3FAC]  }
0x2f: {  	lr =	sadd.s32 s0, s3;
	s0 =	sld [smem:$0x3FA3]  }
0x30: {  	s3 =	sld [smem:$0x3FA6]  }
0x31: {  	[smem:$0x3FAF] =	sst s10  }
0x32: {  	s10 =	sld [smem:$0x3FAD];
	_ =	sdelay $0x3  }
0x33: {  	p0 =	seq.s32 s10, $0x1;
	s10 =	sld [smem:$0x3FAF];
	_ =	sdelay $0x3  }
0x34: {  	[smem:$0x3FAF] =	sst s10  }
0x35: {  	s10 =	sld [smem:$0x3FAE];
	_ =	sdelay $0x3  }
0x36: {  	p1 =	seq.s32 s10, $0x1;
	s10 =	sld [smem:$0x3FAF];
	_ =	sdelay $0x3  }
0x37: {  	[smem:$0x3FAF] =	sst s10  }
0x38: {  	s10 =	sld [smem:$0x3FB0]  }
0x39: {  	_ = 	snop;
	(pc) =	sbr.ind lr, $3  }
0x3a: {  	_ = 	snop  }
0x3b: {  	_ = 	snop  }
0x3c: {  	p2 =	seq.s32 s10, $0x1;
	s10 =	sld [smem:$0x3FAF]  }
0x3d: {  	_ =	shalt  }
0x3e: {  	_ =	shalt  }
0x3f: {  	_ =	shalt  }
0x40: {  	_ =	shalt  }
0x41: {  	_ =	shalt  }
0x42: {  	_ =	shalt  }
0x43: {  	_ =	shalt  }
0x44: {  	_ =	shalt  }
0x45: {  	_ =	shalt  }
0x46: {  	_ =	shalt  }
0x47: {  	_ =	shalt  }
0x48: {  	_ =	shalt  }
0x49: {  	_ =	shalt  }
0x4a: {  	_ =	shalt  }
0x4b: {  	_ =	shalt  }
0x4c: {  	_ =	shalt  }
0x4d: {  	_ =	shalt  }
0x4e: {  	_ =	shalt  }
0x4f: {  	_ =	shalt  }
0x50: {  	_ =	shalt  }
0x51: {  	_ =	shalt  }
0x52: {  	_ =	shalt  }
0x53: {  	_ =	shalt  }
0x54: {  	_ =	shalt  }
0x55: {  	_ =	shalt  }
0x56: {  	_ =	shalt  }
0x57: {  	_ =	shalt  }
0x58: {  	_ =	shalt  }
0x59: {  	_ =	shalt  }
0x5a: {  	_ =	shalt  }
0x5b: {  	_ =	shalt  }
0x5c: {  	_ =	shalt  }
0x5d: {  	_ =	shalt  }
0x5e: {  	_ =	shalt  }
0x5f: {  	_ =	shalt  }
0x60: {  	_ =	shalt  }
0x61: {  	_ =	shalt  }
0x62: {  	_ =	shalt  }
0x63: {  	_ =	shalt  }
0x64: {  	_ =	shalt  }
0x65: {  	_ =	shalt  }
0x66: {  	_ =	shalt  }
0x67: {  	_ =	shalt  }
0x68: {  	_ =	shalt  }
0x69: {  	_ =	shalt  }
0x6a: {  	_ =	shalt  }
0x6b: {  	_ =	shalt  }
0x6c: {  	_ =	shalt  }
0x6d: {  	_ =	shalt  }
0x6e: {  	_ =	shalt  }
0x6f: {  	_ =	shalt  }
0x70: {  	_ =	shalt  }
0x71: {  	_ =	shalt  }
0x72: {  	_ =	shalt  }
0x73: {  	_ =	shalt  }
0x74: {  	_ =	shalt  }
0x75: {  	_ =	shalt  }
0x76: {  	_ =	shalt  }
0x77: {  	_ =	shalt  }
0x78: {  	_ =	shalt  }
0x79: {  	_ =	shalt  }
0x7a: {  	_ =	shalt  }
0x7b: {  	_ =	shalt  }
0x7c: {  	_ =	shalt  }
0x7d: {  	_ =	shalt  }
0x7e: {  	_ =	shalt  }
0x7f: {  	_ =	shalt  }
0x80: {  	_ =	shalt  }
0x81: {  	_ =	shalt  }
0x82: {  	_ =	shalt  }
0x83: {  	_ =	shalt  }
0x84: {  	_ =	shalt  }
0x85: {  	_ =	shalt  }
0x86: {  	_ =	shalt  }
0x87: {  	_ =	shalt  }
.Lfunc_end0:
.L_simem_size_0:
called_computation_lowered:
.L_overlay_start_0:
0x88: {  	s2 =	sld [smem:$0x3FD9]  }
0x89: {  	s3 =	sld [smem:$0x3FFE];
	_ =	sdelay $0x1  }
0x8a: {  	s1 =	srdreg.scid  }
0x8b: {  	s0 =	sand.u32 $0x1, s1  }
0x8c: {  	s17 =	sshll.u32 s0, $0xA;
	s2 =	sadd.s32 s3, s2  }
0x8d: {  	s2 =	sadd.s32 s2, s17  }
0x8e: {  	[smem:$0x3FBB] =	sst s2  }
0x8f: {  	_ = 	snop  }
0x90: {  	s2 =	sld [smem:$0x3FC9]  }
0x91: {  	s18 =	sld [smem:$0x3FD0];
	(tm) =	ssettm $0x1  }
0x92: {  	s4 =	sld [smem:$0x3FFB];
	_ =	sdelay $0x3  }
0x93: {  	_ =	strace s4  }
0x94: {  	s4 =	sld [smem:$0x3FFC];
	_ =	sdelay $0x3  }
0x95: {  	_ =	strace s4  }
0x96: {  	s4 =	sld [smem:$0x3FFD];
	_ =	sdelay $0x3  }
0x97: {  	_ =	strace s4  }
0x98: {  	_ =	strace $0x8FFFFFFF  }
0x99: {  	s19 =	sld [smem:$0x3FDB];
	_ =	sdelay $0x1  }
0x9a: {  	s5 =	simm.s32 $_scs_section_size  }
0x9b: {  	s6 =	simm.s32 $_size__tile_overlayer_lowered;
	s7 =	simm.s32 $_tile_overlayer_lowered  }
0x9c: {  	s22 =	simm.s32 $0x1BFF;
	s21 =	sshll.u32 s7, $0x1;
	s4 =	sadd.s32 s5, s19  }
0x9d: {  	s8 =	simm.s32 $0x0;
	s20 =	sshll.u32 s6, $0x1;
	s6 =	sadd.s32 s21, s4  }
0x9e: {  	[timem:s8], [sflag:s22] =	dma.local [hbm:s6], s20  }
0x9f: {  	_ =	swait.ge [sflag:s22], s20  }
0xa0: {  	s5 =	ssub.s32 $0x0, s20;
	[sflag:s22] =	ssyncset.done $0x0  }
0xa1: {  	[sflag:s22] =	ssyncadd.s32 s5;
	_ =	sdelay $0x1  }
0xa2: {  	s23 =	simm.s32 $0x1B8B  }
0xa3: {  	_ =	swait.ge [sflag:s23], $0x1  }
0xa4: {  	[sflag:s23] =	ssyncset.done $0x0  }
0xa5: {  	s25 =	simm.s32 $0x1B8E;
	s24 =	sld [smem:$0x3FFE];
	[sflag:s23] =	ssyncadd.s32 $0xFFFFFFFF  }
0xa6: {  	s26 =	simm.s32 $execute0_lowered;
	[smem:$0x3FD2] =	sst s25  }
0xa7: {  	s6 =	sshll.u32 s26, $0x1;
	_ =	strace $0x80000046;
	[dreg:$0x1] =	wrdreg $0xFFFFFFFF  }
0xa8: {  	s28 =	simm.s32 $_size_execute0_lowered;
	s4 =	sadd.s32 s4, s6;
	[dreg:$0x0] =	wrdreg $0x0  }
0xa9: {  	s6 =	sshll.u32 s28, $0x1;
	[dreg:$0x2] =	wrdreg s4  }
0xaa: {  	[dreg:$0x3] =	wrdreg s6  }
0xab: {  	[dreg:$0x4] =	wrdreg $0xC0  }
0xac: {  	_ =	task [dreg:s8], $0x5FFFF  }
0xad: {  	[dreg:$0x1] =	wrdreg $0xFFFFFFFF  }
0xae: {  	[dreg:$0x0] =	wrdreg $0x60  }
0xaf: {  	[dreg:$0x2] =	wrdreg s2  }
0xb0: {  	[dreg:$0x3] =	wrdreg s24  }
0xb1: {  	[dreg:$0x4] =	wrdreg s18  }
0xb2: {  	[dreg:$0x5] =	wrdreg $0x9  }
0xb3: {  	_ =	task.clear_ibuf [dreg:s8], $0x6FFFF;
	_ =	strace $0x90000046  }
0xb4: {  	s29 =	simm.s32 $0x9;
	_ =	strace $0x80000048  }
0xb5: {  	_ =	swait.ge [sflag:s29], $0x1  }
0xb6: {  	[sflag:s29] =	ssyncadd.s32 $0xFFFFFFFF  }
0xb7: {  	_ =	strace $0x90000048  }
0xb8: {  	_ =	sfence  }
0xb9: {  	s30 =	sld [smem:$0x0];
	_ =	sdelay $0x2  }
0xba: {  	s31 =	sshll.u32 s1, $0xD;
	s1 =	sshrl.u32 s1, $0x2  }
0xbb: {  	s3 =	sand.u32 $0x4000, s31;
	s1 =	sadd.s32 s1, s30  }
0xbc: {  	s0 =	sor.u32 s3, s0;
	s1 =	sshll.u32 s1, $0x11  }
0xbd: {  	s0 =	sor.u32 s1, s0  }
0xbe: {  	s0 =	sadd.s32 $0x8F2B, s0  }
0xbf: {  	[sflag:s0] =	ssyncadd.remote.s32 $0x1  }
0xc0: {  	_ =	sfence.sel $0xFFFF  }
0xc1: {  	[dreg:$0x0] =	wrdreg $0xFFFFFFFF;
	(pc) =	sbr.abs _section_cstart, $3  }
0xc2: {  	[dreg:$0x1] =	wrdreg $0xFFFFFFFF  }
0xc3: {  	_ =	task.clear_ibuf [dreg:s8], $0x2FFFF;
	_ =	strace $0x9FFFFFFF  }
0xc4: {  	(tm) =	ssettm $0x7FFFFFFF  }
0xc5: {  	_ =	shalt  }
tec
execute0_lowered:
.L_overlay_start_1:
0x0: {  	(tag) =	ssettag $0x1  }
0x1: {  	s0 =	rddreg [dreg:$0x0]  }
0x2: {  	s1 =	srdreg.scid;
	s4 =	rddreg [dreg:$0x1]  }
0x3: {  	s6 =	rddreg [dreg:$0x2];
	s31 =	stileid.u32;
	s2 =	simm.s32 $0x0  }
0x4: {  	s12 =	simm.s32 $0x80;
	s13 =	simm.s32 $0x20;
	s14 =	simm.s32 $0x780  }
0x5: {  	s15 =	simm.s32 $0x1;
	s16 =	simm.s32 $0x400;
	s17 =	simm.s32 $0x50  }
0x6: {  	s18 =	simm.s32 $0x5680;
	s19 =	simm.s32 $0x450;
	s3 =	sand.u32 $0x1, s1  }
0x7: {  	s20 =	simm.s32 $0x7E80;
	s21 =	simm.s32 $0x2;
	s5 =	sshll.u32 s3, $0x4  }
0x8: {  	s22 =	simm.s32 $0x3;
	s23 =	simm.s32 $0x3700;
	s5 =	sor.u32 s31, s5  }
0x9: {  	s24 =	simm.s32 $0x0;
	[smem:$0x7FF] =	sst s2;
	s7 =	smul.u32 $0x64, s5  }
0xa: {  	_ =	strace $0x80000047;
	s9 =	ssub.s32 $0x2, s3;
	s8 =	smul.u32 $0x3E8, s5  }
.Ltmp0:
0xb: {  	s3 =	sadd.s32 $0x4600, s4;
	s11 =	sshrl.u32 s9, $0x1;
	(pc) =	sbr.rel .LBB2_1-.Ltmp0, $4  }
0xc: {  	s9 =	ssub.s32 s9, s11;
	s5 =	sshll.u32 s5, $0x2;
	s11 =	simm.s32 $0x4  }
0xd: {  	s5 =	sadd.s32 s0, s5;
	s9 =	smax.u32 s9, $0x1;
	s8 =	sadd.s32 s8, s4  }
0xe: {  	s10 =	sadd.s32 s7, s4;
	s6 =	sadd.s32 s6, s7;
	s4 =	sadd.s32 $0x2B800, s8  }
0xf: {  	s7 =	sadd.s32 $0x33600, s10;
	s8 =	sadd.s32 $0x34400, s8;
	s10 =	simm.s32 $0x1780  }
.LBB2_10:
0x10: {  	s24 =	sadd.s32 $0x1, s24  }
0x11: {  	p0 =	sne.s32 s24, s9  }
.Ltmp1:
0x12: {  	_ = 	snop;
	(pc) =	sbr.rel @!p0 .LBB2_11-.Ltmp1, $4  }
0x13: {  	[hbm4b:s8+s2] =	stream.linear.scatter [tilespmem:s23], [sflag:$0x4], $0x1F40, $0x38;
	[tilespmem:$0xA680] =	vst v63  }
0x14: {  	_ =	swait.ge [sflag:s11], $0x1F40  }
0x15: {  	[sflag:s11] =	ssyncset.done $0x0  }
0x16: {  	[sflag:s11] =	ssyncadd.s32 $0xFFFFE0C0  }
.LBB2_1:
0x17: {  	[tilespmem:s10], [sflag:$0x4] =	stream.linear.gather [hbm4b:s4+s2], $0x1F40, $0x38;
	[tilespmem:$0xA680] =	vst v63  }
0x18: {  	_ =	swait.ge [sflag:s11], $0x1F40  }
0x19: {  	[sflag:s11] =	ssyncset.done $0x0  }
0x1a: {  	[sflag:s11] =	ssyncadd.s32 $0xFFFFE0C0  }
0x1b: {  	[tilespmem:s2], [sflag:$0x4] =	stream.linear.gather [hbm4b:s5+s2], $0x20, $0x38;
	[tilespmem:$0xA680] =	vst v63  }
0x1c: {  	_ =	swait.ge [sflag:s11], $0x20  }
0x1d: {  	[sflag:s11] =	ssyncset.done $0x0  }
0x1e: {  	[sflag:s11] =	ssyncadd.s32 $0xFFFFFFE0  }
0x1f: {  	[tilespmem:s12], [sflag:$0x4] =	stream.linear.gather [hbm4b:s6+s2], $0x320, $0x38;
	[tilespmem:$0xA680] =	vst v63  }
0x20: {  	_ =	swait.ge [sflag:s11], $0x320  }
0x21: {  	[sflag:s11] =	ssyncset.done $0x0  }
0x22: {  	[sflag:s11] =	ssyncadd.s32 $0xFFFFFCE0  }
0x23: {  	[tilespmem:s14], [sflag:$0x1] =	stream.indirect.gather [hbm4b:s3+s13], $0x80, s2, s13, $0xb8;
	[tilespmem:$0xA680] =	vst v63  }
0x24: {  	_ =	swait.ge [sflag:s15], $0x1000  }
0x25: {  	[sflag:s15] =	ssyncset.done $0x0  }
0x26: {  	s25 =	simm.s32 $0x0;
	[sflag:s15] =	ssyncadd.s32 $0xFFFFF000  }
0x27: {  	v0 =	vld [tilespmem:s25+$0x80];
	_ =	sdelay $0x7  }
0x28: {  	s0 =	simm.s32 $0x10;
	s26 =	simm.s32 $0x80;
	v0 =	vld.idx.msk [tilespmem:v0+s14+$0x0], $0xffff  }
.LBB2_2:
0x29: {  	p0 =	sne.s32 s26, $0xC40;
	v1 =	vld [tilespmem:s0+$0x80];
	_ =	sdelay $0x3  }
.Ltmp2:
0x2a: {  	(pc) =	sbr.rel @p0 .LBB2_2-.Ltmp2, $2  }
0x2b: {  	[tilespmem:s25+$0x400] =	vst v0;
	s25 =	smov.u32 s0;
	_ =	sdelay $0x2  }
0x2c: {  	s0 =	sshra.s32 s26, $0x2;
	s26 =	sadd.s32 $0x40, s26;
	v0 =	vld.idx.msk [tilespmem:v1+s14+$0x0], $0xffff  }
0x2d: {  	v1 =	vld [tilespmem:s0+$0x80];
	_ =	sdelay $0x6  }
0x2e: {  	[tilespmem:s25+$0x400] =	vst v0  }
0x2f: {  	v0 =	vld.idx.msk [tilespmem:v1+s14+$0x0], $0xffff;
	_ =	sdelay $0x4  }
0x30: {  	s25 =	simm.s32 $0x0;
	[tilespmem:s0+$0x400] =	vst v0  }
0x31: {  	[hbm4b:s7+s25] =	stream.linear.scatter [tilespmem:s16], [sflag:$0x4], $0x320, $0x38;
	[tilespmem:$0xA680] =	vst v63  }
0x32: {  	_ =	swait.ge [sflag:s11], $0x320  }
0x33: {  	[sflag:s11] =	ssyncset.done $0x0  }
0x34: {  	s26 =	simm.s32 $0x1780;
	[sflag:s11] =	ssyncadd.s32 $0xFFFFFCE0  }
0x35: {  	[tilespmem:s18], [sflag:$0x2] =	stream.indirect.gather [hbm4b:s3+s17], $0x80, s16, s17, $0xb8;
	[tilespmem:$0xA680] =	vst v63  }
0x36: {  	s28 =	simm.s32 $0x3700;
	s29 =	simm.s32 $0x1AA0;
	s30 =	simm.s32 $0x3A20  }
0x37: {  	[tilespmem:s20], [sflag:$0x3] =	stream.indirect.gather [hbm4b:s3+s17], $0x80, s19, s17, $0xb8;
	[tilespmem:$0xA680] =	vst v63  }
.LBB2_4:
0x38: {  	v1 =	vmov s26;
	_ =	sdelay $0x1  }
0x39: {  	_ =	swait.ge [sflag:s21], $0x2800  }
0x3a: {  	[sflag:s21] =	ssyncset.done $0x0  }
0x3b: {  	v0 =	vmov s28;
	s31 =	simm.s32 $0x0;
	s0 =	simm.s32 $0x40;
	[sflag:s21] =	ssyncadd.s32 $0xFFFFD800  }
.LBB2_5:
0x3c: {  	p0 =	sne.s32 s0, $0xC40;
	v2 =	vld.idx.msk [tilespmem:v1+s31+$0x0 ss:$0x1], $0xffff;
	_ =	sdelay $0x7  }
0x3d: {  	v2 =	vld.idx.msk [tilespmem:v2+s18+$0x0], $0xffff;
	_ =	sdelay $0x1  }
.Ltmp3:
0x3e: {  	(pc) =	sbr.rel @p0 .LBB2_5-.Ltmp3, $2  }
0x3f: {  	_ =	sdelay $0x2  }
0x40: {  	[tilespmem:v0+s31+$0x0 ss:$0x1] =	vst.idx.msk $0xffff, v2;
	s31 =	sshra.s32 s0, $0x2;
	s0 =	sadd.s32 $0x40, s0  }
0x41: {  	_ =	sdelay $0x3  }
0x42: {  	v1 =	vld.idx.msk [tilespmem:v1+s31+$0x0 ss:$0x1], $0xffff;
	_ =	sdelay $0x7  }
0x43: {  	v1 =	vld.idx.msk [tilespmem:v1+s18+$0x0], $0xffff  }
0x44: {  	p0 =	seq.s32 s25, $0x4  }
0x45: {  	s0 =	smul.u32 @!p0 $0x280, s25;
	_ =	sdelay $0x1  }
0x46: {  	s0 =	sshra.s32 @!p0 s0, $0x2  }
0x47: {  	s1 =	simm.s32 @!p0 $0x5680;
	s0 =	sadd.s32 @!p0 $0x4A0, s0;
	[tilespmem:v0+s31+$0x0 ss:$0x1] =	vst.idx.msk $0xffff, v1;
	s31 =	simm.s32 @!p0 $0x50;
	v1 =	vmov s29  }
0x48: {  	[tilespmem:s1], [sflag:$0x2] =	stream.indirect.gather @!p0 [hbm4b:s3+s31], $0x80, s0, s31, $0xb8;
	[tilespmem:$0xA680] =	vst v63  }
0x49: {  	_ =	swait.ge [sflag:s22], $0x2800  }
0x4a: {  	[sflag:s22] =	ssyncset.done $0x0  }
0x4b: {  	v0 =	vmov s30;
	s31 =	simm.s32 $0x0;
	s0 =	simm.s32 $0x40;
	[sflag:s22] =	ssyncadd.s32 $0xFFFFD800  }
.LBB2_7:
0x4c: {  	p1 =	sne.s32 s0, $0xC40;
	v2 =	vld.idx.msk [tilespmem:v1+s31+$0x0 ss:$0x1], $0xffff;
	_ =	sdelay $0x7  }
0x4d: {  	v2 =	vld.idx.msk [tilespmem:v2+s20+$0x0], $0xffff;
	_ =	sdelay $0x1  }
.Ltmp4:
0x4e: {  	(pc) =	sbr.rel @p1 .LBB2_7-.Ltmp4, $2  }
0x4f: {  	_ =	sdelay $0x2  }
0x50: {  	[tilespmem:v0+s31+$0x0 ss:$0x1] =	vst.idx.msk $0xffff, v2;
	s31 =	sshra.s32 s0, $0x2;
	s0 =	sadd.s32 $0x40, s0  }
0x51: {  	_ =	sdelay $0x3  }
0x52: {  	v1 =	vld.idx.msk [tilespmem:v1+s31+$0x0 ss:$0x1], $0xffff;
	_ =	sdelay $0x7  }
0x53: {  	v1 =	vld.idx.msk [tilespmem:v1+s20+$0x0], $0xffff  }
.Ltmp5:
0x54: {  	_ = 	snop;
	(pc) =	sbr.rel @p0 .LBB2_10-.Ltmp5, $2  }
0x55: {  	_ =	sdelay $0x2  }
0x56: {  	[tilespmem:v0+s31+$0x0 ss:$0x1] =	vst.idx.msk $0xffff, v1  }
0x57: {  	s0 =	smul.u32 $0x280, s25  }
.Ltmp6:
0x58: {  	_ = 	snop;
	(pc) =	sbr.rel .LBB2_4-.Ltmp6, $4  }
0x59: {  	s25 =	sadd.s32 $0x1, s25  }
0x5a: {  	s26 =	sadd.s32 $0x640, s26;
	s28 =	sadd.s32 $0x640, s28;
	s0 =	sshra.s32 s0, $0x2  }
0x5b: {  	s29 =	sadd.s32 $0x640, s29;
	s30 =	sadd.s32 $0x640, s30;
	s0 =	sadd.s32 $0x4F0, s0  }
0x5c: {  	[tilespmem:s20], [sflag:$0x3] =	stream.indirect.gather [hbm4b:s3+s17], $0x80, s0, s17, $0xb8;
	[tilespmem:$0xA680] =	vst v63  }
.LBB2_11:
0x5d: {  	_ =	sfence.sel $0x180000  }
0x5e: {  	[bflag:$0x0] =	sbarrier.arrive $0xFFFF  }
0x5f: {  	_ =	strace $0x90000047  }
0x60: {  	s0 =	stileid.u32;
	[bflag:$0x2] =	sbarrier.arrive $0xFFFF  }
0x61: {  	p0 =	sne.s32 s0, $0x0;
	s0 =	rddreg [dreg:$0x3]  }
0x62: {  	s0 =	sadd.s32 @!p0 $0x100000, s0  }
0x63: {  	[sflag:s0] =	ssyncadd.tile.s32 @!p0 $0x1;
	_ =	shalt  }
.Lfunc_end2:
_tile_overlayer_lowered:
.L_overlay_start_2:
0x64: {  	(tag) =	ssettag $0x2  }
0x65: {  	s0 =	rddreg [dreg:$0x0];
	s2 =	stileid.u32  }
0x66: {  	s1 =	rddreg [dreg:$0x1];
	p0 =	sne.s32 s2, $0x0  }
0x67: {  	s3 =	rddreg [dreg:$0x2];
	[bflag:$0x3] =	sbarrier.arrive $0xFFFF;
	s2 =	simm.s32 @!p0 $0x1C04  }
0x68: {  	[timem:s3], [sflag:s2] =	dma.local @!p0 [hbm:s0], s1  }
0x69: {  	s0 =	simm.s32 @!p0 $0x4  }
0x6a: {  	_ =	swait.ge @!p0 [sflag:s0], s1  }
0x6b: {  	s1 =	ssub.s32 @!p0 $0x0, s1;
	[sflag:s0] =	ssyncset.done @!p0 $0x0  }
0x6c: {  	[sflag:s0] =	ssyncadd.s32 @!p0 s1  }
0x6d: {  	[bflag:$0x3] =	sbarrier.arrive $0xFFFF  }
0x6e: {  	_ =	shalt  }

// kernel: kernel.9.cloned.1.call-start
scs
__scs_entry_jumppad:
0x0: {  	(pc) =	sbr.rel $0x88, $3  }
0x1: {  	(tag) =	ssettag $0x0;
	lr =	simm.s32 $0x1  }
0x2: {  	[smem:$0x3F94] =	sst lr;
	_ =	strace $0xD0000000  }
0x3: {  	_ = 	snop  }
0x4: {  	_ = 	snop  }
0x5: {  	_ = 	snop  }
0x6: {  	_ = 	snop  }
0x7: {  	_ = 	snop  }
__scs_overlays_trampoline_lowered:
0x8: {  	[smem:$0x3FA3] =	sst s0  }
0x9: {  	[smem:$0x3FA4] =	sst s1  }
0xa: {  	[smem:$0x3FA5] =	sst s2  }
0xb: {  	[smem:$0x3FA6] =	sst s3  }
0xc: {  	[smem:$0x3FA7] =	sst s4  }
0xd: {  	[smem:$0x3FA8] =	sst s5  }
0xe: {  	[smem:$0x3FA9] =	sst s6  }
0xf: {  	[smem:$0x3FAA] =	sst s7  }
0x10: {  	[smem:$0x3FAB] =	sst s8  }
0x11: {  	[smem:$0x3FAC] =	sst s9;
	s0 =	simm.s32 @!p0 $0x0  }
0x12: {  	s1 =	sld [smem:$0x3F92];
	s0 =	simm.s32 @p0 $0x1  }
0x13: {  	[smem:$0x3FAD] =	sst s0;
	s0 =	simm.s32 @!p1 $0x0  }
0x14: {  	s2 =	sld [smem:$0x3F91];
	s0 =	simm.s32 @p1 $0x1  }
0x15: {  	[smem:$0x3FAE] =	sst s0;
	s0 =	simm.s32 @!p2 $0x0  }
0x16: {  	s3 =	sld [smem:$0x3FDB];
	s0 =	simm.s32 @p2 $0x1  }
0x17: {  	s4 =	simm.s32 $0x1BF5;
	[smem:$0x3FB0] =	sst s0  }
0x18: {  	s0 =	sld [smem:$0x3F93];
	_ =	swait.ge [sflag:s4], $0x0  }
0x19: {  	s7 =	sld [smem:$0x3F94]  }
0x1a: {  	s8 =	sadd.s32 $0xFFFFE003, lr  }
0x1b: {  	s9 =	sadd.s32 $0xFFFFFEF7, lr;
	s5 =	simm.s32 $0xFFFFFFFF;
	p2 =	slt.u32 s8, $0xFFFFF086  }
0x1c: {  	p1 =	slt.u32 s9, $0xF7A;
	s5 =	simm.s32 @!p2 $0x0  }
0x1d: {  	s5 =	simm.s32 @p1 $0x1;
	p0 =	seq.s32 s7, s2  }
0x1e: {  	s7 =	smul.u32 @!p0 $0xF7A, s2;
	p2 =	seq.s32 @!p0 s5, $0x0  }
0x1f: {  	s9 =	smul.u32 $0xF7A, s1;
	s8 =	simm.s32 @!p0 $0x1BF5;
	p2 =	por !p2, p0  }
0x20: {  	[sflag:s8] =	ssyncset.s32 @!p0 $0xFFFFF086;
	s6 =	sadd.s32 @!p0 s3, s7;
	s7 =	simm.s32 @!p0 $0x108  }
0x21: {  	s3 =	sadd.s32 s3, s9;
	s6 =	sadd.s32 @!p0 $0x88, s6;
	s7 =	simm.s32 @p2 $0x1082  }
0x22: {  	[simem:s7], [sflag:s8] =	dma.local @!p0 [hbm:s6], $0xF7A  }
0x23: {  	s9 =	sor.u32 $0xD0000000, s2;
	s6 =	simm.s32 $0x108;
	_ =	swait.ge @!p0 [sflag:s8], $0x0  }
0x24: {  	s3 =	sadd.s32 $0x88, s3;
	s6 =	simm.s32 @!p1 $0x1082;
	[sflag:s4] =	ssyncset.s32 $0xFFFFF086  }
0x25: {  	[simem:s6], [sflag:s4] =	dma.local [hbm:s3], $0xF7A  }
0x26: {  	[smem:$0x3F94] =	sst s1;
	(tag) =	ssettag s2;
	_ =	strace s9  }
0x27: {  	s1 =	sld [smem:$0x3FA4]  }
0x28: {  	s2 =	sld [smem:$0x3FA5]  }
0x29: {  	s4 =	sld [smem:$0x3FA7]  }
0x2a: {  	p0 =	seq.s32 s5, $0x0;
	s5 =	sld [smem:$0x3FA8]  }
0x2b: {  	s6 =	sld [smem:$0x3FA9]  }
0x2c: {  	s7 =	sld [smem:$0x3FAA]  }
0x2d: {  	s3 =	simm.s32 $0x108;
	s8 =	sld [smem:$0x3FAB]  }
0x2e: {  	s3 =	simm.s32 @!p0 $0x1082;
	s9 =	sld [smem:$0x3FAC]  }
0x2f: {  	lr =	sadd.s32 s0, s3;
	s0 =	sld [smem:$0x3FA3]  }
0x30: {  	s3 =	sld [smem:$0x3FA6]  }
0x31: {  	[smem:$0x3FAF] =	sst s10  }
0x32: {  	s10 =	sld [smem:$0x3FAD];
	_ =	sdelay $0x3  }
0x33: {  	p0 =	seq.s32 s10, $0x1;
	s10 =	sld [smem:$0x3FAF];
	_ =	sdelay $0x3  }
0x34: {  	[smem:$0x3FAF] =	sst s10  }
0x35: {  	s10 =	sld [smem:$0x3FAE];
	_ =	sdelay $0x3  }
0x36: {  	p1 =	seq.s32 s10, $0x1;
	s10 =	sld [smem:$0x3FAF];
	_ =	sdelay $0x3  }
0x37: {  	[smem:$0x3FAF] =	sst s10  }
0x38: {  	s10 =	sld [smem:$0x3FB0]  }
0x39: {  	_ = 	snop;
	(pc) =	sbr.ind lr, $3  }
0x3a: {  	_ = 	snop  }
0x3b: {  	_ = 	snop  }
0x3c: {  	p2 =	seq.s32 s10, $0x1;
	s10 =	sld [smem:$0x3FAF]  }
0x3d: {  	_ =	shalt  }
0x3e: {  	_ =	shalt  }
0x3f: {  	_ =	shalt  }
0x40: {  	_ =	shalt  }
0x41: {  	_ =	shalt  }
0x42: {  	_ =	shalt  }
0x43: {  	_ =	shalt  }
0x44: {  	_ =	shalt  }
0x45: {  	_ =	shalt  }
0x46: {  	_ =	shalt  }
0x47: {  	_ =	shalt  }
0x48: {  	_ =	shalt  }
0x49: {  	_ =	shalt  }
0x4a: {  	_ =	shalt  }
0x4b: {  	_ =	shalt  }
0x4c: {  	_ =	shalt  }
0x4d: {  	_ =	shalt  }
0x4e: {  	_ =	shalt  }
0x4f: {  	_ =	shalt  }
0x50: {  	_ =	shalt  }
0x51: {  	_ =	shalt  }
0x52: {  	_ =	shalt  }
0x53: {  	_ =	shalt  }
0x54: {  	_ =	shalt  }
0x55: {  	_ =	shalt  }
0x56: {  	_ =	shalt  }
0x57: {  	_ =	shalt  }
0x58: {  	_ =	shalt  }
0x59: {  	_ =	shalt  }
0x5a: {  	_ =	shalt  }
0x5b: {  	_ =	shalt  }
0x5c: {  	_ =	shalt  }
0x5d: {  	_ =	shalt  }
0x5e: {  	_ =	shalt  }
0x5f: {  	_ =	shalt  }
0x60: {  	_ =	shalt  }
0x61: {  	_ =	shalt  }
0x62: {  	_ =	shalt  }
0x63: {  	_ =	shalt  }
0x64: {  	_ =	shalt  }
0x65: {  	_ =	shalt  }
0x66: {  	_ =	shalt  }
0x67: {  	_ =	shalt  }
0x68: {  	_ =	shalt  }
0x69: {  	_ =	shalt  }
0x6a: {  	_ =	shalt  }
0x6b: {  	_ =	shalt  }
0x6c: {  	_ =	shalt  }
0x6d: {  	_ =	shalt  }
0x6e: {  	_ =	shalt  }
0x6f: {  	_ =	shalt  }
0x70: {  	_ =	shalt  }
0x71: {  	_ =	shalt  }
0x72: {  	_ =	shalt  }
0x73: {  	_ =	shalt  }
0x74: {  	_ =	shalt  }
0x75: {  	_ =	shalt  }
0x76: {  	_ =	shalt  }
0x77: {  	_ =	shalt  }
0x78: {  	_ =	shalt  }
0x79: {  	_ =	shalt  }
0x7a: {  	_ =	shalt  }
0x7b: {  	_ =	shalt  }
0x7c: {  	_ =	shalt  }
0x7d: {  	_ =	shalt  }
0x7e: {  	_ =	shalt  }
0x7f: {  	_ =	shalt  }
0x80: {  	_ =	shalt  }
0x81: {  	_ =	shalt  }
0x82: {  	_ =	shalt  }
0x83: {  	_ =	shalt  }
0x84: {  	_ =	shalt  }
0x85: {  	_ =	shalt  }
0x86: {  	_ =	shalt  }
0x87: {  	_ =	shalt  }
.Lfunc_end0:
.L_simem_size_0:
called_computation.1_lowered:
.L_overlay_start_0:
0x88: {  	s2 =	sld [smem:$0x3FD9]  }
0x89: {  	s3 =	sld [smem:$0x3FFE];
	_ =	sdelay $0x1  }
0x8a: {  	s1 =	srdreg.scid  }
0x8b: {  	s0 =	sand.u32 $0x1, s1  }
0x8c: {  	s17 =	sshll.u32 s0, $0xA;
	s2 =	sadd.s32 s3, s2  }
0x8d: {  	s2 =	sadd.s32 s2, s17  }
0x8e: {  	[smem:$0x3FBB] =	sst s2  }
0x8f: {  	_ = 	snop  }
0x90: {  	s2 =	sld [smem:$0x3FC9];
	(tm) =	ssettm $0x1  }
0x91: {  	s18 =	sld [smem:$0x3FFB];
	_ =	sdelay $0x3  }
0x92: {  	_ =	strace s18  }
0x93: {  	s3 =	sld [smem:$0x3FFC];
	_ =	sdelay $0x3  }
0x94: {  	_ =	strace s3  }
0x95: {  	s3 =	sld [smem:$0x3FFD];
	_ =	sdelay $0x3  }
0x96: {  	_ =	strace s3  }
0x97: {  	_ =	strace $0x8FFFFFFF  }
0x98: {  	s19 =	sld [smem:$0x3FDB];
	_ =	sdelay $0x1  }
0x99: {  	s4 =	simm.s32 $_scs_section_size  }
0x9a: {  	s5 =	simm.s32 $_size__tile_overlayer_lowered;
	s6 =	simm.s32 $_tile_overlayer_lowered  }
0x9b: {  	s22 =	simm.s32 $0x1BFF;
	s21 =	sshll.u32 s6, $0x1;
	s3 =	sadd.s32 s4, s19  }
0x9c: {  	s7 =	simm.s32 $0x0;
	s20 =	sshll.u32 s5, $0x1;
	s5 =	sadd.s32 s21, s3  }
0x9d: {  	[timem:s7], [sflag:s22] =	dma.local [hbm:s5], s20  }
0x9e: {  	_ =	swait.ge [sflag:s22], s20  }
0x9f: {  	s4 =	ssub.s32 $0x0, s20;
	[sflag:s22] =	ssyncset.done $0x0  }
0xa0: {  	[sflag:s22] =	ssyncadd.s32 s4;
	_ =	sdelay $0x1  }
0xa1: {  	s23 =	simm.s32 $0x1B8B  }
0xa2: {  	_ =	swait.ge [sflag:s23], $0x1  }
0xa3: {  	[sflag:s23] =	ssyncset.done $0x0  }
0xa4: {  	s25 =	simm.s32 $0x1B8E;
	s24 =	sld [smem:$0x3FFE];
	[sflag:s23] =	ssyncadd.s32 $0xFFFFFFFF  }
0xa5: {  	s26 =	simm.s32 $execute0_lowered;
	[smem:$0x3FD2] =	sst s25  }
0xa6: {  	s5 =	sshll.u32 s26, $0x1;
	_ =	strace $0x80000049;
	[dreg:$0x1] =	wrdreg $0xFFFFFFFF  }
0xa7: {  	s28 =	simm.s32 $_size_execute0_lowered;
	s3 =	sadd.s32 s3, s5;
	[dreg:$0x0] =	wrdreg $0x0  }
0xa8: {  	s5 =	sshll.u32 s28, $0x1;
	[dreg:$0x2] =	wrdreg s3  }
0xa9: {  	[dreg:$0x3] =	wrdreg s5  }
0xaa: {  	[dreg:$0x4] =	wrdreg $0xC0  }
0xab: {  	_ =	task [dreg:s7], $0x5FFFF  }
0xac: {  	[dreg:$0x1] =	wrdreg $0xFFFFFFFF  }
0xad: {  	[dreg:$0x0] =	wrdreg $0x60  }
0xae: {  	[dreg:$0x2] =	wrdreg s2  }
0xaf: {  	[dreg:$0x3] =	wrdreg s24  }
0xb0: {  	[dreg:$0x4] =	wrdreg $0x9  }
0xb1: {  	_ =	task.clear_ibuf [dreg:s7], $0x5FFFF;
	_ =	strace $0x90000049  }
0xb2: {  	s29 =	simm.s32 $0x9;
	_ =	strace $0x8000004B  }
0xb3: {  	_ =	swait.ge [sflag:s29], $0x1  }
0xb4: {  	[sflag:s29] =	ssyncadd.s32 $0xFFFFFFFF  }
0xb5: {  	_ =	strace $0x9000004B  }
0xb6: {  	_ =	sfence  }
0xb7: {  	s30 =	sld [smem:$0x0];
	_ =	sdelay $0x2  }
0xb8: {  	s31 =	sshll.u32 s1, $0xD;
	s1 =	sshrl.u32 s1, $0x2  }
0xb9: {  	s3 =	sand.u32 $0x4000, s31;
	s1 =	sadd.s32 s1, s30  }
0xba: {  	s0 =	sor.u32 s3, s0;
	s1 =	sshll.u32 s1, $0x11  }
0xbb: {  	s0 =	sor.u32 s1, s0  }
0xbc: {  	s0 =	sadd.s32 $0x8F2B, s0  }
0xbd: {  	[sflag:s0] =	ssyncadd.remote.s32 $0x1  }
0xbe: {  	_ =	sfence.sel $0xFFFF  }
0xbf: {  	[dreg:$0x0] =	wrdreg $0xFFFFFFFF;
	(pc) =	sbr.abs _section_cstart, $3  }
0xc0: {  	[dreg:$0x1] =	wrdreg $0xFFFFFFFF  }
0xc1: {  	_ =	task.clear_ibuf [dreg:s7], $0x2FFFF;
	_ =	strace $0x9FFFFFFF  }
0xc2: {  	(tm) =	ssettm $0x7FFFFFFF  }
0xc3: {  	_ =	shalt  }
tec
execute0_lowered:
.L_overlay_start_1:
0x0: {  	(tag) =	ssettag $0x1  }
0x1: {  	s0 =	srdreg.scid;
	s8 =	rddreg [dreg:$0x0]  }
0x2: {  	s2 =	stileid.u32;
	s7 =	rddreg [dreg:$0x1]  }
0x3: {  	s3 =	simm.s32 $0x0;
	s20 =	simm.s32 $0x400;
	s28 =	simm.s32 $0x9B80  }
0x4: {  	s29 =	simm.s32 $0x2;
	s30 =	simm.s32 $0x4;
	s0 =	sand.u32 $0x1, s0  }
0x5: {  	s31 =	simm.s32 $0x3;
	s18 =	simm.s32 $0x50;
	s1 =	sshll.u32 s0, $0x4  }
0x6: {  	s16 =	simm.s32 $0xC;
	[smem:$0x7FF] =	sst s3;
	s1 =	sor.u32 s2, s1  }
0x7: {  	_ =	strace $0x8000004A;
	s0 =	ssub.s32 $0x2, s0;
	s2 =	smul.u32 $0x320, s1  }
0x8: {  	s12 =	sshrl.u32 s0, $0x1;
	s5 =	smul.u32 $0x3E8, s1;
	s6 =	sshll.u32 s1, $0x9  }
0x9: {  	s0 =	ssub.s32 s0, s12;
	s21 =	sshll.u32 s1, $0x2;
	s23 =	smul.u32 $0x3200, s1  }
0xa: {  	s13 =	smul.u32 $0x19000, s1;
	s1 =	simm.s32 $0x5;
	s12 =	simm.s32 $0x6  }
0xb: {  	s11 =	sadd.s32 s6, s7;
	s6 =	sadd.s32 $0x8A600, s7;
	s8 =	sadd.s32 s8, s21  }
0xc: {  	s0 =	smax.u32 s0, $0x1;
	s21 =	simm.s32 $0x9;
	s4 =	sshrl.u32 s2, $0x3  }
0xd: {  	s10 =	sadd.s32 s5, s7;
	s5 =	sadd.s32 $0x63400, s7;
	[dreg:$0x4] =	wrdreg s8  }
0xe: {  	s24 =	sadd.s32 $0x4600, s11;
	s25 =	sadd.s32 $0x8600, s11;
	s14 =	sor.u32 $0x8, s2  }
0xf: {  	s15 =	sor.u32 $0x18, s2;
	[dreg:$0x8] =	wrdreg s0;
	s11 =	simm.s32 $0x80  }
0x10: {  	s0 =	simm.s32 $0xD;
	s9 =	sadd.s32 s4, s7;
	s4 =	sadd.s32 $0x3C200, s7  }
.Ltmp0:
0x11: {  	s7 =	sadd.s32 $0xEE600, s7;
	[dreg:$0x6] =	wrdreg s24;
	(pc) =	sbr.rel .LBB2_1-.Ltmp0, $4  }
0x12: {  	s10 =	sadd.s32 $0x34400, s10;
	[dreg:$0x7] =	wrdreg s25;
	s24 =	simm.s32 $0xE  }
0x13: {  	[dreg:$0x3] =	wrdreg s10;
	s22 =	sadd.s32 $0x33600, s9;
	s26 =	sadd.s32 s23, s7  }
0x14: {  	s10 =	simm.s32 $0xB;
	s23 =	simm.s32 $0x7;
	s9 =	simm.s32 $0x0  }
0x15: {  	v0 =	vimm.f32 $0.0e+00;
	[dreg:$0x5] =	wrdreg s22;
	s17 =	sadd.s32 $0x100, s26;
	s26 =	simm.s32 $0x4B80  }
.LBB2_33:
0x16: {  	s8 =	simm.s32 $0xA  }
0x17: {  	_ =	swait.ge [sflag:s8], $0x400  }
0x18: {  	[sflag:s8] =	ssyncset.done $0x0  }
0x19: {  	[sflag:s8] =	ssyncadd.s32 $0xFFFFFC00  }
0x1a: {  	_ =	swait.ge [sflag:s10], $0x400  }
0x1b: {  	[sflag:s10] =	ssyncset.done $0x0  }
0x1c: {  	[sflag:s10] =	ssyncadd.s32 $0xFFFFFC00  }
0x1d: {  	_ =	swait.ge [sflag:s16], $0x400  }
0x1e: {  	[sflag:s16] =	ssyncset.done $0x0  }
0x1f: {  	[sflag:s16] =	ssyncadd.s32 $0xFFFFFC00  }
0x20: {  	_ =	swait.ge [sflag:s0], $0x400  }
0x21: {  	s9 =	rddreg [dreg:$0x9]  }
0x22: {  	s25 =	rddreg [dreg:$0x8];
	s9 =	sadd.s32 $0x1, s9  }
0x23: {  	p0 =	sne.s32 s9, s25  }
.Ltmp1:
0x24: {  	_ = 	snop;
	(pc) =	sbr.rel @!p0 .LBB2_34-.Ltmp1, $3  }
0x25: {  	_ =	sdelay $0x1  }
0x26: {  	[sflag:s0] =	ssyncset.done $0x0  }
0x27: {  	s11 =	simm.s32 $0x80;
	[sflag:s0] =	ssyncadd.s32 $0xFFFFFC00  }
.LBB2_1:
0x28: {  	[dreg:$0x9] =	wrdreg s9  }
0x29: {  	s8 =	rddreg [dreg:$0x3]  }
0x2a: {  	[tilespmem:s20], [sflag:$0xE] =	stream.linear.gather [hbm4b:s8+s3], $0x1F40, $0x38;
	[tilespmem:$0x13380] =	vst v63  }
0x2b: {  	_ =	swait.ge [sflag:s24], $0x1F40  }
0x2c: {  	[sflag:s24] =	ssyncset.done $0x0  }
0x2d: {  	s25 =	rddreg [dreg:$0x4];
	[sflag:s24] =	ssyncadd.s32 $0xFFFFE0C0  }
0x2e: {  	[tilespmem:s3], [sflag:$0xE] =	stream.linear.gather [hbm4b:s25+s3], $0x20, $0x38;
	[tilespmem:$0x13380] =	vst v63  }
0x2f: {  	_ =	swait.ge [sflag:s24], $0x20  }
0x30: {  	[sflag:s24] =	ssyncset.done $0x0  }
0x31: {  	s9 =	rddreg [dreg:$0x5];
	[sflag:s24] =	ssyncadd.s32 $0xFFFFFFE0  }
0x32: {  	[tilespmem:s11], [sflag:$0xE] =	stream.linear.gather [hbm4b:s9+s3], $0x320, $0x38;
	[tilespmem:$0x13380] =	vst v63  }
0x33: {  	_ =	swait.ge [sflag:s24], $0x320  }
0x34: {  	s19 =	simm.s32 $0x20;
	[sflag:s24] =	ssyncset.done $0x0  }
0x35: {  	s22 =	simm.s32 $0x1;
	s20 =	simm.s32 $0x7380;
	[sflag:s24] =	ssyncadd.s32 $0xFFFFFCE0  }
0x36: {  	[tilespmem:s20], [sflag:$0x1] =	stream.indirect.gather [hbm4b:s5+s19], $0x80, s3, s19, $0xb8;
	[tilespmem:$0x13380] =	vst v63  }
0x37: {  	_ =	swait.ge [sflag:s22], $0x1000  }
0x38: {  	[sflag:s22] =	ssyncset.done $0x0  }
0x39: {  	s25 =	rddreg [dreg:$0x6];
	[sflag:s22] =	ssyncadd.s32 $0xFFFFF000  }
0x3a: {  	[hbm4b:s25+s3] =	stream.linear.scatter [tilespmem:s20], [sflag:$0xE], $0x1000, $0x38;
	[tilespmem:$0x13380] =	vst v63  }
0x3b: {  	_ =	swait.ge [sflag:s24], $0x1000  }
0x3c: {  	[sflag:s24] =	ssyncset.done $0x0  }
0x3d: {  	s8 =	simm.s32 $0x0;
	s9 =	simm.s32 $0x200;
	[sflag:s24] =	ssyncadd.s32 $0xFFFFF000  }
.LBB2_2:
0x3e: {  	p0 =	sne.s32 s9, $0x3E00;
	[tilespmem:s8+$0x123F0] =	vst v0  }
0x3f: {  	[tilespmem:s8+$0x12380] =	vst v0  }
0x40: {  	[tilespmem:s8+$0x12390] =	vst v0  }
.Ltmp2:
0x41: {  	[tilespmem:s8+$0x123A0] =	vst v0;
	(pc) =	sbr.rel @p0 .LBB2_2-.Ltmp2, $4  }
0x42: {  	[tilespmem:s8+$0x123B0] =	vst v0  }
0x43: {  	[tilespmem:s8+$0x123C0] =	vst v0  }
0x44: {  	[tilespmem:s8+$0x123D0] =	vst v0  }
0x45: {  	[tilespmem:s8+$0x123E0] =	vst v0;
	s8 =	sshra.s32 s9, $0x2;
	s9 =	sadd.s32 $0x200, s9  }
0x46: {  	[tilespmem:s8+$0x123F0] =	vst v0  }
0x47: {  	[tilespmem:s8+$0x12380] =	vst v0  }
0x48: {  	[tilespmem:s8+$0x12390] =	vst v0  }
0x49: {  	[tilespmem:s8+$0x123A0] =	vst v0  }
0x4a: {  	[tilespmem:s8+$0x123B0] =	vst v0  }
0x4b: {  	[tilespmem:s8+$0x123C0] =	vst v0  }
0x4c: {  	[tilespmem:s8+$0x123D0] =	vst v0  }
0x4d: {  	[tilespmem:s8+$0x123E0] =	vst v0;
	s8 =	simm.s32 $0x50;
	s9 =	simm.s32 $0x2380  }
0x4e: {  	[tilespmem:s9], [sflag:$0x2] =	stream.indirect.gather [hbm4b:s5+s8], $0x80, s11, s8, $0xb8;
	[tilespmem:$0x13380] =	vst v63  }
0x4f: {  	s24 =	simm.s32 $0x7380  }
0x50: {  	[tilespmem:s24], [sflag:$0x4] =	stream.indirect.gather [hbm4b:s4+s8], $0x80, s11, s8, $0xb8;
	[tilespmem:$0x13380] =	vst v63  }
0x51: {  	s25 =	simm.s32 $0xD0  }
0x52: {  	[tilespmem:s26], [sflag:$0x3] =	stream.indirect.gather [hbm4b:s5+s8], $0x80, s25, s8, $0xb8;
	[tilespmem:$0x13380] =	vst v63  }
0x53: {  	s22 =	simm.s32 $0x0;
	s9 =	simm.s32 $0x0;
	s11 =	simm.s32 $0x0  }
0x54: {  	[tilespmem:s28], [sflag:$0x5] =	stream.indirect.gather [hbm4b:s4+s8], $0x80, s25, s8, $0xb8;
	[tilespmem:$0x13380] =	vst v63  }
.LBB2_4:
0x55: {  	s19 =	smul.u32 $0xA0, s22;
	_ =	sdelay $0x1  }
0x56: {  	_ =	swait.ge [sflag:s29], $0x2800;
	s19 =	sadd.s32 s2, s19  }
0x57: {  	[sflag:s29] =	ssyncset.done $0x0;
	s19 =	sshll.u32 s19, $0x4  }
0x58: {  	s24 =	simm.s32 $0x2380;
	[sflag:s29] =	ssyncadd.s32 $0xFFFFD800;
	s25 =	sadd.s32 s6, s19  }
0x59: {  	[hbm4b:s25+s9] =	stream.linear.scatter [tilespmem:s24], [sflag:$0x8], $0x2800, $0x38;
	[tilespmem:$0x13380] =	vst v63  }
0x5a: {  	_ =	swait.ge [sflag:s30], $0x2800  }
0x5b: {  	[sflag:s30] =	ssyncset.done $0x0  }
0x5c: {  	s20 =	simm.s32 $0x73C0;
	[sflag:s30] =	ssyncadd.s32 $0xFFFFD800  }
0x5d: {  	s19 =	simm.s32 $0x1;
	s24 =	sadd.s32 $0x0, s11;
	v1 =	vld [tilespmem:s20+$0xFFFFFFC0]  }
.LBB2_5:
0x5e: {  	p0 =	sne.s32 s19, $0x4F;
	s24 =	smulhi.u32 $0x51EB851F, s24;
	_ =	sdelay $0x1  }
0x5f: {  	s24 =	sshll.u32 s24, $0x4  }
0x60: {  	s24 =	sand.u32 $0x3FFFFF80, s24  }
0x61: {  	[tilespmem:s24+$0x12380] =	vst.add.f32.msk $0xffff, v1  }
0x62: {  	v1 =	vld [tilespmem:s20+$0xFFFFFFD0];
	_ =	sdelay $0x4  }
0x63: {  	[tilespmem:s24+$0x12390] =	vst.add.f32.msk $0xffff, v1  }
0x64: {  	v1 =	vld [tilespmem:s20+$0xFFFFFFE0];
	_ =	sdelay $0x4  }
0x65: {  	[tilespmem:s24+$0x123A0] =	vst.add.f32.msk $0xffff, v1  }
0x66: {  	v1 =	vld [tilespmem:s20+$0xFFFFFFF0];
	_ =	sdelay $0x4  }
0x67: {  	[tilespmem:s24+$0x123B0] =	vst.add.f32.msk $0xffff, v1  }
0x68: {  	v1 =	vld [tilespmem:s20+$0x0];
	_ =	sdelay $0x4  }
0x69: {  	[tilespmem:s24+$0x123C0] =	vst.add.f32.msk $0xffff, v1  }
0x6a: {  	v1 =	vld [tilespmem:s20+$0x10];
	_ =	sdelay $0x4  }
0x6b: {  	[tilespmem:s24+$0x123D0] =	vst.add.f32.msk $0xffff, v1  }
0x6c: {  	v1 =	vld [tilespmem:s20+$0x20];
	_ =	sdelay $0x4  }
0x6d: {  	[tilespmem:s24+$0x123E0] =	vst.add.f32.msk $0xffff, v1  }
0x6e: {  	v1 =	vld [tilespmem:s20+$0x30];
	_ =	sdelay $0x1  }
.Ltmp3:
0x6f: {  	(pc) =	sbr.rel @p0 .LBB2_5-.Ltmp3, $3  }
0x70: {  	_ =	sdelay $0x1  }
0x71: {  	s20 =	sadd.s32 $0x80, s20;
	[tilespmem:s24+$0x123F0] =	vst.add.f32.msk $0xffff, v1  }
0x72: {  	s24 =	sadd.s32 s19, s11;
	s19 =	sadd.s32 $0x1, s19;
	v1 =	vld [tilespmem:s20+$0xFFFFFFC0]  }
0x73: {  	s19 =	smulhi.u32 $0x51EB851F, s24;
	_ =	sdelay $0x1  }
0x74: {  	s19 =	sshll.u32 s19, $0x4  }
0x75: {  	s19 =	sand.u32 $0x3FFFFF80, s19  }
0x76: {  	[tilespmem:s19+$0x12380] =	vst.add.f32.msk $0xffff, v1  }
0x77: {  	v1 =	vld [tilespmem:s20+$0xFFFFFFD0];
	_ =	sdelay $0x4  }
0x78: {  	[tilespmem:s19+$0x12390] =	vst.add.f32.msk $0xffff, v1  }
0x79: {  	v1 =	vld [tilespmem:s20+$0xFFFFFFE0];
	_ =	sdelay $0x4  }
0x7a: {  	[tilespmem:s19+$0x123A0] =	vst.add.f32.msk $0xffff, v1  }
0x7b: {  	v1 =	vld [tilespmem:s20+$0xFFFFFFF0];
	_ =	sdelay $0x4  }
0x7c: {  	[tilespmem:s19+$0x123B0] =	vst.add.f32.msk $0xffff, v1  }
0x7d: {  	v1 =	vld [tilespmem:s20+$0x0];
	_ =	sdelay $0x4  }
0x7e: {  	[tilespmem:s19+$0x123C0] =	vst.add.f32.msk $0xffff, v1  }
0x7f: {  	v1 =	vld [tilespmem:s20+$0x10];
	_ =	sdelay $0x4  }
0x80: {  	[tilespmem:s19+$0x123D0] =	vst.add.f32.msk $0xffff, v1  }
0x81: {  	v1 =	vld [tilespmem:s20+$0x20];
	_ =	sdelay $0x4  }
0x82: {  	[tilespmem:s19+$0x123E0] =	vst.add.f32.msk $0xffff, v1  }
0x83: {  	v1 =	vld [tilespmem:s20+$0x30];
	_ =	sdelay $0x3  }
0x84: {  	p0 =	seq.s32 s22, $0x4  }
0x85: {  	[tilespmem:s19+$0x123F0] =	vst.add.f32.msk $0xffff, v1;
	s19 =	simm.s32 @!p0 $0x8  }
0x86: {  	s20 =	smul.u32 @!p0 $0x280, s22;
	_ =	swait.ge @!p0 [sflag:s19], $0x2800  }
0x87: {  	[sflag:s19] =	ssyncset.done @!p0 $0x0  }
0x88: {  	[sflag:s19] =	ssyncadd.s32 @!p0 $0xFFFFD800;
	s19 =	sshra.s32 @!p0 s20, $0x2  }
0x89: {  	s24 =	simm.s32 @!p0 $0x2380;
	s20 =	simm.s32 @!p0 $0x50;
	s19 =	sadd.s32 @!p0 $0x120, s19  }
0x8a: {  	[tilespmem:s24], [sflag:$0x2] =	stream.indirect.gather @!p0 [hbm4b:s5+s20], $0x80, s19, s20, $0xb8;
	[tilespmem:$0x13380] =	vst v63  }
0x8b: {  	s24 =	simm.s32 @!p0 $0x7380  }
0x8c: {  	[tilespmem:s24], [sflag:$0x4] =	stream.indirect.gather @!p0 [hbm4b:s4+s20], $0x80, s19, s20, $0xb8;
	[tilespmem:$0x13380] =	vst v63  }
0x8d: {  	_ =	swait.ge [sflag:s31], $0x2800  }
0x8e: {  	[sflag:s31] =	ssyncset.done $0x0  }
0x8f: {  	s24 =	sadd.s32 $0x500, s25;
	s25 =	simm.s32 $0x0;
	[sflag:s31] =	ssyncadd.s32 $0xFFFFD800  }
0x90: {  	[hbm4b:s24+s25] =	stream.linear.scatter [tilespmem:s26], [sflag:$0x9], $0x2800, $0x38;
	[tilespmem:$0x13380] =	vst v63  }
0x91: {  	_ =	swait.ge [sflag:s1], $0x2800  }
0x92: {  	[sflag:s1] =	ssyncset.done $0x0  }
0x93: {  	s20 =	simm.s32 $0x9BC0;
	[sflag:s1] =	ssyncadd.s32 $0xFFFFD800  }
0x94: {  	s19 =	simm.s32 $0x1;
	s24 =	sadd.s32 $0x0, s8;
	v1 =	vld [tilespmem:s20+$0xFFFFFFC0]  }
.LBB2_7:
0x95: {  	p1 =	sne.s32 s19, $0x4F;
	s24 =	smulhi.u32 $0x51EB851F, s24;
	_ =	sdelay $0x1  }
0x96: {  	s24 =	sshll.u32 s24, $0x4  }
0x97: {  	s24 =	sand.u32 $0x3FFFFF80, s24  }
0x98: {  	[tilespmem:s24+$0x12380] =	vst.add.f32.msk $0xffff, v1  }
0x99: {  	v1 =	vld [tilespmem:s20+$0xFFFFFFD0];
	_ =	sdelay $0x4  }
0x9a: {  	[tilespmem:s24+$0x12390] =	vst.add.f32.msk $0xffff, v1  }
0x9b: {  	v1 =	vld [tilespmem:s20+$0xFFFFFFE0];
	_ =	sdelay $0x4  }
0x9c: {  	[tilespmem:s24+$0x123A0] =	vst.add.f32.msk $0xffff, v1  }
0x9d: {  	v1 =	vld [tilespmem:s20+$0xFFFFFFF0];
	_ =	sdelay $0x4  }
0x9e: {  	[tilespmem:s24+$0x123B0] =	vst.add.f32.msk $0xffff, v1  }
0x9f: {  	v1 =	vld [tilespmem:s20+$0x0];
	_ =	sdelay $0x4  }
0xa0: {  	[tilespmem:s24+$0x123C0] =	vst.add.f32.msk $0xffff, v1  }
0xa1: {  	v1 =	vld [tilespmem:s20+$0x10];
	_ =	sdelay $0x4  }
0xa2: {  	[tilespmem:s24+$0x123D0] =	vst.add.f32.msk $0xffff, v1  }
0xa3: {  	v1 =	vld [tilespmem:s20+$0x20];
	_ =	sdelay $0x4  }
0xa4: {  	[tilespmem:s24+$0x123E0] =	vst.add.f32.msk $0xffff, v1  }
0xa5: {  	v1 =	vld [tilespmem:s20+$0x30];
	_ =	sdelay $0x1  }
.Ltmp4:
0xa6: {  	(pc) =	sbr.rel @p1 .LBB2_7-.Ltmp4, $3  }
0xa7: {  	_ =	sdelay $0x1  }
0xa8: {  	s20 =	sadd.s32 $0x80, s20;
	[tilespmem:s24+$0x123F0] =	vst.add.f32.msk $0xffff, v1  }
0xa9: {  	s24 =	sadd.s32 s19, s8;
	s19 =	sadd.s32 $0x1, s19;
	v1 =	vld [tilespmem:s20+$0xFFFFFFC0]  }
0xaa: {  	s19 =	smulhi.u32 $0x51EB851F, s24;
	_ =	sdelay $0x1  }
0xab: {  	s19 =	sshll.u32 s19, $0x4  }
0xac: {  	s19 =	sand.u32 $0x3FFFFF80, s19  }
0xad: {  	[tilespmem:s19+$0x12380] =	vst.add.f32.msk $0xffff, v1  }
0xae: {  	v1 =	vld [tilespmem:s20+$0xFFFFFFD0];
	_ =	sdelay $0x4  }
0xaf: {  	[tilespmem:s19+$0x12390] =	vst.add.f32.msk $0xffff, v1  }
0xb0: {  	v1 =	vld [tilespmem:s20+$0xFFFFFFE0];
	_ =	sdelay $0x4  }
0xb1: {  	[tilespmem:s19+$0x123A0] =	vst.add.f32.msk $0xffff, v1  }
0xb2: {  	v1 =	vld [tilespmem:s20+$0xFFFFFFF0];
	_ =	sdelay $0x4  }
0xb3: {  	[tilespmem:s19+$0x123B0] =	vst.add.f32.msk $0xffff, v1  }
0xb4: {  	v1 =	vld [tilespmem:s20+$0x0];
	_ =	sdelay $0x4  }
0xb5: {  	[tilespmem:s19+$0x123C0] =	vst.add.f32.msk $0xffff, v1  }
0xb6: {  	v1 =	vld [tilespmem:s20+$0x10];
	_ =	sdelay $0x4  }
0xb7: {  	[tilespmem:s19+$0x123D0] =	vst.add.f32.msk $0xffff, v1  }
0xb8: {  	v1 =	vld [tilespmem:s20+$0x20];
	_ =	sdelay $0x4  }
0xb9: {  	[tilespmem:s19+$0x123E0] =	vst.add.f32.msk $0xffff, v1  }
0xba: {  	v1 =	vld [tilespmem:s20+$0x30]  }
.Ltmp5:
0xbb: {  	_ = 	snop;
	(pc) =	sbr.rel @p0 .LBB2_10-.Ltmp5, $2  }
0xbc: {  	_ =	sdelay $0x2  }
0xbd: {  	[tilespmem:s19+$0x123F0] =	vst.add.f32.msk $0xffff, v1  }
0xbe: {  	s19 =	smul.u32 $0x280, s22  }
0xbf: {  	_ =	swait.ge [sflag:s21], $0x2800  }
.Ltmp6:
0xc0: {  	[sflag:s21] =	ssyncset.done $0x0;
	s19 =	sshra.s32 s19, $0x2;
	(pc) =	sbr.rel .LBB2_4-.Ltmp6, $4  }
0xc1: {  	[sflag:s21] =	ssyncadd.s32 $0xFFFFD800;
	s19 =	sadd.s32 $0x170, s19  }
0xc2: {  	[tilespmem:s26], [sflag:$0x3] =	stream.indirect.gather [hbm4b:s5+s18], $0x80, s19, s18, $0xb8;
	[tilespmem:$0x13380] =	vst v63  }
0xc3: {  	s22 =	sadd.s32 $0x1, s22;
	s11 =	sadd.s32 $0xA0, s11;
	s8 =	sadd.s32 $0xA0, s8  }
0xc4: {  	[tilespmem:s28], [sflag:$0x5] =	stream.indirect.gather [hbm4b:s4+s18], $0x80, s19, s18, $0xb8;
	[tilespmem:$0x13380] =	vst v63  }
.LBB2_10:
0xc5: {  	s8 =	simm.s32 $0x8  }
0xc6: {  	_ =	swait.ge [sflag:s8], $0x2800  }
0xc7: {  	[sflag:s8] =	ssyncset.done $0x0  }
0xc8: {  	[sflag:s8] =	ssyncadd.s32 $0xFFFFD800  }
0xc9: {  	_ =	swait.ge [sflag:s21], $0x2800  }
0xca: {  	s25 =	simm.s32 $0x0;
	s9 =	simm.s32 $0x12380;
	[sflag:s21] =	ssyncset.done $0x0  }
0xcb: {  	s24 =	simm.s32 $0xE;
	s11 =	rddreg [dreg:$0x7];
	[sflag:s21] =	ssyncadd.s32 $0xFFFFD800  }
0xcc: {  	[hbm4b:s11+s25] =	stream.linear.scatter [tilespmem:s9], [sflag:$0xE], $0x1000, $0x38;
	[tilespmem:$0x13380] =	vst v63  }
0xcd: {  	_ =	swait.ge [sflag:s24], $0x1000  }
0xce: {  	[sflag:s24] =	ssyncset.done $0x0  }
0xcf: {  	s20 =	simm.s32 $0x400;
	s19 =	simm.s32 $0x7380;
	[sflag:s24] =	ssyncadd.s32 $0xFFFFF000  }
0xd0: {  	[tilespmem:s19], [sflag:$0x4] =	stream.indirect.gather [hbm4b:s4+s18], $0x80, s20, s18, $0xb8;
	[tilespmem:$0x13380] =	vst v63  }
0xd1: {  	s22 =	simm.s32 $0x450  }
0xd2: {  	[tilespmem:s28], [sflag:$0x5] =	stream.indirect.gather [hbm4b:s4+s18], $0x80, s22, s18, $0xb8;
	[tilespmem:$0x13380] =	vst v63  }
0xd3: {  	s9 =	simm.s32 $0x4A0;
	s11 =	simm.s32 $0xC380  }
0xd4: {  	[tilespmem:s11], [sflag:$0x6] =	stream.indirect.gather [hbm4b:s4+s18], $0x80, s9, s18, $0xb8;
	[tilespmem:$0x13380] =	vst v63  }
0xd5: {  	s19 =	simm.s32 $0x4F0;
	s22 =	simm.s32 $0xEB80  }
0xd6: {  	[tilespmem:s22], [sflag:$0x7] =	stream.indirect.gather [hbm4b:s4+s18], $0x80, s19, s18, $0xb8;
	[tilespmem:$0x13380] =	vst v63  }
.LBB2_11:
0xd7: {  	_ =	swait.ge [sflag:s30], $0x2800  }
0xd8: {  	p0 =	seq.s32 s25, $0x0;
	[sflag:s30] =	ssyncset.done $0x0  }
0xd9: {  	s8 =	simm.s32 @!p0 $0xA;
	[sflag:s30] =	ssyncadd.s32 $0xFFFFD800  }
0xda: {  	_ =	swait.ge @!p0 [sflag:s8], $0x400  }
0xdb: {  	[sflag:s8] =	ssyncset.done @!p0 $0x0  }
0xdc: {  	s22 =	simm.s32 $0x7600;
	[sflag:s8] =	ssyncadd.s32 @!p0 $0xFFFFFC00  }
0xdd: {  	v1 =	vld [tilespmem:s22+$0xFFFFFE00]  }
0xde: {  	v2 =	vld [tilespmem:s22+$0xFFFFFD80];
	_ =	sdelay $0x1  }
0xdf: {  	v3 =	vld [tilespmem:s22+$0xFFFFFE80];
	_ =	sdelay $0x1  }
0xe0: {  	v4 =	vld [tilespmem:s22+$0xFFFFFF00]  }
0xe1: {  	v1 =	vadd.f32 v1, v2  }
0xe2: {  	v2 =	vld [tilespmem:s22+$0xFFFFFF80]  }
0xe3: {  	v1 =	vadd.f32 v3, v1  }
0xe4: {  	v3 =	vld [tilespmem:s22+$0x0]  }
0xe5: {  	v1 =	vadd.f32 v4, v1  }
0xe6: {  	v4 =	vld [tilespmem:s22+$0x80]  }
0xe7: {  	v1 =	vadd.f32 v2, v1  }
0xe8: {  	v2 =	vld [tilespmem:s22+$0x100]  }
0xe9: {  	v1 =	vadd.f32 v3, v1  }
0xea: {  	v3 =	vld [tilespmem:s22+$0x180]  }
0xeb: {  	v1 =	vadd.f32 v4, v1  }
0xec: {  	v4 =	vld [tilespmem:s22+$0x200]  }
0xed: {  	v1 =	vadd.f32 v2, v1;
	_ =	sdelay $0x1  }
0xee: {  	v1 =	vadd.f32 v3, v1;
	_ =	sdelay $0x1  }
0xef: {  	v1 =	vadd.f32 v4, v1  }
0xf0: {  	s8 =	simm.s32 $0x0  }
0xf1: {  	[tilespmem:s8+$0x11380] =	vst v1  }
0xf2: {  	v1 =	vld [tilespmem:s22+$0xFFFFFD90]  }
0xf3: {  	v2 =	vld [tilespmem:s22+$0xFFFFFE10];
	_ =	sdelay $0x1  }
0xf4: {  	v3 =	vld [tilespmem:s22+$0xFFFFFE90];
	_ =	sdelay $0x1  }
0xf5: {  	v4 =	vld [tilespmem:s22+$0xFFFFFF10]  }
0xf6: {  	v1 =	vadd.f32 v2, v1  }
0xf7: {  	v2 =	vld [tilespmem:s22+$0xFFFFFF90]  }
0xf8: {  	v1 =	vadd.f32 v3, v1  }
0xf9: {  	v3 =	vld [tilespmem:s22+$0x10]  }
0xfa: {  	v1 =	vadd.f32 v4, v1  }
0xfb: {  	v4 =	vld [tilespmem:s22+$0x90]  }
0xfc: {  	v1 =	vadd.f32 v2, v1  }
0xfd: {  	v2 =	vld [tilespmem:s22+$0x110]  }
0xfe: {  	v1 =	vadd.f32 v3, v1  }
0xff: {  	v3 =	vld [tilespmem:s22+$0x190]  }
0x100: {  	v1 =	vadd.f32 v4, v1  }
0x101: {  	v4 =	vld [tilespmem:s22+$0x210]  }
0x102: {  	v1 =	vadd.f32 v2, v1;
	_ =	sdelay $0x1  }
0x103: {  	v1 =	vadd.f32 v3, v1;
	_ =	sdelay $0x1  }
0x104: {  	v1 =	vadd.f32 v4, v1;
	_ =	sdelay $0x1  }
0x105: {  	[tilespmem:s8+$0x11390] =	vst v1  }
0x106: {  	v1 =	vld [tilespmem:s22+$0xFFFFFDA0]  }
0x107: {  	v2 =	vld [tilespmem:s22+$0xFFFFFE20];
	_ =	sdelay $0x1  }
0x108: {  	v3 =	vld [tilespmem:s22+$0xFFFFFEA0];
	_ =	sdelay $0x1  }
0x109: {  	v4 =	vld [tilespmem:s22+$0xFFFFFF20]  }
0x10a: {  	v1 =	vadd.f32 v2, v1  }
0x10b: {  	v2 =	vld [tilespmem:s22+$0xFFFFFFA0]  }
0x10c: {  	v1 =	vadd.f32 v3, v1  }
0x10d: {  	v3 =	vld [tilespmem:s22+$0x20]  }
0x10e: {  	v1 =	vadd.f32 v4, v1  }
0x10f: {  	v4 =	vld [tilespmem:s22+$0xA0]  }
0x110: {  	v1 =	vadd.f32 v2, v1  }
0x111: {  	v2 =	vld [tilespmem:s22+$0x120]  }
0x112: {  	v1 =	vadd.f32 v3, v1  }
0x113: {  	v3 =	vld [tilespmem:s22+$0x1A0]  }
0x114: {  	v1 =	vadd.f32 v4, v1  }
0x115: {  	v4 =	vld [tilespmem:s22+$0x220]  }
0x116: {  	v1 =	vadd.f32 v2, v1;
	_ =	sdelay $0x1  }
0x117: {  	v1 =	vadd.f32 v3, v1;
	_ =	sdelay $0x1  }
0x118: {  	v1 =	vadd.f32 v4, v1;
	_ =	sdelay $0x1  }
0x119: {  	[tilespmem:s8+$0x113A0] =	vst v1  }
0x11a: {  	v1 =	vld [tilespmem:s22+$0xFFFFFDB0]  }
0x11b: {  	v2 =	vld [tilespmem:s22+$0xFFFFFE30];
	_ =	sdelay $0x1  }
0x11c: {  	v3 =	vld [tilespmem:s22+$0xFFFFFEB0];
	_ =	sdelay $0x1  }
0x11d: {  	v4 =	vld [tilespmem:s22+$0xFFFFFF30]  }
0x11e: {  	v1 =	vadd.f32 v2, v1  }
0x11f: {  	v2 =	vld [tilespmem:s22+$0xFFFFFFB0]  }
0x120: {  	v1 =	vadd.f32 v3, v1  }
0x121: {  	v3 =	vld [tilespmem:s22+$0x30]  }
0x122: {  	v1 =	vadd.f32 v4, v1  }
0x123: {  	v4 =	vld [tilespmem:s22+$0xB0]  }
0x124: {  	v1 =	vadd.f32 v2, v1  }
0x125: {  	v2 =	vld [tilespmem:s22+$0x130]  }
0x126: {  	v1 =	vadd.f32 v3, v1  }
0x127: {  	v3 =	vld [tilespmem:s22+$0x1B0]  }
0x128: {  	v1 =	vadd.f32 v4, v1  }
0x129: {  	v4 =	vld [tilespmem:s22+$0x230]  }
0x12a: {  	v1 =	vadd.f32 v2, v1;
	_ =	sdelay $0x1  }
0x12b: {  	v1 =	vadd.f32 v3, v1;
	_ =	sdelay $0x1  }
0x12c: {  	v1 =	vadd.f32 v4, v1;
	_ =	sdelay $0x1  }
0x12d: {  	[tilespmem:s8+$0x113B0] =	vst v1  }
0x12e: {  	v1 =	vld [tilespmem:s22+$0xFFFFFDC0]  }
0x12f: {  	v2 =	vld [tilespmem:s22+$0xFFFFFE40];
	_ =	sdelay $0x1  }
0x130: {  	v3 =	vld [tilespmem:s22+$0xFFFFFEC0];
	_ =	sdelay $0x1  }
0x131: {  	v4 =	vld [tilespmem:s22+$0xFFFFFF40]  }
0x132: {  	v1 =	vadd.f32 v2, v1  }
0x133: {  	v2 =	vld [tilespmem:s22+$0xFFFFFFC0]  }
0x134: {  	v1 =	vadd.f32 v3, v1  }
0x135: {  	v3 =	vld [tilespmem:s22+$0x40]  }
0x136: {  	v1 =	vadd.f32 v4, v1  }
0x137: {  	v4 =	vld [tilespmem:s22+$0xC0]  }
0x138: {  	v1 =	vadd.f32 v2, v1  }
0x139: {  	v2 =	vld [tilespmem:s22+$0x140]  }
0x13a: {  	v1 =	vadd.f32 v3, v1  }
0x13b: {  	v3 =	vld [tilespmem:s22+$0x1C0]  }
0x13c: {  	v1 =	vadd.f32 v4, v1  }
0x13d: {  	v4 =	vld [tilespmem:s22+$0x240]  }
0x13e: {  	v1 =	vadd.f32 v2, v1;
	_ =	sdelay $0x1  }
0x13f: {  	v1 =	vadd.f32 v3, v1;
	_ =	sdelay $0x1  }
0x140: {  	v1 =	vadd.f32 v4, v1;
	_ =	sdelay $0x1  }
0x141: {  	[tilespmem:s8+$0x113C0] =	vst v1  }
0x142: {  	v1 =	vld [tilespmem:s22+$0xFFFFFDD0]  }
0x143: {  	v2 =	vld [tilespmem:s22+$0xFFFFFE50];
	_ =	sdelay $0x1  }
0x144: {  	v3 =	vld [tilespmem:s22+$0xFFFFFED0];
	_ =	sdelay $0x1  }
0x145: {  	v4 =	vld [tilespmem:s22+$0xFFFFFF50]  }
0x146: {  	v1 =	vadd.f32 v2, v1  }
0x147: {  	v2 =	vld [tilespmem:s22+$0xFFFFFFD0]  }
0x148: {  	v1 =	vadd.f32 v3, v1  }
0x149: {  	v3 =	vld [tilespmem:s22+$0x50]  }
0x14a: {  	v1 =	vadd.f32 v4, v1  }
0x14b: {  	v4 =	vld [tilespmem:s22+$0xD0]  }
0x14c: {  	v1 =	vadd.f32 v2, v1  }
0x14d: {  	v2 =	vld [tilespmem:s22+$0x150]  }
0x14e: {  	v1 =	vadd.f32 v3, v1  }
0x14f: {  	v3 =	vld [tilespmem:s22+$0x1D0]  }
0x150: {  	v1 =	vadd.f32 v4, v1  }
0x151: {  	v4 =	vld [tilespmem:s22+$0x250]  }
0x152: {  	v1 =	vadd.f32 v2, v1;
	_ =	sdelay $0x1  }
0x153: {  	v1 =	vadd.f32 v3, v1;
	_ =	sdelay $0x1  }
0x154: {  	v1 =	vadd.f32 v4, v1;
	_ =	sdelay $0x1  }
0x155: {  	[tilespmem:s8+$0x113D0] =	vst v1  }
0x156: {  	v1 =	vld [tilespmem:s22+$0xFFFFFDE0]  }
0x157: {  	v2 =	vld [tilespmem:s22+$0xFFFFFE60];
	_ =	sdelay $0x1  }
0x158: {  	v3 =	vld [tilespmem:s22+$0xFFFFFEE0];
	_ =	sdelay $0x1  }
0x159: {  	v4 =	vld [tilespmem:s22+$0xFFFFFF60]  }
0x15a: {  	v1 =	vadd.f32 v2, v1  }
0x15b: {  	v2 =	vld [tilespmem:s22+$0xFFFFFFE0]  }
0x15c: {  	v1 =	vadd.f32 v3, v1  }
0x15d: {  	v3 =	vld [tilespmem:s22+$0x60]  }
0x15e: {  	v1 =	vadd.f32 v4, v1  }
0x15f: {  	v4 =	vld [tilespmem:s22+$0xE0]  }
0x160: {  	v1 =	vadd.f32 v2, v1  }
0x161: {  	v2 =	vld [tilespmem:s22+$0x160]  }
0x162: {  	v1 =	vadd.f32 v3, v1  }
0x163: {  	v3 =	vld [tilespmem:s22+$0x1E0]  }
0x164: {  	v1 =	vadd.f32 v4, v1  }
0x165: {  	v4 =	vld [tilespmem:s22+$0x260]  }
0x166: {  	v1 =	vadd.f32 v2, v1;
	_ =	sdelay $0x1  }
0x167: {  	v1 =	vadd.f32 v3, v1;
	_ =	sdelay $0x1  }
0x168: {  	v1 =	vadd.f32 v4, v1;
	_ =	sdelay $0x1  }
0x169: {  	[tilespmem:s8+$0x113E0] =	vst v1  }
0x16a: {  	v1 =	vld [tilespmem:s22+$0xFFFFFDF0]  }
0x16b: {  	v2 =	vld [tilespmem:s22+$0xFFFFFE70];
	_ =	sdelay $0x1  }
0x16c: {  	v3 =	vld [tilespmem:s22+$0xFFFFFEF0];
	_ =	sdelay $0x1  }
0x16d: {  	v4 =	vld [tilespmem:s22+$0xFFFFFF70]  }
0x16e: {  	v1 =	vadd.f32 v2, v1  }
0x16f: {  	v2 =	vld [tilespmem:s22+$0xFFFFFFF0]  }
0x170: {  	v1 =	vadd.f32 v3, v1  }
0x171: {  	v5 =	vld [tilespmem:s22+$0x70]  }
0x172: {  	v3 =	vadd.f32 v4, v1  }
0x173: {  	v4 =	vld [tilespmem:s22+$0xF0]  }
0x174: {  	v1 =	vld [tilespmem:s22+$0x170];
	v6 =	vadd.f32 v2, v3  }
0x175: {  	v3 =	vld [tilespmem:s22+$0x1F0]  }
0x176: {  	s9 =	simm.s32 $0x200;
	v2 =	vld [tilespmem:s22+$0x270];
	v5 =	vadd.f32 v5, v6  }
.LBB2_12:
0x177: {  	p1 =	sne.s32 s9, $0xE00  }
0x178: {  	s22 =	sadd.s32 $0x500, s22;
	s11 =	smov.u32 s9;
	s9 =	sadd.s32 $0x200, s9;
	v4 =	vadd.f32 v4, v5  }
0x179: {  	_ = 	snop  }
0x17a: {  	v1 =	vadd.f32 v1, v4;
	_ =	sdelay $0x1  }
0x17b: {  	v1 =	vadd.f32 v3, v1;
	_ =	sdelay $0x1  }
0x17c: {  	v1 =	vadd.f32 v2, v1;
	_ =	sdelay $0x1  }
0x17d: {  	[tilespmem:s8+$0x113F0] =	vst v1  }
0x17e: {  	v1 =	vld [tilespmem:s22+$0xFFFFFE00]  }
0x17f: {  	v2 =	vld [tilespmem:s22+$0xFFFFFD80]  }
0x180: {  	v3 =	vld [tilespmem:s22+$0xFFFFFE80];
	_ =	sdelay $0x2  }
0x181: {  	v4 =	vld [tilespmem:s22+$0xFFFFFF00]  }
0x182: {  	v1 =	vadd.f32 v1, v2  }
0x183: {  	v2 =	vld [tilespmem:s22+$0xFFFFFF80]  }
0x184: {  	v1 =	vadd.f32 v3, v1  }
0x185: {  	v3 =	vld [tilespmem:s22+$0x0]  }
0x186: {  	v1 =	vadd.f32 v4, v1  }
0x187: {  	v4 =	vld [tilespmem:s22+$0x80]  }
0x188: {  	v1 =	vadd.f32 v2, v1  }
0x189: {  	v2 =	vld [tilespmem:s22+$0x100]  }
0x18a: {  	v1 =	vadd.f32 v3, v1  }
0x18b: {  	v3 =	vld [tilespmem:s22+$0x180]  }
0x18c: {  	v1 =	vadd.f32 v4, v1  }
0x18d: {  	v4 =	vld [tilespmem:s22+$0x200]  }
0x18e: {  	v1 =	vadd.f32 v2, v1;
	_ =	sdelay $0x1  }
0x18f: {  	v1 =	vadd.f32 v3, v1;
	_ =	sdelay $0x1  }
0x190: {  	v1 =	vadd.f32 v4, v1  }
0x191: {  	s8 =	sshra.s32 s11, $0x2  }
0x192: {  	[tilespmem:s8+$0x11380] =	vst v1  }
0x193: {  	v1 =	vld [tilespmem:s22+$0xFFFFFD90]  }
0x194: {  	v2 =	vld [tilespmem:s22+$0xFFFFFE10];
	_ =	sdelay $0x1  }
0x195: {  	v3 =	vld [tilespmem:s22+$0xFFFFFE90];
	_ =	sdelay $0x1  }
0x196: {  	v4 =	vld [tilespmem:s22+$0xFFFFFF10]  }
0x197: {  	v1 =	vadd.f32 v2, v1  }
0x198: {  	v2 =	vld [tilespmem:s22+$0xFFFFFF90]  }
0x199: {  	v1 =	vadd.f32 v3, v1  }
0x19a: {  	v3 =	vld [tilespmem:s22+$0x10]  }
0x19b: {  	v1 =	vadd.f32 v4, v1  }
0x19c: {  	v4 =	vld [tilespmem:s22+$0x90]  }
0x19d: {  	v1 =	vadd.f32 v2, v1  }
0x19e: {  	v2 =	vld [tilespmem:s22+$0x110]  }
0x19f: {  	v1 =	vadd.f32 v3, v1  }
0x1a0: {  	v3 =	vld [tilespmem:s22+$0x190]  }
0x1a1: {  	v1 =	vadd.f32 v4, v1  }
0x1a2: {  	v4 =	vld [tilespmem:s22+$0x210]  }
0x1a3: {  	v1 =	vadd.f32 v2, v1;
	_ =	sdelay $0x1  }
0x1a4: {  	v1 =	vadd.f32 v3, v1;
	_ =	sdelay $0x1  }
0x1a5: {  	v1 =	vadd.f32 v4, v1;
	_ =	sdelay $0x1  }
0x1a6: {  	[tilespmem:s8+$0x11390] =	vst v1  }
0x1a7: {  	v1 =	vld [tilespmem:s22+$0xFFFFFDA0]  }
0x1a8: {  	v2 =	vld [tilespmem:s22+$0xFFFFFE20];
	_ =	sdelay $0x1  }
0x1a9: {  	v3 =	vld [tilespmem:s22+$0xFFFFFEA0];
	_ =	sdelay $0x1  }
0x1aa: {  	v4 =	vld [tilespmem:s22+$0xFFFFFF20]  }
0x1ab: {  	v1 =	vadd.f32 v2, v1  }
0x1ac: {  	v2 =	vld [tilespmem:s22+$0xFFFFFFA0]  }
0x1ad: {  	v1 =	vadd.f32 v3, v1  }
0x1ae: {  	v3 =	vld [tilespmem:s22+$0x20]  }
0x1af: {  	v1 =	vadd.f32 v4, v1  }
0x1b0: {  	v4 =	vld [tilespmem:s22+$0xA0]  }
0x1b1: {  	v1 =	vadd.f32 v2, v1  }
0x1b2: {  	v2 =	vld [tilespmem:s22+$0x120]  }
0x1b3: {  	v1 =	vadd.f32 v3, v1  }
0x1b4: {  	v3 =	vld [tilespmem:s22+$0x1A0]  }
0x1b5: {  	v1 =	vadd.f32 v4, v1  }
0x1b6: {  	v4 =	vld [tilespmem:s22+$0x220]  }
0x1b7: {  	v1 =	vadd.f32 v2, v1;
	_ =	sdelay $0x1  }
0x1b8: {  	v1 =	vadd.f32 v3, v1;
	_ =	sdelay $0x1  }
0x1b9: {  	v1 =	vadd.f32 v4, v1;
	_ =	sdelay $0x1  }
0x1ba: {  	[tilespmem:s8+$0x113A0] =	vst v1  }
0x1bb: {  	v1 =	vld [tilespmem:s22+$0xFFFFFDB0]  }
0x1bc: {  	v2 =	vld [tilespmem:s22+$0xFFFFFE30];
	_ =	sdelay $0x1  }
0x1bd: {  	v3 =	vld [tilespmem:s22+$0xFFFFFEB0];
	_ =	sdelay $0x1  }
0x1be: {  	v4 =	vld [tilespmem:s22+$0xFFFFFF30]  }
0x1bf: {  	v1 =	vadd.f32 v2, v1  }
0x1c0: {  	v2 =	vld [tilespmem:s22+$0xFFFFFFB0]  }
0x1c1: {  	v1 =	vadd.f32 v3, v1  }
0x1c2: {  	v3 =	vld [tilespmem:s22+$0x30]  }
0x1c3: {  	v1 =	vadd.f32 v4, v1  }
0x1c4: {  	v4 =	vld [tilespmem:s22+$0xB0]  }
0x1c5: {  	v1 =	vadd.f32 v2, v1  }
0x1c6: {  	v2 =	vld [tilespmem:s22+$0x130]  }
0x1c7: {  	v1 =	vadd.f32 v3, v1  }
0x1c8: {  	v3 =	vld [tilespmem:s22+$0x1B0]  }
0x1c9: {  	v1 =	vadd.f32 v4, v1  }
0x1ca: {  	v4 =	vld [tilespmem:s22+$0x230]  }
0x1cb: {  	v1 =	vadd.f32 v2, v1;
	_ =	sdelay $0x1  }
0x1cc: {  	v1 =	vadd.f32 v3, v1;
	_ =	sdelay $0x1  }
0x1cd: {  	v1 =	vadd.f32 v4, v1;
	_ =	sdelay $0x1  }
0x1ce: {  	[tilespmem:s8+$0x113B0] =	vst v1  }
0x1cf: {  	v1 =	vld [tilespmem:s22+$0xFFFFFDC0]  }
0x1d0: {  	v2 =	vld [tilespmem:s22+$0xFFFFFE40];
	_ =	sdelay $0x1  }
0x1d1: {  	v3 =	vld [tilespmem:s22+$0xFFFFFEC0];
	_ =	sdelay $0x1  }
0x1d2: {  	v4 =	vld [tilespmem:s22+$0xFFFFFF40]  }
0x1d3: {  	v1 =	vadd.f32 v2, v1  }
0x1d4: {  	v2 =	vld [tilespmem:s22+$0xFFFFFFC0]  }
0x1d5: {  	v1 =	vadd.f32 v3, v1  }
0x1d6: {  	v3 =	vld [tilespmem:s22+$0x40]  }
0x1d7: {  	v1 =	vadd.f32 v4, v1  }
0x1d8: {  	v4 =	vld [tilespmem:s22+$0xC0]  }
0x1d9: {  	v1 =	vadd.f32 v2, v1  }
0x1da: {  	v2 =	vld [tilespmem:s22+$0x140]  }
0x1db: {  	v1 =	vadd.f32 v3, v1  }
0x1dc: {  	v3 =	vld [tilespmem:s22+$0x1C0]  }
0x1dd: {  	v1 =	vadd.f32 v4, v1  }
0x1de: {  	v4 =	vld [tilespmem:s22+$0x240]  }
0x1df: {  	v1 =	vadd.f32 v2, v1;
	_ =	sdelay $0x1  }
0x1e0: {  	v1 =	vadd.f32 v3, v1;
	_ =	sdelay $0x1  }
0x1e1: {  	v1 =	vadd.f32 v4, v1;
	_ =	sdelay $0x1  }
0x1e2: {  	[tilespmem:s8+$0x113C0] =	vst v1  }
0x1e3: {  	v1 =	vld [tilespmem:s22+$0xFFFFFDD0]  }
0x1e4: {  	v2 =	vld [tilespmem:s22+$0xFFFFFE50]  }
0x1e5: {  	v3 =	vld [tilespmem:s22+$0xFFFFFED0]  }
0x1e6: {  	v4 =	vld [tilespmem:s22+$0xFFFFFF50]  }
0x1e7: {  	v5 =	vld [tilespmem:s22+$0xFFFFFFD0]  }
0x1e8: {  	v6 =	vld [tilespmem:s22+$0x50]  }
0x1e9: {  	v1 =	vadd.f32 v2, v1;
	v2 =	vld [tilespmem:s22+$0xD0]  }
0x1ea: {  	v7 =	vld [tilespmem:s22+$0x150]  }
0x1eb: {  	v1 =	vadd.f32 v3, v1;
	v3 =	vld [tilespmem:s22+$0x1D0]  }
0x1ec: {  	v8 =	vld [tilespmem:s22+$0x250]  }
0x1ed: {  	v1 =	vadd.f32 v4, v1;
	_ =	sdelay $0x1  }
0x1ee: {  	v1 =	vadd.f32 v5, v1;
	_ =	sdelay $0x1  }
0x1ef: {  	v1 =	vadd.f32 v6, v1;
	_ =	sdelay $0x1  }
0x1f0: {  	v1 =	vadd.f32 v2, v1;
	_ =	sdelay $0x1  }
0x1f1: {  	v1 =	vadd.f32 v7, v1;
	_ =	sdelay $0x1  }
0x1f2: {  	v1 =	vadd.f32 v3, v1;
	_ =	sdelay $0x1  }
0x1f3: {  	v1 =	vadd.f32 v8, v1;
	_ =	sdelay $0x1  }
0x1f4: {  	[tilespmem:s8+$0x113D0] =	vst v1  }
0x1f5: {  	v1 =	vld [tilespmem:s22+$0xFFFFFDE0]  }
0x1f6: {  	v2 =	vld [tilespmem:s22+$0xFFFFFE60]  }
0x1f7: {  	v3 =	vld [tilespmem:s22+$0xFFFFFEE0]  }
0x1f8: {  	v4 =	vld [tilespmem:s22+$0xFFFFFF60]  }
0x1f9: {  	v5 =	vld [tilespmem:s22+$0xFFFFFFE0]  }
0x1fa: {  	v6 =	vld [tilespmem:s22+$0x60]  }
0x1fb: {  	v1 =	vadd.f32 v2, v1;
	v2 =	vld [tilespmem:s22+$0xE0]  }
0x1fc: {  	v7 =	vld [tilespmem:s22+$0x160]  }
0x1fd: {  	v1 =	vadd.f32 v3, v1;
	v3 =	vld [tilespmem:s22+$0x1E0]  }
0x1fe: {  	v8 =	vld [tilespmem:s22+$0x260]  }
0x1ff: {  	v1 =	vadd.f32 v4, v1;
	_ =	sdelay $0x1  }
0x200: {  	v1 =	vadd.f32 v5, v1;
	_ =	sdelay $0x1  }
0x201: {  	v1 =	vadd.f32 v6, v1;
	_ =	sdelay $0x1  }
0x202: {  	v1 =	vadd.f32 v2, v1;
	_ =	sdelay $0x1  }
0x203: {  	v1 =	vadd.f32 v7, v1;
	_ =	sdelay $0x1  }
0x204: {  	v1 =	vadd.f32 v3, v1;
	_ =	sdelay $0x1  }
0x205: {  	v1 =	vadd.f32 v8, v1;
	_ =	sdelay $0x1  }
0x206: {  	[tilespmem:s8+$0x113E0] =	vst v1  }
0x207: {  	v1 =	vld [tilespmem:s22+$0xFFFFFDF0]  }
0x208: {  	v2 =	vld [tilespmem:s22+$0xFFFFFE70]  }
0x209: {  	v3 =	vld [tilespmem:s22+$0xFFFFFEF0]  }
0x20a: {  	v5 =	vld [tilespmem:s22+$0xFFFFFF70]  }
0x20b: {  	v6 =	vld [tilespmem:s22+$0xFFFFFFF0]  }
0x20c: {  	v7 =	vld [tilespmem:s22+$0x70]  }
0x20d: {  	v2 =	vadd.f32 v2, v1;
	v4 =	vld [tilespmem:s22+$0xF0]  }
0x20e: {  	v1 =	vld [tilespmem:s22+$0x170]  }
0x20f: {  	v8 =	vadd.f32 v3, v2;
	v3 =	vld [tilespmem:s22+$0x1F0]  }
0x210: {  	v2 =	vld [tilespmem:s22+$0x270]  }
.Ltmp7:
0x211: {  	v5 =	vadd.f32 v5, v8;
	(pc) =	sbr.rel @p1 .LBB2_12-.Ltmp7, $3  }
0x212: {  	_ = 	snop  }
0x213: {  	v5 =	vadd.f32 v6, v5;
	_ =	sdelay $0x1  }
0x214: {  	v5 =	vadd.f32 v7, v5  }
0x215: {  	_ = 	snop  }
0x216: {  	v4 =	vadd.f32 v4, v5;
	_ =	sdelay $0x1  }
0x217: {  	v1 =	vadd.f32 v1, v4;
	_ =	sdelay $0x1  }
0x218: {  	p1 =	sne.s32 s25, $0x18;
	v1 =	vadd.f32 v3, v1  }
.Ltmp8:
0x219: {  	s9 =	sshll.u32 s25, $0xC;
	(pc) =	sbr.rel @p1 .LBB2_15-.Ltmp8, $4  }
0x21a: {  	s9 =	sadd.s32 s13, s9;
	v1 =	vadd.f32 v2, v1  }
0x21b: {  	s9 =	sshrl.u32 s9, $0x3  }
0x21c: {  	s22 =	simm.s32 $0x11380;
	s19 =	sadd.s32 s7, s9;
	[tilespmem:s8+$0x113F0] =	vst v1  }
0x21d: {  	[hbm4b:s19+s3] =	stream.linear.scatter [tilespmem:s22], [sflag:$0xA], $0x400, $0x38;
	[tilespmem:$0x13380] =	vst v63  }
.Ltmp9:
0x21e: {  	(pc) =	sbr.rel .LBB2_16-.Ltmp9, $4  }
0x21f: {  	_ = 	snop  }
0x220: {  	_ =	swait.ge [sflag:s1], $0x2800  }
0x221: {  	[sflag:s1] =	ssyncset.done $0x0  }
0x222: {  	[sflag:s1] =	ssyncadd.s32 $0xFFFFD800  }
.LBB2_15:
0x223: {  	s8 =	smul.u32 $0x500, s25;
	_ =	sdelay $0x1  }
0x224: {  	s8 =	sshra.s32 s8, $0x2  }
.Ltmp10:
0x225: {  	s9 =	simm.s32 $0x7380;
	s8 =	sadd.s32 $0x540, s8;
	(pc) =	sbr.rel @p0 .LBB2_17-.Ltmp10, $4  }
0x226: {  	[tilespmem:s9], [sflag:$0x4] =	stream.indirect.gather [hbm4b:s4+s18], $0x80, s8, s18, $0xb8;
	[tilespmem:$0x13380] =	vst v63  }
0x227: {  	_ =	swait.ge [sflag:s1], $0x2800  }
0x228: {  	[sflag:s1] =	ssyncset.done $0x0  }
0x229: {  	[sflag:s1] =	ssyncadd.s32 $0xFFFFD800  }
.LBB2_16:
0x22a: {  	_ =	swait.ge [sflag:s10], $0x400  }
0x22b: {  	[sflag:s10] =	ssyncset.done $0x0  }
0x22c: {  	[sflag:s10] =	ssyncadd.s32 $0xFFFFFC00  }
.LBB2_17:
0x22d: {  	s22 =	simm.s32 $0x9E00  }
0x22e: {  	v1 =	vld [tilespmem:s22+$0xFFFFFE00]  }
0x22f: {  	v2 =	vld [tilespmem:s22+$0xFFFFFD80];
	_ =	sdelay $0x1  }
0x230: {  	v3 =	vld [tilespmem:s22+$0xFFFFFE80];
	_ =	sdelay $0x1  }
0x231: {  	v4 =	vld [tilespmem:s22+$0xFFFFFF00]  }
0x232: {  	v1 =	vadd.f32 v1, v2  }
0x233: {  	v2 =	vld [tilespmem:s22+$0xFFFFFF80]  }
0x234: {  	v1 =	vadd.f32 v3, v1  }
0x235: {  	v3 =	vld [tilespmem:s22+$0x0]  }
0x236: {  	v1 =	vadd.f32 v4, v1  }
0x237: {  	v4 =	vld [tilespmem:s22+$0x80]  }
0x238: {  	v1 =	vadd.f32 v2, v1  }
0x239: {  	v2 =	vld [tilespmem:s22+$0x100]  }
0x23a: {  	v1 =	vadd.f32 v3, v1  }
0x23b: {  	v3 =	vld [tilespmem:s22+$0x180]  }
0x23c: {  	v1 =	vadd.f32 v4, v1  }
0x23d: {  	v4 =	vld [tilespmem:s22+$0x200]  }
0x23e: {  	v1 =	vadd.f32 v2, v1;
	_ =	sdelay $0x1  }
0x23f: {  	v1 =	vadd.f32 v3, v1;
	_ =	sdelay $0x1  }
0x240: {  	v1 =	vadd.f32 v4, v1  }
0x241: {  	s8 =	simm.s32 $0x0  }
0x242: {  	[tilespmem:s8+$0x11780] =	vst v1  }
0x243: {  	v1 =	vld [tilespmem:s22+$0xFFFFFD90]  }
0x244: {  	v2 =	vld [tilespmem:s22+$0xFFFFFE10];
	_ =	sdelay $0x1  }
0x245: {  	v3 =	vld [tilespmem:s22+$0xFFFFFE90];
	_ =	sdelay $0x1  }
0x246: {  	v4 =	vld [tilespmem:s22+$0xFFFFFF10]  }
0x247: {  	v1 =	vadd.f32 v2, v1  }
0x248: {  	v2 =	vld [tilespmem:s22+$0xFFFFFF90]  }
0x249: {  	v1 =	vadd.f32 v3, v1  }
0x24a: {  	v3 =	vld [tilespmem:s22+$0x10]  }
0x24b: {  	v1 =	vadd.f32 v4, v1  }
0x24c: {  	v4 =	vld [tilespmem:s22+$0x90]  }
0x24d: {  	v1 =	vadd.f32 v2, v1  }
0x24e: {  	v2 =	vld [tilespmem:s22+$0x110]  }
0x24f: {  	v1 =	vadd.f32 v3, v1  }
0x250: {  	v3 =	vld [tilespmem:s22+$0x190]  }
0x251: {  	v1 =	vadd.f32 v4, v1  }
0x252: {  	v4 =	vld [tilespmem:s22+$0x210]  }
0x253: {  	v1 =	vadd.f32 v2, v1;
	_ =	sdelay $0x1  }
0x254: {  	v1 =	vadd.f32 v3, v1;
	_ =	sdelay $0x1  }
0x255: {  	v1 =	vadd.f32 v4, v1;
	_ =	sdelay $0x1  }
0x256: {  	[tilespmem:s8+$0x11790] =	vst v1  }
0x257: {  	v1 =	vld [tilespmem:s22+$0xFFFFFDA0]  }
0x258: {  	v2 =	vld [tilespmem:s22+$0xFFFFFE20];
	_ =	sdelay $0x1  }
0x259: {  	v3 =	vld [tilespmem:s22+$0xFFFFFEA0];
	_ =	sdelay $0x1  }
0x25a: {  	v4 =	vld [tilespmem:s22+$0xFFFFFF20]  }
0x25b: {  	v1 =	vadd.f32 v2, v1  }
0x25c: {  	v2 =	vld [tilespmem:s22+$0xFFFFFFA0]  }
0x25d: {  	v1 =	vadd.f32 v3, v1  }
0x25e: {  	v3 =	vld [tilespmem:s22+$0x20]  }
0x25f: {  	v1 =	vadd.f32 v4, v1  }
0x260: {  	v4 =	vld [tilespmem:s22+$0xA0]  }
0x261: {  	v1 =	vadd.f32 v2, v1  }
0x262: {  	v2 =	vld [tilespmem:s22+$0x120]  }
0x263: {  	v1 =	vadd.f32 v3, v1  }
0x264: {  	v3 =	vld [tilespmem:s22+$0x1A0]  }
0x265: {  	v1 =	vadd.f32 v4, v1  }
0x266: {  	v4 =	vld [tilespmem:s22+$0x220]  }
0x267: {  	v1 =	vadd.f32 v2, v1;
	_ =	sdelay $0x1  }
0x268: {  	v1 =	vadd.f32 v3, v1;
	_ =	sdelay $0x1  }
0x269: {  	v1 =	vadd.f32 v4, v1;
	_ =	sdelay $0x1  }
0x26a: {  	[tilespmem:s8+$0x117A0] =	vst v1  }
0x26b: {  	v1 =	vld [tilespmem:s22+$0xFFFFFDB0]  }
0x26c: {  	v2 =	vld [tilespmem:s22+$0xFFFFFE30];
	_ =	sdelay $0x1  }
0x26d: {  	v3 =	vld [tilespmem:s22+$0xFFFFFEB0];
	_ =	sdelay $0x1  }
0x26e: {  	v4 =	vld [tilespmem:s22+$0xFFFFFF30]  }
0x26f: {  	v1 =	vadd.f32 v2, v1  }
0x270: {  	v2 =	vld [tilespmem:s22+$0xFFFFFFB0]  }
0x271: {  	v1 =	vadd.f32 v3, v1  }
0x272: {  	v3 =	vld [tilespmem:s22+$0x30]  }
0x273: {  	v1 =	vadd.f32 v4, v1  }
0x274: {  	v4 =	vld [tilespmem:s22+$0xB0]  }
0x275: {  	v1 =	vadd.f32 v2, v1  }
0x276: {  	v2 =	vld [tilespmem:s22+$0x130]  }
0x277: {  	v1 =	vadd.f32 v3, v1  }
0x278: {  	v3 =	vld [tilespmem:s22+$0x1B0]  }
0x279: {  	v1 =	vadd.f32 v4, v1  }
0x27a: {  	v4 =	vld [tilespmem:s22+$0x230]  }
0x27b: {  	v1 =	vadd.f32 v2, v1;
	_ =	sdelay $0x1  }
0x27c: {  	v1 =	vadd.f32 v3, v1;
	_ =	sdelay $0x1  }
0x27d: {  	v1 =	vadd.f32 v4, v1;
	_ =	sdelay $0x1  }
0x27e: {  	[tilespmem:s8+$0x117B0] =	vst v1  }
0x27f: {  	v1 =	vld [tilespmem:s22+$0xFFFFFDC0]  }
0x280: {  	v2 =	vld [tilespmem:s22+$0xFFFFFE40];
	_ =	sdelay $0x1  }
0x281: {  	v3 =	vld [tilespmem:s22+$0xFFFFFEC0];
	_ =	sdelay $0x1  }
0x282: {  	v4 =	vld [tilespmem:s22+$0xFFFFFF40]  }
0x283: {  	v1 =	vadd.f32 v2, v1  }
0x284: {  	v2 =	vld [tilespmem:s22+$0xFFFFFFC0]  }
0x285: {  	v1 =	vadd.f32 v3, v1  }
0x286: {  	v3 =	vld [tilespmem:s22+$0x40]  }
0x287: {  	v1 =	vadd.f32 v4, v1  }
0x288: {  	v4 =	vld [tilespmem:s22+$0xC0]  }
0x289: {  	v1 =	vadd.f32 v2, v1  }
0x28a: {  	v2 =	vld [tilespmem:s22+$0x140]  }
0x28b: {  	v1 =	vadd.f32 v3, v1  }
0x28c: {  	v3 =	vld [tilespmem:s22+$0x1C0]  }
0x28d: {  	v1 =	vadd.f32 v4, v1  }
0x28e: {  	v4 =	vld [tilespmem:s22+$0x240]  }
0x28f: {  	v1 =	vadd.f32 v2, v1;
	_ =	sdelay $0x1  }
0x290: {  	v1 =	vadd.f32 v3, v1;
	_ =	sdelay $0x1  }
0x291: {  	v1 =	vadd.f32 v4, v1;
	_ =	sdelay $0x1  }
0x292: {  	[tilespmem:s8+$0x117C0] =	vst v1  }
0x293: {  	v1 =	vld [tilespmem:s22+$0xFFFFFDD0]  }
0x294: {  	v2 =	vld [tilespmem:s22+$0xFFFFFE50];
	_ =	sdelay $0x1  }
0x295: {  	v3 =	vld [tilespmem:s22+$0xFFFFFED0];
	_ =	sdelay $0x1  }
0x296: {  	v4 =	vld [tilespmem:s22+$0xFFFFFF50]  }
0x297: {  	v1 =	vadd.f32 v2, v1  }
0x298: {  	v2 =	vld [tilespmem:s22+$0xFFFFFFD0]  }
0x299: {  	v1 =	vadd.f32 v3, v1  }
0x29a: {  	v3 =	vld [tilespmem:s22+$0x50]  }
0x29b: {  	v1 =	vadd.f32 v4, v1  }
0x29c: {  	v4 =	vld [tilespmem:s22+$0xD0]  }
0x29d: {  	v1 =	vadd.f32 v2, v1  }
0x29e: {  	v2 =	vld [tilespmem:s22+$0x150]  }
0x29f: {  	v1 =	vadd.f32 v3, v1  }
0x2a0: {  	v3 =	vld [tilespmem:s22+$0x1D0]  }
0x2a1: {  	v1 =	vadd.f32 v4, v1  }
0x2a2: {  	v4 =	vld [tilespmem:s22+$0x250]  }
0x2a3: {  	v1 =	vadd.f32 v2, v1;
	_ =	sdelay $0x1  }
0x2a4: {  	v1 =	vadd.f32 v3, v1;
	_ =	sdelay $0x1  }
0x2a5: {  	v1 =	vadd.f32 v4, v1;
	_ =	sdelay $0x1  }
0x2a6: {  	[tilespmem:s8+$0x117D0] =	vst v1  }
0x2a7: {  	v1 =	vld [tilespmem:s22+$0xFFFFFDE0]  }
0x2a8: {  	v2 =	vld [tilespmem:s22+$0xFFFFFE60];
	_ =	sdelay $0x1  }
0x2a9: {  	v3 =	vld [tilespmem:s22+$0xFFFFFEE0];
	_ =	sdelay $0x1  }
0x2aa: {  	v4 =	vld [tilespmem:s22+$0xFFFFFF60]  }
0x2ab: {  	v1 =	vadd.f32 v2, v1  }
0x2ac: {  	v2 =	vld [tilespmem:s22+$0xFFFFFFE0]  }
0x2ad: {  	v1 =	vadd.f32 v3, v1  }
0x2ae: {  	v3 =	vld [tilespmem:s22+$0x60]  }
0x2af: {  	v1 =	vadd.f32 v4, v1  }
0x2b0: {  	v4 =	vld [tilespmem:s22+$0xE0]  }
0x2b1: {  	v1 =	vadd.f32 v2, v1  }
0x2b2: {  	v2 =	vld [tilespmem:s22+$0x160]  }
0x2b3: {  	v1 =	vadd.f32 v3, v1  }
0x2b4: {  	v3 =	vld [tilespmem:s22+$0x1E0]  }
0x2b5: {  	v1 =	vadd.f32 v4, v1  }
0x2b6: {  	v4 =	vld [tilespmem:s22+$0x260]  }
0x2b7: {  	v1 =	vadd.f32 v2, v1;
	_ =	sdelay $0x1  }
0x2b8: {  	v1 =	vadd.f32 v3, v1;
	_ =	sdelay $0x1  }
0x2b9: {  	v1 =	vadd.f32 v4, v1;
	_ =	sdelay $0x1  }
0x2ba: {  	[tilespmem:s8+$0x117E0] =	vst v1  }
0x2bb: {  	v1 =	vld [tilespmem:s22+$0xFFFFFDF0]  }
0x2bc: {  	v2 =	vld [tilespmem:s22+$0xFFFFFE70];
	_ =	sdelay $0x1  }
0x2bd: {  	v3 =	vld [tilespmem:s22+$0xFFFFFEF0];
	_ =	sdelay $0x1  }
0x2be: {  	v4 =	vld [tilespmem:s22+$0xFFFFFF70]  }
0x2bf: {  	v1 =	vadd.f32 v2, v1  }
0x2c0: {  	v2 =	vld [tilespmem:s22+$0xFFFFFFF0]  }
0x2c1: {  	v1 =	vadd.f32 v3, v1  }
0x2c2: {  	v5 =	vld [tilespmem:s22+$0x70]  }
0x2c3: {  	v3 =	vadd.f32 v4, v1  }
0x2c4: {  	v4 =	vld [tilespmem:s22+$0xF0]  }
0x2c5: {  	v1 =	vld [tilespmem:s22+$0x170];
	v6 =	vadd.f32 v2, v3  }
0x2c6: {  	v3 =	vld [tilespmem:s22+$0x1F0]  }
0x2c7: {  	s9 =	simm.s32 $0x200;
	v2 =	vld [tilespmem:s22+$0x270];
	v5 =	vadd.f32 v5, v6  }
.LBB2_18:
0x2c8: {  	p2 =	sne.s32 s9, $0xE00  }
0x2c9: {  	s22 =	sadd.s32 $0x500, s22;
	s11 =	smov.u32 s9;
	s9 =	sadd.s32 $0x200, s9;
	v4 =	vadd.f32 v4, v5  }
0x2ca: {  	_ = 	snop  }
0x2cb: {  	v1 =	vadd.f32 v1, v4;
	_ =	sdelay $0x1  }
0x2cc: {  	v1 =	vadd.f32 v3, v1;
	_ =	sdelay $0x1  }
0x2cd: {  	v1 =	vadd.f32 v2, v1;
	_ =	sdelay $0x1  }
0x2ce: {  	[tilespmem:s8+$0x117F0] =	vst v1  }
0x2cf: {  	v1 =	vld [tilespmem:s22+$0xFFFFFE00]  }
0x2d0: {  	v2 =	vld [tilespmem:s22+$0xFFFFFD80]  }
0x2d1: {  	v3 =	vld [tilespmem:s22+$0xFFFFFE80];
	_ =	sdelay $0x2  }
0x2d2: {  	v4 =	vld [tilespmem:s22+$0xFFFFFF00]  }
0x2d3: {  	v1 =	vadd.f32 v1, v2  }
0x2d4: {  	v2 =	vld [tilespmem:s22+$0xFFFFFF80]  }
0x2d5: {  	v1 =	vadd.f32 v3, v1  }
0x2d6: {  	v3 =	vld [tilespmem:s22+$0x0]  }
0x2d7: {  	v1 =	vadd.f32 v4, v1  }
0x2d8: {  	v4 =	vld [tilespmem:s22+$0x80]  }
0x2d9: {  	v1 =	vadd.f32 v2, v1  }
0x2da: {  	v2 =	vld [tilespmem:s22+$0x100]  }
0x2db: {  	v1 =	vadd.f32 v3, v1  }
0x2dc: {  	v3 =	vld [tilespmem:s22+$0x180]  }
0x2dd: {  	v1 =	vadd.f32 v4, v1  }
0x2de: {  	v4 =	vld [tilespmem:s22+$0x200]  }
0x2df: {  	v1 =	vadd.f32 v2, v1;
	_ =	sdelay $0x1  }
0x2e0: {  	v1 =	vadd.f32 v3, v1;
	_ =	sdelay $0x1  }
0x2e1: {  	v1 =	vadd.f32 v4, v1  }
0x2e2: {  	s8 =	sshra.s32 s11, $0x2  }
0x2e3: {  	[tilespmem:s8+$0x11780] =	vst v1  }
0x2e4: {  	v1 =	vld [tilespmem:s22+$0xFFFFFD90]  }
0x2e5: {  	v2 =	vld [tilespmem:s22+$0xFFFFFE10];
	_ =	sdelay $0x1  }
0x2e6: {  	v3 =	vld [tilespmem:s22+$0xFFFFFE90];
	_ =	sdelay $0x1  }
0x2e7: {  	v4 =	vld [tilespmem:s22+$0xFFFFFF10]  }
0x2e8: {  	v1 =	vadd.f32 v2, v1  }
0x2e9: {  	v2 =	vld [tilespmem:s22+$0xFFFFFF90]  }
0x2ea: {  	v1 =	vadd.f32 v3, v1  }
0x2eb: {  	v3 =	vld [tilespmem:s22+$0x10]  }
0x2ec: {  	v1 =	vadd.f32 v4, v1  }
0x2ed: {  	v4 =	vld [tilespmem:s22+$0x90]  }
0x2ee: {  	v1 =	vadd.f32 v2, v1  }
0x2ef: {  	v2 =	vld [tilespmem:s22+$0x110]  }
0x2f0: {  	v1 =	vadd.f32 v3, v1  }
0x2f1: {  	v3 =	vld [tilespmem:s22+$0x190]  }
0x2f2: {  	v1 =	vadd.f32 v4, v1  }
0x2f3: {  	v4 =	vld [tilespmem:s22+$0x210]  }
0x2f4: {  	v1 =	vadd.f32 v2, v1;
	_ =	sdelay $0x1  }
0x2f5: {  	v1 =	vadd.f32 v3, v1;
	_ =	sdelay $0x1  }
0x2f6: {  	v1 =	vadd.f32 v4, v1;
	_ =	sdelay $0x1  }
0x2f7: {  	[tilespmem:s8+$0x11790] =	vst v1  }
0x2f8: {  	v1 =	vld [tilespmem:s22+$0xFFFFFDA0]  }
0x2f9: {  	v2 =	vld [tilespmem:s22+$0xFFFFFE20];
	_ =	sdelay $0x1  }
0x2fa: {  	v3 =	vld [tilespmem:s22+$0xFFFFFEA0];
	_ =	sdelay $0x1  }
0x2fb: {  	v4 =	vld [tilespmem:s22+$0xFFFFFF20]  }
0x2fc: {  	v1 =	vadd.f32 v2, v1  }
0x2fd: {  	v2 =	vld [tilespmem:s22+$0xFFFFFFA0]  }
0x2fe: {  	v1 =	vadd.f32 v3, v1  }
0x2ff: {  	v3 =	vld [tilespmem:s22+$0x20]  }
0x300: {  	v1 =	vadd.f32 v4, v1  }
0x301: {  	v4 =	vld [tilespmem:s22+$0xA0]  }
0x302: {  	v1 =	vadd.f32 v2, v1  }
0x303: {  	v2 =	vld [tilespmem:s22+$0x120]  }
0x304: {  	v1 =	vadd.f32 v3, v1  }
0x305: {  	v3 =	vld [tilespmem:s22+$0x1A0]  }
0x306: {  	v1 =	vadd.f32 v4, v1  }
0x307: {  	v4 =	vld [tilespmem:s22+$0x220]  }
0x308: {  	v1 =	vadd.f32 v2, v1;
	_ =	sdelay $0x1  }
0x309: {  	v1 =	vadd.f32 v3, v1;
	_ =	sdelay $0x1  }
0x30a: {  	v1 =	vadd.f32 v4, v1;
	_ =	sdelay $0x1  }
0x30b: {  	[tilespmem:s8+$0x117A0] =	vst v1  }
0x30c: {  	v1 =	vld [tilespmem:s22+$0xFFFFFDB0]  }
0x30d: {  	v2 =	vld [tilespmem:s22+$0xFFFFFE30];
	_ =	sdelay $0x1  }
0x30e: {  	v3 =	vld [tilespmem:s22+$0xFFFFFEB0];
	_ =	sdelay $0x1  }
0x30f: {  	v4 =	vld [tilespmem:s22+$0xFFFFFF30]  }
0x310: {  	v1 =	vadd.f32 v2, v1  }
0x311: {  	v2 =	vld [tilespmem:s22+$0xFFFFFFB0]  }
0x312: {  	v1 =	vadd.f32 v3, v1  }
0x313: {  	v3 =	vld [tilespmem:s22+$0x30]  }
0x314: {  	v1 =	vadd.f32 v4, v1  }
0x315: {  	v4 =	vld [tilespmem:s22+$0xB0]  }
0x316: {  	v1 =	vadd.f32 v2, v1  }
0x317: {  	v2 =	vld [tilespmem:s22+$0x130]  }
0x318: {  	v1 =	vadd.f32 v3, v1  }
0x319: {  	v3 =	vld [tilespmem:s22+$0x1B0]  }
0x31a: {  	v1 =	vadd.f32 v4, v1  }
0x31b: {  	v4 =	vld [tilespmem:s22+$0x230]  }
0x31c: {  	v1 =	vadd.f32 v2, v1;
	_ =	sdelay $0x1  }
0x31d: {  	v1 =	vadd.f32 v3, v1;
	_ =	sdelay $0x1  }
0x31e: {  	v1 =	vadd.f32 v4, v1;
	_ =	sdelay $0x1  }
0x31f: {  	[tilespmem:s8+$0x117B0] =	vst v1  }
0x320: {  	v1 =	vld [tilespmem:s22+$0xFFFFFDC0]  }
0x321: {  	v2 =	vld [tilespmem:s22+$0xFFFFFE40];
	_ =	sdelay $0x1  }
0x322: {  	v3 =	vld [tilespmem:s22+$0xFFFFFEC0];
	_ =	sdelay $0x1  }
0x323: {  	v4 =	vld [tilespmem:s22+$0xFFFFFF40]  }
0x324: {  	v1 =	vadd.f32 v2, v1  }
0x325: {  	v2 =	vld [tilespmem:s22+$0xFFFFFFC0]  }
0x326: {  	v1 =	vadd.f32 v3, v1  }
0x327: {  	v3 =	vld [tilespmem:s22+$0x40]  }
0x328: {  	v1 =	vadd.f32 v4, v1  }
0x329: {  	v4 =	vld [tilespmem:s22+$0xC0]  }
0x32a: {  	v1 =	vadd.f32 v2, v1  }
0x32b: {  	v2 =	vld [tilespmem:s22+$0x140]  }
0x32c: {  	v1 =	vadd.f32 v3, v1  }
0x32d: {  	v3 =	vld [tilespmem:s22+$0x1C0]  }
0x32e: {  	v1 =	vadd.f32 v4, v1  }
0x32f: {  	v4 =	vld [tilespmem:s22+$0x240]  }
0x330: {  	v1 =	vadd.f32 v2, v1;
	_ =	sdelay $0x1  }
0x331: {  	v1 =	vadd.f32 v3, v1;
	_ =	sdelay $0x1  }
0x332: {  	v1 =	vadd.f32 v4, v1;
	_ =	sdelay $0x1  }
0x333: {  	[tilespmem:s8+$0x117C0] =	vst v1  }
0x334: {  	v1 =	vld [tilespmem:s22+$0xFFFFFDD0]  }
0x335: {  	v2 =	vld [tilespmem:s22+$0xFFFFFE50]  }
0x336: {  	v3 =	vld [tilespmem:s22+$0xFFFFFED0]  }
0x337: {  	v4 =	vld [tilespmem:s22+$0xFFFFFF50]  }
0x338: {  	v5 =	vld [tilespmem:s22+$0xFFFFFFD0]  }
0x339: {  	v6 =	vld [tilespmem:s22+$0x50]  }
0x33a: {  	v1 =	vadd.f32 v2, v1;
	v2 =	vld [tilespmem:s22+$0xD0]  }
0x33b: {  	v7 =	vld [tilespmem:s22+$0x150]  }
0x33c: {  	v1 =	vadd.f32 v3, v1;
	v3 =	vld [tilespmem:s22+$0x1D0]  }
0x33d: {  	v8 =	vld [tilespmem:s22+$0x250]  }
0x33e: {  	v1 =	vadd.f32 v4, v1;
	_ =	sdelay $0x1  }
0x33f: {  	v1 =	vadd.f32 v5, v1;
	_ =	sdelay $0x1  }
0x340: {  	v1 =	vadd.f32 v6, v1;
	_ =	sdelay $0x1  }
0x341: {  	v1 =	vadd.f32 v2, v1;
	_ =	sdelay $0x1  }
0x342: {  	v1 =	vadd.f32 v7, v1;
	_ =	sdelay $0x1  }
0x343: {  	v1 =	vadd.f32 v3, v1;
	_ =	sdelay $0x1  }
0x344: {  	v1 =	vadd.f32 v8, v1;
	_ =	sdelay $0x1  }
0x345: {  	[tilespmem:s8+$0x117D0] =	vst v1  }
0x346: {  	v1 =	vld [tilespmem:s22+$0xFFFFFDE0]  }
0x347: {  	v2 =	vld [tilespmem:s22+$0xFFFFFE60]  }
0x348: {  	v3 =	vld [tilespmem:s22+$0xFFFFFEE0]  }
0x349: {  	v4 =	vld [tilespmem:s22+$0xFFFFFF60]  }
0x34a: {  	v5 =	vld [tilespmem:s22+$0xFFFFFFE0]  }
0x34b: {  	v6 =	vld [tilespmem:s22+$0x60]  }
0x34c: {  	v1 =	vadd.f32 v2, v1;
	v2 =	vld [tilespmem:s22+$0xE0]  }
0x34d: {  	v7 =	vld [tilespmem:s22+$0x160]  }
0x34e: {  	v1 =	vadd.f32 v3, v1;
	v3 =	vld [tilespmem:s22+$0x1E0]  }
0x34f: {  	v8 =	vld [tilespmem:s22+$0x260]  }
0x350: {  	v1 =	vadd.f32 v4, v1;
	_ =	sdelay $0x1  }
0x351: {  	v1 =	vadd.f32 v5, v1;
	_ =	sdelay $0x1  }
0x352: {  	v1 =	vadd.f32 v6, v1;
	_ =	sdelay $0x1  }
0x353: {  	v1 =	vadd.f32 v2, v1;
	_ =	sdelay $0x1  }
0x354: {  	v1 =	vadd.f32 v7, v1;
	_ =	sdelay $0x1  }
0x355: {  	v1 =	vadd.f32 v3, v1;
	_ =	sdelay $0x1  }
0x356: {  	v1 =	vadd.f32 v8, v1;
	_ =	sdelay $0x1  }
0x357: {  	[tilespmem:s8+$0x117E0] =	vst v1  }
0x358: {  	v1 =	vld [tilespmem:s22+$0xFFFFFDF0]  }
0x359: {  	v2 =	vld [tilespmem:s22+$0xFFFFFE70]  }
0x35a: {  	v3 =	vld [tilespmem:s22+$0xFFFFFEF0]  }
0x35b: {  	v5 =	vld [tilespmem:s22+$0xFFFFFF70]  }
0x35c: {  	v6 =	vld [tilespmem:s22+$0xFFFFFFF0]  }
0x35d: {  	v7 =	vld [tilespmem:s22+$0x70]  }
0x35e: {  	v2 =	vadd.f32 v2, v1;
	v4 =	vld [tilespmem:s22+$0xF0]  }
0x35f: {  	v1 =	vld [tilespmem:s22+$0x170]  }
0x360: {  	v8 =	vadd.f32 v3, v2;
	v3 =	vld [tilespmem:s22+$0x1F0]  }
0x361: {  	v2 =	vld [tilespmem:s22+$0x270]  }
.Ltmp11:
0x362: {  	v5 =	vadd.f32 v5, v8;
	(pc) =	sbr.rel @p2 .LBB2_18-.Ltmp11, $3  }
0x363: {  	_ = 	snop  }
0x364: {  	v5 =	vadd.f32 v6, v5;
	_ =	sdelay $0x1  }
0x365: {  	v5 =	vadd.f32 v7, v5  }
0x366: {  	_ = 	snop  }
0x367: {  	v4 =	vadd.f32 v4, v5;
	_ =	sdelay $0x1  }
0x368: {  	v1 =	vadd.f32 v1, v4;
	_ =	sdelay $0x1  }
0x369: {  	v1 =	vadd.f32 v3, v1  }
.Ltmp12:
0x36a: {  	s22 =	sshll.u32 s25, $0x5;
	(pc) =	sbr.rel @p1 .LBB2_21-.Ltmp12, $4  }
0x36b: {  	s9 =	sadd.s32 s22, s14;
	v1 =	vadd.f32 v2, v1  }
0x36c: {  	s9 =	sshll.u32 s9, $0x4  }
0x36d: {  	s19 =	simm.s32 $0x11780;
	s11 =	sadd.s32 s7, s9;
	[tilespmem:s8+$0x117F0] =	vst v1  }
0x36e: {  	[hbm4b:s11+s3] =	stream.linear.scatter [tilespmem:s19], [sflag:$0xB], $0x400, $0x38;
	[tilespmem:$0x13380] =	vst v63  }
.Ltmp13:
0x36f: {  	(pc) =	sbr.rel .LBB2_22-.Ltmp13, $4  }
0x370: {  	_ = 	snop  }
0x371: {  	_ =	swait.ge [sflag:s12], $0x2800  }
0x372: {  	[sflag:s12] =	ssyncset.done $0x0  }
0x373: {  	[sflag:s12] =	ssyncadd.s32 $0xFFFFD800  }
.LBB2_21:
0x374: {  	s8 =	smul.u32 $0x500, s25;
	_ =	sdelay $0x1  }
0x375: {  	s8 =	sshra.s32 s8, $0x2  }
.Ltmp14:
0x376: {  	s8 =	sadd.s32 $0x590, s8;
	(pc) =	sbr.rel @p0 .LBB2_23-.Ltmp14, $4  }
0x377: {  	[tilespmem:s28], [sflag:$0x5] =	stream.indirect.gather [hbm4b:s4+s18], $0x80, s8, s18, $0xb8;
	[tilespmem:$0x13380] =	vst v63  }
0x378: {  	_ =	swait.ge [sflag:s12], $0x2800  }
0x379: {  	[sflag:s12] =	ssyncset.done $0x0  }
0x37a: {  	[sflag:s12] =	ssyncadd.s32 $0xFFFFD800  }
.LBB2_22:
0x37b: {  	_ =	swait.ge [sflag:s16], $0x400  }
0x37c: {  	[sflag:s16] =	ssyncset.done $0x0  }
0x37d: {  	[sflag:s16] =	ssyncadd.s32 $0xFFFFFC00  }
.LBB2_23:
0x37e: {  	s8 =	simm.s32 $0xC600  }
0x37f: {  	v1 =	vld [tilespmem:s8+$0xFFFFFE00]  }
0x380: {  	v2 =	vld [tilespmem:s8+$0xFFFFFD80];
	_ =	sdelay $0x1  }
0x381: {  	v3 =	vld [tilespmem:s8+$0xFFFFFE80];
	_ =	sdelay $0x1  }
0x382: {  	v4 =	vld [tilespmem:s8+$0xFFFFFF00]  }
0x383: {  	v1 =	vadd.f32 v1, v2  }
0x384: {  	v2 =	vld [tilespmem:s8+$0xFFFFFF80]  }
0x385: {  	v1 =	vadd.f32 v3, v1  }
0x386: {  	v3 =	vld [tilespmem:s8+$0x0]  }
0x387: {  	v1 =	vadd.f32 v4, v1  }
0x388: {  	v4 =	vld [tilespmem:s8+$0x80]  }
0x389: {  	v1 =	vadd.f32 v2, v1  }
0x38a: {  	v2 =	vld [tilespmem:s8+$0x100]  }
0x38b: {  	v1 =	vadd.f32 v3, v1  }
0x38c: {  	v3 =	vld [tilespmem:s8+$0x180]  }
0x38d: {  	v1 =	vadd.f32 v4, v1  }
0x38e: {  	v4 =	vld [tilespmem:s8+$0x200]  }
0x38f: {  	v1 =	vadd.f32 v2, v1;
	_ =	sdelay $0x1  }
0x390: {  	v1 =	vadd.f32 v3, v1;
	_ =	sdelay $0x1  }
0x391: {  	v1 =	vadd.f32 v4, v1  }
0x392: {  	s9 =	simm.s32 $0x0  }
0x393: {  	[tilespmem:s9+$0x11B80] =	vst v1  }
0x394: {  	v1 =	vld [tilespmem:s8+$0xFFFFFD90]  }
0x395: {  	v2 =	vld [tilespmem:s8+$0xFFFFFE10];
	_ =	sdelay $0x1  }
0x396: {  	v3 =	vld [tilespmem:s8+$0xFFFFFE90];
	_ =	sdelay $0x1  }
0x397: {  	v4 =	vld [tilespmem:s8+$0xFFFFFF10]  }
0x398: {  	v1 =	vadd.f32 v2, v1  }
0x399: {  	v2 =	vld [tilespmem:s8+$0xFFFFFF90]  }
0x39a: {  	v1 =	vadd.f32 v3, v1  }
0x39b: {  	v3 =	vld [tilespmem:s8+$0x10]  }
0x39c: {  	v1 =	vadd.f32 v4, v1  }
0x39d: {  	v4 =	vld [tilespmem:s8+$0x90]  }
0x39e: {  	v1 =	vadd.f32 v2, v1  }
0x39f: {  	v2 =	vld [tilespmem:s8+$0x110]  }
0x3a0: {  	v1 =	vadd.f32 v3, v1  }
0x3a1: {  	v3 =	vld [tilespmem:s8+$0x190]  }
0x3a2: {  	v1 =	vadd.f32 v4, v1  }
0x3a3: {  	v4 =	vld [tilespmem:s8+$0x210]  }
0x3a4: {  	v1 =	vadd.f32 v2, v1;
	_ =	sdelay $0x1  }
0x3a5: {  	v1 =	vadd.f32 v3, v1;
	_ =	sdelay $0x1  }
0x3a6: {  	v1 =	vadd.f32 v4, v1;
	_ =	sdelay $0x1  }
0x3a7: {  	[tilespmem:s9+$0x11B90] =	vst v1  }
0x3a8: {  	v1 =	vld [tilespmem:s8+$0xFFFFFDA0]  }
0x3a9: {  	v2 =	vld [tilespmem:s8+$0xFFFFFE20];
	_ =	sdelay $0x1  }
0x3aa: {  	v3 =	vld [tilespmem:s8+$0xFFFFFEA0];
	_ =	sdelay $0x1  }
0x3ab: {  	v4 =	vld [tilespmem:s8+$0xFFFFFF20]  }
0x3ac: {  	v1 =	vadd.f32 v2, v1  }
0x3ad: {  	v2 =	vld [tilespmem:s8+$0xFFFFFFA0]  }
0x3ae: {  	v1 =	vadd.f32 v3, v1  }
0x3af: {  	v3 =	vld [tilespmem:s8+$0x20]  }
0x3b0: {  	v1 =	vadd.f32 v4, v1  }
0x3b1: {  	v4 =	vld [tilespmem:s8+$0xA0]  }
0x3b2: {  	v1 =	vadd.f32 v2, v1  }
0x3b3: {  	v2 =	vld [tilespmem:s8+$0x120]  }
0x3b4: {  	v1 =	vadd.f32 v3, v1  }
0x3b5: {  	v3 =	vld [tilespmem:s8+$0x1A0]  }
0x3b6: {  	v1 =	vadd.f32 v4, v1  }
0x3b7: {  	v4 =	vld [tilespmem:s8+$0x220]  }
0x3b8: {  	v1 =	vadd.f32 v2, v1;
	_ =	sdelay $0x1  }
0x3b9: {  	v1 =	vadd.f32 v3, v1;
	_ =	sdelay $0x1  }
0x3ba: {  	v1 =	vadd.f32 v4, v1;
	_ =	sdelay $0x1  }
0x3bb: {  	[tilespmem:s9+$0x11BA0] =	vst v1  }
0x3bc: {  	v1 =	vld [tilespmem:s8+$0xFFFFFDB0]  }
0x3bd: {  	v2 =	vld [tilespmem:s8+$0xFFFFFE30];
	_ =	sdelay $0x1  }
0x3be: {  	v3 =	vld [tilespmem:s8+$0xFFFFFEB0];
	_ =	sdelay $0x1  }
0x3bf: {  	v4 =	vld [tilespmem:s8+$0xFFFFFF30]  }
0x3c0: {  	v1 =	vadd.f32 v2, v1  }
0x3c1: {  	v2 =	vld [tilespmem:s8+$0xFFFFFFB0]  }
0x3c2: {  	v1 =	vadd.f32 v3, v1  }
0x3c3: {  	v3 =	vld [tilespmem:s8+$0x30]  }
0x3c4: {  	v1 =	vadd.f32 v4, v1  }
0x3c5: {  	v4 =	vld [tilespmem:s8+$0xB0]  }
0x3c6: {  	v1 =	vadd.f32 v2, v1  }
0x3c7: {  	v2 =	vld [tilespmem:s8+$0x130]  }
0x3c8: {  	v1 =	vadd.f32 v3, v1  }
0x3c9: {  	v3 =	vld [tilespmem:s8+$0x1B0]  }
0x3ca: {  	v1 =	vadd.f32 v4, v1  }
0x3cb: {  	v4 =	vld [tilespmem:s8+$0x230]  }
0x3cc: {  	v1 =	vadd.f32 v2, v1;
	_ =	sdelay $0x1  }
0x3cd: {  	v1 =	vadd.f32 v3, v1;
	_ =	sdelay $0x1  }
0x3ce: {  	v1 =	vadd.f32 v4, v1;
	_ =	sdelay $0x1  }
0x3cf: {  	[tilespmem:s9+$0x11BB0] =	vst v1  }
0x3d0: {  	v1 =	vld [tilespmem:s8+$0xFFFFFDC0]  }
0x3d1: {  	v2 =	vld [tilespmem:s8+$0xFFFFFE40];
	_ =	sdelay $0x1  }
0x3d2: {  	v3 =	vld [tilespmem:s8+$0xFFFFFEC0];
	_ =	sdelay $0x1  }
0x3d3: {  	v4 =	vld [tilespmem:s8+$0xFFFFFF40]  }
0x3d4: {  	v1 =	vadd.f32 v2, v1  }
0x3d5: {  	v2 =	vld [tilespmem:s8+$0xFFFFFFC0]  }
0x3d6: {  	v1 =	vadd.f32 v3, v1  }
0x3d7: {  	v3 =	vld [tilespmem:s8+$0x40]  }
0x3d8: {  	v1 =	vadd.f32 v4, v1  }
0x3d9: {  	v4 =	vld [tilespmem:s8+$0xC0]  }
0x3da: {  	v1 =	vadd.f32 v2, v1  }
0x3db: {  	v2 =	vld [tilespmem:s8+$0x140]  }
0x3dc: {  	v1 =	vadd.f32 v3, v1  }
0x3dd: {  	v3 =	vld [tilespmem:s8+$0x1C0]  }
0x3de: {  	v1 =	vadd.f32 v4, v1  }
0x3df: {  	v4 =	vld [tilespmem:s8+$0x240]  }
0x3e0: {  	v1 =	vadd.f32 v2, v1;
	_ =	sdelay $0x1  }
0x3e1: {  	v1 =	vadd.f32 v3, v1;
	_ =	sdelay $0x1  }
0x3e2: {  	v1 =	vadd.f32 v4, v1;
	_ =	sdelay $0x1  }
0x3e3: {  	[tilespmem:s9+$0x11BC0] =	vst v1  }
0x3e4: {  	v1 =	vld [tilespmem:s8+$0xFFFFFDD0]  }
0x3e5: {  	v2 =	vld [tilespmem:s8+$0xFFFFFE50];
	_ =	sdelay $0x1  }
0x3e6: {  	v3 =	vld [tilespmem:s8+$0xFFFFFED0];
	_ =	sdelay $0x1  }
0x3e7: {  	v4 =	vld [tilespmem:s8+$0xFFFFFF50]  }
0x3e8: {  	v1 =	vadd.f32 v2, v1  }
0x3e9: {  	v2 =	vld [tilespmem:s8+$0xFFFFFFD0]  }
0x3ea: {  	v1 =	vadd.f32 v3, v1  }
0x3eb: {  	v3 =	vld [tilespmem:s8+$0x50]  }
0x3ec: {  	v1 =	vadd.f32 v4, v1  }
0x3ed: {  	v4 =	vld [tilespmem:s8+$0xD0]  }
0x3ee: {  	v1 =	vadd.f32 v2, v1  }
0x3ef: {  	v2 =	vld [tilespmem:s8+$0x150]  }
0x3f0: {  	v1 =	vadd.f32 v3, v1  }
0x3f1: {  	v3 =	vld [tilespmem:s8+$0x1D0]  }
0x3f2: {  	v1 =	vadd.f32 v4, v1  }
0x3f3: {  	v4 =	vld [tilespmem:s8+$0x250]  }
0x3f4: {  	v1 =	vadd.f32 v2, v1;
	_ =	sdelay $0x1  }
0x3f5: {  	v1 =	vadd.f32 v3, v1;
	_ =	sdelay $0x1  }
0x3f6: {  	v1 =	vadd.f32 v4, v1;
	_ =	sdelay $0x1  }
0x3f7: {  	[tilespmem:s9+$0x11BD0] =	vst v1  }
0x3f8: {  	v1 =	vld [tilespmem:s8+$0xFFFFFDE0]  }
0x3f9: {  	v2 =	vld [tilespmem:s8+$0xFFFFFE60];
	_ =	sdelay $0x1  }
0x3fa: {  	v3 =	vld [tilespmem:s8+$0xFFFFFEE0];
	_ =	sdelay $0x1  }
0x3fb: {  	v4 =	vld [tilespmem:s8+$0xFFFFFF60]  }
0x3fc: {  	v1 =	vadd.f32 v2, v1  }
0x3fd: {  	v2 =	vld [tilespmem:s8+$0xFFFFFFE0]  }
0x3fe: {  	v1 =	vadd.f32 v3, v1  }
0x3ff: {  	v3 =	vld [tilespmem:s8+$0x60]  }
0x400: {  	v1 =	vadd.f32 v4, v1  }
0x401: {  	v4 =	vld [tilespmem:s8+$0xE0]  }
0x402: {  	v1 =	vadd.f32 v2, v1  }
0x403: {  	v2 =	vld [tilespmem:s8+$0x160]  }
0x404: {  	v1 =	vadd.f32 v3, v1  }
0x405: {  	v3 =	vld [tilespmem:s8+$0x1E0]  }
0x406: {  	v1 =	vadd.f32 v4, v1  }
0x407: {  	v4 =	vld [tilespmem:s8+$0x260]  }
0x408: {  	v1 =	vadd.f32 v2, v1;
	_ =	sdelay $0x1  }
0x409: {  	v1 =	vadd.f32 v3, v1;
	_ =	sdelay $0x1  }
0x40a: {  	v1 =	vadd.f32 v4, v1;
	_ =	sdelay $0x1  }
0x40b: {  	[tilespmem:s9+$0x11BE0] =	vst v1  }
0x40c: {  	v1 =	vld [tilespmem:s8+$0xFFFFFDF0]  }
0x40d: {  	v2 =	vld [tilespmem:s8+$0xFFFFFE70];
	_ =	sdelay $0x1  }
0x40e: {  	v3 =	vld [tilespmem:s8+$0xFFFFFEF0];
	_ =	sdelay $0x1  }
0x40f: {  	v4 =	vld [tilespmem:s8+$0xFFFFFF70]  }
0x410: {  	v1 =	vadd.f32 v2, v1  }
0x411: {  	v2 =	vld [tilespmem:s8+$0xFFFFFFF0]  }
0x412: {  	v1 =	vadd.f32 v3, v1  }
0x413: {  	v5 =	vld [tilespmem:s8+$0x70]  }
0x414: {  	v3 =	vadd.f32 v4, v1  }
0x415: {  	v4 =	vld [tilespmem:s8+$0xF0]  }
0x416: {  	v1 =	vld [tilespmem:s8+$0x170];
	v6 =	vadd.f32 v2, v3  }
0x417: {  	v2 =	vld [tilespmem:s8+$0x1F0]  }
0x418: {  	s11 =	simm.s32 $0x200;
	v3 =	vld [tilespmem:s8+$0x270];
	v5 =	vadd.f32 v5, v6  }
.LBB2_24:
0x419: {  	p2 =	sne.s32 s11, $0xE00  }
0x41a: {  	s8 =	sadd.s32 $0x500, s8;
	s19 =	smov.u32 s11;
	s11 =	sadd.s32 $0x200, s11;
	v4 =	vadd.f32 v4, v5  }
0x41b: {  	_ = 	snop  }
0x41c: {  	v1 =	vadd.f32 v1, v4;
	_ =	sdelay $0x1  }
0x41d: {  	v1 =	vadd.f32 v2, v1;
	_ =	sdelay $0x1  }
0x41e: {  	v1 =	vadd.f32 v3, v1;
	_ =	sdelay $0x1  }
0x41f: {  	[tilespmem:s9+$0x11BF0] =	vst v1  }
0x420: {  	v1 =	vld [tilespmem:s8+$0xFFFFFE00]  }
0x421: {  	v2 =	vld [tilespmem:s8+$0xFFFFFD80]  }
0x422: {  	v3 =	vld [tilespmem:s8+$0xFFFFFE80];
	_ =	sdelay $0x2  }
0x423: {  	v4 =	vld [tilespmem:s8+$0xFFFFFF00]  }
0x424: {  	v1 =	vadd.f32 v1, v2  }
0x425: {  	v2 =	vld [tilespmem:s8+$0xFFFFFF80]  }
0x426: {  	v1 =	vadd.f32 v3, v1  }
0x427: {  	v3 =	vld [tilespmem:s8+$0x0]  }
0x428: {  	v1 =	vadd.f32 v4, v1  }
0x429: {  	v4 =	vld [tilespmem:s8+$0x80]  }
0x42a: {  	v1 =	vadd.f32 v2, v1  }
0x42b: {  	v2 =	vld [tilespmem:s8+$0x100]  }
0x42c: {  	v1 =	vadd.f32 v3, v1  }
0x42d: {  	v3 =	vld [tilespmem:s8+$0x180]  }
0x42e: {  	v1 =	vadd.f32 v4, v1  }
0x42f: {  	v4 =	vld [tilespmem:s8+$0x200]  }
0x430: {  	v1 =	vadd.f32 v2, v1;
	_ =	sdelay $0x1  }
0x431: {  	v1 =	vadd.f32 v3, v1;
	_ =	sdelay $0x1  }
0x432: {  	v1 =	vadd.f32 v4, v1  }
0x433: {  	s9 =	sshra.s32 s19, $0x2  }
0x434: {  	[tilespmem:s9+$0x11B80] =	vst v1  }
0x435: {  	v1 =	vld [tilespmem:s8+$0xFFFFFD90]  }
0x436: {  	v2 =	vld [tilespmem:s8+$0xFFFFFE10];
	_ =	sdelay $0x1  }
0x437: {  	v3 =	vld [tilespmem:s8+$0xFFFFFE90];
	_ =	sdelay $0x1  }
0x438: {  	v4 =	vld [tilespmem:s8+$0xFFFFFF10]  }
0x439: {  	v1 =	vadd.f32 v2, v1  }
0x43a: {  	v2 =	vld [tilespmem:s8+$0xFFFFFF90]  }
0x43b: {  	v1 =	vadd.f32 v3, v1  }
0x43c: {  	v3 =	vld [tilespmem:s8+$0x10]  }
0x43d: {  	v1 =	vadd.f32 v4, v1  }
0x43e: {  	v4 =	vld [tilespmem:s8+$0x90]  }
0x43f: {  	v1 =	vadd.f32 v2, v1  }
0x440: {  	v2 =	vld [tilespmem:s8+$0x110]  }
0x441: {  	v1 =	vadd.f32 v3, v1  }
0x442: {  	v3 =	vld [tilespmem:s8+$0x190]  }
0x443: {  	v1 =	vadd.f32 v4, v1  }
0x444: {  	v4 =	vld [tilespmem:s8+$0x210]  }
0x445: {  	v1 =	vadd.f32 v2, v1;
	_ =	sdelay $0x1  }
0x446: {  	v1 =	vadd.f32 v3, v1;
	_ =	sdelay $0x1  }
0x447: {  	v1 =	vadd.f32 v4, v1;
	_ =	sdelay $0x1  }
0x448: {  	[tilespmem:s9+$0x11B90] =	vst v1  }
0x449: {  	v1 =	vld [tilespmem:s8+$0xFFFFFDA0]  }
0x44a: {  	v2 =	vld [tilespmem:s8+$0xFFFFFE20];
	_ =	sdelay $0x1  }
0x44b: {  	v3 =	vld [tilespmem:s8+$0xFFFFFEA0];
	_ =	sdelay $0x1  }
0x44c: {  	v4 =	vld [tilespmem:s8+$0xFFFFFF20]  }
0x44d: {  	v1 =	vadd.f32 v2, v1  }
0x44e: {  	v2 =	vld [tilespmem:s8+$0xFFFFFFA0]  }
0x44f: {  	v1 =	vadd.f32 v3, v1  }
0x450: {  	v3 =	vld [tilespmem:s8+$0x20]  }
0x451: {  	v1 =	vadd.f32 v4, v1  }
0x452: {  	v4 =	vld [tilespmem:s8+$0xA0]  }
0x453: {  	v1 =	vadd.f32 v2, v1  }
0x454: {  	v2 =	vld [tilespmem:s8+$0x120]  }
0x455: {  	v1 =	vadd.f32 v3, v1  }
0x456: {  	v3 =	vld [tilespmem:s8+$0x1A0]  }
0x457: {  	v1 =	vadd.f32 v4, v1  }
0x458: {  	v4 =	vld [tilespmem:s8+$0x220]  }
0x459: {  	v1 =	vadd.f32 v2, v1;
	_ =	sdelay $0x1  }
0x45a: {  	v1 =	vadd.f32 v3, v1;
	_ =	sdelay $0x1  }
0x45b: {  	v1 =	vadd.f32 v4, v1;
	_ =	sdelay $0x1  }
0x45c: {  	[tilespmem:s9+$0x11BA0] =	vst v1  }
0x45d: {  	v1 =	vld [tilespmem:s8+$0xFFFFFDB0]  }
0x45e: {  	v2 =	vld [tilespmem:s8+$0xFFFFFE30];
	_ =	sdelay $0x1  }
0x45f: {  	v3 =	vld [tilespmem:s8+$0xFFFFFEB0];
	_ =	sdelay $0x1  }
0x460: {  	v4 =	vld [tilespmem:s8+$0xFFFFFF30]  }
0x461: {  	v1 =	vadd.f32 v2, v1  }
0x462: {  	v2 =	vld [tilespmem:s8+$0xFFFFFFB0]  }
0x463: {  	v1 =	vadd.f32 v3, v1  }
0x464: {  	v3 =	vld [tilespmem:s8+$0x30]  }
0x465: {  	v1 =	vadd.f32 v4, v1  }
0x466: {  	v4 =	vld [tilespmem:s8+$0xB0]  }
0x467: {  	v1 =	vadd.f32 v2, v1  }
0x468: {  	v2 =	vld [tilespmem:s8+$0x130]  }
0x469: {  	v1 =	vadd.f32 v3, v1  }
0x46a: {  	v3 =	vld [tilespmem:s8+$0x1B0]  }
0x46b: {  	v1 =	vadd.f32 v4, v1  }
0x46c: {  	v4 =	vld [tilespmem:s8+$0x230]  }
0x46d: {  	v1 =	vadd.f32 v2, v1;
	_ =	sdelay $0x1  }
0x46e: {  	v1 =	vadd.f32 v3, v1;
	_ =	sdelay $0x1  }
0x46f: {  	v1 =	vadd.f32 v4, v1;
	_ =	sdelay $0x1  }
0x470: {  	[tilespmem:s9+$0x11BB0] =	vst v1  }
0x471: {  	v1 =	vld [tilespmem:s8+$0xFFFFFDC0]  }
0x472: {  	v2 =	vld [tilespmem:s8+$0xFFFFFE40];
	_ =	sdelay $0x1  }
0x473: {  	v3 =	vld [tilespmem:s8+$0xFFFFFEC0];
	_ =	sdelay $0x1  }
0x474: {  	v4 =	vld [tilespmem:s8+$0xFFFFFF40]  }
0x475: {  	v1 =	vadd.f32 v2, v1  }
0x476: {  	v2 =	vld [tilespmem:s8+$0xFFFFFFC0]  }
0x477: {  	v1 =	vadd.f32 v3, v1  }
0x478: {  	v3 =	vld [tilespmem:s8+$0x40]  }
0x479: {  	v1 =	vadd.f32 v4, v1  }
0x47a: {  	v4 =	vld [tilespmem:s8+$0xC0]  }
0x47b: {  	v1 =	vadd.f32 v2, v1  }
0x47c: {  	v2 =	vld [tilespmem:s8+$0x140]  }
0x47d: {  	v1 =	vadd.f32 v3, v1  }
0x47e: {  	v3 =	vld [tilespmem:s8+$0x1C0]  }
0x47f: {  	v1 =	vadd.f32 v4, v1  }
0x480: {  	v4 =	vld [tilespmem:s8+$0x240]  }
0x481: {  	v1 =	vadd.f32 v2, v1;
	_ =	sdelay $0x1  }
0x482: {  	v1 =	vadd.f32 v3, v1;
	_ =	sdelay $0x1  }
0x483: {  	v1 =	vadd.f32 v4, v1;
	_ =	sdelay $0x1  }
0x484: {  	[tilespmem:s9+$0x11BC0] =	vst v1  }
0x485: {  	v1 =	vld [tilespmem:s8+$0xFFFFFDD0]  }
0x486: {  	v2 =	vld [tilespmem:s8+$0xFFFFFE50]  }
0x487: {  	v3 =	vld [tilespmem:s8+$0xFFFFFED0]  }
0x488: {  	v4 =	vld [tilespmem:s8+$0xFFFFFF50]  }
0x489: {  	v5 =	vld [tilespmem:s8+$0xFFFFFFD0]  }
0x48a: {  	v6 =	vld [tilespmem:s8+$0x50]  }
0x48b: {  	v1 =	vadd.f32 v2, v1;
	v2 =	vld [tilespmem:s8+$0xD0]  }
0x48c: {  	v7 =	vld [tilespmem:s8+$0x150]  }
0x48d: {  	v1 =	vadd.f32 v3, v1;
	v3 =	vld [tilespmem:s8+$0x1D0]  }
0x48e: {  	v8 =	vld [tilespmem:s8+$0x250]  }
0x48f: {  	v1 =	vadd.f32 v4, v1;
	_ =	sdelay $0x1  }
0x490: {  	v1 =	vadd.f32 v5, v1;
	_ =	sdelay $0x1  }
0x491: {  	v1 =	vadd.f32 v6, v1;
	_ =	sdelay $0x1  }
0x492: {  	v1 =	vadd.f32 v2, v1;
	_ =	sdelay $0x1  }
0x493: {  	v1 =	vadd.f32 v7, v1;
	_ =	sdelay $0x1  }
0x494: {  	v1 =	vadd.f32 v3, v1;
	_ =	sdelay $0x1  }
0x495: {  	v1 =	vadd.f32 v8, v1;
	_ =	sdelay $0x1  }
0x496: {  	[tilespmem:s9+$0x11BD0] =	vst v1  }
0x497: {  	v1 =	vld [tilespmem:s8+$0xFFFFFDE0]  }
0x498: {  	v2 =	vld [tilespmem:s8+$0xFFFFFE60]  }
0x499: {  	v3 =	vld [tilespmem:s8+$0xFFFFFEE0]  }
0x49a: {  	v4 =	vld [tilespmem:s8+$0xFFFFFF60]  }
0x49b: {  	v5 =	vld [tilespmem:s8+$0xFFFFFFE0]  }
0x49c: {  	v6 =	vld [tilespmem:s8+$0x60]  }
0x49d: {  	v1 =	vadd.f32 v2, v1;
	v2 =	vld [tilespmem:s8+$0xE0]  }
0x49e: {  	v7 =	vld [tilespmem:s8+$0x160]  }
0x49f: {  	v1 =	vadd.f32 v3, v1;
	v3 =	vld [tilespmem:s8+$0x1E0]  }
0x4a0: {  	v8 =	vld [tilespmem:s8+$0x260]  }
0x4a1: {  	v1 =	vadd.f32 v4, v1;
	_ =	sdelay $0x1  }
0x4a2: {  	v1 =	vadd.f32 v5, v1;
	_ =	sdelay $0x1  }
0x4a3: {  	v1 =	vadd.f32 v6, v1;
	_ =	sdelay $0x1  }
0x4a4: {  	v1 =	vadd.f32 v2, v1;
	_ =	sdelay $0x1  }
0x4a5: {  	v1 =	vadd.f32 v7, v1;
	_ =	sdelay $0x1  }
0x4a6: {  	v1 =	vadd.f32 v3, v1;
	_ =	sdelay $0x1  }
0x4a7: {  	v1 =	vadd.f32 v8, v1;
	_ =	sdelay $0x1  }
0x4a8: {  	[tilespmem:s9+$0x11BE0] =	vst v1  }
0x4a9: {  	v1 =	vld [tilespmem:s8+$0xFFFFFDF0]  }
0x4aa: {  	v2 =	vld [tilespmem:s8+$0xFFFFFE70]  }
0x4ab: {  	v3 =	vld [tilespmem:s8+$0xFFFFFEF0]  }
0x4ac: {  	v5 =	vld [tilespmem:s8+$0xFFFFFF70]  }
0x4ad: {  	v6 =	vld [tilespmem:s8+$0xFFFFFFF0]  }
0x4ae: {  	v7 =	vld [tilespmem:s8+$0x70]  }
0x4af: {  	v2 =	vadd.f32 v2, v1;
	v4 =	vld [tilespmem:s8+$0xF0]  }
0x4b0: {  	v1 =	vld [tilespmem:s8+$0x170]  }
0x4b1: {  	v8 =	vadd.f32 v3, v2;
	v2 =	vld [tilespmem:s8+$0x1F0]  }
0x4b2: {  	v3 =	vld [tilespmem:s8+$0x270]  }
.Ltmp15:
0x4b3: {  	v5 =	vadd.f32 v5, v8;
	(pc) =	sbr.rel @p2 .LBB2_24-.Ltmp15, $3  }
0x4b4: {  	_ = 	snop  }
0x4b5: {  	v5 =	vadd.f32 v6, v5;
	_ =	sdelay $0x1  }
0x4b6: {  	v5 =	vadd.f32 v7, v5  }
0x4b7: {  	_ = 	snop  }
0x4b8: {  	v4 =	vadd.f32 v4, v5;
	_ =	sdelay $0x1  }
0x4b9: {  	v1 =	vadd.f32 v1, v4;
	_ =	sdelay $0x1  }
0x4ba: {  	v1 =	vadd.f32 v2, v1  }
.Ltmp16:
0x4bb: {  	_ = 	snop;
	(pc) =	sbr.rel @p1 .LBB2_27-.Ltmp16, $4  }
0x4bc: {  	v1 =	vadd.f32 v3, v1  }
0x4bd: {  	s8 =	sshll.u32 s25, $0x9  }
0x4be: {  	s19 =	simm.s32 $0x11B80;
	s8 =	sadd.s32 s17, s8;
	[tilespmem:s9+$0x11BF0] =	vst v1  }
0x4bf: {  	[hbm4b:s8+s3] =	stream.linear.scatter [tilespmem:s19], [sflag:$0xC], $0x400, $0x38;
	[tilespmem:$0x13380] =	vst v63  }
.Ltmp17:
0x4c0: {  	(pc) =	sbr.rel .LBB2_28-.Ltmp17, $4  }
0x4c1: {  	_ = 	snop  }
0x4c2: {  	_ =	swait.ge [sflag:s23], $0x2800  }
0x4c3: {  	[sflag:s23] =	ssyncset.done $0x0  }
0x4c4: {  	[sflag:s23] =	ssyncadd.s32 $0xFFFFD800  }
.LBB2_27:
0x4c5: {  	s8 =	smul.u32 $0x500, s25;
	_ =	sdelay $0x1  }
0x4c6: {  	s8 =	sshra.s32 s8, $0x2  }
.Ltmp18:
0x4c7: {  	s9 =	simm.s32 $0xC380;
	s8 =	sadd.s32 $0x5E0, s8;
	(pc) =	sbr.rel @p0 .LBB2_29-.Ltmp18, $4  }
0x4c8: {  	[tilespmem:s9], [sflag:$0x6] =	stream.indirect.gather [hbm4b:s4+s18], $0x80, s8, s18, $0xb8;
	[tilespmem:$0x13380] =	vst v63  }
0x4c9: {  	_ =	swait.ge [sflag:s23], $0x2800  }
0x4ca: {  	[sflag:s23] =	ssyncset.done $0x0  }
0x4cb: {  	[sflag:s23] =	ssyncadd.s32 $0xFFFFD800  }
.LBB2_28:
0x4cc: {  	_ =	swait.ge [sflag:s0], $0x400  }
0x4cd: {  	[sflag:s0] =	ssyncset.done $0x0  }
0x4ce: {  	[sflag:s0] =	ssyncadd.s32 $0xFFFFFC00  }
.LBB2_29:
0x4cf: {  	s8 =	simm.s32 $0xEE00  }
0x4d0: {  	v1 =	vld [tilespmem:s8+$0xFFFFFE00]  }
0x4d1: {  	v2 =	vld [tilespmem:s8+$0xFFFFFD80];
	_ =	sdelay $0x1  }
0x4d2: {  	v3 =	vld [tilespmem:s8+$0xFFFFFE80];
	_ =	sdelay $0x1  }
0x4d3: {  	v4 =	vld [tilespmem:s8+$0xFFFFFF00]  }
0x4d4: {  	v1 =	vadd.f32 v1, v2  }
0x4d5: {  	v2 =	vld [tilespmem:s8+$0xFFFFFF80]  }
0x4d6: {  	v1 =	vadd.f32 v3, v1  }
0x4d7: {  	v3 =	vld [tilespmem:s8+$0x0]  }
0x4d8: {  	v1 =	vadd.f32 v4, v1  }
0x4d9: {  	v4 =	vld [tilespmem:s8+$0x80]  }
0x4da: {  	v1 =	vadd.f32 v2, v1  }
0x4db: {  	v2 =	vld [tilespmem:s8+$0x100]  }
0x4dc: {  	v1 =	vadd.f32 v3, v1  }
0x4dd: {  	v3 =	vld [tilespmem:s8+$0x180]  }
0x4de: {  	v1 =	vadd.f32 v4, v1  }
0x4df: {  	v4 =	vld [tilespmem:s8+$0x200]  }
0x4e0: {  	v1 =	vadd.f32 v2, v1;
	_ =	sdelay $0x1  }
0x4e1: {  	v1 =	vadd.f32 v3, v1;
	_ =	sdelay $0x1  }
0x4e2: {  	v1 =	vadd.f32 v4, v1  }
0x4e3: {  	s9 =	simm.s32 $0x0  }
0x4e4: {  	[tilespmem:s9+$0x11F80] =	vst v1  }
0x4e5: {  	v1 =	vld [tilespmem:s8+$0xFFFFFD90]  }
0x4e6: {  	v2 =	vld [tilespmem:s8+$0xFFFFFE10];
	_ =	sdelay $0x1  }
0x4e7: {  	v3 =	vld [tilespmem:s8+$0xFFFFFE90];
	_ =	sdelay $0x1  }
0x4e8: {  	v4 =	vld [tilespmem:s8+$0xFFFFFF10]  }
0x4e9: {  	v1 =	vadd.f32 v2, v1  }
0x4ea: {  	v2 =	vld [tilespmem:s8+$0xFFFFFF90]  }
0x4eb: {  	v1 =	vadd.f32 v3, v1  }
0x4ec: {  	v3 =	vld [tilespmem:s8+$0x10]  }
0x4ed: {  	v1 =	vadd.f32 v4, v1  }
0x4ee: {  	v4 =	vld [tilespmem:s8+$0x90]  }
0x4ef: {  	v1 =	vadd.f32 v2, v1  }
0x4f0: {  	v2 =	vld [tilespmem:s8+$0x110]  }
0x4f1: {  	v1 =	vadd.f32 v3, v1  }
0x4f2: {  	v3 =	vld [tilespmem:s8+$0x190]  }
0x4f3: {  	v1 =	vadd.f32 v4, v1  }
0x4f4: {  	v4 =	vld [tilespmem:s8+$0x210]  }
0x4f5: {  	v1 =	vadd.f32 v2, v1;
	_ =	sdelay $0x1  }
0x4f6: {  	v1 =	vadd.f32 v3, v1;
	_ =	sdelay $0x1  }
0x4f7: {  	v1 =	vadd.f32 v4, v1;
	_ =	sdelay $0x1  }
0x4f8: {  	[tilespmem:s9+$0x11F90] =	vst v1  }
0x4f9: {  	v1 =	vld [tilespmem:s8+$0xFFFFFDA0]  }
0x4fa: {  	v2 =	vld [tilespmem:s8+$0xFFFFFE20];
	_ =	sdelay $0x1  }
0x4fb: {  	v3 =	vld [tilespmem:s8+$0xFFFFFEA0];
	_ =	sdelay $0x1  }
0x4fc: {  	v4 =	vld [tilespmem:s8+$0xFFFFFF20]  }
0x4fd: {  	v1 =	vadd.f32 v2, v1  }
0x4fe: {  	v2 =	vld [tilespmem:s8+$0xFFFFFFA0]  }
0x4ff: {  	v1 =	vadd.f32 v3, v1  }
0x500: {  	v3 =	vld [tilespmem:s8+$0x20]  }
0x501: {  	v1 =	vadd.f32 v4, v1  }
0x502: {  	v4 =	vld [tilespmem:s8+$0xA0]  }
0x503: {  	v1 =	vadd.f32 v2, v1  }
0x504: {  	v2 =	vld [tilespmem:s8+$0x120]  }
0x505: {  	v1 =	vadd.f32 v3, v1  }
0x506: {  	v3 =	vld [tilespmem:s8+$0x1A0]  }
0x507: {  	v1 =	vadd.f32 v4, v1  }
0x508: {  	v4 =	vld [tilespmem:s8+$0x220]  }
0x509: {  	v1 =	vadd.f32 v2, v1;
	_ =	sdelay $0x1  }
0x50a: {  	v1 =	vadd.f32 v3, v1;
	_ =	sdelay $0x1  }
0x50b: {  	v1 =	vadd.f32 v4, v1;
	_ =	sdelay $0x1  }
0x50c: {  	[tilespmem:s9+$0x11FA0] =	vst v1  }
0x50d: {  	v1 =	vld [tilespmem:s8+$0xFFFFFDB0]  }
0x50e: {  	v2 =	vld [tilespmem:s8+$0xFFFFFE30];
	_ =	sdelay $0x1  }
0x50f: {  	v3 =	vld [tilespmem:s8+$0xFFFFFEB0];
	_ =	sdelay $0x1  }
0x510: {  	v4 =	vld [tilespmem:s8+$0xFFFFFF30]  }
0x511: {  	v1 =	vadd.f32 v2, v1  }
0x512: {  	v2 =	vld [tilespmem:s8+$0xFFFFFFB0]  }
0x513: {  	v1 =	vadd.f32 v3, v1  }
0x514: {  	v3 =	vld [tilespmem:s8+$0x30]  }
0x515: {  	v1 =	vadd.f32 v4, v1  }
0x516: {  	v4 =	vld [tilespmem:s8+$0xB0]  }
0x517: {  	v1 =	vadd.f32 v2, v1  }
0x518: {  	v2 =	vld [tilespmem:s8+$0x130]  }
0x519: {  	v1 =	vadd.f32 v3, v1  }
0x51a: {  	v3 =	vld [tilespmem:s8+$0x1B0]  }
0x51b: {  	v1 =	vadd.f32 v4, v1  }
0x51c: {  	v4 =	vld [tilespmem:s8+$0x230]  }
0x51d: {  	v1 =	vadd.f32 v2, v1;
	_ =	sdelay $0x1  }
0x51e: {  	v1 =	vadd.f32 v3, v1;
	_ =	sdelay $0x1  }
0x51f: {  	v1 =	vadd.f32 v4, v1;
	_ =	sdelay $0x1  }
0x520: {  	[tilespmem:s9+$0x11FB0] =	vst v1  }
0x521: {  	v1 =	vld [tilespmem:s8+$0xFFFFFDC0]  }
0x522: {  	v2 =	vld [tilespmem:s8+$0xFFFFFE40];
	_ =	sdelay $0x1  }
0x523: {  	v3 =	vld [tilespmem:s8+$0xFFFFFEC0];
	_ =	sdelay $0x1  }
0x524: {  	v4 =	vld [tilespmem:s8+$0xFFFFFF40]  }
0x525: {  	v1 =	vadd.f32 v2, v1  }
0x526: {  	v2 =	vld [tilespmem:s8+$0xFFFFFFC0]  }
0x527: {  	v1 =	vadd.f32 v3, v1  }
0x528: {  	v3 =	vld [tilespmem:s8+$0x40]  }
0x529: {  	v1 =	vadd.f32 v4, v1  }
0x52a: {  	v4 =	vld [tilespmem:s8+$0xC0]  }
0x52b: {  	v1 =	vadd.f32 v2, v1  }
0x52c: {  	v2 =	vld [tilespmem:s8+$0x140]  }
0x52d: {  	v1 =	vadd.f32 v3, v1  }
0x52e: {  	v3 =	vld [tilespmem:s8+$0x1C0]  }
0x52f: {  	v1 =	vadd.f32 v4, v1  }
0x530: {  	v4 =	vld [tilespmem:s8+$0x240]  }
0x531: {  	v1 =	vadd.f32 v2, v1;
	_ =	sdelay $0x1  }
0x532: {  	v1 =	vadd.f32 v3, v1;
	_ =	sdelay $0x1  }
0x533: {  	v1 =	vadd.f32 v4, v1;
	_ =	sdelay $0x1  }
0x534: {  	[tilespmem:s9+$0x11FC0] =	vst v1  }
0x535: {  	v1 =	vld [tilespmem:s8+$0xFFFFFDD0]  }
0x536: {  	v2 =	vld [tilespmem:s8+$0xFFFFFE50];
	_ =	sdelay $0x1  }
0x537: {  	v3 =	vld [tilespmem:s8+$0xFFFFFED0];
	_ =	sdelay $0x1  }
0x538: {  	v4 =	vld [tilespmem:s8+$0xFFFFFF50]  }
0x539: {  	v1 =	vadd.f32 v2, v1  }
0x53a: {  	v2 =	vld [tilespmem:s8+$0xFFFFFFD0]  }
0x53b: {  	v1 =	vadd.f32 v3, v1  }
0x53c: {  	v3 =	vld [tilespmem:s8+$0x50]  }
0x53d: {  	v1 =	vadd.f32 v4, v1  }
0x53e: {  	v4 =	vld [tilespmem:s8+$0xD0]  }
0x53f: {  	v1 =	vadd.f32 v2, v1  }
0x540: {  	v2 =	vld [tilespmem:s8+$0x150]  }
0x541: {  	v1 =	vadd.f32 v3, v1  }
0x542: {  	v3 =	vld [tilespmem:s8+$0x1D0]  }
0x543: {  	v1 =	vadd.f32 v4, v1  }
0x544: {  	v4 =	vld [tilespmem:s8+$0x250]  }
0x545: {  	v1 =	vadd.f32 v2, v1;
	_ =	sdelay $0x1  }
0x546: {  	v1 =	vadd.f32 v3, v1;
	_ =	sdelay $0x1  }
0x547: {  	v1 =	vadd.f32 v4, v1;
	_ =	sdelay $0x1  }
0x548: {  	[tilespmem:s9+$0x11FD0] =	vst v1  }
0x549: {  	v1 =	vld [tilespmem:s8+$0xFFFFFDE0]  }
0x54a: {  	v2 =	vld [tilespmem:s8+$0xFFFFFE60];
	_ =	sdelay $0x1  }
0x54b: {  	v3 =	vld [tilespmem:s8+$0xFFFFFEE0];
	_ =	sdelay $0x1  }
0x54c: {  	v4 =	vld [tilespmem:s8+$0xFFFFFF60]  }
0x54d: {  	v1 =	vadd.f32 v2, v1  }
0x54e: {  	v2 =	vld [tilespmem:s8+$0xFFFFFFE0]  }
0x54f: {  	v1 =	vadd.f32 v3, v1  }
0x550: {  	v3 =	vld [tilespmem:s8+$0x60]  }
0x551: {  	v1 =	vadd.f32 v4, v1  }
0x552: {  	v4 =	vld [tilespmem:s8+$0xE0]  }
0x553: {  	v1 =	vadd.f32 v2, v1  }
0x554: {  	v2 =	vld [tilespmem:s8+$0x160]  }
0x555: {  	v1 =	vadd.f32 v3, v1  }
0x556: {  	v3 =	vld [tilespmem:s8+$0x1E0]  }
0x557: {  	v1 =	vadd.f32 v4, v1  }
0x558: {  	v4 =	vld [tilespmem:s8+$0x260]  }
0x559: {  	v1 =	vadd.f32 v2, v1;
	_ =	sdelay $0x1  }
0x55a: {  	v1 =	vadd.f32 v3, v1;
	_ =	sdelay $0x1  }
0x55b: {  	v1 =	vadd.f32 v4, v1;
	_ =	sdelay $0x1  }
0x55c: {  	[tilespmem:s9+$0x11FE0] =	vst v1  }
0x55d: {  	v1 =	vld [tilespmem:s8+$0xFFFFFDF0]  }
0x55e: {  	v2 =	vld [tilespmem:s8+$0xFFFFFE70];
	_ =	sdelay $0x1  }
0x55f: {  	v3 =	vld [tilespmem:s8+$0xFFFFFEF0];
	_ =	sdelay $0x1  }
0x560: {  	v4 =	vld [tilespmem:s8+$0xFFFFFF70]  }
0x561: {  	v1 =	vadd.f32 v2, v1  }
0x562: {  	v2 =	vld [tilespmem:s8+$0xFFFFFFF0]  }
0x563: {  	v1 =	vadd.f32 v3, v1  }
0x564: {  	v5 =	vld [tilespmem:s8+$0x70]  }
0x565: {  	v3 =	vadd.f32 v4, v1  }
0x566: {  	v4 =	vld [tilespmem:s8+$0xF0]  }
0x567: {  	v1 =	vld [tilespmem:s8+$0x170];
	v6 =	vadd.f32 v2, v3  }
0x568: {  	v2 =	vld [tilespmem:s8+$0x1F0]  }
0x569: {  	s11 =	simm.s32 $0x200;
	v3 =	vld [tilespmem:s8+$0x270];
	v5 =	vadd.f32 v5, v6  }
.LBB2_30:
0x56a: {  	p0 =	sne.s32 s11, $0xE00  }
0x56b: {  	s8 =	sadd.s32 $0x500, s8;
	s19 =	smov.u32 s11;
	s11 =	sadd.s32 $0x200, s11;
	v4 =	vadd.f32 v4, v5  }
0x56c: {  	_ = 	snop  }
0x56d: {  	v1 =	vadd.f32 v1, v4;
	_ =	sdelay $0x1  }
0x56e: {  	v1 =	vadd.f32 v2, v1;
	_ =	sdelay $0x1  }
0x56f: {  	v1 =	vadd.f32 v3, v1;
	_ =	sdelay $0x1  }
0x570: {  	[tilespmem:s9+$0x11FF0] =	vst v1  }
0x571: {  	v1 =	vld [tilespmem:s8+$0xFFFFFE00]  }
0x572: {  	v2 =	vld [tilespmem:s8+$0xFFFFFD80]  }
0x573: {  	v3 =	vld [tilespmem:s8+$0xFFFFFE80];
	_ =	sdelay $0x2  }
0x574: {  	v4 =	vld [tilespmem:s8+$0xFFFFFF00]  }
0x575: {  	v1 =	vadd.f32 v1, v2  }
0x576: {  	v2 =	vld [tilespmem:s8+$0xFFFFFF80]  }
0x577: {  	v1 =	vadd.f32 v3, v1  }
0x578: {  	v3 =	vld [tilespmem:s8+$0x0]  }
0x579: {  	v1 =	vadd.f32 v4, v1  }
0x57a: {  	v4 =	vld [tilespmem:s8+$0x80]  }
0x57b: {  	v1 =	vadd.f32 v2, v1  }
0x57c: {  	v2 =	vld [tilespmem:s8+$0x100]  }
0x57d: {  	v1 =	vadd.f32 v3, v1  }
0x57e: {  	v3 =	vld [tilespmem:s8+$0x180]  }
0x57f: {  	v1 =	vadd.f32 v4, v1  }
0x580: {  	v4 =	vld [tilespmem:s8+$0x200]  }
0x581: {  	v1 =	vadd.f32 v2, v1;
	_ =	sdelay $0x1  }
0x582: {  	v1 =	vadd.f32 v3, v1;
	_ =	sdelay $0x1  }
0x583: {  	v1 =	vadd.f32 v4, v1  }
0x584: {  	s9 =	sshra.s32 s19, $0x2  }
0x585: {  	[tilespmem:s9+$0x11F80] =	vst v1  }
0x586: {  	v1 =	vld [tilespmem:s8+$0xFFFFFD90]  }
0x587: {  	v2 =	vld [tilespmem:s8+$0xFFFFFE10];
	_ =	sdelay $0x1  }
0x588: {  	v3 =	vld [tilespmem:s8+$0xFFFFFE90];
	_ =	sdelay $0x1  }
0x589: {  	v4 =	vld [tilespmem:s8+$0xFFFFFF10]  }
0x58a: {  	v1 =	vadd.f32 v2, v1  }
0x58b: {  	v2 =	vld [tilespmem:s8+$0xFFFFFF90]  }
0x58c: {  	v1 =	vadd.f32 v3, v1  }
0x58d: {  	v3 =	vld [tilespmem:s8+$0x10]  }
0x58e: {  	v1 =	vadd.f32 v4, v1  }
0x58f: {  	v4 =	vld [tilespmem:s8+$0x90]  }
0x590: {  	v1 =	vadd.f32 v2, v1  }
0x591: {  	v2 =	vld [tilespmem:s8+$0x110]  }
0x592: {  	v1 =	vadd.f32 v3, v1  }
0x593: {  	v3 =	vld [tilespmem:s8+$0x190]  }
0x594: {  	v1 =	vadd.f32 v4, v1  }
0x595: {  	v4 =	vld [tilespmem:s8+$0x210]  }
0x596: {  	v1 =	vadd.f32 v2, v1;
	_ =	sdelay $0x1  }
0x597: {  	v1 =	vadd.f32 v3, v1;
	_ =	sdelay $0x1  }
0x598: {  	v1 =	vadd.f32 v4, v1;
	_ =	sdelay $0x1  }
0x599: {  	[tilespmem:s9+$0x11F90] =	vst v1  }
0x59a: {  	v1 =	vld [tilespmem:s8+$0xFFFFFDA0]  }
0x59b: {  	v2 =	vld [tilespmem:s8+$0xFFFFFE20];
	_ =	sdelay $0x1  }
0x59c: {  	v3 =	vld [tilespmem:s8+$0xFFFFFEA0];
	_ =	sdelay $0x1  }
0x59d: {  	v4 =	vld [tilespmem:s8+$0xFFFFFF20]  }
0x59e: {  	v1 =	vadd.f32 v2, v1  }
0x59f: {  	v2 =	vld [tilespmem:s8+$0xFFFFFFA0]  }
0x5a0: {  	v1 =	vadd.f32 v3, v1  }
0x5a1: {  	v3 =	vld [tilespmem:s8+$0x20]  }
0x5a2: {  	v1 =	vadd.f32 v4, v1  }
0x5a3: {  	v4 =	vld [tilespmem:s8+$0xA0]  }
0x5a4: {  	v1 =	vadd.f32 v2, v1  }
0x5a5: {  	v2 =	vld [tilespmem:s8+$0x120]  }
0x5a6: {  	v1 =	vadd.f32 v3, v1  }
0x5a7: {  	v3 =	vld [tilespmem:s8+$0x1A0]  }
0x5a8: {  	v1 =	vadd.f32 v4, v1  }
0x5a9: {  	v4 =	vld [tilespmem:s8+$0x220]  }
0x5aa: {  	v1 =	vadd.f32 v2, v1;
	_ =	sdelay $0x1  }
0x5ab: {  	v1 =	vadd.f32 v3, v1;
	_ =	sdelay $0x1  }
0x5ac: {  	v1 =	vadd.f32 v4, v1;
	_ =	sdelay $0x1  }
0x5ad: {  	[tilespmem:s9+$0x11FA0] =	vst v1  }
0x5ae: {  	v1 =	vld [tilespmem:s8+$0xFFFFFDB0]  }
0x5af: {  	v2 =	vld [tilespmem:s8+$0xFFFFFE30];
	_ =	sdelay $0x1  }
0x5b0: {  	v3 =	vld [tilespmem:s8+$0xFFFFFEB0];
	_ =	sdelay $0x1  }
0x5b1: {  	v4 =	vld [tilespmem:s8+$0xFFFFFF30]  }
0x5b2: {  	v1 =	vadd.f32 v2, v1  }
0x5b3: {  	v2 =	vld [tilespmem:s8+$0xFFFFFFB0]  }
0x5b4: {  	v1 =	vadd.f32 v3, v1  }
0x5b5: {  	v3 =	vld [tilespmem:s8+$0x30]  }
0x5b6: {  	v1 =	vadd.f32 v4, v1  }
0x5b7: {  	v4 =	vld [tilespmem:s8+$0xB0]  }
0x5b8: {  	v1 =	vadd.f32 v2, v1  }
0x5b9: {  	v2 =	vld [tilespmem:s8+$0x130]  }
0x5ba: {  	v1 =	vadd.f32 v3, v1  }
0x5bb: {  	v3 =	vld [tilespmem:s8+$0x1B0]  }
0x5bc: {  	v1 =	vadd.f32 v4, v1  }
0x5bd: {  	v4 =	vld [tilespmem:s8+$0x230]  }
0x5be: {  	v1 =	vadd.f32 v2, v1;
	_ =	sdelay $0x1  }
0x5bf: {  	v1 =	vadd.f32 v3, v1;
	_ =	sdelay $0x1  }
0x5c0: {  	v1 =	vadd.f32 v4, v1;
	_ =	sdelay $0x1  }
0x5c1: {  	[tilespmem:s9+$0x11FB0] =	vst v1  }
0x5c2: {  	v1 =	vld [tilespmem:s8+$0xFFFFFDC0]  }
0x5c3: {  	v2 =	vld [tilespmem:s8+$0xFFFFFE40];
	_ =	sdelay $0x1  }
0x5c4: {  	v3 =	vld [tilespmem:s8+$0xFFFFFEC0];
	_ =	sdelay $0x1  }
0x5c5: {  	v4 =	vld [tilespmem:s8+$0xFFFFFF40]  }
0x5c6: {  	v1 =	vadd.f32 v2, v1  }
0x5c7: {  	v2 =	vld [tilespmem:s8+$0xFFFFFFC0]  }
0x5c8: {  	v1 =	vadd.f32 v3, v1  }
0x5c9: {  	v3 =	vld [tilespmem:s8+$0x40]  }
0x5ca: {  	v1 =	vadd.f32 v4, v1  }
0x5cb: {  	v4 =	vld [tilespmem:s8+$0xC0]  }
0x5cc: {  	v1 =	vadd.f32 v2, v1  }
0x5cd: {  	v2 =	vld [tilespmem:s8+$0x140]  }
0x5ce: {  	v1 =	vadd.f32 v3, v1  }
0x5cf: {  	v3 =	vld [tilespmem:s8+$0x1C0]  }
0x5d0: {  	v1 =	vadd.f32 v4, v1  }
0x5d1: {  	v4 =	vld [tilespmem:s8+$0x240]  }
0x5d2: {  	v1 =	vadd.f32 v2, v1;
	_ =	sdelay $0x1  }
0x5d3: {  	v1 =	vadd.f32 v3, v1;
	_ =	sdelay $0x1  }
0x5d4: {  	v1 =	vadd.f32 v4, v1;
	_ =	sdelay $0x1  }
0x5d5: {  	[tilespmem:s9+$0x11FC0] =	vst v1  }
0x5d6: {  	v1 =	vld [tilespmem:s8+$0xFFFFFDD0]  }
0x5d7: {  	v2 =	vld [tilespmem:s8+$0xFFFFFE50]  }
0x5d8: {  	v3 =	vld [tilespmem:s8+$0xFFFFFED0]  }
0x5d9: {  	v4 =	vld [tilespmem:s8+$0xFFFFFF50]  }
0x5da: {  	v5 =	vld [tilespmem:s8+$0xFFFFFFD0]  }
0x5db: {  	v6 =	vld [tilespmem:s8+$0x50]  }
0x5dc: {  	v1 =	vadd.f32 v2, v1;
	v2 =	vld [tilespmem:s8+$0xD0]  }
0x5dd: {  	v7 =	vld [tilespmem:s8+$0x150]  }
0x5de: {  	v1 =	vadd.f32 v3, v1;
	v3 =	vld [tilespmem:s8+$0x1D0]  }
0x5df: {  	v8 =	vld [tilespmem:s8+$0x250]  }
0x5e0: {  	v1 =	vadd.f32 v4, v1;
	_ =	sdelay $0x1  }
0x5e1: {  	v1 =	vadd.f32 v5, v1;
	_ =	sdelay $0x1  }
0x5e2: {  	v1 =	vadd.f32 v6, v1;
	_ =	sdelay $0x1  }
0x5e3: {  	v1 =	vadd.f32 v2, v1;
	_ =	sdelay $0x1  }
0x5e4: {  	v1 =	vadd.f32 v7, v1;
	_ =	sdelay $0x1  }
0x5e5: {  	v1 =	vadd.f32 v3, v1;
	_ =	sdelay $0x1  }
0x5e6: {  	v1 =	vadd.f32 v8, v1;
	_ =	sdelay $0x1  }
0x5e7: {  	[tilespmem:s9+$0x11FD0] =	vst v1  }
0x5e8: {  	v1 =	vld [tilespmem:s8+$0xFFFFFDE0]  }
0x5e9: {  	v2 =	vld [tilespmem:s8+$0xFFFFFE60]  }
0x5ea: {  	v3 =	vld [tilespmem:s8+$0xFFFFFEE0]  }
0x5eb: {  	v4 =	vld [tilespmem:s8+$0xFFFFFF60]  }
0x5ec: {  	v5 =	vld [tilespmem:s8+$0xFFFFFFE0]  }
0x5ed: {  	v6 =	vld [tilespmem:s8+$0x60]  }
0x5ee: {  	v1 =	vadd.f32 v2, v1;
	v2 =	vld [tilespmem:s8+$0xE0]  }
0x5ef: {  	v7 =	vld [tilespmem:s8+$0x160]  }
0x5f0: {  	v1 =	vadd.f32 v3, v1;
	v3 =	vld [tilespmem:s8+$0x1E0]  }
0x5f1: {  	v8 =	vld [tilespmem:s8+$0x260]  }
0x5f2: {  	v1 =	vadd.f32 v4, v1;
	_ =	sdelay $0x1  }
0x5f3: {  	v1 =	vadd.f32 v5, v1;
	_ =	sdelay $0x1  }
0x5f4: {  	v1 =	vadd.f32 v6, v1;
	_ =	sdelay $0x1  }
0x5f5: {  	v1 =	vadd.f32 v2, v1;
	_ =	sdelay $0x1  }
0x5f6: {  	v1 =	vadd.f32 v7, v1;
	_ =	sdelay $0x1  }
0x5f7: {  	v1 =	vadd.f32 v3, v1;
	_ =	sdelay $0x1  }
0x5f8: {  	v1 =	vadd.f32 v8, v1;
	_ =	sdelay $0x1  }
0x5f9: {  	[tilespmem:s9+$0x11FE0] =	vst v1  }
0x5fa: {  	v1 =	vld [tilespmem:s8+$0xFFFFFDF0]  }
0x5fb: {  	v2 =	vld [tilespmem:s8+$0xFFFFFE70]  }
0x5fc: {  	v3 =	vld [tilespmem:s8+$0xFFFFFEF0]  }
0x5fd: {  	v5 =	vld [tilespmem:s8+$0xFFFFFF70]  }
0x5fe: {  	v6 =	vld [tilespmem:s8+$0xFFFFFFF0]  }
0x5ff: {  	v7 =	vld [tilespmem:s8+$0x70]  }
0x600: {  	v2 =	vadd.f32 v2, v1;
	v4 =	vld [tilespmem:s8+$0xF0]  }
0x601: {  	v1 =	vld [tilespmem:s8+$0x170]  }
0x602: {  	v8 =	vadd.f32 v3, v2;
	v2 =	vld [tilespmem:s8+$0x1F0]  }
0x603: {  	v3 =	vld [tilespmem:s8+$0x270]  }
.Ltmp19:
0x604: {  	v5 =	vadd.f32 v5, v8;
	(pc) =	sbr.rel @p0 .LBB2_30-.Ltmp19, $3  }
0x605: {  	_ = 	snop  }
0x606: {  	v5 =	vadd.f32 v6, v5;
	_ =	sdelay $0x1  }
0x607: {  	v5 =	vadd.f32 v7, v5  }
0x608: {  	_ = 	snop  }
0x609: {  	v4 =	vadd.f32 v4, v5;
	_ =	sdelay $0x1  }
0x60a: {  	v1 =	vadd.f32 v1, v4;
	_ =	sdelay $0x1  }
0x60b: {  	p0 =	seq.s32 s25, $0x18;
	v1 =	vadd.f32 v2, v1  }
.Ltmp20:
0x60c: {  	_ = 	snop;
	(pc) =	sbr.rel @p0 .LBB2_33-.Ltmp20, $4  }
0x60d: {  	s8 =	sadd.s32 s22, s15;
	v1 =	vadd.f32 v3, v1  }
0x60e: {  	s8 =	sshll.u32 s8, $0x4  }
0x60f: {  	s22 =	simm.s32 $0x11F80;
	s8 =	sadd.s32 s7, s8;
	[tilespmem:s9+$0x11FF0] =	vst v1  }
0x610: {  	[hbm4b:s8+s3] =	stream.linear.scatter [tilespmem:s22], [sflag:$0xD], $0x400, $0x38;
	[tilespmem:$0x13380] =	vst v63  }
0x611: {  	s8 =	smul.u32 $0x500, s25  }
.Ltmp21:
0x612: {  	_ = 	snop;
	(pc) =	sbr.rel .LBB2_11-.Ltmp21, $4  }
0x613: {  	_ = 	snop  }
0x614: {  	s8 =	sshra.s32 s8, $0x2  }
0x615: {  	s9 =	simm.s32 $0xEB80;
	s25 =	sadd.s32 $0x1, s25;
	s8 =	sadd.s32 $0x630, s8  }
0x616: {  	[tilespmem:s9], [sflag:$0x7] =	stream.indirect.gather [hbm4b:s4+s18], $0x80, s8, s18, $0xb8;
	[tilespmem:$0x13380] =	vst v63  }
.LBB2_34:
0x617: {  	_ =	sfence.sel $0x180000  }
0x618: {  	[bflag:$0x0] =	sbarrier.arrive $0xFFFF  }
0x619: {  	_ =	strace $0x9000004A  }
0x61a: {  	s0 =	stileid.u32;
	[bflag:$0x2] =	sbarrier.arrive $0xFFFF  }
0x61b: {  	p0 =	sne.s32 s0, $0x0;
	s0 =	rddreg [dreg:$0x2]  }
0x61c: {  	s0 =	sadd.s32 @!p0 $0x100000, s0  }
0x61d: {  	[sflag:s0] =	ssyncadd.tile.s32 @!p0 $0x1;
	_ =	shalt  }
.Lfunc_end2:
_tile_overlayer_lowered:
.L_overlay_start_2:
0x61e: {  	(tag) =	ssettag $0x2  }
0x61f: {  	s0 =	rddreg [dreg:$0x0];
	s2 =	stileid.u32  }
0x620: {  	s1 =	rddreg [dreg:$0x1];
	p0 =	sne.s32 s2, $0x0  }
0x621: {  	s3 =	rddreg [dreg:$0x2];
	[bflag:$0x3] =	sbarrier.arrive $0xFFFF;
	s2 =	simm.s32 @!p0 $0x1C0E  }
0x622: {  	[timem:s3], [sflag:s2] =	dma.local @!p0 [hbm:s0], s1  }
0x623: {  	s0 =	simm.s32 @!p0 $0xE  }
0x624: {  	_ =	swait.ge @!p0 [sflag:s0], s1  }
0x625: {  	s1 =	ssub.s32 @!p0 $0x0, s1;
	[sflag:s0] =	ssyncset.done @!p0 $0x0  }
0x626: {  	[sflag:s0] =	ssyncadd.s32 @!p0 s1  }
0x627: {  	[bflag:$0x3] =	sbarrier.arrive $0xFFFF  }
0x628: {  	_ =	shalt  }

</sc_bundles>
